<compile_context>
chip_gen: v7x
topology: tpu7x:2x2x1
jax: 0.10.2.dev20260603
libtpu: 0.0.44.dev20260713+nightly
codegen_flags: <defaults>
</compile_context>

<pallas_src>
import functools

import jax
import jax.numpy as jnp
from jax import lax
from jax.experimental import pallas as pl
from jax.experimental.pallas import tpu as pltpu
from jax.experimental.pallas import tpu_sc as plsc

N = 10000
E = 320000
D_IN = 128
D_H = 128
D_OUT = 64

NC = 2
NS = 16
NW = NC * NS

CHUNK = 128
ROWS_E = E // CHUNK
RPT = N // NS

CPT = ROWS_E // NS
SEG = 52
NFULL = 2
TAIL = CPT - NFULL * SEG
NBUF = 4

CPW = ROWS_E // NW
N_DEG = 10240
DEG_RPT = N_DEG // NS

_MESH = plsc.VectorSubcoreMesh(core_axis_name="c", subcore_axis_name="s")


def _zero_fill(ref, nrows, width):
  z16 = jnp.zeros((16,), jnp.float32)

  @pl.loop(0, nrows)
  def _(i):
    for j in range(width // 16):
      ref[i, pl.ds(j * 16, 16)] = z16


def _make_sc_aggregate(dh, wide):

  params = pltpu.CompilerParams(use_tc_tiling_on_sc=False)

  @functools.partial(
      pl.kernel,
      out_type=jax.ShapeDtypeStruct((N, wide), jnp.float32),
      mesh=_MESH,
      compiler_params=params,
      scratch_types=[
          pltpu.VMEM((SEG + 1, CHUNK), jnp.int32),
          pltpu.VMEM((SEG + 1, CHUNK), jnp.int32),
          [pltpu.VMEM((CHUNK, dh), jnp.float32)] * NBUF,
          pltpu.VMEM_SHARED((N, dh), jnp.float32),
          pltpu.VMEM_SHARED((N, dh), jnp.float32),
          [pltpu.SemaphoreType.DMA] * NBUF,
          [pltpu.SemaphoreType.DMA] * NBUF,
      ],
  )
  def sc_aggregate(g_hbm, ei_hbm, out_hbm, src_v, dst_v, rows, table_sh,
                   acc_sh, gsem, ssem):
    c = lax.axis_index("c")
    s = lax.axis_index("s")
    rslice = pl.ds(s * RPT, RPT)
    base = CPT * s + jnp.minimum(s, 4)

    def gather_start(j, b):
      pltpu.async_copy(table_sh.at[src_v.at[j]], rows[b], gsem[b])

    def gather_wait(j, b):
      pltpu.make_async_copy(table_sh.at[src_v.at[j]], rows[b], gsem[b]).wait()

    def scatter_start(j, b):
      pltpu.async_copy(rows[b], acc_sh.at[dst_v.at[j]], ssem[b], add=True)

    def scatter_wait(j, b):
      pltpu.make_async_copy(rows[b], acc_sh.at[dst_v.at[j]], ssem[b]).wait()

    pltpu.sync_copy(g_hbm.at[rslice, pl.ds(c * dh, dh)], table_sh.at[rslice])
    _zero_fill(rows[0], CHUNK, dh)
    for i in range(RPT // CHUNK):
      pltpu.sync_copy(rows[0], acc_sh.at[pl.ds(s * RPT + i * CHUNK, CHUNK)])
    rem = RPT % CHUNK
    pltpu.sync_copy(rows[0].at[pl.ds(0, rem)],
                    acc_sh.at[pl.ds(s * RPT + RPT - rem, rem)])

    plsc.subcore_barrier()

    def run_segment(row0, nch):
      pltpu.sync_copy(ei_hbm.at[0, pl.ds(row0, nch)],
                      src_v.at[pl.ds(0, nch)])
      pltpu.sync_copy(ei_hbm.at[1, pl.ds(row0, nch)],
                      dst_v.at[pl.ds(0, nch)])
      gather_start(0, 0)
      gather_start(1, 1)

      @pl.loop(0, nch // NBUF)
      def _(i):
        j0 = NBUF * i
        for k in range(NBUF):
          b = k
          bn = (k + 2) % NBUF
          gather_wait(j0 + k, b)
          scatter_start(j0 + k, b)
          if k < 2:
            @pl.when(i > 0)
            def _():
              scatter_wait(j0 + k - 2, bn)
            gather_start(j0 + k + 2, bn)
          else:
            scatter_wait(j0 + k - 2, bn)

            @pl.when(i < nch // NBUF - 1)
            def _():
              gather_start(j0 + k + 2, bn)

      scatter_wait(nch - 2, 2)
      scatter_wait(nch - 1, 3)

    for seg in range(NFULL):
      run_segment(base + seg * SEG, SEG)

    tail0 = base + NFULL * SEG
    run_segment(tail0, TAIL)

    @pl.when(s < 4)
    def _():
      pltpu.sync_copy(ei_hbm.at[0, pl.ds(tail0 + TAIL, 1)],
                      src_v.at[pl.ds(TAIL, 1)])
      pltpu.sync_copy(ei_hbm.at[1, pl.ds(tail0 + TAIL, 1)],
                      dst_v.at[pl.ds(TAIL, 1)])
      pltpu.async_copy(table_sh.at[src_v.at[TAIL]], rows[0], gsem[0]).wait()
      pltpu.sync_copy(rows[0], acc_sh.at[dst_v.at[TAIL]], add=True)

    plsc.subcore_barrier()

    pltpu.sync_copy(acc_sh.at[rslice], out_hbm.at[rslice, pl.ds(c * dh, dh)])

  return sc_aggregate


_sc_aggregate_h = _make_sc_aggregate(D_H // NC, D_H)
_sc_aggregate_o = _make_sc_aggregate(D_OUT // NC, D_H)


@functools.partial(
    pl.kernel,
    out_type=jax.ShapeDtypeStruct((NC, N_DEG), jnp.float32),
    mesh=_MESH,
    compiler_params=pltpu.CompilerParams(use_tc_tiling_on_sc=False),
    scratch_types=[
        pltpu.VMEM((CPW + 1, CHUNK), jnp.int32),
        pltpu.VMEM((CHUNK,), jnp.float32),
        pltpu.VMEM((DEG_RPT,), jnp.float32),
        pltpu.VMEM_SHARED((N_DEG,), jnp.float32),
    ],
)
def _sc_degree(ei_hbm, out_hbm, dst_v, ones_v, zrow_v, acc_sh):
  c = lax.axis_index("c")
  s = lax.axis_index("s")
  w = c * NS + s
  base = CPW * w + jnp.minimum(w, 4)

  one16 = jnp.ones((16,), jnp.float32)
  z16 = jnp.zeros((16,), jnp.float32)
  for j in range(CHUNK // 16):
    ones_v[pl.ds(j * 16, 16)] = one16

  @pl.loop(0, DEG_RPT // 16)
  def _(i):
    zrow_v[pl.ds(i * 16, 16)] = z16

  pltpu.sync_copy(zrow_v, acc_sh.at[pl.ds(s * DEG_RPT, DEG_RPT)])
  pltpu.sync_copy(ei_hbm.at[1, pl.ds(base, CPW)], dst_v.at[pl.ds(0, CPW)])

  @pl.when(w < 4)
  def _():
    pltpu.sync_copy(ei_hbm.at[1, pl.ds(base + CPW, 1)],
                    dst_v.at[pl.ds(CPW, 1)])

  plsc.subcore_barrier()

  @pl.loop(0, CPW)
  def _(i):
    pltpu.sync_copy(ones_v, acc_sh.at[dst_v.at[i]], add=True)

  @pl.when(w < 4)
  def _():
    pltpu.sync_copy(ones_v, acc_sh.at[dst_v.at[CPW]], add=True)

  plsc.subcore_barrier()

  pltpu.sync_copy(acc_sh.at[pl.ds(s * DEG_RPT, DEG_RPT)],
                  out_hbm.at[c, pl.ds(s * DEG_RPT, DEG_RPT)])


def _tc1_body(x_ref, w1_ref, degp_ref, g1_ref, dinv_ref):
  deg = degp_ref[0, :N] + degp_ref[1, :N] + 1.0
  dinv = lax.rsqrt(jnp.maximum(deg, 1.0))
  h = jnp.dot(x_ref[...], w1_ref[...], preferred_element_type=jnp.float32)
  g1_ref[...] = h * dinv[:, None]
  dinv_ref[...] = dinv


def _tc2_body(agg_ref, g1_ref, dinv_ref, b1_ref, w2_ref, g2_ref):
  dinv = dinv_ref[...][:, None]
  agg = agg_ref[...] + g1_ref[...]
  z1 = jnp.maximum(agg * dinv + b1_ref[...], 0.0)
  h2 = jnp.dot(z1, w2_ref[...], preferred_element_type=jnp.float32)
  g2 = h2 * dinv
  g2_ref[...] = jnp.concatenate([g2, jnp.zeros((N, D_H - D_OUT), g2.dtype)],
                                axis=-1)


def _tc3_body(agg_ref, g2_ref, dinv_ref, b2_ref, out_ref):
  agg = agg_ref[:, :D_OUT] + g2_ref[:, :D_OUT]
  out_ref[...] = jnp.maximum(agg * dinv_ref[...][:, None] + b2_ref[...], 0.0)


_tc1 = pl.pallas_call(
    _tc1_body,
    out_shape=(jax.ShapeDtypeStruct((N, D_H), jnp.float32),
               jax.ShapeDtypeStruct((N,), jnp.float32)))

_tc2 = pl.pallas_call(
    _tc2_body,
    out_shape=jax.ShapeDtypeStruct((N, D_H), jnp.float32))

_tc3 = pl.pallas_call(
    _tc3_body,
    out_shape=jax.ShapeDtypeStruct((N, D_OUT), jnp.float32))


@jax.jit
def kernel(x, edge_index, W1, b1, W2, b2):
  ei = edge_index.astype(jnp.int32).reshape(2, ROWS_E, CHUNK)
  degp = _sc_degree(ei)
  g1, dinv = _tc1(x, W1, degp)
  agg1 = _sc_aggregate_h(g1, ei)
  g2 = _tc2(agg1, g1, dinv, b1.reshape(1, D_H), W2)
  agg2 = _sc_aggregate_o(g2, ei)
  return _tc3(agg2, g2, dinv, b2.reshape(1, D_OUT))

# --- scband reference (transcript-rebuilt; emitter-appended) ---
"""Pipeline reference for scband-encoder-39865886442296 (READ-ONLY COPY).

The authoritative reference and input builder live on the scoring server;
editing this copy changes nothing except your own understanding.
"""

import jax, jax.numpy as jnp
import numpy as np

N = 10000
E = 320000
D_IN = 128
D_H = 128
D_OUT = 64


def _glorot(key, shape):
    fan_in, fan_out = shape
    lim = np.sqrt(6.0 / (fan_in + fan_out))
    return jax.random.uniform(key, shape, jnp.float32, -lim, lim)


def setup_inputs(seed: int = 0):
    key = jax.random.key(seed)
    k1, k2, k3, k4 = jax.random.split(key, 4)
    x = jax.random.normal(k1, (N, D_IN), jnp.float32)
    edge_index = jax.random.randint(k2, (2, E), 0, N)
    W1 = _glorot(k3, (D_IN, D_H))
    b1 = jnp.zeros((D_H,), jnp.float32)
    W2 = _glorot(k4, (D_H, D_OUT))
    b2 = jnp.zeros((D_OUT,), jnp.float32)
    return {"x": x, "edge_index": edge_index, "W1": W1, "b1": b1, "W2": W2, "b2": b2}


def gcn_conv(x, edge_index, W, b):
    # Faithful to PyG GCNConv defaults: add self-loops, symmetric D^{-1/2} A D^{-1/2} normalization.
    n = x.shape[0]
    loop = jnp.arange(n, dtype=edge_index.dtype)
    src = jnp.concatenate([edge_index[0], loop])
    dst = jnp.concatenate([edge_index[1], loop])
    deg = jnp.zeros((n,), x.dtype).at[dst].add(1.0)
    dinv = jax.lax.rsqrt(jnp.maximum(deg, 1.0))
    norm = dinv[src] * dinv[dst]
    h = x @ W
    msg = h[src] * norm[:, None]
    out = jnp.zeros((n, W.shape[1]), x.dtype).at[dst].add(msg)
    return out + b


def reference(x, edge_index, W1, b1, W2, b2):
    h = jax.nn.relu(gcn_conv(x, edge_index, W1, b1))
    z = jax.nn.relu(gcn_conv(h, edge_index, W2, b2))
    return z

if __name__ == "__main__":
    import jax
    _d = setup_inputs()
    print(jax.jit(kernel)(*tuple(_d.values())))

</pallas_src>

<mosaic_0001>
#map = affine_map<(d0, d1) -> (0, 0)>
#map1 = affine_map<(d0, d1) -> (0, 0, 0)>
module attributes {stable_mosaic.version = 14 : i64} {
  func.func @sc_aggregate(%arg0: i32, %arg1: i32, %arg2: memref<10000x128xf32, #tpu.memory_space<hbm>>, %arg3: memref<2x2500x128xi32, #tpu.memory_space<hbm>>, %arg4: memref<10000x128xf32, #tpu.memory_space<hbm>>, %arg5: memref<53x128xi32, #tpu.memory_space<vmem>>, %arg6: memref<53x128xi32, #tpu.memory_space<vmem>>, %arg7: memref<128x32xf32, #tpu.memory_space<vmem>>, %arg8: memref<128x32xf32, #tpu.memory_space<vmem>>, %arg9: memref<128x32xf32, #tpu.memory_space<vmem>>, %arg10: memref<128x32xf32, #tpu.memory_space<vmem>>, %arg11: memref<10000x32xf32, #tpu.memory_space<vmem_shared>>, %arg12: memref<10000x32xf32, #tpu.memory_space<vmem_shared>>, %arg13: memref<!tpu.dma_semaphore, #tpu.memory_space<semaphore_mem>>, %arg14: memref<!tpu.dma_semaphore, #tpu.memory_space<semaphore_mem>>, %arg15: memref<!tpu.dma_semaphore, #tpu.memory_space<semaphore_mem>>, %arg16: memref<!tpu.dma_semaphore, #tpu.memory_space<semaphore_mem>>, %arg17: memref<!tpu.dma_semaphore, #tpu.memory_space<semaphore_mem>>, %arg18: memref<!tpu.dma_semaphore, #tpu.memory_space<semaphore_mem>>, %arg19: memref<!tpu.dma_semaphore, #tpu.memory_space<semaphore_mem>>, %arg20: memref<!tpu.dma_semaphore, #tpu.memory_space<semaphore_mem>>) attributes {dimension_semantics = [#tpu.dimension_semantics<core_parallel>, #tpu.dimension_semantics<subcore_parallel>], iteration_bounds = array<i64: 2, 16>, scalar_prefetch = 0 : i64, scratch_operands = 16 : i64, tpu.core_type = #tpu.core_type<sc_vector_subcore>, window_params = [{transform_indices = #map}, {transform_indices = #map1}, {transform_indices = #map}]} {
    %mul3A = arith.constant 625 : i32
    %mul3A_0 = arith.muli %arg1, %mul3A : i32
    %mul3A_1 = arith.constant 156 : i32
    %mul3A_2 = arith.muli %mul3A_1, %arg1 : i32
    %min3A = arith.constant 4 : i32
    %min3A_3 = arith.minsi %arg1, %min3A : i32
    %add3A = arith.addi %mul3A_2, %min3A_3 : i32
    %mul3A_4 = arith.constant 32 : i32
    %mul3A_5 = arith.muli %arg0, %mul3A_4 : i32
    "tpu.region"() ({
      %run_scoped3A_145 = tpu.sem_alloc : memref<!tpu.dma_semaphore, #tpu.memory_space<semaphore_mem>>
      %dma_start3A_146 = arith.constant 0 : i32
      %dma_start3A_147 = tpu.memref_slice %arg11[%mul3A_0, %dma_start3A_146] : memref<10000x32xf32, #tpu.memory_space<vmem_shared>> -> memref<625x32xf32, #tpu.memory_space<vmem_shared>>
      %dma_start3A_148 = tpu.memref_slice %arg2[%mul3A_0, %mul3A_5] : memref<10000x128xf32, #tpu.memory_space<hbm>> -> memref<625x32xf32, #tpu.memory_space<hbm>>
      tpu.enqueue_dma source(%dma_start3A_148 : memref<625x32xf32, #tpu.memory_space<hbm>>) target(%dma_start3A_147 : memref<625x32xf32, #tpu.memory_space<vmem_shared>>) target_semaphore(%run_scoped3A_145 : memref<!tpu.dma_semaphore, #tpu.memory_space<semaphore_mem>>)
      %dma_wait3A_149 = arith.constant 0 : i32
      %dma_wait3A_150 = tpu.memref_slice %arg11[%mul3A_0, %dma_wait3A_149] : memref<10000x32xf32, #tpu.memory_space<vmem_shared>> -> memref<625x32xf32, #tpu.memory_space<vmem_shared>>
      %dma_wait3A_151 = tpu.memref_slice %arg2[%mul3A_0, %mul3A_5] : memref<10000x128xf32, #tpu.memory_space<hbm>> -> memref<625x32xf32, #tpu.memory_space<hbm>>
      tpu.wait_dma2 semaphore(%run_scoped3A_145 : memref<!tpu.dma_semaphore, #tpu.memory_space<semaphore_mem>>) src(%dma_wait3A_151 : memref<625x32xf32, #tpu.memory_space<hbm>>) dst(%dma_wait3A_150 : memref<625x32xf32, #tpu.memory_space<vmem_shared>>)
      tpu.yield
    }) : () -> ()
    %broadcast_in_dim3A = arith.constant 0.000000e+00 : f32
    %broadcast_in_dim3A_6 = vector.broadcast %broadcast_in_dim3A : f32 to vector<16xf32>
    %scan3A = arith.constant 0 : i32
    %scan3A_7 = arith.constant 128 : i32
    %scan3A_8 = arith.addi %scan3A, %scan3A_7 : i32
    %scan3A_9 = arith.constant 1 : i32
    scf.for %scan3A_145 = %scan3A to %scan3A_8 step %scan3A_9  : i32 {
      %mul3A_146 = arith.constant 1 : i32
      %mul3A_147 = arith.muli %scan3A_145, %mul3A_146 : i32
      %add3A_148 = arith.constant 0 : i32
      %add3A_149 = arith.addi %add3A_148, %mul3A_147 : i32
      %swap3A = arith.index_cast %add3A_149 : i32 to index
      %swap3A_150 = arith.constant 0 : index
      %swap3A_151 = tpu.vector_load %arg7[%swap3A, %swap3A_150] {strides = array<i32>} : memref<128x32xf32, #tpu.memory_space<vmem>>, vector<1x16xf32>,
      %swap3A_152 = vector.shape_cast %swap3A_151 : vector<1x16xf32> to vector<16xf32>
      %swap3A_153 = vector.shape_cast %broadcast_in_dim3A_6 : vector<16xf32> to vector<1x16xf32>
      tpu.vector_store %arg7[%swap3A, %swap3A_150], %swap3A_153 {strides = array<i32>} : memref<128x32xf32, #tpu.memory_space<vmem>>, vector<1x16xf32>,
      %swap3A_154 = arith.index_cast %add3A_149 : i32 to index
      %swap3A_155 = arith.constant 16 : index
      %swap3A_156 = tpu.vector_load %arg7[%swap3A_154, %swap3A_155] {strides = array<i32>} : memref<128x32xf32, #tpu.memory_space<vmem>>, vector<1x16xf32>,
      %swap3A_157 = vector.shape_cast %swap3A_156 : vector<1x16xf32> to vector<16xf32>
      %swap3A_158 = vector.shape_cast %broadcast_in_dim3A_6 : vector<16xf32> to vector<1x16xf32>
      tpu.vector_store %arg7[%swap3A_154, %swap3A_155], %swap3A_158 {strides = array<i32>} : memref<128x32xf32, #tpu.memory_space<vmem>>, vector<1x16xf32>,
    }
    %scan3A_10 = arith.constant 128 : i32
    %mul3A_11 = arith.constant 625 : i32
    %mul3A_12 = arith.muli %arg1, %mul3A_11 : i32
    %add3A_13 = arith.constant 0 : i32
    %add3A_14 = arith.addi %mul3A_12, %add3A_13 : i32
    "tpu.region"() ({
      %run_scoped3A_145 = tpu.sem_alloc : memref<!tpu.dma_semaphore, #tpu.memory_space<semaphore_mem>>
      %dma_start3A_146 = arith.constant 0 : i32
      %dma_start3A_147 = tpu.memref_slice %arg12[%add3A_14, %dma_start3A_146] : memref<10000x32xf32, #tpu.memory_space<vmem_shared>> -> memref<128x32xf32, #tpu.memory_space<vmem_shared>>
      %dma_start3A_148 = arith.constant 0 : i32
      %dma_start3A_149 = tpu.memref_slice %arg12[%add3A_14, %dma_start3A_148] : memref<10000x32xf32, #tpu.memory_space<vmem_shared>> -> memref<128x32xf32, #tpu.memory_space<vmem_shared>>
      tpu.enqueue_dma source(%arg7 : memref<128x32xf32, #tpu.memory_space<vmem>>) target(%dma_start3A_149 : memref<128x32xf32, #tpu.memory_space<vmem_shared>>) target_semaphore(%run_scoped3A_145 : memref<!tpu.dma_semaphore, #tpu.memory_space<semaphore_mem>>)
      %dma_wait3A_150 = arith.constant 0 : i32
      %dma_wait3A_151 = tpu.memref_slice %arg12[%add3A_14, %dma_wait3A_150] : memref<10000x32xf32, #tpu.memory_space<vmem_shared>> -> memref<128x32xf32, #tpu.memory_space<vmem_shared>>
      %dma_wait3A_152 = arith.constant 0 : i32
      %dma_wait3A_153 = tpu.memref_slice %arg12[%add3A_14, %dma_wait3A_152] : memref<10000x32xf32, #tpu.memory_space<vmem_shared>> -> memref<128x32xf32, #tpu.memory_space<vmem_shared>>
      tpu.wait_dma2 semaphore(%run_scoped3A_145 : memref<!tpu.dma_semaphore, #tpu.memory_space<semaphore_mem>>) src(%arg7 : memref<128x32xf32, #tpu.memory_space<vmem>>) dst(%dma_wait3A_153 : memref<128x32xf32, #tpu.memory_space<vmem_shared>>)
      tpu.yield
    }) : () -> ()
    %mul3A_15 = arith.constant 625 : i32
    %mul3A_16 = arith.muli %arg1, %mul3A_15 : i32
    %add3A_17 = arith.constant 128 : i32
    %add3A_18 = arith.addi %mul3A_16, %add3A_17 : i32
    "tpu.region"() ({
      %run_scoped3A_145 = tpu.sem_alloc : memref<!tpu.dma_semaphore, #tpu.memory_space<semaphore_mem>>
      %dma_start3A_146 = arith.constant 0 : i32
      %dma_start3A_147 = tpu.memref_slice %arg12[%add3A_18, %dma_start3A_146] : memref<10000x32xf32, #tpu.memory_space<vmem_shared>> -> memref<128x32xf32, #tpu.memory_space<vmem_shared>>
      %dma_start3A_148 = arith.constant 0 : i32
      %dma_start3A_149 = tpu.memref_slice %arg12[%add3A_18, %dma_start3A_148] : memref<10000x32xf32, #tpu.memory_space<vmem_shared>> -> memref<128x32xf32, #tpu.memory_space<vmem_shared>>
      tpu.enqueue_dma source(%arg7 : memref<128x32xf32, #tpu.memory_space<vmem>>) target(%dma_start3A_149 : memref<128x32xf32, #tpu.memory_space<vmem_shared>>) target_semaphore(%run_scoped3A_145 : memref<!tpu.dma_semaphore, #tpu.memory_space<semaphore_mem>>)
      %dma_wait3A_150 = arith.constant 0 : i32
      %dma_wait3A_151 = tpu.memref_slice %arg12[%add3A_18, %dma_wait3A_150] : memref<10000x32xf32, #tpu.memory_space<vmem_shared>> -> memref<128x32xf32, #tpu.memory_space<vmem_shared>>
      %dma_wait3A_152 = arith.constant 0 : i32
      %dma_wait3A_153 = tpu.memref_slice %arg12[%add3A_18, %dma_wait3A_152] : memref<10000x32xf32, #tpu.memory_space<vmem_shared>> -> memref<128x32xf32, #tpu.memory_space<vmem_shared>>
      tpu.wait_dma2 semaphore(%run_scoped3A_145 : memref<!tpu.dma_semaphore, #tpu.memory_space<semaphore_mem>>) src(%arg7 : memref<128x32xf32, #tpu.memory_space<vmem>>) dst(%dma_wait3A_153 : memref<128x32xf32, #tpu.memory_space<vmem_shared>>)
      tpu.yield
    }) : () -> ()
    %mul3A_19 = arith.constant 625 : i32
    %mul3A_20 = arith.muli %arg1, %mul3A_19 : i32
    %add3A_21 = arith.constant 256 : i32
    %add3A_22 = arith.addi %mul3A_20, %add3A_21 : i32
    "tpu.region"() ({
      %run_scoped3A_145 = tpu.sem_alloc : memref<!tpu.dma_semaphore, #tpu.memory_space<semaphore_mem>>
      %dma_start3A_146 = arith.constant 0 : i32
      %dma_start3A_147 = tpu.memref_slice %arg12[%add3A_22, %dma_start3A_146] : memref<10000x32xf32, #tpu.memory_space<vmem_shared>> -> memref<128x32xf32, #tpu.memory_space<vmem_shared>>
      %dma_start3A_148 = arith.constant 0 : i32
      %dma_start3A_149 = tpu.memref_slice %arg12[%add3A_22, %dma_start3A_148] : memref<10000x32xf32, #tpu.memory_space<vmem_shared>> -> memref<128x32xf32, #tpu.memory_space<vmem_shared>>
      tpu.enqueue_dma source(%arg7 : memref<128x32xf32, #tpu.memory_space<vmem>>) target(%dma_start3A_149 : memref<128x32xf32, #tpu.memory_space<vmem_shared>>) target_semaphore(%run_scoped3A_145 : memref<!tpu.dma_semaphore, #tpu.memory_space<semaphore_mem>>)
      %dma_wait3A_150 = arith.constant 0 : i32
      %dma_wait3A_151 = tpu.memref_slice %arg12[%add3A_22, %dma_wait3A_150] : memref<10000x32xf32, #tpu.memory_space<vmem_shared>> -> memref<128x32xf32, #tpu.memory_space<vmem_shared>>
      %dma_wait3A_152 = arith.constant 0 : i32
      %dma_wait3A_153 = tpu.memref_slice %arg12[%add3A_22, %dma_wait3A_152] : memref<10000x32xf32, #tpu.memory_space<vmem_shared>> -> memref<128x32xf32, #tpu.memory_space<vmem_shared>>
      tpu.wait_dma2 semaphore(%run_scoped3A_145 : memref<!tpu.dma_semaphore, #tpu.memory_space<semaphore_mem>>) src(%arg7 : memref<128x32xf32, #tpu.memory_space<vmem>>) dst(%dma_wait3A_153 : memref<128x32xf32, #tpu.memory_space<vmem_shared>>)
      tpu.yield
    }) : () -> ()
    %mul3A_23 = arith.constant 625 : i32
    %mul3A_24 = arith.muli %arg1, %mul3A_23 : i32
    %add3A_25 = arith.constant 384 : i32
    %add3A_26 = arith.addi %mul3A_24, %add3A_25 : i32
    "tpu.region"() ({
      %run_scoped3A_145 = tpu.sem_alloc : memref<!tpu.dma_semaphore, #tpu.memory_space<semaphore_mem>>
      %dma_start3A_146 = arith.constant 0 : i32
      %dma_start3A_147 = tpu.memref_slice %arg12[%add3A_26, %dma_start3A_146] : memref<10000x32xf32, #tpu.memory_space<vmem_shared>> -> memref<128x32xf32, #tpu.memory_space<vmem_shared>>
      %dma_start3A_148 = arith.constant 0 : i32
      %dma_start3A_149 = tpu.memref_slice %arg12[%add3A_26, %dma_start3A_148] : memref<10000x32xf32, #tpu.memory_space<vmem_shared>> -> memref<128x32xf32, #tpu.memory_space<vmem_shared>>
      tpu.enqueue_dma source(%arg7 : memref<128x32xf32, #tpu.memory_space<vmem>>) target(%dma_start3A_149 : memref<128x32xf32, #tpu.memory_space<vmem_shared>>) target_semaphore(%run_scoped3A_145 : memref<!tpu.dma_semaphore, #tpu.memory_space<semaphore_mem>>)
      %dma_wait3A_150 = arith.constant 0 : i32
      %dma_wait3A_151 = tpu.memref_slice %arg12[%add3A_26, %dma_wait3A_150] : memref<10000x32xf32, #tpu.memory_space<vmem_shared>> -> memref<128x32xf32, #tpu.memory_space<vmem_shared>>
      %dma_wait3A_152 = arith.constant 0 : i32
      %dma_wait3A_153 = tpu.memref_slice %arg12[%add3A_26, %dma_wait3A_152] : memref<10000x32xf32, #tpu.memory_space<vmem_shared>> -> memref<128x32xf32, #tpu.memory_space<vmem_shared>>
      tpu.wait_dma2 semaphore(%run_scoped3A_145 : memref<!tpu.dma_semaphore, #tpu.memory_space<semaphore_mem>>) src(%arg7 : memref<128x32xf32, #tpu.memory_space<vmem>>) dst(%dma_wait3A_153 : memref<128x32xf32, #tpu.memory_space<vmem_shared>>)
      tpu.yield
    }) : () -> ()
    %mul3A_27 = arith.constant 625 : i32
    %mul3A_28 = arith.muli %arg1, %mul3A_27 : i32
    %add3A_29 = arith.constant 625 : i32
    %add3A_30 = arith.addi %mul3A_28, %add3A_29 : i32
    %sub3A = arith.constant 113 : i32
    %sub3A_31 = arith.subi %add3A_30, %sub3A : i32
    "tpu.region"() ({
      %run_scoped3A_145 = tpu.sem_alloc : memref<!tpu.dma_semaphore, #tpu.memory_space<semaphore_mem>>
      %dma_start3A_146 = arith.constant 0 : i32
      %dma_start3A_147 = arith.constant 0 : i32
      %dma_start3A_148 = tpu.memref_slice %arg7[%dma_start3A_146, %dma_start3A_147] : memref<128x32xf32, #tpu.memory_space<vmem>> -> memref<113x32xf32, #tpu.memory_space<vmem>>
      %dma_start3A_149 = arith.constant 0 : i32
      %dma_start3A_150 = tpu.memref_slice %arg12[%sub3A_31, %dma_start3A_149] : memref<10000x32xf32, #tpu.memory_space<vmem_shared>> -> memref<113x32xf32, #tpu.memory_space<vmem_shared>>
      %dma_start3A_151 = arith.constant 0 : i32
      %dma_start3A_152 = tpu.memref_slice %arg12[%sub3A_31, %dma_start3A_151] : memref<10000x32xf32, #tpu.memory_space<vmem_shared>> -> memref<113x32xf32, #tpu.memory_space<vmem_shared>>
      %dma_start3A_153 = arith.constant 0 : i32
      %dma_start3A_154 = arith.constant 0 : i32
      %dma_start3A_155 = tpu.memref_slice %arg7[%dma_start3A_153, %dma_start3A_154] : memref<128x32xf32, #tpu.memory_space<vmem>> -> memref<113x32xf32, #tpu.memory_space<vmem>>
      tpu.enqueue_dma source(%dma_start3A_155 : memref<113x32xf32, #tpu.memory_space<vmem>>) target(%dma_start3A_152 : memref<113x32xf32, #tpu.memory_space<vmem_shared>>) target_semaphore(%run_scoped3A_145 : memref<!tpu.dma_semaphore, #tpu.memory_space<semaphore_mem>>)
      %dma_wait3A_156 = arith.constant 0 : i32
      %dma_wait3A_157 = arith.constant 0 : i32
      %dma_wait3A_158 = tpu.memref_slice %arg7[%dma_wait3A_156, %dma_wait3A_157] : memref<128x32xf32, #tpu.memory_space<vmem>> -> memref<113x32xf32, #tpu.memory_space<vmem>>
      %dma_wait3A_159 = arith.constant 0 : i32
      %dma_wait3A_160 = tpu.memref_slice %arg12[%sub3A_31, %dma_wait3A_159] : memref<10000x32xf32, #tpu.memory_space<vmem_shared>> -> memref<113x32xf32, #tpu.memory_space<vmem_shared>>
      %dma_wait3A_161 = arith.constant 0 : i32
      %dma_wait3A_162 = tpu.memref_slice %arg12[%sub3A_31, %dma_wait3A_161] : memref<10000x32xf32, #tpu.memory_space<vmem_shared>> -> memref<113x32xf32, #tpu.memory_space<vmem_shared>>
      %dma_wait3A_163 = arith.constant 0 : i32
      %dma_wait3A_164 = arith.constant 0 : i32
      %dma_wait3A_165 = tpu.memref_slice %arg7[%dma_wait3A_163, %dma_wait3A_164] : memref<128x32xf32, #tpu.memory_space<vmem>> -> memref<113x32xf32, #tpu.memory_space<vmem>>
      tpu.wait_dma2 semaphore(%run_scoped3A_145 : memref<!tpu.dma_semaphore, #tpu.memory_space<semaphore_mem>>) src(%dma_wait3A_165 : memref<113x32xf32, #tpu.memory_space<vmem>>) dst(%dma_wait3A_162 : memref<113x32xf32, #tpu.memory_space<vmem_shared>>)
      tpu.yield
    }) : () -> ()
    %barrier3A = arith.constant 0 : index
    tpu.barrier barrier_id(%barrier3A)
    %add3A_32 = arith.constant 0 : i32
    %add3A_33 = arith.addi %add3A, %add3A_32 : i32
    %run_scoped3A = arith.constant 0 : i32
    "tpu.region"() ({
      %run_scoped3A_145 = tpu.sem_alloc : memref<!tpu.dma_semaphore, #tpu.memory_space<semaphore_mem>>
      %dma_start3A_146 = arith.constant 0 : i32
      %dma_start3A_147 = arith.constant 0 : i32
      %dma_start3A_148 = tpu.memref_slice %arg5[%dma_start3A_146, %dma_start3A_147] : memref<53x128xi32, #tpu.memory_space<vmem>> -> memref<52x128xi32, #tpu.memory_space<vmem>>
      %dma_start3A_149 = arith.constant 0 : i32
      %dma_start3A_150 = tpu.memref_slice %arg3[%run_scoped3A, %add3A_33, %dma_start3A_149] : memref<2x2500x128xi32, #tpu.memory_space<hbm>> -> memref<1x52x128xi32, #tpu.memory_space<hbm>>
      %dma_start3A_151 = tpu.memref_squeeze %dma_start3A_150 : memref<1x52x128xi32, #tpu.memory_space<hbm>> -> memref<52x128xi32, #tpu.memory_space<hbm>>
      %dma_start3A_152 = arith.constant 0 : i32
      %dma_start3A_153 = arith.constant 0 : i32
      %dma_start3A_154 = tpu.memref_slice %arg5[%dma_start3A_152, %dma_start3A_153] : memref<53x128xi32, #tpu.memory_space<vmem>> -> memref<52x128xi32, #tpu.memory_space<vmem>>
      %dma_start3A_155 = arith.constant 0 : i32
      %dma_start3A_156 = tpu.memref_slice %arg3[%run_scoped3A, %add3A_33, %dma_start3A_155] : memref<2x2500x128xi32, #tpu.memory_space<hbm>> -> memref<1x52x128xi32, #tpu.memory_space<hbm>>
      %dma_start3A_157 = tpu.memref_squeeze %dma_start3A_156 : memref<1x52x128xi32, #tpu.memory_space<hbm>> -> memref<52x128xi32, #tpu.memory_space<hbm>>
      tpu.enqueue_dma source(%dma_start3A_157 : memref<52x128xi32, #tpu.memory_space<hbm>>) target(%dma_start3A_154 : memref<52x128xi32, #tpu.memory_space<vmem>>) target_semaphore(%run_scoped3A_145 : memref<!tpu.dma_semaphore, #tpu.memory_space<semaphore_mem>>)
      %dma_wait3A_158 = arith.constant 0 : i32
      %dma_wait3A_159 = arith.constant 0 : i32
      %dma_wait3A_160 = tpu.memref_slice %arg5[%dma_wait3A_158, %dma_wait3A_159] : memref<53x128xi32, #tpu.memory_space<vmem>> -> memref<52x128xi32, #tpu.memory_space<vmem>>
      %dma_wait3A_161 = arith.constant 0 : i32
      %dma_wait3A_162 = tpu.memref_slice %arg3[%run_scoped3A, %add3A_33, %dma_wait3A_161] : memref<2x2500x128xi32, #tpu.memory_space<hbm>> -> memref<1x52x128xi32, #tpu.memory_space<hbm>>
      %dma_wait3A_163 = tpu.memref_squeeze %dma_wait3A_162 : memref<1x52x128xi32, #tpu.memory_space<hbm>> -> memref<52x128xi32, #tpu.memory_space<hbm>>
      %dma_wait3A_164 = arith.constant 0 : i32
      %dma_wait3A_165 = arith.constant 0 : i32
      %dma_wait3A_166 = tpu.memref_slice %arg5[%dma_wait3A_164, %dma_wait3A_165] : memref<53x128xi32, #tpu.memory_space<vmem>> -> memref<52x128xi32, #tpu.memory_space<vmem>>
      %dma_wait3A_167 = arith.constant 0 : i32
      %dma_wait3A_168 = tpu.memref_slice %arg3[%run_scoped3A, %add3A_33, %dma_wait3A_167] : memref<2x2500x128xi32, #tpu.memory_space<hbm>> -> memref<1x52x128xi32, #tpu.memory_space<hbm>>
      %dma_wait3A_169 = tpu.memref_squeeze %dma_wait3A_168 : memref<1x52x128xi32, #tpu.memory_space<hbm>> -> memref<52x128xi32, #tpu.memory_space<hbm>>
      tpu.wait_dma2 semaphore(%run_scoped3A_145 : memref<!tpu.dma_semaphore, #tpu.memory_space<semaphore_mem>>) src(%dma_wait3A_169 : memref<52x128xi32, #tpu.memory_space<hbm>>) dst(%dma_wait3A_166 : memref<52x128xi32, #tpu.memory_space<vmem>>)
      tpu.yield
    }) : () -> ()
    %run_scoped3A_34 = arith.constant 1 : i32
    "tpu.region"() ({
      %run_scoped3A_145 = tpu.sem_alloc : memref<!tpu.dma_semaphore, #tpu.memory_space<semaphore_mem>>
      %dma_start3A_146 = arith.constant 0 : i32
      %dma_start3A_147 = arith.constant 0 : i32
      %dma_start3A_148 = tpu.memref_slice %arg6[%dma_start3A_146, %dma_start3A_147] : memref<53x128xi32, #tpu.memory_space<vmem>> -> memref<52x128xi32, #tpu.memory_space<vmem>>
      %dma_start3A_149 = arith.constant 0 : i32
      %dma_start3A_150 = tpu.memref_slice %arg3[%run_scoped3A_34, %add3A_33, %dma_start3A_149] : memref<2x2500x128xi32, #tpu.memory_space<hbm>> -> memref<1x52x128xi32, #tpu.memory_space<hbm>>
      %dma_start3A_151 = tpu.memref_squeeze %dma_start3A_150 : memref<1x52x128xi32, #tpu.memory_space<hbm>> -> memref<52x128xi32, #tpu.memory_space<hbm>>
      %dma_start3A_152 = arith.constant 0 : i32
      %dma_start3A_153 = arith.constant 0 : i32
      %dma_start3A_154 = tpu.memref_slice %arg6[%dma_start3A_152, %dma_start3A_153] : memref<53x128xi32, #tpu.memory_space<vmem>> -> memref<52x128xi32, #tpu.memory_space<vmem>>
      %dma_start3A_155 = arith.constant 0 : i32
      %dma_start3A_156 = tpu.memref_slice %arg3[%run_scoped3A_34, %add3A_33, %dma_start3A_155] : memref<2x2500x128xi32, #tpu.memory_space<hbm>> -> memref<1x52x128xi32, #tpu.memory_space<hbm>>
      %dma_start3A_157 = tpu.memref_squeeze %dma_start3A_156 : memref<1x52x128xi32, #tpu.memory_space<hbm>> -> memref<52x128xi32, #tpu.memory_space<hbm>>
      tpu.enqueue_dma source(%dma_start3A_157 : memref<52x128xi32, #tpu.memory_space<hbm>>) target(%dma_start3A_154 : memref<52x128xi32, #tpu.memory_space<vmem>>) target_semaphore(%run_scoped3A_145 : memref<!tpu.dma_semaphore, #tpu.memory_space<semaphore_mem>>)
      %dma_wait3A_158 = arith.constant 0 : i32
      %dma_wait3A_159 = arith.constant 0 : i32
      %dma_wait3A_160 = tpu.memref_slice %arg6[%dma_wait3A_158, %dma_wait3A_159] : memref<53x128xi32, #tpu.memory_space<vmem>> -> memref<52x128xi32, #tpu.memory_space<vmem>>
      %dma_wait3A_161 = arith.constant 0 : i32
      %dma_wait3A_162 = tpu.memref_slice %arg3[%run_scoped3A_34, %add3A_33, %dma_wait3A_161] : memref<2x2500x128xi32, #tpu.memory_space<hbm>> -> memref<1x52x128xi32, #tpu.memory_space<hbm>>
      %dma_wait3A_163 = tpu.memref_squeeze %dma_wait3A_162 : memref<1x52x128xi32, #tpu.memory_space<hbm>> -> memref<52x128xi32, #tpu.memory_space<hbm>>
      %dma_wait3A_164 = arith.constant 0 : i32
      %dma_wait3A_165 = arith.constant 0 : i32
      %dma_wait3A_166 = tpu.memref_slice %arg6[%dma_wait3A_164, %dma_wait3A_165] : memref<53x128xi32, #tpu.memory_space<vmem>> -> memref<52x128xi32, #tpu.memory_space<vmem>>
      %dma_wait3A_167 = arith.constant 0 : i32
      %dma_wait3A_168 = tpu.memref_slice %arg3[%run_scoped3A_34, %add3A_33, %dma_wait3A_167] : memref<2x2500x128xi32, #tpu.memory_space<hbm>> -> memref<1x52x128xi32, #tpu.memory_space<hbm>>
      %dma_wait3A_169 = tpu.memref_squeeze %dma_wait3A_168 : memref<1x52x128xi32, #tpu.memory_space<hbm>> -> memref<52x128xi32, #tpu.memory_space<hbm>>
      tpu.wait_dma2 semaphore(%run_scoped3A_145 : memref<!tpu.dma_semaphore, #tpu.memory_space<semaphore_mem>>) src(%dma_wait3A_169 : memref<52x128xi32, #tpu.memory_space<hbm>>) dst(%dma_wait3A_166 : memref<52x128xi32, #tpu.memory_space<vmem>>)
      tpu.yield
    }) : () -> ()
    %dma_start3A = arith.constant 0 : i32
    %dma_start3A_35 = arith.constant 0 : i32
    %dma_start3A_36 = tpu.memref_slice %arg5[%dma_start3A, %dma_start3A_35] : memref<53x128xi32, #tpu.memory_space<vmem>> -> memref<1x128xi32, #tpu.memory_space<vmem>>
    %dma_start3A_37 = tpu.memref_squeeze %dma_start3A_36 : memref<1x128xi32, #tpu.memory_space<vmem>> -> memref<128xi32, #tpu.memory_space<vmem>>
    %dma_start3A_38 = arith.constant 0 : i32
    %dma_start3A_39 = arith.constant 0 : i32
    %dma_start3A_40 = tpu.memref_slice %arg11[%dma_start3A_38, %dma_start3A_39] : memref<10000x32xf32, #tpu.memory_space<vmem_shared>> -> memref<10000x32xf32, #tpu.memory_space<vmem_shared>>
    tpu.enqueue_indirect_dma source(%dma_start3A_40 : memref<10000x32xf32, #tpu.memory_space<vmem_shared>>) target(%arg7 : memref<128x32xf32, #tpu.memory_space<vmem>>) offsets(%dma_start3A_37 : memref<128xi32, #tpu.memory_space<vmem>>) semaphore(%arg13 : memref<!tpu.dma_semaphore, #tpu.memory_space<semaphore_mem>>)
    %dma_start3A_41 = arith.constant 1 : i32
    %dma_start3A_42 = arith.constant 0 : i32
    %dma_start3A_43 = tpu.memref_slice %arg5[%dma_start3A_41, %dma_start3A_42] : memref<53x128xi32, #tpu.memory_space<vmem>> -> memref<1x128xi32, #tpu.memory_space<vmem>>
    %dma_start3A_44 = tpu.memref_squeeze %dma_start3A_43 : memref<1x128xi32, #tpu.memory_space<vmem>> -> memref<128xi32, #tpu.memory_space<vmem>>
    %dma_start3A_45 = arith.constant 0 : i32
    %dma_start3A_46 = arith.constant 0 : i32
    %dma_start3A_47 = tpu.memref_slice %arg11[%dma_start3A_45, %dma_start3A_46] : memref<10000x32xf32, #tpu.memory_space<vmem_shared>> -> memref<10000x32xf32, #tpu.memory_space<vmem_shared>>
    tpu.enqueue_indirect_dma source(%dma_start3A_47 : memref<10000x32xf32, #tpu.memory_space<vmem_shared>>) target(%arg8 : memref<128x32xf32, #tpu.memory_space<vmem>>) offsets(%dma_start3A_44 : memref<128xi32, #tpu.memory_space<vmem>>) semaphore(%arg14 : memref<!tpu.dma_semaphore, #tpu.memory_space<semaphore_mem>>)
    %scan3A_48 = arith.constant 0 : i32
    %scan3A_49 = arith.constant 13 : i32
    %scan3A_50 = arith.addi %scan3A_48, %scan3A_49 : i32
    %scan3A_51 = arith.constant 1 : i32
    scf.for %scan3A_145 = %scan3A_48 to %scan3A_50 step %scan3A_51  : i32 {
      %mul3A_146 = arith.constant 1 : i32
      %mul3A_147 = arith.muli %scan3A_145, %mul3A_146 : i32
      %add3A_148 = arith.constant 0 : i32
      %add3A_149 = arith.addi %add3A_148, %mul3A_147 : i32
      %mul3A_150 = arith.constant 4 : i32
      %mul3A_151 = arith.muli %mul3A_150, %add3A_149 : i32
      %add3A_152 = arith.constant 0 : i32
      %add3A_153 = arith.addi %mul3A_151, %add3A_152 : i32
      %dma_wait3A_154 = arith.constant 0 : i32
      %dma_wait3A_155 = tpu.memref_slice %arg5[%add3A_153, %dma_wait3A_154] : memref<53x128xi32, #tpu.memory_space<vmem>> -> memref<1x128xi32, #tpu.memory_space<vmem>>
      %dma_wait3A_156 = tpu.memref_squeeze %dma_wait3A_155 : memref<1x128xi32, #tpu.memory_space<vmem>> -> memref<128xi32, #tpu.memory_space<vmem>>
      %dma_wait3A_157 = arith.constant 0 : i32
      %dma_wait3A_158 = arith.constant 0 : i32
      %dma_wait3A_159 = tpu.memref_slice %arg11[%dma_wait3A_157, %dma_wait3A_158] : memref<10000x32xf32, #tpu.memory_space<vmem_shared>> -> memref<10000x32xf32, #tpu.memory_space<vmem_shared>>
      tpu.wait_indirect_dma semaphore(%arg13 : memref<!tpu.dma_semaphore, #tpu.memory_space<semaphore_mem>>) src(%dma_wait3A_159 : memref<10000x32xf32, #tpu.memory_space<vmem_shared>>) dst(%arg7 : memref<128x32xf32, #tpu.memory_space<vmem>>)
      %add3A_160 = arith.constant 0 : i32
      %add3A_161 = arith.addi %mul3A_151, %add3A_160 : i32
      %dma_start3A_162 = arith.constant 0 : i32
      %dma_start3A_163 = tpu.memref_slice %arg6[%add3A_161, %dma_start3A_162] : memref<53x128xi32, #tpu.memory_space<vmem>> -> memref<1x128xi32, #tpu.memory_space<vmem>>
      %dma_start3A_164 = tpu.memref_squeeze %dma_start3A_163 : memref<1x128xi32, #tpu.memory_space<vmem>> -> memref<128xi32, #tpu.memory_space<vmem>>
      %dma_start3A_165 = arith.constant 0 : i32
      %dma_start3A_166 = arith.constant 0 : i32
      %dma_start3A_167 = tpu.memref_slice %arg12[%dma_start3A_165, %dma_start3A_166] : memref<10000x32xf32, #tpu.memory_space<vmem_shared>> -> memref<10000x32xf32, #tpu.memory_space<vmem_shared>>
      tpu.enqueue_indirect_dma source(%arg7 : memref<128x32xf32, #tpu.memory_space<vmem>>) target(%dma_start3A_167 : memref<10000x32xf32, #tpu.memory_space<vmem_shared>>) offsets(%dma_start3A_164 : memref<128xi32, #tpu.memory_space<vmem>>) semaphore(%arg17 : memref<!tpu.dma_semaphore, #tpu.memory_space<semaphore_mem>>) {add = true}
      %gt3A = arith.constant 0 : i32
      %gt3A_168 = arith.cmpi sgt, %add3A_149, %gt3A : i32
      %convert_element_type3A_169 = arith.extui %gt3A_168 : i1 to i32
      %cond3A_170 = arith.constant 0 : i32
      %cond3A_171 = arith.cmpi ne, %convert_element_type3A_169, %cond3A_170 : i32
      scf.if %cond3A_171 {
        %add3A_275 = arith.constant 0 : i32
        %add3A_276 = arith.addi %mul3A_151, %add3A_275 : i32
        %sub3A_277 = arith.constant 2 : i32
        %sub3A_278 = arith.subi %add3A_276, %sub3A_277 : i32
        %dma_wait3A_279 = arith.constant 0 : i32
        %dma_wait3A_280 = tpu.memref_slice %arg6[%sub3A_278, %dma_wait3A_279] : memref<53x128xi32, #tpu.memory_space<vmem>> -> memref<1x128xi32, #tpu.memory_space<vmem>>
        %dma_wait3A_281 = tpu.memref_squeeze %dma_wait3A_280 : memref<1x128xi32, #tpu.memory_space<vmem>> -> memref<128xi32, #tpu.memory_space<vmem>>
        %dma_wait3A_282 = arith.constant 0 : i32
        %dma_wait3A_283 = arith.constant 0 : i32
        %dma_wait3A_284 = tpu.memref_slice %arg12[%dma_wait3A_282, %dma_wait3A_283] : memref<10000x32xf32, #tpu.memory_space<vmem_shared>> -> memref<10000x32xf32, #tpu.memory_space<vmem_shared>>
        tpu.wait_indirect_dma semaphore(%arg19 : memref<!tpu.dma_semaphore, #tpu.memory_space<semaphore_mem>>) src(%arg9 : memref<128x32xf32, #tpu.memory_space<vmem>>) dst(%dma_wait3A_284 : memref<10000x32xf32, #tpu.memory_space<vmem_shared>>)
      } else {
      }
      %add3A_172 = arith.constant 0 : i32
      %add3A_173 = arith.addi %mul3A_151, %add3A_172 : i32
      %add3A_174 = arith.constant 2 : i32
      %add3A_175 = arith.addi %add3A_173, %add3A_174 : i32
      %dma_start3A_176 = arith.constant 0 : i32
      %dma_start3A_177 = tpu.memref_slice %arg5[%add3A_175, %dma_start3A_176] : memref<53x128xi32, #tpu.memory_space<vmem>> -> memref<1x128xi32, #tpu.memory_space<vmem>>
      %dma_start3A_178 = tpu.memref_squeeze %dma_start3A_177 : memref<1x128xi32, #tpu.memory_space<vmem>> -> memref<128xi32, #tpu.memory_space<vmem>>
      %dma_start3A_179 = arith.constant 0 : i32
      %dma_start3A_180 = arith.constant 0 : i32
      %dma_start3A_181 = tpu.memref_slice %arg11[%dma_start3A_179, %dma_start3A_180] : memref<10000x32xf32, #tpu.memory_space<vmem_shared>> -> memref<10000x32xf32, #tpu.memory_space<vmem_shared>>
      tpu.enqueue_indirect_dma source(%dma_start3A_181 : memref<10000x32xf32, #tpu.memory_space<vmem_shared>>) target(%arg9 : memref<128x32xf32, #tpu.memory_space<vmem>>) offsets(%dma_start3A_178 : memref<128xi32, #tpu.memory_space<vmem>>) semaphore(%arg15 : memref<!tpu.dma_semaphore, #tpu.memory_space<semaphore_mem>>)
      %add3A_182 = arith.constant 1 : i32
      %add3A_183 = arith.addi %mul3A_151, %add3A_182 : i32
      %dma_wait3A_184 = arith.constant 0 : i32
      %dma_wait3A_185 = tpu.memref_slice %arg5[%add3A_183, %dma_wait3A_184] : memref<53x128xi32, #tpu.memory_space<vmem>> -> memref<1x128xi32, #tpu.memory_space<vmem>>
      %dma_wait3A_186 = tpu.memref_squeeze %dma_wait3A_185 : memref<1x128xi32, #tpu.memory_space<vmem>> -> memref<128xi32, #tpu.memory_space<vmem>>
      %dma_wait3A_187 = arith.constant 0 : i32
      %dma_wait3A_188 = arith.constant 0 : i32
      %dma_wait3A_189 = tpu.memref_slice %arg11[%dma_wait3A_187, %dma_wait3A_188] : memref<10000x32xf32, #tpu.memory_space<vmem_shared>> -> memref<10000x32xf32, #tpu.memory_space<vmem_shared>>
      tpu.wait_indirect_dma semaphore(%arg14 : memref<!tpu.dma_semaphore, #tpu.memory_space<semaphore_mem>>) src(%dma_wait3A_189 : memref<10000x32xf32, #tpu.memory_space<vmem_shared>>) dst(%arg8 : memref<128x32xf32, #tpu.memory_space<vmem>>)
      %add3A_190 = arith.constant 1 : i32
      %add3A_191 = arith.addi %mul3A_151, %add3A_190 : i32
      %dma_start3A_192 = arith.constant 0 : i32
      %dma_start3A_193 = tpu.memref_slice %arg6[%add3A_191, %dma_start3A_192] : memref<53x128xi32, #tpu.memory_space<vmem>> -> memref<1x128xi32, #tpu.memory_space<vmem>>
      %dma_start3A_194 = tpu.memref_squeeze %dma_start3A_193 : memref<1x128xi32, #tpu.memory_space<vmem>> -> memref<128xi32, #tpu.memory_space<vmem>>
      %dma_start3A_195 = arith.constant 0 : i32
      %dma_start3A_196 = arith.constant 0 : i32
      %dma_start3A_197 = tpu.memref_slice %arg12[%dma_start3A_195, %dma_start3A_196] : memref<10000x32xf32, #tpu.memory_space<vmem_shared>> -> memref<10000x32xf32, #tpu.memory_space<vmem_shared>>
      tpu.enqueue_indirect_dma source(%arg8 : memref<128x32xf32, #tpu.memory_space<vmem>>) target(%dma_start3A_197 : memref<10000x32xf32, #tpu.memory_space<vmem_shared>>) offsets(%dma_start3A_194 : memref<128xi32, #tpu.memory_space<vmem>>) semaphore(%arg18 : memref<!tpu.dma_semaphore, #tpu.memory_space<semaphore_mem>>) {add = true}
      %gt3A_198 = arith.constant 0 : i32
      %gt3A_199 = arith.cmpi sgt, %add3A_149, %gt3A_198 : i32
      %convert_element_type3A_200 = arith.extui %gt3A_199 : i1 to i32
      %cond3A_201 = arith.constant 0 : i32
      %cond3A_202 = arith.cmpi ne, %convert_element_type3A_200, %cond3A_201 : i32
      scf.if %cond3A_202 {
        %add3A_275 = arith.constant 1 : i32
        %add3A_276 = arith.addi %mul3A_151, %add3A_275 : i32
        %sub3A_277 = arith.constant 2 : i32
        %sub3A_278 = arith.subi %add3A_276, %sub3A_277 : i32
        %dma_wait3A_279 = arith.constant 0 : i32
        %dma_wait3A_280 = tpu.memref_slice %arg6[%sub3A_278, %dma_wait3A_279] : memref<53x128xi32, #tpu.memory_space<vmem>> -> memref<1x128xi32, #tpu.memory_space<vmem>>
        %dma_wait3A_281 = tpu.memref_squeeze %dma_wait3A_280 : memref<1x128xi32, #tpu.memory_space<vmem>> -> memref<128xi32, #tpu.memory_space<vmem>>
        %dma_wait3A_282 = arith.constant 0 : i32
        %dma_wait3A_283 = arith.constant 0 : i32
        %dma_wait3A_284 = tpu.memref_slice %arg12[%dma_wait3A_282, %dma_wait3A_283] : memref<10000x32xf32, #tpu.memory_space<vmem_shared>> -> memref<10000x32xf32, #tpu.memory_space<vmem_shared>>
        tpu.wait_indirect_dma semaphore(%arg20 : memref<!tpu.dma_semaphore, #tpu.memory_space<semaphore_mem>>) src(%arg10 : memref<128x32xf32, #tpu.memory_space<vmem>>) dst(%dma_wait3A_284 : memref<10000x32xf32, #tpu.memory_space<vmem_shared>>)
      } else {
      }
      %add3A_203 = arith.constant 1 : i32
      %add3A_204 = arith.addi %mul3A_151, %add3A_203 : i32
      %add3A_205 = arith.constant 2 : i32
      %add3A_206 = arith.addi %add3A_204, %add3A_205 : i32
      %dma_start3A_207 = arith.constant 0 : i32
      %dma_start3A_208 = tpu.memref_slice %arg5[%add3A_206, %dma_start3A_207] : memref<53x128xi32, #tpu.memory_space<vmem>> -> memref<1x128xi32, #tpu.memory_space<vmem>>
      %dma_start3A_209 = tpu.memref_squeeze %dma_start3A_208 : memref<1x128xi32, #tpu.memory_space<vmem>> -> memref<128xi32, #tpu.memory_space<vmem>>
      %dma_start3A_210 = arith.constant 0 : i32
      %dma_start3A_211 = arith.constant 0 : i32
      %dma_start3A_212 = tpu.memref_slice %arg11[%dma_start3A_210, %dma_start3A_211] : memref<10000x32xf32, #tpu.memory_space<vmem_shared>> -> memref<10000x32xf32, #tpu.memory_space<vmem_shared>>
      tpu.enqueue_indirect_dma source(%dma_start3A_212 : memref<10000x32xf32, #tpu.memory_space<vmem_shared>>) target(%arg10 : memref<128x32xf32, #tpu.memory_space<vmem>>) offsets(%dma_start3A_209 : memref<128xi32, #tpu.memory_space<vmem>>) semaphore(%arg16 : memref<!tpu.dma_semaphore, #tpu.memory_space<semaphore_mem>>)
      %add3A_213 = arith.constant 2 : i32
      %add3A_214 = arith.addi %mul3A_151, %add3A_213 : i32
      %dma_wait3A_215 = arith.constant 0 : i32
      %dma_wait3A_216 = tpu.memref_slice %arg5[%add3A_214, %dma_wait3A_215] : memref<53x128xi32, #tpu.memory_space<vmem>> -> memref<1x128xi32, #tpu.memory_space<vmem>>
      %dma_wait3A_217 = tpu.memref_squeeze %dma_wait3A_216 : memref<1x128xi32, #tpu.memory_space<vmem>> -> memref<128xi32, #tpu.memory_space<vmem>>
      %dma_wait3A_218 = arith.constant 0 : i32
      %dma_wait3A_219 = arith.constant 0 : i32
      %dma_wait3A_220 = tpu.memref_slice %arg11[%dma_wait3A_218, %dma_wait3A_219] : memref<10000x32xf32, #tpu.memory_space<vmem_shared>> -> memref<10000x32xf32, #tpu.memory_space<vmem_shared>>
      tpu.wait_indirect_dma semaphore(%arg15 : memref<!tpu.dma_semaphore, #tpu.memory_space<semaphore_mem>>) src(%dma_wait3A_220 : memref<10000x32xf32, #tpu.memory_space<vmem_shared>>) dst(%arg9 : memref<128x32xf32, #tpu.memory_space<vmem>>)
      %add3A_221 = arith.constant 2 : i32
      %add3A_222 = arith.addi %mul3A_151, %add3A_221 : i32
      %dma_start3A_223 = arith.constant 0 : i32
      %dma_start3A_224 = tpu.memref_slice %arg6[%add3A_222, %dma_start3A_223] : memref<53x128xi32, #tpu.memory_space<vmem>> -> memref<1x128xi32, #tpu.memory_space<vmem>>
      %dma_start3A_225 = tpu.memref_squeeze %dma_start3A_224 : memref<1x128xi32, #tpu.memory_space<vmem>> -> memref<128xi32, #tpu.memory_space<vmem>>
      %dma_start3A_226 = arith.constant 0 : i32
      %dma_start3A_227 = arith.constant 0 : i32
      %dma_start3A_228 = tpu.memref_slice %arg12[%dma_start3A_226, %dma_start3A_227] : memref<10000x32xf32, #tpu.memory_space<vmem_shared>> -> memref<10000x32xf32, #tpu.memory_space<vmem_shared>>
      tpu.enqueue_indirect_dma source(%arg9 : memref<128x32xf32, #tpu.memory_space<vmem>>) target(%dma_start3A_228 : memref<10000x32xf32, #tpu.memory_space<vmem_shared>>) offsets(%dma_start3A_225 : memref<128xi32, #tpu.memory_space<vmem>>) semaphore(%arg19 : memref<!tpu.dma_semaphore, #tpu.memory_space<semaphore_mem>>) {add = true}
      %add3A_229 = arith.constant 2 : i32
      %add3A_230 = arith.addi %mul3A_151, %add3A_229 : i32
      %sub3A_231 = arith.constant 2 : i32
      %sub3A_232 = arith.subi %add3A_230, %sub3A_231 : i32
      %dma_wait3A_233 = arith.constant 0 : i32
      %dma_wait3A_234 = tpu.memref_slice %arg6[%sub3A_232, %dma_wait3A_233] : memref<53x128xi32, #tpu.memory_space<vmem>> -> memref<1x128xi32, #tpu.memory_space<vmem>>
      %dma_wait3A_235 = tpu.memref_squeeze %dma_wait3A_234 : memref<1x128xi32, #tpu.memory_space<vmem>> -> memref<128xi32, #tpu.memory_space<vmem>>
      %dma_wait3A_236 = arith.constant 0 : i32
      %dma_wait3A_237 = arith.constant 0 : i32
      %dma_wait3A_238 = tpu.memref_slice %arg12[%dma_wait3A_236, %dma_wait3A_237] : memref<10000x32xf32, #tpu.memory_space<vmem_shared>> -> memref<10000x32xf32, #tpu.memory_space<vmem_shared>>
      tpu.wait_indirect_dma semaphore(%arg17 : memref<!tpu.dma_semaphore, #tpu.memory_space<semaphore_mem>>) src(%arg7 : memref<128x32xf32, #tpu.memory_space<vmem>>) dst(%dma_wait3A_238 : memref<10000x32xf32, #tpu.memory_space<vmem_shared>>)
      %lt3A_239 = arith.constant 12 : i32
      %lt3A_240 = arith.cmpi slt, %add3A_149, %lt3A_239 : i32
      %convert_element_type3A_241 = arith.extui %lt3A_240 : i1 to i32
      %cond3A_242 = arith.constant 0 : i32
      %cond3A_243 = arith.cmpi ne, %convert_element_type3A_241, %cond3A_242 : i32
      scf.if %cond3A_243 {
        %add3A_275 = arith.constant 2 : i32
        %add3A_276 = arith.addi %mul3A_151, %add3A_275 : i32
        %add3A_277 = arith.constant 2 : i32
        %add3A_278 = arith.addi %add3A_276, %add3A_277 : i32
        %dma_start3A_279 = arith.constant 0 : i32
        %dma_start3A_280 = tpu.memref_slice %arg5[%add3A_278, %dma_start3A_279] : memref<53x128xi32, #tpu.memory_space<vmem>> -> memref<1x128xi32, #tpu.memory_space<vmem>>
        %dma_start3A_281 = tpu.memref_squeeze %dma_start3A_280 : memref<1x128xi32, #tpu.memory_space<vmem>> -> memref<128xi32, #tpu.memory_space<vmem>>
        %dma_start3A_282 = arith.constant 0 : i32
        %dma_start3A_283 = arith.constant 0 : i32
        %dma_start3A_284 = tpu.memref_slice %arg11[%dma_start3A_282, %dma_start3A_283] : memref<10000x32xf32, #tpu.memory_space<vmem_shared>> -> memref<10000x32xf32, #tpu.memory_space<vmem_shared>>
        tpu.enqueue_indirect_dma source(%dma_start3A_284 : memref<10000x32xf32, #tpu.memory_space<vmem_shared>>) target(%arg7 : memref<128x32xf32, #tpu.memory_space<vmem>>) offsets(%dma_start3A_281 : memref<128xi32, #tpu.memory_space<vmem>>) semaphore(%arg13 : memref<!tpu.dma_semaphore, #tpu.memory_space<semaphore_mem>>)
      } else {
      }
      %add3A_244 = arith.constant 3 : i32
      %add3A_245 = arith.addi %mul3A_151, %add3A_244 : i32
      %dma_wait3A_246 = arith.constant 0 : i32
      %dma_wait3A_247 = tpu.memref_slice %arg5[%add3A_245, %dma_wait3A_246] : memref<53x128xi32, #tpu.memory_space<vmem>> -> memref<1x128xi32, #tpu.memory_space<vmem>>
      %dma_wait3A_248 = tpu.memref_squeeze %dma_wait3A_247 : memref<1x128xi32, #tpu.memory_space<vmem>> -> memref<128xi32, #tpu.memory_space<vmem>>
      %dma_wait3A_249 = arith.constant 0 : i32
      %dma_wait3A_250 = arith.constant 0 : i32
      %dma_wait3A_251 = tpu.memref_slice %arg11[%dma_wait3A_249, %dma_wait3A_250] : memref<10000x32xf32, #tpu.memory_space<vmem_shared>> -> memref<10000x32xf32, #tpu.memory_space<vmem_shared>>
      tpu.wait_indirect_dma semaphore(%arg16 : memref<!tpu.dma_semaphore, #tpu.memory_space<semaphore_mem>>) src(%dma_wait3A_251 : memref<10000x32xf32, #tpu.memory_space<vmem_shared>>) dst(%arg10 : memref<128x32xf32, #tpu.memory_space<vmem>>)
      %add3A_252 = arith.constant 3 : i32
      %add3A_253 = arith.addi %mul3A_151, %add3A_252 : i32
      %dma_start3A_254 = arith.constant 0 : i32
      %dma_start3A_255 = tpu.memref_slice %arg6[%add3A_253, %dma_start3A_254] : memref<53x128xi32, #tpu.memory_space<vmem>> -> memref<1x128xi32, #tpu.memory_space<vmem>>
      %dma_start3A_256 = tpu.memref_squeeze %dma_start3A_255 : memref<1x128xi32, #tpu.memory_space<vmem>> -> memref<128xi32, #tpu.memory_space<vmem>>
      %dma_start3A_257 = arith.constant 0 : i32
      %dma_start3A_258 = arith.constant 0 : i32
      %dma_start3A_259 = tpu.memref_slice %arg12[%dma_start3A_257, %dma_start3A_258] : memref<10000x32xf32, #tpu.memory_space<vmem_shared>> -> memref<10000x32xf32, #tpu.memory_space<vmem_shared>>
      tpu.enqueue_indirect_dma source(%arg10 : memref<128x32xf32, #tpu.memory_space<vmem>>) target(%dma_start3A_259 : memref<10000x32xf32, #tpu.memory_space<vmem_shared>>) offsets(%dma_start3A_256 : memref<128xi32, #tpu.memory_space<vmem>>) semaphore(%arg20 : memref<!tpu.dma_semaphore, #tpu.memory_space<semaphore_mem>>) {add = true}
      %add3A_260 = arith.constant 3 : i32
      %add3A_261 = arith.addi %mul3A_151, %add3A_260 : i32
      %sub3A_262 = arith.constant 2 : i32
      %sub3A_263 = arith.subi %add3A_261, %sub3A_262 : i32
      %dma_wait3A_264 = arith.constant 0 : i32
      %dma_wait3A_265 = tpu.memref_slice %arg6[%sub3A_263, %dma_wait3A_264] : memref<53x128xi32, #tpu.memory_space<vmem>> -> memref<1x128xi32, #tpu.memory_space<vmem>>
      %dma_wait3A_266 = tpu.memref_squeeze %dma_wait3A_265 : memref<1x128xi32, #tpu.memory_space<vmem>> -> memref<128xi32, #tpu.memory_space<vmem>>
      %dma_wait3A_267 = arith.constant 0 : i32
      %dma_wait3A_268 = arith.constant 0 : i32
      %dma_wait3A_269 = tpu.memref_slice %arg12[%dma_wait3A_267, %dma_wait3A_268] : memref<10000x32xf32, #tpu.memory_space<vmem_shared>> -> memref<10000x32xf32, #tpu.memory_space<vmem_shared>>
      tpu.wait_indirect_dma semaphore(%arg18 : memref<!tpu.dma_semaphore, #tpu.memory_space<semaphore_mem>>) src(%arg8 : memref<128x32xf32, #tpu.memory_space<vmem>>) dst(%dma_wait3A_269 : memref<10000x32xf32, #tpu.memory_space<vmem_shared>>)
      %lt3A_270 = arith.constant 12 : i32
      %lt3A_271 = arith.cmpi slt, %add3A_149, %lt3A_270 : i32
      %convert_element_type3A_272 = arith.extui %lt3A_271 : i1 to i32
      %cond3A_273 = arith.constant 0 : i32
      %cond3A_274 = arith.cmpi ne, %convert_element_type3A_272, %cond3A_273 : i32
      scf.if %cond3A_274 {
        %add3A_275 = arith.constant 3 : i32
        %add3A_276 = arith.addi %mul3A_151, %add3A_275 : i32
        %add3A_277 = arith.constant 2 : i32
        %add3A_278 = arith.addi %add3A_276, %add3A_277 : i32
        %dma_start3A_279 = arith.constant 0 : i32
        %dma_start3A_280 = tpu.memref_slice %arg5[%add3A_278, %dma_start3A_279] : memref<53x128xi32, #tpu.memory_space<vmem>> -> memref<1x128xi32, #tpu.memory_space<vmem>>
        %dma_start3A_281 = tpu.memref_squeeze %dma_start3A_280 : memref<1x128xi32, #tpu.memory_space<vmem>> -> memref<128xi32, #tpu.memory_space<vmem>>
        %dma_start3A_282 = arith.constant 0 : i32
        %dma_start3A_283 = arith.constant 0 : i32
        %dma_start3A_284 = tpu.memref_slice %arg11[%dma_start3A_282, %dma_start3A_283] : memref<10000x32xf32, #tpu.memory_space<vmem_shared>> -> memref<10000x32xf32, #tpu.memory_space<vmem_shared>>
        tpu.enqueue_indirect_dma source(%dma_start3A_284 : memref<10000x32xf32, #tpu.memory_space<vmem_shared>>) target(%arg8 : memref<128x32xf32, #tpu.memory_space<vmem>>) offsets(%dma_start3A_281 : memref<128xi32, #tpu.memory_space<vmem>>) semaphore(%arg14 : memref<!tpu.dma_semaphore, #tpu.memory_space<semaphore_mem>>)
      } else {
      }
    }
    %scan3A_52 = arith.constant 13 : i32
    %dma_wait3A = arith.constant 50 : i32
    %dma_wait3A_53 = arith.constant 0 : i32
    %dma_wait3A_54 = tpu.memref_slice %arg6[%dma_wait3A, %dma_wait3A_53] : memref<53x128xi32, #tpu.memory_space<vmem>> -> memref<1x128xi32, #tpu.memory_space<vmem>>
    %dma_wait3A_55 = tpu.memref_squeeze %dma_wait3A_54 : memref<1x128xi32, #tpu.memory_space<vmem>> -> memref<128xi32, #tpu.memory_space<vmem>>
    %dma_wait3A_56 = arith.constant 0 : i32
    %dma_wait3A_57 = arith.constant 0 : i32
    %dma_wait3A_58 = tpu.memref_slice %arg12[%dma_wait3A_56, %dma_wait3A_57] : memref<10000x32xf32, #tpu.memory_space<vmem_shared>> -> memref<10000x32xf32, #tpu.memory_space<vmem_shared>>
    tpu.wait_indirect_dma semaphore(%arg19 : memref<!tpu.dma_semaphore, #tpu.memory_space<semaphore_mem>>) src(%arg9 : memref<128x32xf32, #tpu.memory_space<vmem>>) dst(%dma_wait3A_58 : memref<10000x32xf32, #tpu.memory_space<vmem_shared>>)
    %dma_wait3A_59 = arith.constant 51 : i32
    %dma_wait3A_60 = arith.constant 0 : i32
    %dma_wait3A_61 = tpu.memref_slice %arg6[%dma_wait3A_59, %dma_wait3A_60] : memref<53x128xi32, #tpu.memory_space<vmem>> -> memref<1x128xi32, #tpu.memory_space<vmem>>
    %dma_wait3A_62 = tpu.memref_squeeze %dma_wait3A_61 : memref<1x128xi32, #tpu.memory_space<vmem>> -> memref<128xi32, #tpu.memory_space<vmem>>
    %dma_wait3A_63 = arith.constant 0 : i32
    %dma_wait3A_64 = arith.constant 0 : i32
    %dma_wait3A_65 = tpu.memref_slice %arg12[%dma_wait3A_63, %dma_wait3A_64] : memref<10000x32xf32, #tpu.memory_space<vmem_shared>> -> memref<10000x32xf32, #tpu.memory_space<vmem_shared>>
    tpu.wait_indirect_dma semaphore(%arg20 : memref<!tpu.dma_semaphore, #tpu.memory_space<semaphore_mem>>) src(%arg10 : memref<128x32xf32, #tpu.memory_space<vmem>>) dst(%dma_wait3A_65 : memref<10000x32xf32, #tpu.memory_space<vmem_shared>>)
    %add3A_66 = arith.constant 52 : i32
    %add3A_67 = arith.addi %add3A, %add3A_66 : i32
    %run_scoped3A_68 = arith.constant 0 : i32
    "tpu.region"() ({
      %run_scoped3A_145 = tpu.sem_alloc : memref<!tpu.dma_semaphore, #tpu.memory_space<semaphore_mem>>
      %dma_start3A_146 = arith.constant 0 : i32
      %dma_start3A_147 = arith.constant 0 : i32
      %dma_start3A_148 = tpu.memref_slice %arg5[%dma_start3A_146, %dma_start3A_147] : memref<53x128xi32, #tpu.memory_space<vmem>> -> memref<52x128xi32, #tpu.memory_space<vmem>>
      %dma_start3A_149 = arith.constant 0 : i32
      %dma_start3A_150 = tpu.memref_slice %arg3[%run_scoped3A_68, %add3A_67, %dma_start3A_149] : memref<2x2500x128xi32, #tpu.memory_space<hbm>> -> memref<1x52x128xi32, #tpu.memory_space<hbm>>
      %dma_start3A_151 = tpu.memref_squeeze %dma_start3A_150 : memref<1x52x128xi32, #tpu.memory_space<hbm>> -> memref<52x128xi32, #tpu.memory_space<hbm>>
      %dma_start3A_152 = arith.constant 0 : i32
      %dma_start3A_153 = arith.constant 0 : i32
      %dma_start3A_154 = tpu.memref_slice %arg5[%dma_start3A_152, %dma_start3A_153] : memref<53x128xi32, #tpu.memory_space<vmem>> -> memref<52x128xi32, #tpu.memory_space<vmem>>
      %dma_start3A_155 = arith.constant 0 : i32
      %dma_start3A_156 = tpu.memref_slice %arg3[%run_scoped3A_68, %add3A_67, %dma_start3A_155] : memref<2x2500x128xi32, #tpu.memory_space<hbm>> -> memref<1x52x128xi32, #tpu.memory_space<hbm>>
      %dma_start3A_157 = tpu.memref_squeeze %dma_start3A_156 : memref<1x52x128xi32, #tpu.memory_space<hbm>> -> memref<52x128xi32, #tpu.memory_space<hbm>>
      tpu.enqueue_dma source(%dma_start3A_157 : memref<52x128xi32, #tpu.memory_space<hbm>>) target(%dma_start3A_154 : memref<52x128xi32, #tpu.memory_space<vmem>>) target_semaphore(%run_scoped3A_145 : memref<!tpu.dma_semaphore, #tpu.memory_space<semaphore_mem>>)
      %dma_wait3A_158 = arith.constant 0 : i32
      %dma_wait3A_159 = arith.constant 0 : i32
      %dma_wait3A_160 = tpu.memref_slice %arg5[%dma_wait3A_158, %dma_wait3A_159] : memref<53x128xi32, #tpu.memory_space<vmem>> -> memref<52x128xi32, #tpu.memory_space<vmem>>
      %dma_wait3A_161 = arith.constant 0 : i32
      %dma_wait3A_162 = tpu.memref_slice %arg3[%run_scoped3A_68, %add3A_67, %dma_wait3A_161] : memref<2x2500x128xi32, #tpu.memory_space<hbm>> -> memref<1x52x128xi32, #tpu.memory_space<hbm>>
      %dma_wait3A_163 = tpu.memref_squeeze %dma_wait3A_162 : memref<1x52x128xi32, #tpu.memory_space<hbm>> -> memref<52x128xi32, #tpu.memory_space<hbm>>
      %dma_wait3A_164 = arith.constant 0 : i32
      %dma_wait3A_165 = arith.constant 0 : i32
      %dma_wait3A_166 = tpu.memref_slice %arg5[%dma_wait3A_164, %dma_wait3A_165] : memref<53x128xi32, #tpu.memory_space<vmem>> -> memref<52x128xi32, #tpu.memory_space<vmem>>
      %dma_wait3A_167 = arith.constant 0 : i32
      %dma_wait3A_168 = tpu.memref_slice %arg3[%run_scoped3A_68, %add3A_67, %dma_wait3A_167] : memref<2x2500x128xi32, #tpu.memory_space<hbm>> -> memref<1x52x128xi32, #tpu.memory_space<hbm>>
      %dma_wait3A_169 = tpu.memref_squeeze %dma_wait3A_168 : memref<1x52x128xi32, #tpu.memory_space<hbm>> -> memref<52x128xi32, #tpu.memory_space<hbm>>
      tpu.wait_dma2 semaphore(%run_scoped3A_145 : memref<!tpu.dma_semaphore, #tpu.memory_space<semaphore_mem>>) src(%dma_wait3A_169 : memref<52x128xi32, #tpu.memory_space<hbm>>) dst(%dma_wait3A_166 : memref<52x128xi32, #tpu.memory_space<vmem>>)
      tpu.yield
    }) : () -> ()
    %run_scoped3A_69 = arith.constant 1 : i32
    "tpu.region"() ({
      %run_scoped3A_145 = tpu.sem_alloc : memref<!tpu.dma_semaphore, #tpu.memory_space<semaphore_mem>>
      %dma_start3A_146 = arith.constant 0 : i32
      %dma_start3A_147 = arith.constant 0 : i32
      %dma_start3A_148 = tpu.memref_slice %arg6[%dma_start3A_146, %dma_start3A_147] : memref<53x128xi32, #tpu.memory_space<vmem>> -> memref<52x128xi32, #tpu.memory_space<vmem>>
      %dma_start3A_149 = arith.constant 0 : i32
      %dma_start3A_150 = tpu.memref_slice %arg3[%run_scoped3A_69, %add3A_67, %dma_start3A_149] : memref<2x2500x128xi32, #tpu.memory_space<hbm>> -> memref<1x52x128xi32, #tpu.memory_space<hbm>>
      %dma_start3A_151 = tpu.memref_squeeze %dma_start3A_150 : memref<1x52x128xi32, #tpu.memory_space<hbm>> -> memref<52x128xi32, #tpu.memory_space<hbm>>
      %dma_start3A_152 = arith.constant 0 : i32
      %dma_start3A_153 = arith.constant 0 : i32
      %dma_start3A_154 = tpu.memref_slice %arg6[%dma_start3A_152, %dma_start3A_153] : memref<53x128xi32, #tpu.memory_space<vmem>> -> memref<52x128xi32, #tpu.memory_space<vmem>>
      %dma_start3A_155 = arith.constant 0 : i32
      %dma_start3A_156 = tpu.memref_slice %arg3[%run_scoped3A_69, %add3A_67, %dma_start3A_155] : memref<2x2500x128xi32, #tpu.memory_space<hbm>> -> memref<1x52x128xi32, #tpu.memory_space<hbm>>
      %dma_start3A_157 = tpu.memref_squeeze %dma_start3A_156 : memref<1x52x128xi32, #tpu.memory_space<hbm>> -> memref<52x128xi32, #tpu.memory_space<hbm>>
      tpu.enqueue_dma source(%dma_start3A_157 : memref<52x128xi32, #tpu.memory_space<hbm>>) target(%dma_start3A_154 : memref<52x128xi32, #tpu.memory_space<vmem>>) target_semaphore(%run_scoped3A_145 : memref<!tpu.dma_semaphore, #tpu.memory_space<semaphore_mem>>)
      %dma_wait3A_158 = arith.constant 0 : i32
      %dma_wait3A_159 = arith.constant 0 : i32
      %dma_wait3A_160 = tpu.memref_slice %arg6[%dma_wait3A_158, %dma_wait3A_159] : memref<53x128xi32, #tpu.memory_space<vmem>> -> memref<52x128xi32, #tpu.memory_space<vmem>>
      %dma_wait3A_161 = arith.constant 0 : i32
      %dma_wait3A_162 = tpu.memref_slice %arg3[%run_scoped3A_69, %add3A_67, %dma_wait3A_161] : memref<2x2500x128xi32, #tpu.memory_space<hbm>> -> memref<1x52x128xi32, #tpu.memory_space<hbm>>
      %dma_wait3A_163 = tpu.memref_squeeze %dma_wait3A_162 : memref<1x52x128xi32, #tpu.memory_space<hbm>> -> memref<52x128xi32, #tpu.memory_space<hbm>>
      %dma_wait3A_164 = arith.constant 0 : i32
      %dma_wait3A_165 = arith.constant 0 : i32
      %dma_wait3A_166 = tpu.memref_slice %arg6[%dma_wait3A_164, %dma_wait3A_165] : memref<53x128xi32, #tpu.memory_space<vmem>> -> memref<52x128xi32, #tpu.memory_space<vmem>>
      %dma_wait3A_167 = arith.constant 0 : i32
      %dma_wait3A_168 = tpu.memref_slice %arg3[%run_scoped3A_69, %add3A_67, %dma_wait3A_167] : memref<2x2500x128xi32, #tpu.memory_space<hbm>> -> memref<1x52x128xi32, #tpu.memory_space<hbm>>
      %dma_wait3A_169 = tpu.memref_squeeze %dma_wait3A_168 : memref<1x52x128xi32, #tpu.memory_space<hbm>> -> memref<52x128xi32, #tpu.memory_space<hbm>>
      tpu.wait_dma2 semaphore(%run_scoped3A_145 : memref<!tpu.dma_semaphore, #tpu.memory_space<semaphore_mem>>) src(%dma_wait3A_169 : memref<52x128xi32, #tpu.memory_space<hbm>>) dst(%dma_wait3A_166 : memref<52x128xi32, #tpu.memory_space<vmem>>)
      tpu.yield
    }) : () -> ()
    %dma_start3A_70 = arith.constant 0 : i32
    %dma_start3A_71 = arith.constant 0 : i32
    %dma_start3A_72 = tpu.memref_slice %arg5[%dma_start3A_70, %dma_start3A_71] : memref<53x128xi32, #tpu.memory_space<vmem>> -> memref<1x128xi32, #tpu.memory_space<vmem>>
    %dma_start3A_73 = tpu.memref_squeeze %dma_start3A_72 : memref<1x128xi32, #tpu.memory_space<vmem>> -> memref<128xi32, #tpu.memory_space<vmem>>
    %dma_start3A_74 = arith.constant 0 : i32
    %dma_start3A_75 = arith.constant 0 : i32
    %dma_start3A_76 = tpu.memref_slice %arg11[%dma_start3A_74, %dma_start3A_75] : memref<10000x32xf32, #tpu.memory_space<vmem_shared>> -> memref<10000x32xf32, #tpu.memory_space<vmem_shared>>
    tpu.enqueue_indirect_dma source(%dma_start3A_76 : memref<10000x32xf32, #tpu.memory_space<vmem_shared>>) target(%arg7 : memref<128x32xf32, #tpu.memory_space<vmem>>) offsets(%dma_start3A_73 : memref<128xi32, #tpu.memory_space<vmem>>) semaphore(%arg13 : memref<!tpu.dma_semaphore, #tpu.memory_space<semaphore_mem>>)
    %dma_start3A_77 = arith.constant 1 : i32
    %dma_start3A_78 = arith.constant 0 : i32
    %dma_start3A_79 = tpu.memref_slice %arg5[%dma_start3A_77, %dma_start3A_78] : memref<53x128xi32, #tpu.memory_space<vmem>> -> memref<1x128xi32, #tpu.memory_space<vmem>>
    %dma_start3A_80 = tpu.memref_squeeze %dma_start3A_79 : memref<1x128xi32, #tpu.memory_space<vmem>> -> memref<128xi32, #tpu.memory_space<vmem>>
    %dma_start3A_81 = arith.constant 0 : i32
    %dma_start3A_82 = arith.constant 0 : i32
    %dma_start3A_83 = tpu.memref_slice %arg11[%dma_start3A_81, %dma_start3A_82] : memref<10000x32xf32, #tpu.memory_space<vmem_shared>> -> memref<10000x32xf32, #tpu.memory_space<vmem_shared>>
    tpu.enqueue_indirect_dma source(%dma_start3A_83 : memref<10000x32xf32, #tpu.memory_space<vmem_shared>>) target(%arg8 : memref<128x32xf32, #tpu.memory_space<vmem>>) offsets(%dma_start3A_80 : memref<128xi32, #tpu.memory_space<vmem>>) semaphore(%arg14 : memref<!tpu.dma_semaphore, #tpu.memory_space<semaphore_mem>>)
    %scan3A_84 = arith.constant 0 : i32
    %scan3A_85 = arith.constant 13 : i32
    %scan3A_86 = arith.addi %scan3A_84, %scan3A_85 : i32
    %scan3A_87 = arith.constant 1 : i32
    scf.for %scan3A_145 = %scan3A_84 to %scan3A_86 step %scan3A_87  : i32 {
      %mul3A_146 = arith.constant 1 : i32
      %mul3A_147 = arith.muli %scan3A_145, %mul3A_146 : i32
      %add3A_148 = arith.constant 0 : i32
      %add3A_149 = arith.addi %add3A_148, %mul3A_147 : i32
      %mul3A_150 = arith.constant 4 : i32
      %mul3A_151 = arith.muli %mul3A_150, %add3A_149 : i32
      %add3A_152 = arith.constant 0 : i32
      %add3A_153 = arith.addi %mul3A_151, %add3A_152 : i32
      %dma_wait3A_154 = arith.constant 0 : i32
      %dma_wait3A_155 = tpu.memref_slice %arg5[%add3A_153, %dma_wait3A_154] : memref<53x128xi32, #tpu.memory_space<vmem>> -> memref<1x128xi32, #tpu.memory_space<vmem>>
      %dma_wait3A_156 = tpu.memref_squeeze %dma_wait3A_155 : memref<1x128xi32, #tpu.memory_space<vmem>> -> memref<128xi32, #tpu.memory_space<vmem>>
      %dma_wait3A_157 = arith.constant 0 : i32
      %dma_wait3A_158 = arith.constant 0 : i32
      %dma_wait3A_159 = tpu.memref_slice %arg11[%dma_wait3A_157, %dma_wait3A_158] : memref<10000x32xf32, #tpu.memory_space<vmem_shared>> -> memref<10000x32xf32, #tpu.memory_space<vmem_shared>>
      tpu.wait_indirect_dma semaphore(%arg13 : memref<!tpu.dma_semaphore, #tpu.memory_space<semaphore_mem>>) src(%dma_wait3A_159 : memref<10000x32xf32, #tpu.memory_space<vmem_shared>>) dst(%arg7 : memref<128x32xf32, #tpu.memory_space<vmem>>)
      %add3A_160 = arith.constant 0 : i32
      %add3A_161 = arith.addi %mul3A_151, %add3A_160 : i32
      %dma_start3A_162 = arith.constant 0 : i32
      %dma_start3A_163 = tpu.memref_slice %arg6[%add3A_161, %dma_start3A_162] : memref<53x128xi32, #tpu.memory_space<vmem>> -> memref<1x128xi32, #tpu.memory_space<vmem>>
      %dma_start3A_164 = tpu.memref_squeeze %dma_start3A_163 : memref<1x128xi32, #tpu.memory_space<vmem>> -> memref<128xi32, #tpu.memory_space<vmem>>
      %dma_start3A_165 = arith.constant 0 : i32
      %dma_start3A_166 = arith.constant 0 : i32
      %dma_start3A_167 = tpu.memref_slice %arg12[%dma_start3A_165, %dma_start3A_166] : memref<10000x32xf32, #tpu.memory_space<vmem_shared>> -> memref<10000x32xf32, #tpu.memory_space<vmem_shared>>
      tpu.enqueue_indirect_dma source(%arg7 : memref<128x32xf32, #tpu.memory_space<vmem>>) target(%dma_start3A_167 : memref<10000x32xf32, #tpu.memory_space<vmem_shared>>) offsets(%dma_start3A_164 : memref<128xi32, #tpu.memory_space<vmem>>) semaphore(%arg17 : memref<!tpu.dma_semaphore, #tpu.memory_space<semaphore_mem>>) {add = true}
      %gt3A = arith.constant 0 : i32
      %gt3A_168 = arith.cmpi sgt, %add3A_149, %gt3A : i32
      %convert_element_type3A_169 = arith.extui %gt3A_168 : i1 to i32
      %cond3A_170 = arith.constant 0 : i32
      %cond3A_171 = arith.cmpi ne, %convert_element_type3A_169, %cond3A_170 : i32
      scf.if %cond3A_171 {
        %add3A_275 = arith.constant 0 : i32
        %add3A_276 = arith.addi %mul3A_151, %add3A_275 : i32
        %sub3A_277 = arith.constant 2 : i32
        %sub3A_278 = arith.subi %add3A_276, %sub3A_277 : i32
        %dma_wait3A_279 = arith.constant 0 : i32
        %dma_wait3A_280 = tpu.memref_slice %arg6[%sub3A_278, %dma_wait3A_279] : memref<53x128xi32, #tpu.memory_space<vmem>> -> memref<1x128xi32, #tpu.memory_space<vmem>>
        %dma_wait3A_281 = tpu.memref_squeeze %dma_wait3A_280 : memref<1x128xi32, #tpu.memory_space<vmem>> -> memref<128xi32, #tpu.memory_space<vmem>>
        %dma_wait3A_282 = arith.constant 0 : i32
        %dma_wait3A_283 = arith.constant 0 : i32
        %dma_wait3A_284 = tpu.memref_slice %arg12[%dma_wait3A_282, %dma_wait3A_283] : memref<10000x32xf32, #tpu.memory_space<vmem_shared>> -> memref<10000x32xf32, #tpu.memory_space<vmem_shared>>
        tpu.wait_indirect_dma semaphore(%arg19 : memref<!tpu.dma_semaphore, #tpu.memory_space<semaphore_mem>>) src(%arg9 : memref<128x32xf32, #tpu.memory_space<vmem>>) dst(%dma_wait3A_284 : memref<10000x32xf32, #tpu.memory_space<vmem_shared>>)
      } else {
      }
      %add3A_172 = arith.constant 0 : i32
      %add3A_173 = arith.addi %mul3A_151, %add3A_172 : i32
      %add3A_174 = arith.constant 2 : i32
      %add3A_175 = arith.addi %add3A_173, %add3A_174 : i32
      %dma_start3A_176 = arith.constant 0 : i32
      %dma_start3A_177 = tpu.memref_slice %arg5[%add3A_175, %dma_start3A_176] : memref<53x128xi32, #tpu.memory_space<vmem>> -> memref<1x128xi32, #tpu.memory_space<vmem>>
      %dma_start3A_178 = tpu.memref_squeeze %dma_start3A_177 : memref<1x128xi32, #tpu.memory_space<vmem>> -> memref<128xi32, #tpu.memory_space<vmem>>
      %dma_start3A_179 = arith.constant 0 : i32
      %dma_start3A_180 = arith.constant 0 : i32
      %dma_start3A_181 = tpu.memref_slice %arg11[%dma_start3A_179, %dma_start3A_180] : memref<10000x32xf32, #tpu.memory_space<vmem_shared>> -> memref<10000x32xf32, #tpu.memory_space<vmem_shared>>
      tpu.enqueue_indirect_dma source(%dma_start3A_181 : memref<10000x32xf32, #tpu.memory_space<vmem_shared>>) target(%arg9 : memref<128x32xf32, #tpu.memory_space<vmem>>) offsets(%dma_start3A_178 : memref<128xi32, #tpu.memory_space<vmem>>) semaphore(%arg15 : memref<!tpu.dma_semaphore, #tpu.memory_space<semaphore_mem>>)
      %add3A_182 = arith.constant 1 : i32
      %add3A_183 = arith.addi %mul3A_151, %add3A_182 : i32
      %dma_wait3A_184 = arith.constant 0 : i32
      %dma_wait3A_185 = tpu.memref_slice %arg5[%add3A_183, %dma_wait3A_184] : memref<53x128xi32, #tpu.memory_space<vmem>> -> memref<1x128xi32, #tpu.memory_space<vmem>>
      %dma_wait3A_186 = tpu.memref_squeeze %dma_wait3A_185 : memref<1x128xi32, #tpu.memory_space<vmem>> -> memref<128xi32, #tpu.memory_space<vmem>>
      %dma_wait3A_187 = arith.constant 0 : i32
      %dma_wait3A_188 = arith.constant 0 : i32
      %dma_wait3A_189 = tpu.memref_slice %arg11[%dma_wait3A_187, %dma_wait3A_188] : memref<10000x32xf32, #tpu.memory_space<vmem_shared>> -> memref<10000x32xf32, #tpu.memory_space<vmem_shared>>
      tpu.wait_indirect_dma semaphore(%arg14 : memref<!tpu.dma_semaphore, #tpu.memory_space<semaphore_mem>>) src(%dma_wait3A_189 : memref<10000x32xf32, #tpu.memory_space<vmem_shared>>) dst(%arg8 : memref<128x32xf32, #tpu.memory_space<vmem>>)
      %add3A_190 = arith.constant 1 : i32
      %add3A_191 = arith.addi %mul3A_151, %add3A_190 : i32
      %dma_start3A_192 = arith.constant 0 : i32
      %dma_start3A_193 = tpu.memref_slice %arg6[%add3A_191, %dma_start3A_192] : memref<53x128xi32, #tpu.memory_space<vmem>> -> memref<1x128xi32, #tpu.memory_space<vmem>>
      %dma_start3A_194 = tpu.memref_squeeze %dma_start3A_193 : memref<1x128xi32, #tpu.memory_space<vmem>> -> memref<128xi32, #tpu.memory_space<vmem>>
      %dma_start3A_195 = arith.constant 0 : i32
      %dma_start3A_196 = arith.constant 0 : i32
      %dma_start3A_197 = tpu.memref_slice %arg12[%dma_start3A_195, %dma_start3A_196] : memref<10000x32xf32, #tpu.memory_space<vmem_shared>> -> memref<10000x32xf32, #tpu.memory_space<vmem_shared>>
      tpu.enqueue_indirect_dma source(%arg8 : memref<128x32xf32, #tpu.memory_space<vmem>>) target(%dma_start3A_197 : memref<10000x32xf32, #tpu.memory_space<vmem_shared>>) offsets(%dma_start3A_194 : memref<128xi32, #tpu.memory_space<vmem>>) semaphore(%arg18 : memref<!tpu.dma_semaphore, #tpu.memory_space<semaphore_mem>>) {add = true}
      %gt3A_198 = arith.constant 0 : i32
      %gt3A_199 = arith.cmpi sgt, %add3A_149, %gt3A_198 : i32
      %convert_element_type3A_200 = arith.extui %gt3A_199 : i1 to i32
      %cond3A_201 = arith.constant 0 : i32
      %cond3A_202 = arith.cmpi ne, %convert_element_type3A_200, %cond3A_201 : i32
      scf.if %cond3A_202 {
        %add3A_275 = arith.constant 1 : i32
        %add3A_276 = arith.addi %mul3A_151, %add3A_275 : i32
        %sub3A_277 = arith.constant 2 : i32
        %sub3A_278 = arith.subi %add3A_276, %sub3A_277 : i32
        %dma_wait3A_279 = arith.constant 0 : i32
        %dma_wait3A_280 = tpu.memref_slice %arg6[%sub3A_278, %dma_wait3A_279] : memref<53x128xi32, #tpu.memory_space<vmem>> -> memref<1x128xi32, #tpu.memory_space<vmem>>
        %dma_wait3A_281 = tpu.memref_squeeze %dma_wait3A_280 : memref<1x128xi32, #tpu.memory_space<vmem>> -> memref<128xi32, #tpu.memory_space<vmem>>
        %dma_wait3A_282 = arith.constant 0 : i32
        %dma_wait3A_283 = arith.constant 0 : i32
        %dma_wait3A_284 = tpu.memref_slice %arg12[%dma_wait3A_282, %dma_wait3A_283] : memref<10000x32xf32, #tpu.memory_space<vmem_shared>> -> memref<10000x32xf32, #tpu.memory_space<vmem_shared>>
        tpu.wait_indirect_dma semaphore(%arg20 : memref<!tpu.dma_semaphore, #tpu.memory_space<semaphore_mem>>) src(%arg10 : memref<128x32xf32, #tpu.memory_space<vmem>>) dst(%dma_wait3A_284 : memref<10000x32xf32, #tpu.memory_space<vmem_shared>>)
      } else {
      }
      %add3A_203 = arith.constant 1 : i32
      %add3A_204 = arith.addi %mul3A_151, %add3A_203 : i32
      %add3A_205 = arith.constant 2 : i32
      %add3A_206 = arith.addi %add3A_204, %add3A_205 : i32
      %dma_start3A_207 = arith.constant 0 : i32
      %dma_start3A_208 = tpu.memref_slice %arg5[%add3A_206, %dma_start3A_207] : memref<53x128xi32, #tpu.memory_space<vmem>> -> memref<1x128xi32, #tpu.memory_space<vmem>>
      %dma_start3A_209 = tpu.memref_squeeze %dma_start3A_208 : memref<1x128xi32, #tpu.memory_space<vmem>> -> memref<128xi32, #tpu.memory_space<vmem>>
      %dma_start3A_210 = arith.constant 0 : i32
      %dma_start3A_211 = arith.constant 0 : i32
      %dma_start3A_212 = tpu.memref_slice %arg11[%dma_start3A_210, %dma_start3A_211] : memref<10000x32xf32, #tpu.memory_space<vmem_shared>> -> memref<10000x32xf32, #tpu.memory_space<vmem_shared>>
      tpu.enqueue_indirect_dma source(%dma_start3A_212 : memref<10000x32xf32, #tpu.memory_space<vmem_shared>>) target(%arg10 : memref<128x32xf32, #tpu.memory_space<vmem>>) offsets(%dma_start3A_209 : memref<128xi32, #tpu.memory_space<vmem>>) semaphore(%arg16 : memref<!tpu.dma_semaphore, #tpu.memory_space<semaphore_mem>>)
      %add3A_213 = arith.constant 2 : i32
      %add3A_214 = arith.addi %mul3A_151, %add3A_213 : i32
      %dma_wait3A_215 = arith.constant 0 : i32
      %dma_wait3A_216 = tpu.memref_slice %arg5[%add3A_214, %dma_wait3A_215] : memref<53x128xi32, #tpu.memory_space<vmem>> -> memref<1x128xi32, #tpu.memory_space<vmem>>
      %dma_wait3A_217 = tpu.memref_squeeze %dma_wait3A_216 : memref<1x128xi32, #tpu.memory_space<vmem>> -> memref<128xi32, #tpu.memory_space<vmem>>
      %dma_wait3A_218 = arith.constant 0 : i32
      %dma_wait3A_219 = arith.constant 0 : i32
      %dma_wait3A_220 = tpu.memref_slice %arg11[%dma_wait3A_218, %dma_wait3A_219] : memref<10000x32xf32, #tpu.memory_space<vmem_shared>> -> memref<10000x32xf32, #tpu.memory_space<vmem_shared>>
      tpu.wait_indirect_dma semaphore(%arg15 : memref<!tpu.dma_semaphore, #tpu.memory_space<semaphore_mem>>) src(%dma_wait3A_220 : memref<10000x32xf32, #tpu.memory_space<vmem_shared>>) dst(%arg9 : memref<128x32xf32, #tpu.memory_space<vmem>>)
      %add3A_221 = arith.constant 2 : i32
      %add3A_222 = arith.addi %mul3A_151, %add3A_221 : i32
      %dma_start3A_223 = arith.constant 0 : i32
      %dma_start3A_224 = tpu.memref_slice %arg6[%add3A_222, %dma_start3A_223] : memref<53x128xi32, #tpu.memory_space<vmem>> -> memref<1x128xi32, #tpu.memory_space<vmem>>
      %dma_start3A_225 = tpu.memref_squeeze %dma_start3A_224 : memref<1x128xi32, #tpu.memory_space<vmem>> -> memref<128xi32, #tpu.memory_space<vmem>>
      %dma_start3A_226 = arith.constant 0 : i32
      %dma_start3A_227 = arith.constant 0 : i32
      %dma_start3A_228 = tpu.memref_slice %arg12[%dma_start3A_226, %dma_start3A_227] : memref<10000x32xf32, #tpu.memory_space<vmem_shared>> -> memref<10000x32xf32, #tpu.memory_space<vmem_shared>>
      tpu.enqueue_indirect_dma source(%arg9 : memref<128x32xf32, #tpu.memory_space<vmem>>) target(%dma_start3A_228 : memref<10000x32xf32, #tpu.memory_space<vmem_shared>>) offsets(%dma_start3A_225 : memref<128xi32, #tpu.memory_space<vmem>>) semaphore(%arg19 : memref<!tpu.dma_semaphore, #tpu.memory_space<semaphore_mem>>) {add = true}
      %add3A_229 = arith.constant 2 : i32
      %add3A_230 = arith.addi %mul3A_151, %add3A_229 : i32
      %sub3A_231 = arith.constant 2 : i32
      %sub3A_232 = arith.subi %add3A_230, %sub3A_231 : i32
      %dma_wait3A_233 = arith.constant 0 : i32
      %dma_wait3A_234 = tpu.memref_slice %arg6[%sub3A_232, %dma_wait3A_233] : memref<53x128xi32, #tpu.memory_space<vmem>> -> memref<1x128xi32, #tpu.memory_space<vmem>>
      %dma_wait3A_235 = tpu.memref_squeeze %dma_wait3A_234 : memref<1x128xi32, #tpu.memory_space<vmem>> -> memref<128xi32, #tpu.memory_space<vmem>>
      %dma_wait3A_236 = arith.constant 0 : i32
      %dma_wait3A_237 = arith.constant 0 : i32
      %dma_wait3A_238 = tpu.memref_slice %arg12[%dma_wait3A_236, %dma_wait3A_237] : memref<10000x32xf32, #tpu.memory_space<vmem_shared>> -> memref<10000x32xf32, #tpu.memory_space<vmem_shared>>
      tpu.wait_indirect_dma semaphore(%arg17 : memref<!tpu.dma_semaphore, #tpu.memory_space<semaphore_mem>>) src(%arg7 : memref<128x32xf32, #tpu.memory_space<vmem>>) dst(%dma_wait3A_238 : memref<10000x32xf32, #tpu.memory_space<vmem_shared>>)
      %lt3A_239 = arith.constant 12 : i32
      %lt3A_240 = arith.cmpi slt, %add3A_149, %lt3A_239 : i32
      %convert_element_type3A_241 = arith.extui %lt3A_240 : i1 to i32
      %cond3A_242 = arith.constant 0 : i32
      %cond3A_243 = arith.cmpi ne, %convert_element_type3A_241, %cond3A_242 : i32
      scf.if %cond3A_243 {
        %add3A_275 = arith.constant 2 : i32
        %add3A_276 = arith.addi %mul3A_151, %add3A_275 : i32
        %add3A_277 = arith.constant 2 : i32
        %add3A_278 = arith.addi %add3A_276, %add3A_277 : i32
        %dma_start3A_279 = arith.constant 0 : i32
        %dma_start3A_280 = tpu.memref_slice %arg5[%add3A_278, %dma_start3A_279] : memref<53x128xi32, #tpu.memory_space<vmem>> -> memref<1x128xi32, #tpu.memory_space<vmem>>
        %dma_start3A_281 = tpu.memref_squeeze %dma_start3A_280 : memref<1x128xi32, #tpu.memory_space<vmem>> -> memref<128xi32, #tpu.memory_space<vmem>>
        %dma_start3A_282 = arith.constant 0 : i32
        %dma_start3A_283 = arith.constant 0 : i32
        %dma_start3A_284 = tpu.memref_slice %arg11[%dma_start3A_282, %dma_start3A_283] : memref<10000x32xf32, #tpu.memory_space<vmem_shared>> -> memref<10000x32xf32, #tpu.memory_space<vmem_shared>>
        tpu.enqueue_indirect_dma source(%dma_start3A_284 : memref<10000x32xf32, #tpu.memory_space<vmem_shared>>) target(%arg7 : memref<128x32xf32, #tpu.memory_space<vmem>>) offsets(%dma_start3A_281 : memref<128xi32, #tpu.memory_space<vmem>>) semaphore(%arg13 : memref<!tpu.dma_semaphore, #tpu.memory_space<semaphore_mem>>)
      } else {
      }
      %add3A_244 = arith.constant 3 : i32
      %add3A_245 = arith.addi %mul3A_151, %add3A_244 : i32
      %dma_wait3A_246 = arith.constant 0 : i32
      %dma_wait3A_247 = tpu.memref_slice %arg5[%add3A_245, %dma_wait3A_246] : memref<53x128xi32, #tpu.memory_space<vmem>> -> memref<1x128xi32, #tpu.memory_space<vmem>>
      %dma_wait3A_248 = tpu.memref_squeeze %dma_wait3A_247 : memref<1x128xi32, #tpu.memory_space<vmem>> -> memref<128xi32, #tpu.memory_space<vmem>>
      %dma_wait3A_249 = arith.constant 0 : i32
      %dma_wait3A_250 = arith.constant 0 : i32
      %dma_wait3A_251 = tpu.memref_slice %arg11[%dma_wait3A_249, %dma_wait3A_250] : memref<10000x32xf32, #tpu.memory_space<vmem_shared>> -> memref<10000x32xf32, #tpu.memory_space<vmem_shared>>
      tpu.wait_indirect_dma semaphore(%arg16 : memref<!tpu.dma_semaphore, #tpu.memory_space<semaphore_mem>>) src(%dma_wait3A_251 : memref<10000x32xf32, #tpu.memory_space<vmem_shared>>) dst(%arg10 : memref<128x32xf32, #tpu.memory_space<vmem>>)
      %add3A_252 = arith.constant 3 : i32
      %add3A_253 = arith.addi %mul3A_151, %add3A_252 : i32
      %dma_start3A_254 = arith.constant 0 : i32
      %dma_start3A_255 = tpu.memref_slice %arg6[%add3A_253, %dma_start3A_254] : memref<53x128xi32, #tpu.memory_space<vmem>> -> memref<1x128xi32, #tpu.memory_space<vmem>>
      %dma_start3A_256 = tpu.memref_squeeze %dma_start3A_255 : memref<1x128xi32, #tpu.memory_space<vmem>> -> memref<128xi32, #tpu.memory_space<vmem>>
      %dma_start3A_257 = arith.constant 0 : i32
      %dma_start3A_258 = arith.constant 0 : i32
      %dma_start3A_259 = tpu.memref_slice %arg12[%dma_start3A_257, %dma_start3A_258] : memref<10000x32xf32, #tpu.memory_space<vmem_shared>> -> memref<10000x32xf32, #tpu.memory_space<vmem_shared>>
      tpu.enqueue_indirect_dma source(%arg10 : memref<128x32xf32, #tpu.memory_space<vmem>>) target(%dma_start3A_259 : memref<10000x32xf32, #tpu.memory_space<vmem_shared>>) offsets(%dma_start3A_256 : memref<128xi32, #tpu.memory_space<vmem>>) semaphore(%arg20 : memref<!tpu.dma_semaphore, #tpu.memory_space<semaphore_mem>>) {add = true}
      %add3A_260 = arith.constant 3 : i32
      %add3A_261 = arith.addi %mul3A_151, %add3A_260 : i32
      %sub3A_262 = arith.constant 2 : i32
      %sub3A_263 = arith.subi %add3A_261, %sub3A_262 : i32
      %dma_wait3A_264 = arith.constant 0 : i32
      %dma_wait3A_265 = tpu.memref_slice %arg6[%sub3A_263, %dma_wait3A_264] : memref<53x128xi32, #tpu.memory_space<vmem>> -> memref<1x128xi32, #tpu.memory_space<vmem>>
      %dma_wait3A_266 = tpu.memref_squeeze %dma_wait3A_265 : memref<1x128xi32, #tpu.memory_space<vmem>> -> memref<128xi32, #tpu.memory_space<vmem>>
      %dma_wait3A_267 = arith.constant 0 : i32
      %dma_wait3A_268 = arith.constant 0 : i32
      %dma_wait3A_269 = tpu.memref_slice %arg12[%dma_wait3A_267, %dma_wait3A_268] : memref<10000x32xf32, #tpu.memory_space<vmem_shared>> -> memref<10000x32xf32, #tpu.memory_space<vmem_shared>>
      tpu.wait_indirect_dma semaphore(%arg18 : memref<!tpu.dma_semaphore, #tpu.memory_space<semaphore_mem>>) src(%arg8 : memref<128x32xf32, #tpu.memory_space<vmem>>) dst(%dma_wait3A_269 : memref<10000x32xf32, #tpu.memory_space<vmem_shared>>)
      %lt3A_270 = arith.constant 12 : i32
      %lt3A_271 = arith.cmpi slt, %add3A_149, %lt3A_270 : i32
      %convert_element_type3A_272 = arith.extui %lt3A_271 : i1 to i32
      %cond3A_273 = arith.constant 0 : i32
      %cond3A_274 = arith.cmpi ne, %convert_element_type3A_272, %cond3A_273 : i32
      scf.if %cond3A_274 {
        %add3A_275 = arith.constant 3 : i32
        %add3A_276 = arith.addi %mul3A_151, %add3A_275 : i32
        %add3A_277 = arith.constant 2 : i32
        %add3A_278 = arith.addi %add3A_276, %add3A_277 : i32
        %dma_start3A_279 = arith.constant 0 : i32
        %dma_start3A_280 = tpu.memref_slice %arg5[%add3A_278, %dma_start3A_279] : memref<53x128xi32, #tpu.memory_space<vmem>> -> memref<1x128xi32, #tpu.memory_space<vmem>>
        %dma_start3A_281 = tpu.memref_squeeze %dma_start3A_280 : memref<1x128xi32, #tpu.memory_space<vmem>> -> memref<128xi32, #tpu.memory_space<vmem>>
        %dma_start3A_282 = arith.constant 0 : i32
        %dma_start3A_283 = arith.constant 0 : i32
        %dma_start3A_284 = tpu.memref_slice %arg11[%dma_start3A_282, %dma_start3A_283] : memref<10000x32xf32, #tpu.memory_space<vmem_shared>> -> memref<10000x32xf32, #tpu.memory_space<vmem_shared>>
        tpu.enqueue_indirect_dma source(%dma_start3A_284 : memref<10000x32xf32, #tpu.memory_space<vmem_shared>>) target(%arg8 : memref<128x32xf32, #tpu.memory_space<vmem>>) offsets(%dma_start3A_281 : memref<128xi32, #tpu.memory_space<vmem>>) semaphore(%arg14 : memref<!tpu.dma_semaphore, #tpu.memory_space<semaphore_mem>>)
      } else {
      }
    }
    %scan3A_88 = arith.constant 13 : i32
    %dma_wait3A_89 = arith.constant 50 : i32
    %dma_wait3A_90 = arith.constant 0 : i32
    %dma_wait3A_91 = tpu.memref_slice %arg6[%dma_wait3A_89, %dma_wait3A_90] : memref<53x128xi32, #tpu.memory_space<vmem>> -> memref<1x128xi32, #tpu.memory_space<vmem>>
    %dma_wait3A_92 = tpu.memref_squeeze %dma_wait3A_91 : memref<1x128xi32, #tpu.memory_space<vmem>> -> memref<128xi32, #tpu.memory_space<vmem>>
    %dma_wait3A_93 = arith.constant 0 : i32
    %dma_wait3A_94 = arith.constant 0 : i32
    %dma_wait3A_95 = tpu.memref_slice %arg12[%dma_wait3A_93, %dma_wait3A_94] : memref<10000x32xf32, #tpu.memory_space<vmem_shared>> -> memref<10000x32xf32, #tpu.memory_space<vmem_shared>>
    tpu.wait_indirect_dma semaphore(%arg19 : memref<!tpu.dma_semaphore, #tpu.memory_space<semaphore_mem>>) src(%arg9 : memref<128x32xf32, #tpu.memory_space<vmem>>) dst(%dma_wait3A_95 : memref<10000x32xf32, #tpu.memory_space<vmem_shared>>)
    %dma_wait3A_96 = arith.constant 51 : i32
    %dma_wait3A_97 = arith.constant 0 : i32
    %dma_wait3A_98 = tpu.memref_slice %arg6[%dma_wait3A_96, %dma_wait3A_97] : memref<53x128xi32, #tpu.memory_space<vmem>> -> memref<1x128xi32, #tpu.memory_space<vmem>>
    %dma_wait3A_99 = tpu.memref_squeeze %dma_wait3A_98 : memref<1x128xi32, #tpu.memory_space<vmem>> -> memref<128xi32, #tpu.memory_space<vmem>>
    %dma_wait3A_100 = arith.constant 0 : i32
    %dma_wait3A_101 = arith.constant 0 : i32
    %dma_wait3A_102 = tpu.memref_slice %arg12[%dma_wait3A_100, %dma_wait3A_101] : memref<10000x32xf32, #tpu.memory_space<vmem_shared>> -> memref<10000x32xf32, #tpu.memory_space<vmem_shared>>
    tpu.wait_indirect_dma semaphore(%arg20 : memref<!tpu.dma_semaphore, #tpu.memory_space<semaphore_mem>>) src(%arg10 : memref<128x32xf32, #tpu.memory_space<vmem>>) dst(%dma_wait3A_102 : memref<10000x32xf32, #tpu.memory_space<vmem_shared>>)
    %add3A_103 = arith.constant 104 : i32
    %add3A_104 = arith.addi %add3A, %add3A_103 : i32
    %run_scoped3A_105 = arith.constant 0 : i32
    "tpu.region"() ({
      %run_scoped3A_145 = tpu.sem_alloc : memref<!tpu.dma_semaphore, #tpu.memory_space<semaphore_mem>>
      %dma_start3A_146 = arith.constant 0 : i32
      %dma_start3A_147 = arith.constant 0 : i32
      %dma_start3A_148 = tpu.memref_slice %arg5[%dma_start3A_146, %dma_start3A_147] : memref<53x128xi32, #tpu.memory_space<vmem>> -> memref<52x128xi32, #tpu.memory_space<vmem>>
      %dma_start3A_149 = arith.constant 0 : i32
      %dma_start3A_150 = tpu.memref_slice %arg3[%run_scoped3A_105, %add3A_104, %dma_start3A_149] : memref<2x2500x128xi32, #tpu.memory_space<hbm>> -> memref<1x52x128xi32, #tpu.memory_space<hbm>>
      %dma_start3A_151 = tpu.memref_squeeze %dma_start3A_150 : memref<1x52x128xi32, #tpu.memory_space<hbm>> -> memref<52x128xi32, #tpu.memory_space<hbm>>
      %dma_start3A_152 = arith.constant 0 : i32
      %dma_start3A_153 = arith.constant 0 : i32
      %dma_start3A_154 = tpu.memref_slice %arg5[%dma_start3A_152, %dma_start3A_153] : memref<53x128xi32, #tpu.memory_space<vmem>> -> memref<52x128xi32, #tpu.memory_space<vmem>>
      %dma_start3A_155 = arith.constant 0 : i32
      %dma_start3A_156 = tpu.memref_slice %arg3[%run_scoped3A_105, %add3A_104, %dma_start3A_155] : memref<2x2500x128xi32, #tpu.memory_space<hbm>> -> memref<1x52x128xi32, #tpu.memory_space<hbm>>
      %dma_start3A_157 = tpu.memref_squeeze %dma_start3A_156 : memref<1x52x128xi32, #tpu.memory_space<hbm>> -> memref<52x128xi32, #tpu.memory_space<hbm>>
      tpu.enqueue_dma source(%dma_start3A_157 : memref<52x128xi32, #tpu.memory_space<hbm>>) target(%dma_start3A_154 : memref<52x128xi32, #tpu.memory_space<vmem>>) target_semaphore(%run_scoped3A_145 : memref<!tpu.dma_semaphore, #tpu.memory_space<semaphore_mem>>)
      %dma_wait3A_158 = arith.constant 0 : i32
      %dma_wait3A_159 = arith.constant 0 : i32
      %dma_wait3A_160 = tpu.memref_slice %arg5[%dma_wait3A_158, %dma_wait3A_159] : memref<53x128xi32, #tpu.memory_space<vmem>> -> memref<52x128xi32, #tpu.memory_space<vmem>>
      %dma_wait3A_161 = arith.constant 0 : i32
      %dma_wait3A_162 = tpu.memref_slice %arg3[%run_scoped3A_105, %add3A_104, %dma_wait3A_161] : memref<2x2500x128xi32, #tpu.memory_space<hbm>> -> memref<1x52x128xi32, #tpu.memory_space<hbm>>
      %dma_wait3A_163 = tpu.memref_squeeze %dma_wait3A_162 : memref<1x52x128xi32, #tpu.memory_space<hbm>> -> memref<52x128xi32, #tpu.memory_space<hbm>>
      %dma_wait3A_164 = arith.constant 0 : i32
      %dma_wait3A_165 = arith.constant 0 : i32
      %dma_wait3A_166 = tpu.memref_slice %arg5[%dma_wait3A_164, %dma_wait3A_165] : memref<53x128xi32, #tpu.memory_space<vmem>> -> memref<52x128xi32, #tpu.memory_space<vmem>>
      %dma_wait3A_167 = arith.constant 0 : i32
      %dma_wait3A_168 = tpu.memref_slice %arg3[%run_scoped3A_105, %add3A_104, %dma_wait3A_167] : memref<2x2500x128xi32, #tpu.memory_space<hbm>> -> memref<1x52x128xi32, #tpu.memory_space<hbm>>
      %dma_wait3A_169 = tpu.memref_squeeze %dma_wait3A_168 : memref<1x52x128xi32, #tpu.memory_space<hbm>> -> memref<52x128xi32, #tpu.memory_space<hbm>>
      tpu.wait_dma2 semaphore(%run_scoped3A_145 : memref<!tpu.dma_semaphore, #tpu.memory_space<semaphore_mem>>) src(%dma_wait3A_169 : memref<52x128xi32, #tpu.memory_space<hbm>>) dst(%dma_wait3A_166 : memref<52x128xi32, #tpu.memory_space<vmem>>)
      tpu.yield
    }) : () -> ()
    %run_scoped3A_106 = arith.constant 1 : i32
    "tpu.region"() ({
      %run_scoped3A_145 = tpu.sem_alloc : memref<!tpu.dma_semaphore, #tpu.memory_space<semaphore_mem>>
      %dma_start3A_146 = arith.constant 0 : i32
      %dma_start3A_147 = arith.constant 0 : i32
      %dma_start3A_148 = tpu.memref_slice %arg6[%dma_start3A_146, %dma_start3A_147] : memref<53x128xi32, #tpu.memory_space<vmem>> -> memref<52x128xi32, #tpu.memory_space<vmem>>
      %dma_start3A_149 = arith.constant 0 : i32
      %dma_start3A_150 = tpu.memref_slice %arg3[%run_scoped3A_106, %add3A_104, %dma_start3A_149] : memref<2x2500x128xi32, #tpu.memory_space<hbm>> -> memref<1x52x128xi32, #tpu.memory_space<hbm>>
      %dma_start3A_151 = tpu.memref_squeeze %dma_start3A_150 : memref<1x52x128xi32, #tpu.memory_space<hbm>> -> memref<52x128xi32, #tpu.memory_space<hbm>>
      %dma_start3A_152 = arith.constant 0 : i32
      %dma_start3A_153 = arith.constant 0 : i32
      %dma_start3A_154 = tpu.memref_slice %arg6[%dma_start3A_152, %dma_start3A_153] : memref<53x128xi32, #tpu.memory_space<vmem>> -> memref<52x128xi32, #tpu.memory_space<vmem>>
      %dma_start3A_155 = arith.constant 0 : i32
      %dma_start3A_156 = tpu.memref_slice %arg3[%run_scoped3A_106, %add3A_104, %dma_start3A_155] : memref<2x2500x128xi32, #tpu.memory_space<hbm>> -> memref<1x52x128xi32, #tpu.memory_space<hbm>>
      %dma_start3A_157 = tpu.memref_squeeze %dma_start3A_156 : memref<1x52x128xi32, #tpu.memory_space<hbm>> -> memref<52x128xi32, #tpu.memory_space<hbm>>
      tpu.enqueue_dma source(%dma_start3A_157 : memref<52x128xi32, #tpu.memory_space<hbm>>) target(%dma_start3A_154 : memref<52x128xi32, #tpu.memory_space<vmem>>) target_semaphore(%run_scoped3A_145 : memref<!tpu.dma_semaphore, #tpu.memory_space<semaphore_mem>>)
      %dma_wait3A_158 = arith.constant 0 : i32
      %dma_wait3A_159 = arith.constant 0 : i32
      %dma_wait3A_160 = tpu.memref_slice %arg6[%dma_wait3A_158, %dma_wait3A_159] : memref<53x128xi32, #tpu.memory_space<vmem>> -> memref<52x128xi32, #tpu.memory_space<vmem>>
      %dma_wait3A_161 = arith.constant 0 : i32
      %dma_wait3A_162 = tpu.memref_slice %arg3[%run_scoped3A_106, %add3A_104, %dma_wait3A_161] : memref<2x2500x128xi32, #tpu.memory_space<hbm>> -> memref<1x52x128xi32, #tpu.memory_space<hbm>>
      %dma_wait3A_163 = tpu.memref_squeeze %dma_wait3A_162 : memref<1x52x128xi32, #tpu.memory_space<hbm>> -> memref<52x128xi32, #tpu.memory_space<hbm>>
      %dma_wait3A_164 = arith.constant 0 : i32
      %dma_wait3A_165 = arith.constant 0 : i32
      %dma_wait3A_166 = tpu.memref_slice %arg6[%dma_wait3A_164, %dma_wait3A_165] : memref<53x128xi32, #tpu.memory_space<vmem>> -> memref<52x128xi32, #tpu.memory_space<vmem>>
      %dma_wait3A_167 = arith.constant 0 : i32
      %dma_wait3A_168 = tpu.memref_slice %arg3[%run_scoped3A_106, %add3A_104, %dma_wait3A_167] : memref<2x2500x128xi32, #tpu.memory_space<hbm>> -> memref<1x52x128xi32, #tpu.memory_space<hbm>>
      %dma_wait3A_169 = tpu.memref_squeeze %dma_wait3A_168 : memref<1x52x128xi32, #tpu.memory_space<hbm>> -> memref<52x128xi32, #tpu.memory_space<hbm>>
      tpu.wait_dma2 semaphore(%run_scoped3A_145 : memref<!tpu.dma_semaphore, #tpu.memory_space<semaphore_mem>>) src(%dma_wait3A_169 : memref<52x128xi32, #tpu.memory_space<hbm>>) dst(%dma_wait3A_166 : memref<52x128xi32, #tpu.memory_space<vmem>>)
      tpu.yield
    }) : () -> ()
    %dma_start3A_107 = arith.constant 0 : i32
    %dma_start3A_108 = arith.constant 0 : i32
    %dma_start3A_109 = tpu.memref_slice %arg5[%dma_start3A_107, %dma_start3A_108] : memref<53x128xi32, #tpu.memory_space<vmem>> -> memref<1x128xi32, #tpu.memory_space<vmem>>
    %dma_start3A_110 = tpu.memref_squeeze %dma_start3A_109 : memref<1x128xi32, #tpu.memory_space<vmem>> -> memref<128xi32, #tpu.memory_space<vmem>>
    %dma_start3A_111 = arith.constant 0 : i32
    %dma_start3A_112 = arith.constant 0 : i32
    %dma_start3A_113 = tpu.memref_slice %arg11[%dma_start3A_111, %dma_start3A_112] : memref<10000x32xf32, #tpu.memory_space<vmem_shared>> -> memref<10000x32xf32, #tpu.memory_space<vmem_shared>>
    tpu.enqueue_indirect_dma source(%dma_start3A_113 : memref<10000x32xf32, #tpu.memory_space<vmem_shared>>) target(%arg7 : memref<128x32xf32, #tpu.memory_space<vmem>>) offsets(%dma_start3A_110 : memref<128xi32, #tpu.memory_space<vmem>>) semaphore(%arg13 : memref<!tpu.dma_semaphore, #tpu.memory_space<semaphore_mem>>)
    %dma_start3A_114 = arith.constant 1 : i32
    %dma_start3A_115 = arith.constant 0 : i32
    %dma_start3A_116 = tpu.memref_slice %arg5[%dma_start3A_114, %dma_start3A_115] : memref<53x128xi32, #tpu.memory_space<vmem>> -> memref<1x128xi32, #tpu.memory_space<vmem>>
    %dma_start3A_117 = tpu.memref_squeeze %dma_start3A_116 : memref<1x128xi32, #tpu.memory_space<vmem>> -> memref<128xi32, #tpu.memory_space<vmem>>
    %dma_start3A_118 = arith.constant 0 : i32
    %dma_start3A_119 = arith.constant 0 : i32
    %dma_start3A_120 = tpu.memref_slice %arg11[%dma_start3A_118, %dma_start3A_119] : memref<10000x32xf32, #tpu.memory_space<vmem_shared>> -> memref<10000x32xf32, #tpu.memory_space<vmem_shared>>
    tpu.enqueue_indirect_dma source(%dma_start3A_120 : memref<10000x32xf32, #tpu.memory_space<vmem_shared>>) target(%arg8 : memref<128x32xf32, #tpu.memory_space<vmem>>) offsets(%dma_start3A_117 : memref<128xi32, #tpu.memory_space<vmem>>) semaphore(%arg14 : memref<!tpu.dma_semaphore, #tpu.memory_space<semaphore_mem>>)
    %scan3A_121 = arith.constant 0 : i32
    %scan3A_122 = arith.constant 13 : i32
    %scan3A_123 = arith.addi %scan3A_121, %scan3A_122 : i32
    %scan3A_124 = arith.constant 1 : i32
    scf.for %scan3A_145 = %scan3A_121 to %scan3A_123 step %scan3A_124  : i32 {
      %mul3A_146 = arith.constant 1 : i32
      %mul3A_147 = arith.muli %scan3A_145, %mul3A_146 : i32
      %add3A_148 = arith.constant 0 : i32
      %add3A_149 = arith.addi %add3A_148, %mul3A_147 : i32
      %mul3A_150 = arith.constant 4 : i32
      %mul3A_151 = arith.muli %mul3A_150, %add3A_149 : i32
      %add3A_152 = arith.constant 0 : i32
      %add3A_153 = arith.addi %mul3A_151, %add3A_152 : i32
      %dma_wait3A_154 = arith.constant 0 : i32
      %dma_wait3A_155 = tpu.memref_slice %arg5[%add3A_153, %dma_wait3A_154] : memref<53x128xi32, #tpu.memory_space<vmem>> -> memref<1x128xi32, #tpu.memory_space<vmem>>
      %dma_wait3A_156 = tpu.memref_squeeze %dma_wait3A_155 : memref<1x128xi32, #tpu.memory_space<vmem>> -> memref<128xi32, #tpu.memory_space<vmem>>
      %dma_wait3A_157 = arith.constant 0 : i32
      %dma_wait3A_158 = arith.constant 0 : i32
      %dma_wait3A_159 = tpu.memref_slice %arg11[%dma_wait3A_157, %dma_wait3A_158] : memref<10000x32xf32, #tpu.memory_space<vmem_shared>> -> memref<10000x32xf32, #tpu.memory_space<vmem_shared>>
      tpu.wait_indirect_dma semaphore(%arg13 : memref<!tpu.dma_semaphore, #tpu.memory_space<semaphore_mem>>) src(%dma_wait3A_159 : memref<10000x32xf32, #tpu.memory_space<vmem_shared>>) dst(%arg7 : memref<128x32xf32, #tpu.memory_space<vmem>>)
      %add3A_160 = arith.constant 0 : i32
      %add3A_161 = arith.addi %mul3A_151, %add3A_160 : i32
      %dma_start3A_162 = arith.constant 0 : i32
      %dma_start3A_163 = tpu.memref_slice %arg6[%add3A_161, %dma_start3A_162] : memref<53x128xi32, #tpu.memory_space<vmem>> -> memref<1x128xi32, #tpu.memory_space<vmem>>
      %dma_start3A_164 = tpu.memref_squeeze %dma_start3A_163 : memref<1x128xi32, #tpu.memory_space<vmem>> -> memref<128xi32, #tpu.memory_space<vmem>>
      %dma_start3A_165 = arith.constant 0 : i32
      %dma_start3A_166 = arith.constant 0 : i32
      %dma_start3A_167 = tpu.memref_slice %arg12[%dma_start3A_165, %dma_start3A_166] : memref<10000x32xf32, #tpu.memory_space<vmem_shared>> -> memref<10000x32xf32, #tpu.memory_space<vmem_shared>>
      tpu.enqueue_indirect_dma source(%arg7 : memref<128x32xf32, #tpu.memory_space<vmem>>) target(%dma_start3A_167 : memref<10000x32xf32, #tpu.memory_space<vmem_shared>>) offsets(%dma_start3A_164 : memref<128xi32, #tpu.memory_space<vmem>>) semaphore(%arg17 : memref<!tpu.dma_semaphore, #tpu.memory_space<semaphore_mem>>) {add = true}
      %gt3A = arith.constant 0 : i32
      %gt3A_168 = arith.cmpi sgt, %add3A_149, %gt3A : i32
      %convert_element_type3A_169 = arith.extui %gt3A_168 : i1 to i32
      %cond3A_170 = arith.constant 0 : i32
      %cond3A_171 = arith.cmpi ne, %convert_element_type3A_169, %cond3A_170 : i32
      scf.if %cond3A_171 {
        %add3A_275 = arith.constant 0 : i32
        %add3A_276 = arith.addi %mul3A_151, %add3A_275 : i32
        %sub3A_277 = arith.constant 2 : i32
        %sub3A_278 = arith.subi %add3A_276, %sub3A_277 : i32
        %dma_wait3A_279 = arith.constant 0 : i32
        %dma_wait3A_280 = tpu.memref_slice %arg6[%sub3A_278, %dma_wait3A_279] : memref<53x128xi32, #tpu.memory_space<vmem>> -> memref<1x128xi32, #tpu.memory_space<vmem>>
        %dma_wait3A_281 = tpu.memref_squeeze %dma_wait3A_280 : memref<1x128xi32, #tpu.memory_space<vmem>> -> memref<128xi32, #tpu.memory_space<vmem>>
        %dma_wait3A_282 = arith.constant 0 : i32
        %dma_wait3A_283 = arith.constant 0 : i32
        %dma_wait3A_284 = tpu.memref_slice %arg12[%dma_wait3A_282, %dma_wait3A_283] : memref<10000x32xf32, #tpu.memory_space<vmem_shared>> -> memref<10000x32xf32, #tpu.memory_space<vmem_shared>>
        tpu.wait_indirect_dma semaphore(%arg19 : memref<!tpu.dma_semaphore, #tpu.memory_space<semaphore_mem>>) src(%arg9 : memref<128x32xf32, #tpu.memory_space<vmem>>) dst(%dma_wait3A_284 : memref<10000x32xf32, #tpu.memory_space<vmem_shared>>)
      } else {
      }
      %add3A_172 = arith.constant 0 : i32
      %add3A_173 = arith.addi %mul3A_151, %add3A_172 : i32
      %add3A_174 = arith.constant 2 : i32
      %add3A_175 = arith.addi %add3A_173, %add3A_174 : i32
      %dma_start3A_176 = arith.constant 0 : i32
      %dma_start3A_177 = tpu.memref_slice %arg5[%add3A_175, %dma_start3A_176] : memref<53x128xi32, #tpu.memory_space<vmem>> -> memref<1x128xi32, #tpu.memory_space<vmem>>
      %dma_start3A_178 = tpu.memref_squeeze %dma_start3A_177 : memref<1x128xi32, #tpu.memory_space<vmem>> -> memref<128xi32, #tpu.memory_space<vmem>>
      %dma_start3A_179 = arith.constant 0 : i32
      %dma_start3A_180 = arith.constant 0 : i32
      %dma_start3A_181 = tpu.memref_slice %arg11[%dma_start3A_179, %dma_start3A_180] : memref<10000x32xf32, #tpu.memory_space<vmem_shared>> -> memref<10000x32xf32, #tpu.memory_space<vmem_shared>>
      tpu.enqueue_indirect_dma source(%dma_start3A_181 : memref<10000x32xf32, #tpu.memory_space<vmem_shared>>) target(%arg9 : memref<128x32xf32, #tpu.memory_space<vmem>>) offsets(%dma_start3A_178 : memref<128xi32, #tpu.memory_space<vmem>>) semaphore(%arg15 : memref<!tpu.dma_semaphore, #tpu.memory_space<semaphore_mem>>)
      %add3A_182 = arith.constant 1 : i32
      %add3A_183 = arith.addi %mul3A_151, %add3A_182 : i32
      %dma_wait3A_184 = arith.constant 0 : i32
      %dma_wait3A_185 = tpu.memref_slice %arg5[%add3A_183, %dma_wait3A_184] : memref<53x128xi32, #tpu.memory_space<vmem>> -> memref<1x128xi32, #tpu.memory_space<vmem>>
      %dma_wait3A_186 = tpu.memref_squeeze %dma_wait3A_185 : memref<1x128xi32, #tpu.memory_space<vmem>> -> memref<128xi32, #tpu.memory_space<vmem>>
      %dma_wait3A_187 = arith.constant 0 : i32
      %dma_wait3A_188 = arith.constant 0 : i32
      %dma_wait3A_189 = tpu.memref_slice %arg11[%dma_wait3A_187, %dma_wait3A_188] : memref<10000x32xf32, #tpu.memory_space<vmem_shared>> -> memref<10000x32xf32, #tpu.memory_space<vmem_shared>>
      tpu.wait_indirect_dma semaphore(%arg14 : memref<!tpu.dma_semaphore, #tpu.memory_space<semaphore_mem>>) src(%dma_wait3A_189 : memref<10000x32xf32, #tpu.memory_space<vmem_shared>>) dst(%arg8 : memref<128x32xf32, #tpu.memory_space<vmem>>)
      %add3A_190 = arith.constant 1 : i32
      %add3A_191 = arith.addi %mul3A_151, %add3A_190 : i32
      %dma_start3A_192 = arith.constant 0 : i32
      %dma_start3A_193 = tpu.memref_slice %arg6[%add3A_191, %dma_start3A_192] : memref<53x128xi32, #tpu.memory_space<vmem>> -> memref<1x128xi32, #tpu.memory_space<vmem>>
      %dma_start3A_194 = tpu.memref_squeeze %dma_start3A_193 : memref<1x128xi32, #tpu.memory_space<vmem>> -> memref<128xi32, #tpu.memory_space<vmem>>
      %dma_start3A_195 = arith.constant 0 : i32
      %dma_start3A_196 = arith.constant 0 : i32
      %dma_start3A_197 = tpu.memref_slice %arg12[%dma_start3A_195, %dma_start3A_196] : memref<10000x32xf32, #tpu.memory_space<vmem_shared>> -> memref<10000x32xf32, #tpu.memory_space<vmem_shared>>
      tpu.enqueue_indirect_dma source(%arg8 : memref<128x32xf32, #tpu.memory_space<vmem>>) target(%dma_start3A_197 : memref<10000x32xf32, #tpu.memory_space<vmem_shared>>) offsets(%dma_start3A_194 : memref<128xi32, #tpu.memory_space<vmem>>) semaphore(%arg18 : memref<!tpu.dma_semaphore, #tpu.memory_space<semaphore_mem>>) {add = true}
      %gt3A_198 = arith.constant 0 : i32
      %gt3A_199 = arith.cmpi sgt, %add3A_149, %gt3A_198 : i32
      %convert_element_type3A_200 = arith.extui %gt3A_199 : i1 to i32
      %cond3A_201 = arith.constant 0 : i32
      %cond3A_202 = arith.cmpi ne, %convert_element_type3A_200, %cond3A_201 : i32
      scf.if %cond3A_202 {
        %add3A_275 = arith.constant 1 : i32
        %add3A_276 = arith.addi %mul3A_151, %add3A_275 : i32
        %sub3A_277 = arith.constant 2 : i32
        %sub3A_278 = arith.subi %add3A_276, %sub3A_277 : i32
        %dma_wait3A_279 = arith.constant 0 : i32
        %dma_wait3A_280 = tpu.memref_slice %arg6[%sub3A_278, %dma_wait3A_279] : memref<53x128xi32, #tpu.memory_space<vmem>> -> memref<1x128xi32, #tpu.memory_space<vmem>>
        %dma_wait3A_281 = tpu.memref_squeeze %dma_wait3A_280 : memref<1x128xi32, #tpu.memory_space<vmem>> -> memref<128xi32, #tpu.memory_space<vmem>>
        %dma_wait3A_282 = arith.constant 0 : i32
        %dma_wait3A_283 = arith.constant 0 : i32
        %dma_wait3A_284 = tpu.memref_slice %arg12[%dma_wait3A_282, %dma_wait3A_283] : memref<10000x32xf32, #tpu.memory_space<vmem_shared>> -> memref<10000x32xf32, #tpu.memory_space<vmem_shared>>
        tpu.wait_indirect_dma semaphore(%arg20 : memref<!tpu.dma_semaphore, #tpu.memory_space<semaphore_mem>>) src(%arg10 : memref<128x32xf32, #tpu.memory_space<vmem>>) dst(%dma_wait3A_284 : memref<10000x32xf32, #tpu.memory_space<vmem_shared>>)
      } else {
      }
      %add3A_203 = arith.constant 1 : i32
      %add3A_204 = arith.addi %mul3A_151, %add3A_203 : i32
      %add3A_205 = arith.constant 2 : i32
      %add3A_206 = arith.addi %add3A_204, %add3A_205 : i32
      %dma_start3A_207 = arith.constant 0 : i32
      %dma_start3A_208 = tpu.memref_slice %arg5[%add3A_206, %dma_start3A_207] : memref<53x128xi32, #tpu.memory_space<vmem>> -> memref<1x128xi32, #tpu.memory_space<vmem>>
      %dma_start3A_209 = tpu.memref_squeeze %dma_start3A_208 : memref<1x128xi32, #tpu.memory_space<vmem>> -> memref<128xi32, #tpu.memory_space<vmem>>
      %dma_start3A_210 = arith.constant 0 : i32
      %dma_start3A_211 = arith.constant 0 : i32
      %dma_start3A_212 = tpu.memref_slice %arg11[%dma_start3A_210, %dma_start3A_211] : memref<10000x32xf32, #tpu.memory_space<vmem_shared>> -> memref<10000x32xf32, #tpu.memory_space<vmem_shared>>
      tpu.enqueue_indirect_dma source(%dma_start3A_212 : memref<10000x32xf32, #tpu.memory_space<vmem_shared>>) target(%arg10 : memref<128x32xf32, #tpu.memory_space<vmem>>) offsets(%dma_start3A_209 : memref<128xi32, #tpu.memory_space<vmem>>) semaphore(%arg16 : memref<!tpu.dma_semaphore, #tpu.memory_space<semaphore_mem>>)
      %add3A_213 = arith.constant 2 : i32
      %add3A_214 = arith.addi %mul3A_151, %add3A_213 : i32
      %dma_wait3A_215 = arith.constant 0 : i32
      %dma_wait3A_216 = tpu.memref_slice %arg5[%add3A_214, %dma_wait3A_215] : memref<53x128xi32, #tpu.memory_space<vmem>> -> memref<1x128xi32, #tpu.memory_space<vmem>>
      %dma_wait3A_217 = tpu.memref_squeeze %dma_wait3A_216 : memref<1x128xi32, #tpu.memory_space<vmem>> -> memref<128xi32, #tpu.memory_space<vmem>>
      %dma_wait3A_218 = arith.constant 0 : i32
      %dma_wait3A_219 = arith.constant 0 : i32
      %dma_wait3A_220 = tpu.memref_slice %arg11[%dma_wait3A_218, %dma_wait3A_219] : memref<10000x32xf32, #tpu.memory_space<vmem_shared>> -> memref<10000x32xf32, #tpu.memory_space<vmem_shared>>
      tpu.wait_indirect_dma semaphore(%arg15 : memref<!tpu.dma_semaphore, #tpu.memory_space<semaphore_mem>>) src(%dma_wait3A_220 : memref<10000x32xf32, #tpu.memory_space<vmem_shared>>) dst(%arg9 : memref<128x32xf32, #tpu.memory_space<vmem>>)
      %add3A_221 = arith.constant 2 : i32
      %add3A_222 = arith.addi %mul3A_151, %add3A_221 : i32
      %dma_start3A_223 = arith.constant 0 : i32
      %dma_start3A_224 = tpu.memref_slice %arg6[%add3A_222, %dma_start3A_223] : memref<53x128xi32, #tpu.memory_space<vmem>> -> memref<1x128xi32, #tpu.memory_space<vmem>>
      %dma_start3A_225 = tpu.memref_squeeze %dma_start3A_224 : memref<1x128xi32, #tpu.memory_space<vmem>> -> memref<128xi32, #tpu.memory_space<vmem>>
      %dma_start3A_226 = arith.constant 0 : i32
      %dma_start3A_227 = arith.constant 0 : i32
      %dma_start3A_228 = tpu.memref_slice %arg12[%dma_start3A_226, %dma_start3A_227] : memref<10000x32xf32, #tpu.memory_space<vmem_shared>> -> memref<10000x32xf32, #tpu.memory_space<vmem_shared>>
      tpu.enqueue_indirect_dma source(%arg9 : memref<128x32xf32, #tpu.memory_space<vmem>>) target(%dma_start3A_228 : memref<10000x32xf32, #tpu.memory_space<vmem_shared>>) offsets(%dma_start3A_225 : memref<128xi32, #tpu.memory_space<vmem>>) semaphore(%arg19 : memref<!tpu.dma_semaphore, #tpu.memory_space<semaphore_mem>>) {add = true}
      %add3A_229 = arith.constant 2 : i32
      %add3A_230 = arith.addi %mul3A_151, %add3A_229 : i32
      %sub3A_231 = arith.constant 2 : i32
      %sub3A_232 = arith.subi %add3A_230, %sub3A_231 : i32
      %dma_wait3A_233 = arith.constant 0 : i32
      %dma_wait3A_234 = tpu.memref_slice %arg6[%sub3A_232, %dma_wait3A_233] : memref<53x128xi32, #tpu.memory_space<vmem>> -> memref<1x128xi32, #tpu.memory_space<vmem>>
      %dma_wait3A_235 = tpu.memref_squeeze %dma_wait3A_234 : memref<1x128xi32, #tpu.memory_space<vmem>> -> memref<128xi32, #tpu.memory_space<vmem>>
      %dma_wait3A_236 = arith.constant 0 : i32
      %dma_wait3A_237 = arith.constant 0 : i32
      %dma_wait3A_238 = tpu.memref_slice %arg12[%dma_wait3A_236, %dma_wait3A_237] : memref<10000x32xf32, #tpu.memory_space<vmem_shared>> -> memref<10000x32xf32, #tpu.memory_space<vmem_shared>>
      tpu.wait_indirect_dma semaphore(%arg17 : memref<!tpu.dma_semaphore, #tpu.memory_space<semaphore_mem>>) src(%arg7 : memref<128x32xf32, #tpu.memory_space<vmem>>) dst(%dma_wait3A_238 : memref<10000x32xf32, #tpu.memory_space<vmem_shared>>)
      %lt3A_239 = arith.constant 12 : i32
      %lt3A_240 = arith.cmpi slt, %add3A_149, %lt3A_239 : i32
      %convert_element_type3A_241 = arith.extui %lt3A_240 : i1 to i32
      %cond3A_242 = arith.constant 0 : i32
      %cond3A_243 = arith.cmpi ne, %convert_element_type3A_241, %cond3A_242 : i32
      scf.if %cond3A_243 {
        %add3A_275 = arith.constant 2 : i32
        %add3A_276 = arith.addi %mul3A_151, %add3A_275 : i32
        %add3A_277 = arith.constant 2 : i32
        %add3A_278 = arith.addi %add3A_276, %add3A_277 : i32
        %dma_start3A_279 = arith.constant 0 : i32
        %dma_start3A_280 = tpu.memref_slice %arg5[%add3A_278, %dma_start3A_279] : memref<53x128xi32, #tpu.memory_space<vmem>> -> memref<1x128xi32, #tpu.memory_space<vmem>>
        %dma_start3A_281 = tpu.memref_squeeze %dma_start3A_280 : memref<1x128xi32, #tpu.memory_space<vmem>> -> memref<128xi32, #tpu.memory_space<vmem>>
        %dma_start3A_282 = arith.constant 0 : i32
        %dma_start3A_283 = arith.constant 0 : i32
        %dma_start3A_284 = tpu.memref_slice %arg11[%dma_start3A_282, %dma_start3A_283] : memref<10000x32xf32, #tpu.memory_space<vmem_shared>> -> memref<10000x32xf32, #tpu.memory_space<vmem_shared>>
        tpu.enqueue_indirect_dma source(%dma_start3A_284 : memref<10000x32xf32, #tpu.memory_space<vmem_shared>>) target(%arg7 : memref<128x32xf32, #tpu.memory_space<vmem>>) offsets(%dma_start3A_281 : memref<128xi32, #tpu.memory_space<vmem>>) semaphore(%arg13 : memref<!tpu.dma_semaphore, #tpu.memory_space<semaphore_mem>>)
      } else {
      }
      %add3A_244 = arith.constant 3 : i32
      %add3A_245 = arith.addi %mul3A_151, %add3A_244 : i32
      %dma_wait3A_246 = arith.constant 0 : i32
      %dma_wait3A_247 = tpu.memref_slice %arg5[%add3A_245, %dma_wait3A_246] : memref<53x128xi32, #tpu.memory_space<vmem>> -> memref<1x128xi32, #tpu.memory_space<vmem>>
      %dma_wait3A_248 = tpu.memref_squeeze %dma_wait3A_247 : memref<1x128xi32, #tpu.memory_space<vmem>> -> memref<128xi32, #tpu.memory_space<vmem>>
      %dma_wait3A_249 = arith.constant 0 : i32
      %dma_wait3A_250 = arith.constant 0 : i32
      %dma_wait3A_251 = tpu.memref_slice %arg11[%dma_wait3A_249, %dma_wait3A_250] : memref<10000x32xf32, #tpu.memory_space<vmem_shared>> -> memref<10000x32xf32, #tpu.memory_space<vmem_shared>>
      tpu.wait_indirect_dma semaphore(%arg16 : memref<!tpu.dma_semaphore, #tpu.memory_space<semaphore_mem>>) src(%dma_wait3A_251 : memref<10000x32xf32, #tpu.memory_space<vmem_shared>>) dst(%arg10 : memref<128x32xf32, #tpu.memory_space<vmem>>)
      %add3A_252 = arith.constant 3 : i32
      %add3A_253 = arith.addi %mul3A_151, %add3A_252 : i32
      %dma_start3A_254 = arith.constant 0 : i32
      %dma_start3A_255 = tpu.memref_slice %arg6[%add3A_253, %dma_start3A_254] : memref<53x128xi32, #tpu.memory_space<vmem>> -> memref<1x128xi32, #tpu.memory_space<vmem>>
      %dma_start3A_256 = tpu.memref_squeeze %dma_start3A_255 : memref<1x128xi32, #tpu.memory_space<vmem>> -> memref<128xi32, #tpu.memory_space<vmem>>
      %dma_start3A_257 = arith.constant 0 : i32
      %dma_start3A_258 = arith.constant 0 : i32
      %dma_start3A_259 = tpu.memref_slice %arg12[%dma_start3A_257, %dma_start3A_258] : memref<10000x32xf32, #tpu.memory_space<vmem_shared>> -> memref<10000x32xf32, #tpu.memory_space<vmem_shared>>
      tpu.enqueue_indirect_dma source(%arg10 : memref<128x32xf32, #tpu.memory_space<vmem>>) target(%dma_start3A_259 : memref<10000x32xf32, #tpu.memory_space<vmem_shared>>) offsets(%dma_start3A_256 : memref<128xi32, #tpu.memory_space<vmem>>) semaphore(%arg20 : memref<!tpu.dma_semaphore, #tpu.memory_space<semaphore_mem>>) {add = true}
      %add3A_260 = arith.constant 3 : i32
      %add3A_261 = arith.addi %mul3A_151, %add3A_260 : i32
      %sub3A_262 = arith.constant 2 : i32
      %sub3A_263 = arith.subi %add3A_261, %sub3A_262 : i32
      %dma_wait3A_264 = arith.constant 0 : i32
      %dma_wait3A_265 = tpu.memref_slice %arg6[%sub3A_263, %dma_wait3A_264] : memref<53x128xi32, #tpu.memory_space<vmem>> -> memref<1x128xi32, #tpu.memory_space<vmem>>
      %dma_wait3A_266 = tpu.memref_squeeze %dma_wait3A_265 : memref<1x128xi32, #tpu.memory_space<vmem>> -> memref<128xi32, #tpu.memory_space<vmem>>
      %dma_wait3A_267 = arith.constant 0 : i32
      %dma_wait3A_268 = arith.constant 0 : i32
      %dma_wait3A_269 = tpu.memref_slice %arg12[%dma_wait3A_267, %dma_wait3A_268] : memref<10000x32xf32, #tpu.memory_space<vmem_shared>> -> memref<10000x32xf32, #tpu.memory_space<vmem_shared>>
      tpu.wait_indirect_dma semaphore(%arg18 : memref<!tpu.dma_semaphore, #tpu.memory_space<semaphore_mem>>) src(%arg8 : memref<128x32xf32, #tpu.memory_space<vmem>>) dst(%dma_wait3A_269 : memref<10000x32xf32, #tpu.memory_space<vmem_shared>>)
      %lt3A_270 = arith.constant 12 : i32
      %lt3A_271 = arith.cmpi slt, %add3A_149, %lt3A_270 : i32
      %convert_element_type3A_272 = arith.extui %lt3A_271 : i1 to i32
      %cond3A_273 = arith.constant 0 : i32
      %cond3A_274 = arith.cmpi ne, %convert_element_type3A_272, %cond3A_273 : i32
      scf.if %cond3A_274 {
        %add3A_275 = arith.constant 3 : i32
        %add3A_276 = arith.addi %mul3A_151, %add3A_275 : i32
        %add3A_277 = arith.constant 2 : i32
        %add3A_278 = arith.addi %add3A_276, %add3A_277 : i32
        %dma_start3A_279 = arith.constant 0 : i32
        %dma_start3A_280 = tpu.memref_slice %arg5[%add3A_278, %dma_start3A_279] : memref<53x128xi32, #tpu.memory_space<vmem>> -> memref<1x128xi32, #tpu.memory_space<vmem>>
        %dma_start3A_281 = tpu.memref_squeeze %dma_start3A_280 : memref<1x128xi32, #tpu.memory_space<vmem>> -> memref<128xi32, #tpu.memory_space<vmem>>
        %dma_start3A_282 = arith.constant 0 : i32
        %dma_start3A_283 = arith.constant 0 : i32
        %dma_start3A_284 = tpu.memref_slice %arg11[%dma_start3A_282, %dma_start3A_283] : memref<10000x32xf32, #tpu.memory_space<vmem_shared>> -> memref<10000x32xf32, #tpu.memory_space<vmem_shared>>
        tpu.enqueue_indirect_dma source(%dma_start3A_284 : memref<10000x32xf32, #tpu.memory_space<vmem_shared>>) target(%arg8 : memref<128x32xf32, #tpu.memory_space<vmem>>) offsets(%dma_start3A_281 : memref<128xi32, #tpu.memory_space<vmem>>) semaphore(%arg14 : memref<!tpu.dma_semaphore, #tpu.memory_space<semaphore_mem>>)
      } else {
      }
    }
    %scan3A_125 = arith.constant 13 : i32
    %dma_wait3A_126 = arith.constant 50 : i32
    %dma_wait3A_127 = arith.constant 0 : i32
    %dma_wait3A_128 = tpu.memref_slice %arg6[%dma_wait3A_126, %dma_wait3A_127] : memref<53x128xi32, #tpu.memory_space<vmem>> -> memref<1x128xi32, #tpu.memory_space<vmem>>
    %dma_wait3A_129 = tpu.memref_squeeze %dma_wait3A_128 : memref<1x128xi32, #tpu.memory_space<vmem>> -> memref<128xi32, #tpu.memory_space<vmem>>
    %dma_wait3A_130 = arith.constant 0 : i32
    %dma_wait3A_131 = arith.constant 0 : i32
    %dma_wait3A_132 = tpu.memref_slice %arg12[%dma_wait3A_130, %dma_wait3A_131] : memref<10000x32xf32, #tpu.memory_space<vmem_shared>> -> memref<10000x32xf32, #tpu.memory_space<vmem_shared>>
    tpu.wait_indirect_dma semaphore(%arg19 : memref<!tpu.dma_semaphore, #tpu.memory_space<semaphore_mem>>) src(%arg9 : memref<128x32xf32, #tpu.memory_space<vmem>>) dst(%dma_wait3A_132 : memref<10000x32xf32, #tpu.memory_space<vmem_shared>>)
    %dma_wait3A_133 = arith.constant 51 : i32
    %dma_wait3A_134 = arith.constant 0 : i32
    %dma_wait3A_135 = tpu.memref_slice %arg6[%dma_wait3A_133, %dma_wait3A_134] : memref<53x128xi32, #tpu.memory_space<vmem>> -> memref<1x128xi32, #tpu.memory_space<vmem>>
    %dma_wait3A_136 = tpu.memref_squeeze %dma_wait3A_135 : memref<1x128xi32, #tpu.memory_space<vmem>> -> memref<128xi32, #tpu.memory_space<vmem>>
    %dma_wait3A_137 = arith.constant 0 : i32
    %dma_wait3A_138 = arith.constant 0 : i32
    %dma_wait3A_139 = tpu.memref_slice %arg12[%dma_wait3A_137, %dma_wait3A_138] : memref<10000x32xf32, #tpu.memory_space<vmem_shared>> -> memref<10000x32xf32, #tpu.memory_space<vmem_shared>>
    tpu.wait_indirect_dma semaphore(%arg20 : memref<!tpu.dma_semaphore, #tpu.memory_space<semaphore_mem>>) src(%arg10 : memref<128x32xf32, #tpu.memory_space<vmem>>) dst(%dma_wait3A_139 : memref<10000x32xf32, #tpu.memory_space<vmem_shared>>)
    %lt3A = arith.constant 4 : i32
    %lt3A_140 = arith.cmpi slt, %arg1, %lt3A : i32
    %convert_element_type3A = arith.extui %lt3A_140 : i1 to i32
    %cond3A = arith.constant 0 : i32
    %cond3A_141 = arith.cmpi ne, %convert_element_type3A, %cond3A : i32
    scf.if %cond3A_141 {
      %add3A_145 = arith.constant 52 : i32
      %add3A_146 = arith.addi %add3A_104, %add3A_145 : i32
      %run_scoped3A_147 = arith.constant 0 : i32
      "tpu.region"() ({
        %run_scoped3A_166 = tpu.sem_alloc : memref<!tpu.dma_semaphore, #tpu.memory_space<semaphore_mem>>
        %dma_start3A_167 = arith.constant 52 : i32
        %dma_start3A_168 = arith.constant 0 : i32
        %dma_start3A_169 = tpu.memref_slice %arg5[%dma_start3A_167, %dma_start3A_168] : memref<53x128xi32, #tpu.memory_space<vmem>> -> memref<1x128xi32, #tpu.memory_space<vmem>>
        %dma_start3A_170 = arith.constant 0 : i32
        %dma_start3A_171 = tpu.memref_slice %arg3[%run_scoped3A_147, %add3A_146, %dma_start3A_170] : memref<2x2500x128xi32, #tpu.memory_space<hbm>> -> memref<1x1x128xi32, #tpu.memory_space<hbm>>
        %dma_start3A_172 = tpu.memref_squeeze %dma_start3A_171 : memref<1x1x128xi32, #tpu.memory_space<hbm>> -> memref<1x128xi32, #tpu.memory_space<hbm>>
        %dma_start3A_173 = arith.constant 52 : i32
        %dma_start3A_174 = arith.constant 0 : i32
        %dma_start3A_175 = tpu.memref_slice %arg5[%dma_start3A_173, %dma_start3A_174] : memref<53x128xi32, #tpu.memory_space<vmem>> -> memref<1x128xi32, #tpu.memory_space<vmem>>
        %dma_start3A_176 = arith.constant 0 : i32
        %dma_start3A_177 = tpu.memref_slice %arg3[%run_scoped3A_147, %add3A_146, %dma_start3A_176] : memref<2x2500x128xi32, #tpu.memory_space<hbm>> -> memref<1x1x128xi32, #tpu.memory_space<hbm>>
        %dma_start3A_178 = tpu.memref_squeeze %dma_start3A_177 : memref<1x1x128xi32, #tpu.memory_space<hbm>> -> memref<1x128xi32, #tpu.memory_space<hbm>>
        tpu.enqueue_dma source(%dma_start3A_178 : memref<1x128xi32, #tpu.memory_space<hbm>>) target(%dma_start3A_175 : memref<1x128xi32, #tpu.memory_space<vmem>>) target_semaphore(%run_scoped3A_166 : memref<!tpu.dma_semaphore, #tpu.memory_space<semaphore_mem>>)
        %dma_wait3A_179 = arith.constant 52 : i32
        %dma_wait3A_180 = arith.constant 0 : i32
        %dma_wait3A_181 = tpu.memref_slice %arg5[%dma_wait3A_179, %dma_wait3A_180] : memref<53x128xi32, #tpu.memory_space<vmem>> -> memref<1x128xi32, #tpu.memory_space<vmem>>
        %dma_wait3A_182 = arith.constant 0 : i32
        %dma_wait3A_183 = tpu.memref_slice %arg3[%run_scoped3A_147, %add3A_146, %dma_wait3A_182] : memref<2x2500x128xi32, #tpu.memory_space<hbm>> -> memref<1x1x128xi32, #tpu.memory_space<hbm>>
        %dma_wait3A_184 = tpu.memref_squeeze %dma_wait3A_183 : memref<1x1x128xi32, #tpu.memory_space<hbm>> -> memref<1x128xi32, #tpu.memory_space<hbm>>
        %dma_wait3A_185 = arith.constant 52 : i32
        %dma_wait3A_186 = arith.constant 0 : i32
        %dma_wait3A_187 = tpu.memref_slice %arg5[%dma_wait3A_185, %dma_wait3A_186] : memref<53x128xi32, #tpu.memory_space<vmem>> -> memref<1x128xi32, #tpu.memory_space<vmem>>
        %dma_wait3A_188 = arith.constant 0 : i32
        %dma_wait3A_189 = tpu.memref_slice %arg3[%run_scoped3A_147, %add3A_146, %dma_wait3A_188] : memref<2x2500x128xi32, #tpu.memory_space<hbm>> -> memref<1x1x128xi32, #tpu.memory_space<hbm>>
        %dma_wait3A_190 = tpu.memref_squeeze %dma_wait3A_189 : memref<1x1x128xi32, #tpu.memory_space<hbm>> -> memref<1x128xi32, #tpu.memory_space<hbm>>
        tpu.wait_dma2 semaphore(%run_scoped3A_166 : memref<!tpu.dma_semaphore, #tpu.memory_space<semaphore_mem>>) src(%dma_wait3A_190 : memref<1x128xi32, #tpu.memory_space<hbm>>) dst(%dma_wait3A_187 : memref<1x128xi32, #tpu.memory_space<vmem>>)
        tpu.yield
      }) : () -> ()
      %add3A_148 = arith.constant 52 : i32
      %add3A_149 = arith.addi %add3A_104, %add3A_148 : i32
      %run_scoped3A_150 = arith.constant 1 : i32
      "tpu.region"() ({
        %run_scoped3A_166 = tpu.sem_alloc : memref<!tpu.dma_semaphore, #tpu.memory_space<semaphore_mem>>
        %dma_start3A_167 = arith.constant 52 : i32
        %dma_start3A_168 = arith.constant 0 : i32
        %dma_start3A_169 = tpu.memref_slice %arg6[%dma_start3A_167, %dma_start3A_168] : memref<53x128xi32, #tpu.memory_space<vmem>> -> memref<1x128xi32, #tpu.memory_space<vmem>>
        %dma_start3A_170 = arith.constant 0 : i32
        %dma_start3A_171 = tpu.memref_slice %arg3[%run_scoped3A_150, %add3A_149, %dma_start3A_170] : memref<2x2500x128xi32, #tpu.memory_space<hbm>> -> memref<1x1x128xi32, #tpu.memory_space<hbm>>
        %dma_start3A_172 = tpu.memref_squeeze %dma_start3A_171 : memref<1x1x128xi32, #tpu.memory_space<hbm>> -> memref<1x128xi32, #tpu.memory_space<hbm>>
        %dma_start3A_173 = arith.constant 52 : i32
        %dma_start3A_174 = arith.constant 0 : i32
        %dma_start3A_175 = tpu.memref_slice %arg6[%dma_start3A_173, %dma_start3A_174] : memref<53x128xi32, #tpu.memory_space<vmem>> -> memref<1x128xi32, #tpu.memory_space<vmem>>
        %dma_start3A_176 = arith.constant 0 : i32
        %dma_start3A_177 = tpu.memref_slice %arg3[%run_scoped3A_150, %add3A_149, %dma_start3A_176] : memref<2x2500x128xi32, #tpu.memory_space<hbm>> -> memref<1x1x128xi32, #tpu.memory_space<hbm>>
        %dma_start3A_178 = tpu.memref_squeeze %dma_start3A_177 : memref<1x1x128xi32, #tpu.memory_space<hbm>> -> memref<1x128xi32, #tpu.memory_space<hbm>>
        tpu.enqueue_dma source(%dma_start3A_178 : memref<1x128xi32, #tpu.memory_space<hbm>>) target(%dma_start3A_175 : memref<1x128xi32, #tpu.memory_space<vmem>>) target_semaphore(%run_scoped3A_166 : memref<!tpu.dma_semaphore, #tpu.memory_space<semaphore_mem>>)
        %dma_wait3A_179 = arith.constant 52 : i32
        %dma_wait3A_180 = arith.constant 0 : i32
        %dma_wait3A_181 = tpu.memref_slice %arg6[%dma_wait3A_179, %dma_wait3A_180] : memref<53x128xi32, #tpu.memory_space<vmem>> -> memref<1x128xi32, #tpu.memory_space<vmem>>
        %dma_wait3A_182 = arith.constant 0 : i32
        %dma_wait3A_183 = tpu.memref_slice %arg3[%run_scoped3A_150, %add3A_149, %dma_wait3A_182] : memref<2x2500x128xi32, #tpu.memory_space<hbm>> -> memref<1x1x128xi32, #tpu.memory_space<hbm>>
        %dma_wait3A_184 = tpu.memref_squeeze %dma_wait3A_183 : memref<1x1x128xi32, #tpu.memory_space<hbm>> -> memref<1x128xi32, #tpu.memory_space<hbm>>
        %dma_wait3A_185 = arith.constant 52 : i32
        %dma_wait3A_186 = arith.constant 0 : i32
        %dma_wait3A_187 = tpu.memref_slice %arg6[%dma_wait3A_185, %dma_wait3A_186] : memref<53x128xi32, #tpu.memory_space<vmem>> -> memref<1x128xi32, #tpu.memory_space<vmem>>
        %dma_wait3A_188 = arith.constant 0 : i32
        %dma_wait3A_189 = tpu.memref_slice %arg3[%run_scoped3A_150, %add3A_149, %dma_wait3A_188] : memref<2x2500x128xi32, #tpu.memory_space<hbm>> -> memref<1x1x128xi32, #tpu.memory_space<hbm>>
        %dma_wait3A_190 = tpu.memref_squeeze %dma_wait3A_189 : memref<1x1x128xi32, #tpu.memory_space<hbm>> -> memref<1x128xi32, #tpu.memory_space<hbm>>
        tpu.wait_dma2 semaphore(%run_scoped3A_166 : memref<!tpu.dma_semaphore, #tpu.memory_space<semaphore_mem>>) src(%dma_wait3A_190 : memref<1x128xi32, #tpu.memory_space<hbm>>) dst(%dma_wait3A_187 : memref<1x128xi32, #tpu.memory_space<vmem>>)
        tpu.yield
      }) : () -> ()
      %dma_start3A_151 = arith.constant 52 : i32
      %dma_start3A_152 = arith.constant 0 : i32
      %dma_start3A_153 = tpu.memref_slice %arg5[%dma_start3A_151, %dma_start3A_152] : memref<53x128xi32, #tpu.memory_space<vmem>> -> memref<1x128xi32, #tpu.memory_space<vmem>>
      %dma_start3A_154 = tpu.memref_squeeze %dma_start3A_153 : memref<1x128xi32, #tpu.memory_space<vmem>> -> memref<128xi32, #tpu.memory_space<vmem>>
      %dma_start3A_155 = arith.constant 0 : i32
      %dma_start3A_156 = arith.constant 0 : i32
      %dma_start3A_157 = tpu.memref_slice %arg11[%dma_start3A_155, %dma_start3A_156] : memref<10000x32xf32, #tpu.memory_space<vmem_shared>> -> memref<10000x32xf32, #tpu.memory_space<vmem_shared>>
      tpu.enqueue_indirect_dma source(%dma_start3A_157 : memref<10000x32xf32, #tpu.memory_space<vmem_shared>>) target(%arg7 : memref<128x32xf32, #tpu.memory_space<vmem>>) offsets(%dma_start3A_154 : memref<128xi32, #tpu.memory_space<vmem>>) semaphore(%arg13 : memref<!tpu.dma_semaphore, #tpu.memory_space<semaphore_mem>>)
      %dma_wait3A_158 = arith.constant 52 : i32
      %dma_wait3A_159 = arith.constant 0 : i32
      %dma_wait3A_160 = tpu.memref_slice %arg5[%dma_wait3A_158, %dma_wait3A_159] : memref<53x128xi32, #tpu.memory_space<vmem>> -> memref<1x128xi32, #tpu.memory_space<vmem>>
      %dma_wait3A_161 = tpu.memref_squeeze %dma_wait3A_160 : memref<1x128xi32, #tpu.memory_space<vmem>> -> memref<128xi32, #tpu.memory_space<vmem>>
      %dma_wait3A_162 = arith.constant 0 : i32
      %dma_wait3A_163 = arith.constant 0 : i32
      %dma_wait3A_164 = tpu.memref_slice %arg11[%dma_wait3A_162, %dma_wait3A_163] : memref<10000x32xf32, #tpu.memory_space<vmem_shared>> -> memref<10000x32xf32, #tpu.memory_space<vmem_shared>>
      tpu.wait_indirect_dma semaphore(%arg13 : memref<!tpu.dma_semaphore, #tpu.memory_space<semaphore_mem>>) src(%dma_wait3A_164 : memref<10000x32xf32, #tpu.memory_space<vmem_shared>>) dst(%arg7 : memref<128x32xf32, #tpu.memory_space<vmem>>)
      %run_scoped3A_165 = arith.constant 52 : i32
      "tpu.region"() ({
        %run_scoped3A_166 = tpu.sem_alloc : memref<!tpu.dma_semaphore, #tpu.memory_space<semaphore_mem>>
        %dma_start3A_167 = arith.constant 0 : i32
        %dma_start3A_168 = tpu.memref_slice %arg6[%run_scoped3A_165, %dma_start3A_167] : memref<53x128xi32, #tpu.memory_space<vmem>> -> memref<1x128xi32, #tpu.memory_space<vmem>>
        %dma_start3A_169 = tpu.memref_squeeze %dma_start3A_168 : memref<1x128xi32, #tpu.memory_space<vmem>> -> memref<128xi32, #tpu.memory_space<vmem>>
        %dma_start3A_170 = arith.constant 0 : i32
        %dma_start3A_171 = arith.constant 0 : i32
        %dma_start3A_172 = tpu.memref_slice %arg12[%dma_start3A_170, %dma_start3A_171] : memref<10000x32xf32, #tpu.memory_space<vmem_shared>> -> memref<10000x32xf32, #tpu.memory_space<vmem_shared>>
        tpu.enqueue_indirect_dma source(%arg7 : memref<128x32xf32, #tpu.memory_space<vmem>>) target(%dma_start3A_172 : memref<10000x32xf32, #tpu.memory_space<vmem_shared>>) offsets(%dma_start3A_169 : memref<128xi32, #tpu.memory_space<vmem>>) semaphore(%run_scoped3A_166 : memref<!tpu.dma_semaphore, #tpu.memory_space<semaphore_mem>>) {add = true}
        %dma_wait3A_173 = arith.constant 0 : i32
        %dma_wait3A_174 = tpu.memref_slice %arg6[%run_scoped3A_165, %dma_wait3A_173] : memref<53x128xi32, #tpu.memory_space<vmem>> -> memref<1x128xi32, #tpu.memory_space<vmem>>
        %dma_wait3A_175 = tpu.memref_squeeze %dma_wait3A_174 : memref<1x128xi32, #tpu.memory_space<vmem>> -> memref<128xi32, #tpu.memory_space<vmem>>
        %dma_wait3A_176 = arith.constant 0 : i32
        %dma_wait3A_177 = arith.constant 0 : i32
        %dma_wait3A_178 = tpu.memref_slice %arg12[%dma_wait3A_176, %dma_wait3A_177] : memref<10000x32xf32, #tpu.memory_space<vmem_shared>> -> memref<10000x32xf32, #tpu.memory_space<vmem_shared>>
        tpu.wait_indirect_dma semaphore(%run_scoped3A_166 : memref<!tpu.dma_semaphore, #tpu.memory_space<semaphore_mem>>) src(%arg7 : memref<128x32xf32, #tpu.memory_space<vmem>>) dst(%dma_wait3A_178 : memref<10000x32xf32, #tpu.memory_space<vmem_shared>>)
        tpu.yield
      }) : () -> ()
    } else {
    }
    %barrier3A_142 = arith.constant 0 : index
    tpu.barrier barrier_id(%barrier3A_142)
    %mul3A_143 = arith.constant 32 : i32
    %mul3A_144 = arith.muli %arg0, %mul3A_143 : i32
    "tpu.region"() ({
      %run_scoped3A_145 = tpu.sem_alloc : memref<!tpu.dma_semaphore, #tpu.memory_space<semaphore_mem>>
      %dma_start3A_146 = tpu.memref_slice %arg4[%mul3A_0, %mul3A_144] : memref<10000x128xf32, #tpu.memory_space<hbm>> -> memref<625x32xf32, #tpu.memory_space<hbm>>
      %dma_start3A_147 = arith.constant 0 : i32
      %dma_start3A_148 = tpu.memref_slice %arg12[%mul3A_0, %dma_start3A_147] : memref<10000x32xf32, #tpu.memory_space<vmem_shared>> -> memref<625x32xf32, #tpu.memory_space<vmem_shared>>
      tpu.enqueue_dma source(%dma_start3A_148 : memref<625x32xf32, #tpu.memory_space<vmem_shared>>) target(%dma_start3A_146 : memref<625x32xf32, #tpu.memory_space<hbm>>) target_semaphore(%run_scoped3A_145 : memref<!tpu.dma_semaphore, #tpu.memory_space<semaphore_mem>>)
      %dma_wait3A_149 = tpu.memref_slice %arg4[%mul3A_0, %mul3A_144] : memref<10000x128xf32, #tpu.memory_space<hbm>> -> memref<625x32xf32, #tpu.memory_space<hbm>>
      %dma_wait3A_150 = arith.constant 0 : i32
      %dma_wait3A_151 = tpu.memref_slice %arg12[%mul3A_0, %dma_wait3A_150] : memref<10000x32xf32, #tpu.memory_space<vmem_shared>> -> memref<625x32xf32, #tpu.memory_space<vmem_shared>>
      tpu.wait_dma2 semaphore(%run_scoped3A_145 : memref<!tpu.dma_semaphore, #tpu.memory_space<semaphore_mem>>) src(%dma_wait3A_151 : memref<625x32xf32, #tpu.memory_space<vmem_shared>>) dst(%dma_wait3A_149 : memref<625x32xf32, #tpu.memory_space<hbm>>)
      tpu.yield
    }) : () -> ()
    return
  }
}

#map = affine_map<(d0, d1) -> (0, 0, 0)>
#map1 = affine_map<(d0, d1) -> (0, 0)>
module attributes {stable_mosaic.version = 14 : i64} {
  func.func @_sc_degree(%arg0: i32, %arg1: i32, %arg2: memref<2x2500x128xi32, #tpu.memory_space<hbm>>, %arg3: memref<2x10240xf32, #tpu.memory_space<hbm>>, %arg4: memref<79x128xi32, #tpu.memory_space<vmem>>, %arg5: memref<128xf32, #tpu.memory_space<vmem>>, %arg6: memref<640xf32, #tpu.memory_space<vmem>>, %arg7: memref<10240xf32, #tpu.memory_space<vmem_shared>>) attributes {dimension_semantics = [#tpu.dimension_semantics<core_parallel>, #tpu.dimension_semantics<subcore_parallel>], iteration_bounds = array<i64: 2, 16>, scalar_prefetch = 0 : i64, scratch_operands = 4 : i64, tpu.core_type = #tpu.core_type<sc_vector_subcore>, window_params = [{transform_indices = #map}, {transform_indices = #map1}]} {
    %mul3A = arith.constant 16 : i32
    %mul3A_0 = arith.muli %arg0, %mul3A : i32
    %add3A = arith.addi %mul3A_0, %arg1 : i32
    %mul3A_1 = arith.constant 78 : i32
    %mul3A_2 = arith.muli %mul3A_1, %add3A : i32
    %min3A = arith.constant 4 : i32
    %min3A_3 = arith.minsi %add3A, %min3A : i32
    %add3A_4 = arith.addi %mul3A_2, %min3A_3 : i32
    %broadcast_in_dim3A = arith.constant 1.000000e+00 : f32
    %broadcast_in_dim3A_5 = vector.broadcast %broadcast_in_dim3A : f32 to vector<16xf32>
    %broadcast_in_dim3A_6 = arith.constant 0.000000e+00 : f32
    %broadcast_in_dim3A_7 = vector.broadcast %broadcast_in_dim3A_6 : f32 to vector<16xf32>
    %swap3A = arith.constant 0 : index
    %swap3A_8 = tpu.vector_load %arg5[%swap3A] {strides = array<i32>} : memref<128xf32, #tpu.memory_space<vmem>>, vector<16xf32>,
    %swap3A_9 = vector.shape_cast %swap3A_8 : vector<16xf32> to vector<16xf32>
    %swap3A_10 = vector.shape_cast %broadcast_in_dim3A_5 : vector<16xf32> to vector<16xf32>
    tpu.vector_store %arg5[%swap3A], %swap3A_10 {strides = array<i32>} : memref<128xf32, #tpu.memory_space<vmem>>, vector<16xf32>,
    %swap3A_11 = arith.constant 16 : index
    %swap3A_12 = tpu.vector_load %arg5[%swap3A_11] {strides = array<i32>} : memref<128xf32, #tpu.memory_space<vmem>>, vector<16xf32>,
    %swap3A_13 = vector.shape_cast %swap3A_12 : vector<16xf32> to vector<16xf32>
    %swap3A_14 = vector.shape_cast %broadcast_in_dim3A_5 : vector<16xf32> to vector<16xf32>
    tpu.vector_store %arg5[%swap3A_11], %swap3A_14 {strides = array<i32>} : memref<128xf32, #tpu.memory_space<vmem>>, vector<16xf32>,
    %swap3A_15 = arith.constant 32 : index
    %swap3A_16 = tpu.vector_load %arg5[%swap3A_15] {strides = array<i32>} : memref<128xf32, #tpu.memory_space<vmem>>, vector<16xf32>,
    %swap3A_17 = vector.shape_cast %swap3A_16 : vector<16xf32> to vector<16xf32>
    %swap3A_18 = vector.shape_cast %broadcast_in_dim3A_5 : vector<16xf32> to vector<16xf32>
    tpu.vector_store %arg5[%swap3A_15], %swap3A_18 {strides = array<i32>} : memref<128xf32, #tpu.memory_space<vmem>>, vector<16xf32>,
    %swap3A_19 = arith.constant 48 : index
    %swap3A_20 = tpu.vector_load %arg5[%swap3A_19] {strides = array<i32>} : memref<128xf32, #tpu.memory_space<vmem>>, vector<16xf32>,
    %swap3A_21 = vector.shape_cast %swap3A_20 : vector<16xf32> to vector<16xf32>
    %swap3A_22 = vector.shape_cast %broadcast_in_dim3A_5 : vector<16xf32> to vector<16xf32>
    tpu.vector_store %arg5[%swap3A_19], %swap3A_22 {strides = array<i32>} : memref<128xf32, #tpu.memory_space<vmem>>, vector<16xf32>,
    %swap3A_23 = arith.constant 64 : index
    %swap3A_24 = tpu.vector_load %arg5[%swap3A_23] {strides = array<i32>} : memref<128xf32, #tpu.memory_space<vmem>>, vector<16xf32>,
    %swap3A_25 = vector.shape_cast %swap3A_24 : vector<16xf32> to vector<16xf32>
    %swap3A_26 = vector.shape_cast %broadcast_in_dim3A_5 : vector<16xf32> to vector<16xf32>
    tpu.vector_store %arg5[%swap3A_23], %swap3A_26 {strides = array<i32>} : memref<128xf32, #tpu.memory_space<vmem>>, vector<16xf32>,
    %swap3A_27 = arith.constant 80 : index
    %swap3A_28 = tpu.vector_load %arg5[%swap3A_27] {strides = array<i32>} : memref<128xf32, #tpu.memory_space<vmem>>, vector<16xf32>,
    %swap3A_29 = vector.shape_cast %swap3A_28 : vector<16xf32> to vector<16xf32>
    %swap3A_30 = vector.shape_cast %broadcast_in_dim3A_5 : vector<16xf32> to vector<16xf32>
    tpu.vector_store %arg5[%swap3A_27], %swap3A_30 {strides = array<i32>} : memref<128xf32, #tpu.memory_space<vmem>>, vector<16xf32>,
    %swap3A_31 = arith.constant 96 : index
    %swap3A_32 = tpu.vector_load %arg5[%swap3A_31] {strides = array<i32>} : memref<128xf32, #tpu.memory_space<vmem>>, vector<16xf32>,
    %swap3A_33 = vector.shape_cast %swap3A_32 : vector<16xf32> to vector<16xf32>
    %swap3A_34 = vector.shape_cast %broadcast_in_dim3A_5 : vector<16xf32> to vector<16xf32>
    tpu.vector_store %arg5[%swap3A_31], %swap3A_34 {strides = array<i32>} : memref<128xf32, #tpu.memory_space<vmem>>, vector<16xf32>,
    %swap3A_35 = arith.constant 112 : index
    %swap3A_36 = tpu.vector_load %arg5[%swap3A_35] {strides = array<i32>} : memref<128xf32, #tpu.memory_space<vmem>>, vector<16xf32>,
    %swap3A_37 = vector.shape_cast %swap3A_36 : vector<16xf32> to vector<16xf32>
    %swap3A_38 = vector.shape_cast %broadcast_in_dim3A_5 : vector<16xf32> to vector<16xf32>
    tpu.vector_store %arg5[%swap3A_35], %swap3A_38 {strides = array<i32>} : memref<128xf32, #tpu.memory_space<vmem>>, vector<16xf32>,
    %scan3A = arith.constant 0 : i32
    %scan3A_39 = arith.constant 40 : i32
    %scan3A_40 = arith.addi %scan3A, %scan3A_39 : i32
    %scan3A_41 = arith.constant 1 : i32
    scf.for %scan3A_62 = %scan3A to %scan3A_40 step %scan3A_41  : i32 {
      %mul3A_63 = arith.constant 1 : i32
      %mul3A_64 = arith.muli %scan3A_62, %mul3A_63 : i32
      %add3A_65 = arith.constant 0 : i32
      %add3A_66 = arith.addi %add3A_65, %mul3A_64 : i32
      %mul3A_67 = arith.constant 16 : i32
      %mul3A_68 = arith.muli %add3A_66, %mul3A_67 : i32
      %swap3A_69 = arith.index_cast %mul3A_68 : i32 to index
      %swap3A_70 = tpu.vector_load %arg6[%swap3A_69] {strides = array<i32>} : memref<640xf32, #tpu.memory_space<vmem>>, vector<16xf32>,
      %swap3A_71 = vector.shape_cast %swap3A_70 : vector<16xf32> to vector<16xf32>
      %swap3A_72 = vector.shape_cast %broadcast_in_dim3A_7 : vector<16xf32> to vector<16xf32>
      tpu.vector_store %arg6[%swap3A_69], %swap3A_72 {strides = array<i32>} : memref<640xf32, #tpu.memory_space<vmem>>, vector<16xf32>,
    }
    %scan3A_42 = arith.constant 40 : i32
    %mul3A_43 = arith.constant 640 : i32
    %mul3A_44 = arith.muli %arg1, %mul3A_43 : i32
    "tpu.region"() ({
      %run_scoped3A_62 = tpu.sem_alloc : memref<!tpu.dma_semaphore, #tpu.memory_space<semaphore_mem>>
      %dma_start3A = tpu.memref_slice %arg7[%mul3A_44] : memref<10240xf32, #tpu.memory_space<vmem_shared>> -> memref<640xf32, #tpu.memory_space<vmem_shared>>
      %dma_start3A_63 = tpu.memref_slice %arg7[%mul3A_44] : memref<10240xf32, #tpu.memory_space<vmem_shared>> -> memref<640xf32, #tpu.memory_space<vmem_shared>>
      tpu.enqueue_dma source(%arg6 : memref<640xf32, #tpu.memory_space<vmem>>) target(%dma_start3A_63 : memref<640xf32, #tpu.memory_space<vmem_shared>>) target_semaphore(%run_scoped3A_62 : memref<!tpu.dma_semaphore, #tpu.memory_space<semaphore_mem>>)
      %dma_wait3A = tpu.memref_slice %arg7[%mul3A_44] : memref<10240xf32, #tpu.memory_space<vmem_shared>> -> memref<640xf32, #tpu.memory_space<vmem_shared>>
      %dma_wait3A_64 = tpu.memref_slice %arg7[%mul3A_44] : memref<10240xf32, #tpu.memory_space<vmem_shared>> -> memref<640xf32, #tpu.memory_space<vmem_shared>>
      tpu.wait_dma2 semaphore(%run_scoped3A_62 : memref<!tpu.dma_semaphore, #tpu.memory_space<semaphore_mem>>) src(%arg6 : memref<640xf32, #tpu.memory_space<vmem>>) dst(%dma_wait3A_64 : memref<640xf32, #tpu.memory_space<vmem_shared>>)
      tpu.yield
    }) : () -> ()
    %run_scoped3A = arith.constant 1 : i32
    "tpu.region"() ({
      %run_scoped3A_62 = tpu.sem_alloc : memref<!tpu.dma_semaphore, #tpu.memory_space<semaphore_mem>>
      %dma_start3A = arith.constant 0 : i32
      %dma_start3A_63 = arith.constant 0 : i32
      %dma_start3A_64 = tpu.memref_slice %arg4[%dma_start3A, %dma_start3A_63] : memref<79x128xi32, #tpu.memory_space<vmem>> -> memref<78x128xi32, #tpu.memory_space<vmem>>
      %dma_start3A_65 = arith.constant 0 : i32
      %dma_start3A_66 = tpu.memref_slice %arg2[%run_scoped3A, %add3A_4, %dma_start3A_65] : memref<2x2500x128xi32, #tpu.memory_space<hbm>> -> memref<1x78x128xi32, #tpu.memory_space<hbm>>
      %dma_start3A_67 = tpu.memref_squeeze %dma_start3A_66 : memref<1x78x128xi32, #tpu.memory_space<hbm>> -> memref<78x128xi32, #tpu.memory_space<hbm>>
      %dma_start3A_68 = arith.constant 0 : i32
      %dma_start3A_69 = arith.constant 0 : i32
      %dma_start3A_70 = tpu.memref_slice %arg4[%dma_start3A_68, %dma_start3A_69] : memref<79x128xi32, #tpu.memory_space<vmem>> -> memref<78x128xi32, #tpu.memory_space<vmem>>
      %dma_start3A_71 = arith.constant 0 : i32
      %dma_start3A_72 = tpu.memref_slice %arg2[%run_scoped3A, %add3A_4, %dma_start3A_71] : memref<2x2500x128xi32, #tpu.memory_space<hbm>> -> memref<1x78x128xi32, #tpu.memory_space<hbm>>
      %dma_start3A_73 = tpu.memref_squeeze %dma_start3A_72 : memref<1x78x128xi32, #tpu.memory_space<hbm>> -> memref<78x128xi32, #tpu.memory_space<hbm>>
      tpu.enqueue_dma source(%dma_start3A_73 : memref<78x128xi32, #tpu.memory_space<hbm>>) target(%dma_start3A_70 : memref<78x128xi32, #tpu.memory_space<vmem>>) target_semaphore(%run_scoped3A_62 : memref<!tpu.dma_semaphore, #tpu.memory_space<semaphore_mem>>)
      %dma_wait3A = arith.constant 0 : i32
      %dma_wait3A_74 = arith.constant 0 : i32
      %dma_wait3A_75 = tpu.memref_slice %arg4[%dma_wait3A, %dma_wait3A_74] : memref<79x128xi32, #tpu.memory_space<vmem>> -> memref<78x128xi32, #tpu.memory_space<vmem>>
      %dma_wait3A_76 = arith.constant 0 : i32
      %dma_wait3A_77 = tpu.memref_slice %arg2[%run_scoped3A, %add3A_4, %dma_wait3A_76] : memref<2x2500x128xi32, #tpu.memory_space<hbm>> -> memref<1x78x128xi32, #tpu.memory_space<hbm>>
      %dma_wait3A_78 = tpu.memref_squeeze %dma_wait3A_77 : memref<1x78x128xi32, #tpu.memory_space<hbm>> -> memref<78x128xi32, #tpu.memory_space<hbm>>
      %dma_wait3A_79 = arith.constant 0 : i32
      %dma_wait3A_80 = arith.constant 0 : i32
      %dma_wait3A_81 = tpu.memref_slice %arg4[%dma_wait3A_79, %dma_wait3A_80] : memref<79x128xi32, #tpu.memory_space<vmem>> -> memref<78x128xi32, #tpu.memory_space<vmem>>
      %dma_wait3A_82 = arith.constant 0 : i32
      %dma_wait3A_83 = tpu.memref_slice %arg2[%run_scoped3A, %add3A_4, %dma_wait3A_82] : memref<2x2500x128xi32, #tpu.memory_space<hbm>> -> memref<1x78x128xi32, #tpu.memory_space<hbm>>
      %dma_wait3A_84 = tpu.memref_squeeze %dma_wait3A_83 : memref<1x78x128xi32, #tpu.memory_space<hbm>> -> memref<78x128xi32, #tpu.memory_space<hbm>>
      tpu.wait_dma2 semaphore(%run_scoped3A_62 : memref<!tpu.dma_semaphore, #tpu.memory_space<semaphore_mem>>) src(%dma_wait3A_84 : memref<78x128xi32, #tpu.memory_space<hbm>>) dst(%dma_wait3A_81 : memref<78x128xi32, #tpu.memory_space<vmem>>)
      tpu.yield
    }) : () -> ()
    %lt3A = arith.constant 4 : i32
    %lt3A_45 = arith.cmpi slt, %add3A, %lt3A : i32
    %convert_element_type3A = arith.extui %lt3A_45 : i1 to i32
    %cond3A = arith.constant 0 : i32
    %cond3A_46 = arith.cmpi ne, %convert_element_type3A, %cond3A : i32
    scf.if %cond3A_46 {
      %add3A_62 = arith.constant 78 : i32
      %add3A_63 = arith.addi %add3A_4, %add3A_62 : i32
      %run_scoped3A_64 = arith.constant 1 : i32
      "tpu.region"() ({
        %run_scoped3A_65 = tpu.sem_alloc : memref<!tpu.dma_semaphore, #tpu.memory_space<semaphore_mem>>
        %dma_start3A = arith.constant 78 : i32
        %dma_start3A_66 = arith.constant 0 : i32
        %dma_start3A_67 = tpu.memref_slice %arg4[%dma_start3A, %dma_start3A_66] : memref<79x128xi32, #tpu.memory_space<vmem>> -> memref<1x128xi32, #tpu.memory_space<vmem>>
        %dma_start3A_68 = arith.constant 0 : i32
        %dma_start3A_69 = tpu.memref_slice %arg2[%run_scoped3A_64, %add3A_63, %dma_start3A_68] : memref<2x2500x128xi32, #tpu.memory_space<hbm>> -> memref<1x1x128xi32, #tpu.memory_space<hbm>>
        %dma_start3A_70 = tpu.memref_squeeze %dma_start3A_69 : memref<1x1x128xi32, #tpu.memory_space<hbm>> -> memref<1x128xi32, #tpu.memory_space<hbm>>
        %dma_start3A_71 = arith.constant 78 : i32
        %dma_start3A_72 = arith.constant 0 : i32
        %dma_start3A_73 = tpu.memref_slice %arg4[%dma_start3A_71, %dma_start3A_72] : memref<79x128xi32, #tpu.memory_space<vmem>> -> memref<1x128xi32, #tpu.memory_space<vmem>>
        %dma_start3A_74 = arith.constant 0 : i32
        %dma_start3A_75 = tpu.memref_slice %arg2[%run_scoped3A_64, %add3A_63, %dma_start3A_74] : memref<2x2500x128xi32, #tpu.memory_space<hbm>> -> memref<1x1x128xi32, #tpu.memory_space<hbm>>
        %dma_start3A_76 = tpu.memref_squeeze %dma_start3A_75 : memref<1x1x128xi32, #tpu.memory_space<hbm>> -> memref<1x128xi32, #tpu.memory_space<hbm>>
        tpu.enqueue_dma source(%dma_start3A_76 : memref<1x128xi32, #tpu.memory_space<hbm>>) target(%dma_start3A_73 : memref<1x128xi32, #tpu.memory_space<vmem>>) target_semaphore(%run_scoped3A_65 : memref<!tpu.dma_semaphore, #tpu.memory_space<semaphore_mem>>)
        %dma_wait3A = arith.constant 78 : i32
        %dma_wait3A_77 = arith.constant 0 : i32
        %dma_wait3A_78 = tpu.memref_slice %arg4[%dma_wait3A, %dma_wait3A_77] : memref<79x128xi32, #tpu.memory_space<vmem>> -> memref<1x128xi32, #tpu.memory_space<vmem>>
        %dma_wait3A_79 = arith.constant 0 : i32
        %dma_wait3A_80 = tpu.memref_slice %arg2[%run_scoped3A_64, %add3A_63, %dma_wait3A_79] : memref<2x2500x128xi32, #tpu.memory_space<hbm>> -> memref<1x1x128xi32, #tpu.memory_space<hbm>>
        %dma_wait3A_81 = tpu.memref_squeeze %dma_wait3A_80 : memref<1x1x128xi32, #tpu.memory_space<hbm>> -> memref<1x128xi32, #tpu.memory_space<hbm>>
        %dma_wait3A_82 = arith.constant 78 : i32
        %dma_wait3A_83 = arith.constant 0 : i32
        %dma_wait3A_84 = tpu.memref_slice %arg4[%dma_wait3A_82, %dma_wait3A_83] : memref<79x128xi32, #tpu.memory_space<vmem>> -> memref<1x128xi32, #tpu.memory_space<vmem>>
        %dma_wait3A_85 = arith.constant 0 : i32
        %dma_wait3A_86 = tpu.memref_slice %arg2[%run_scoped3A_64, %add3A_63, %dma_wait3A_85] : memref<2x2500x128xi32, #tpu.memory_space<hbm>> -> memref<1x1x128xi32, #tpu.memory_space<hbm>>
        %dma_wait3A_87 = tpu.memref_squeeze %dma_wait3A_86 : memref<1x1x128xi32, #tpu.memory_space<hbm>> -> memref<1x128xi32, #tpu.memory_space<hbm>>
        tpu.wait_dma2 semaphore(%run_scoped3A_65 : memref<!tpu.dma_semaphore, #tpu.memory_space<semaphore_mem>>) src(%dma_wait3A_87 : memref<1x128xi32, #tpu.memory_space<hbm>>) dst(%dma_wait3A_84 : memref<1x128xi32, #tpu.memory_space<vmem>>)
        tpu.yield
      }) : () -> ()
    } else {
    }
    %barrier3A = arith.constant 0 : index
    tpu.barrier barrier_id(%barrier3A)
    %scan3A_47 = arith.constant 0 : i32
    %scan3A_48 = arith.constant 78 : i32
    %scan3A_49 = arith.addi %scan3A_47, %scan3A_48 : i32
    %scan3A_50 = arith.constant 1 : i32
    scf.for %scan3A_62 = %scan3A_47 to %scan3A_49 step %scan3A_50  : i32 {
      %mul3A_63 = arith.constant 1 : i32
      %mul3A_64 = arith.muli %scan3A_62, %mul3A_63 : i32
      %add3A_65 = arith.constant 0 : i32
      %add3A_66 = arith.addi %add3A_65, %mul3A_64 : i32
      "tpu.region"() ({
        %run_scoped3A_67 = tpu.sem_alloc : memref<!tpu.dma_semaphore, #tpu.memory_space<semaphore_mem>>
        %dma_start3A = arith.constant 0 : i32
        %dma_start3A_68 = tpu.memref_slice %arg4[%add3A_66, %dma_start3A] : memref<79x128xi32, #tpu.memory_space<vmem>> -> memref<1x128xi32, #tpu.memory_space<vmem>>
        %dma_start3A_69 = tpu.memref_squeeze %dma_start3A_68 : memref<1x128xi32, #tpu.memory_space<vmem>> -> memref<128xi32, #tpu.memory_space<vmem>>
        %dma_start3A_70 = arith.constant 0 : i32
        %dma_start3A_71 = tpu.memref_slice %arg7[%dma_start3A_70] : memref<10240xf32, #tpu.memory_space<vmem_shared>> -> memref<10240xf32, #tpu.memory_space<vmem_shared>>
        tpu.enqueue_indirect_dma source(%arg5 : memref<128xf32, #tpu.memory_space<vmem>>) target(%dma_start3A_71 : memref<10240xf32, #tpu.memory_space<vmem_shared>>) offsets(%dma_start3A_69 : memref<128xi32, #tpu.memory_space<vmem>>) semaphore(%run_scoped3A_67 : memref<!tpu.dma_semaphore, #tpu.memory_space<semaphore_mem>>) {add = true}
        %dma_wait3A = arith.constant 0 : i32
        %dma_wait3A_72 = tpu.memref_slice %arg4[%add3A_66, %dma_wait3A] : memref<79x128xi32, #tpu.memory_space<vmem>> -> memref<1x128xi32, #tpu.memory_space<vmem>>
        %dma_wait3A_73 = tpu.memref_squeeze %dma_wait3A_72 : memref<1x128xi32, #tpu.memory_space<vmem>> -> memref<128xi32, #tpu.memory_space<vmem>>
        %dma_wait3A_74 = arith.constant 0 : i32
        %dma_wait3A_75 = tpu.memref_slice %arg7[%dma_wait3A_74] : memref<10240xf32, #tpu.memory_space<vmem_shared>> -> memref<10240xf32, #tpu.memory_space<vmem_shared>>
        tpu.wait_indirect_dma semaphore(%run_scoped3A_67 : memref<!tpu.dma_semaphore, #tpu.memory_space<semaphore_mem>>) src(%arg5 : memref<128xf32, #tpu.memory_space<vmem>>) dst(%dma_wait3A_75 : memref<10240xf32, #tpu.memory_space<vmem_shared>>)
        tpu.yield
      }) : () -> ()
    }
    %scan3A_51 = arith.constant 78 : i32
    %lt3A_52 = arith.constant 4 : i32
    %lt3A_53 = arith.cmpi slt, %add3A, %lt3A_52 : i32
    %convert_element_type3A_54 = arith.extui %lt3A_53 : i1 to i32
    %cond3A_55 = arith.constant 0 : i32
    %cond3A_56 = arith.cmpi ne, %convert_element_type3A_54, %cond3A_55 : i32
    scf.if %cond3A_56 {
      %run_scoped3A_62 = arith.constant 78 : i32
      "tpu.region"() ({
        %run_scoped3A_63 = tpu.sem_alloc : memref<!tpu.dma_semaphore, #tpu.memory_space<semaphore_mem>>
        %dma_start3A = arith.constant 0 : i32
        %dma_start3A_64 = tpu.memref_slice %arg4[%run_scoped3A_62, %dma_start3A] : memref<79x128xi32, #tpu.memory_space<vmem>> -> memref<1x128xi32, #tpu.memory_space<vmem>>
        %dma_start3A_65 = tpu.memref_squeeze %dma_start3A_64 : memref<1x128xi32, #tpu.memory_space<vmem>> -> memref<128xi32, #tpu.memory_space<vmem>>
        %dma_start3A_66 = arith.constant 0 : i32
        %dma_start3A_67 = tpu.memref_slice %arg7[%dma_start3A_66] : memref<10240xf32, #tpu.memory_space<vmem_shared>> -> memref<10240xf32, #tpu.memory_space<vmem_shared>>
        tpu.enqueue_indirect_dma source(%arg5 : memref<128xf32, #tpu.memory_space<vmem>>) target(%dma_start3A_67 : memref<10240xf32, #tpu.memory_space<vmem_shared>>) offsets(%dma_start3A_65 : memref<128xi32, #tpu.memory_space<vmem>>) semaphore(%run_scoped3A_63 : memref<!tpu.dma_semaphore, #tpu.memory_space<semaphore_mem>>) {add = true}
        %dma_wait3A = arith.constant 0 : i32
        %dma_wait3A_68 = tpu.memref_slice %arg4[%run_scoped3A_62, %dma_wait3A] : memref<79x128xi32, #tpu.memory_space<vmem>> -> memref<1x128xi32, #tpu.memory_space<vmem>>
        %dma_wait3A_69 = tpu.memref_squeeze %dma_wait3A_68 : memref<1x128xi32, #tpu.memory_space<vmem>> -> memref<128xi32, #tpu.memory_space<vmem>>
        %dma_wait3A_70 = arith.constant 0 : i32
        %dma_wait3A_71 = tpu.memref_slice %arg7[%dma_wait3A_70] : memref<10240xf32, #tpu.memory_space<vmem_shared>> -> memref<10240xf32, #tpu.memory_space<vmem_shared>>
        tpu.wait_indirect_dma semaphore(%run_scoped3A_63 : memref<!tpu.dma_semaphore, #tpu.memory_space<semaphore_mem>>) src(%arg5 : memref<128xf32, #tpu.memory_space<vmem>>) dst(%dma_wait3A_71 : memref<10240xf32, #tpu.memory_space<vmem_shared>>)
        tpu.yield
      }) : () -> ()
    } else {
    }
    %barrier3A_57 = arith.constant 0 : index
    tpu.barrier barrier_id(%barrier3A_57)
    %mul3A_58 = arith.constant 640 : i32
    %mul3A_59 = arith.muli %arg1, %mul3A_58 : i32
    %mul3A_60 = arith.constant 640 : i32
    %mul3A_61 = arith.muli %arg1, %mul3A_60 : i32
    "tpu.region"() ({
      %run_scoped3A_62 = tpu.sem_alloc : memref<!tpu.dma_semaphore, #tpu.memory_space<semaphore_mem>>
      %dma_start3A = tpu.memref_slice %arg3[%arg0, %mul3A_61] : memref<2x10240xf32, #tpu.memory_space<hbm>> -> memref<1x640xf32, #tpu.memory_space<hbm>>
      %dma_start3A_63 = tpu.memref_squeeze %dma_start3A : memref<1x640xf32, #tpu.memory_space<hbm>> -> memref<640xf32, #tpu.memory_space<hbm>>
      %dma_start3A_64 = tpu.memref_slice %arg7[%mul3A_59] : memref<10240xf32, #tpu.memory_space<vmem_shared>> -> memref<640xf32, #tpu.memory_space<vmem_shared>>
      tpu.enqueue_dma source(%dma_start3A_64 : memref<640xf32, #tpu.memory_space<vmem_shared>>) target(%dma_start3A_63 : memref<640xf32, #tpu.memory_space<hbm>>) target_semaphore(%run_scoped3A_62 : memref<!tpu.dma_semaphore, #tpu.memory_space<semaphore_mem>>)
      %dma_wait3A = tpu.memref_slice %arg3[%arg0, %mul3A_61] : memref<2x10240xf32, #tpu.memory_space<hbm>> -> memref<1x640xf32, #tpu.memory_space<hbm>>
      %dma_wait3A_65 = tpu.memref_squeeze %dma_wait3A : memref<1x640xf32, #tpu.memory_space<hbm>> -> memref<640xf32, #tpu.memory_space<hbm>>
      %dma_wait3A_66 = tpu.memref_slice %arg7[%mul3A_59] : memref<10240xf32, #tpu.memory_space<vmem_shared>> -> memref<640xf32, #tpu.memory_space<vmem_shared>>
      tpu.wait_dma2 semaphore(%run_scoped3A_62 : memref<!tpu.dma_semaphore, #tpu.memory_space<semaphore_mem>>) src(%dma_wait3A_66 : memref<640xf32, #tpu.memory_space<vmem_shared>>) dst(%dma_wait3A_65 : memref<640xf32, #tpu.memory_space<hbm>>)
      tpu.yield
    }) : () -> ()
    return
  }
}

#map = affine_map<(d0, d1) -> (0, 0)>
#map1 = affine_map<(d0, d1) -> (0, 0, 0)>
module attributes {stable_mosaic.version = 14 : i64} {
  func.func @sc_aggregate(%arg0: i32, %arg1: i32, %arg2: memref<10000x128xf32, #tpu.memory_space<hbm>>, %arg3: memref<2x2500x128xi32, #tpu.memory_space<hbm>>, %arg4: memref<10000x128xf32, #tpu.memory_space<hbm>>, %arg5: memref<53x128xi32, #tpu.memory_space<vmem>>, %arg6: memref<53x128xi32, #tpu.memory_space<vmem>>, %arg7: memref<128x64xf32, #tpu.memory_space<vmem>>, %arg8: memref<128x64xf32, #tpu.memory_space<vmem>>, %arg9: memref<128x64xf32, #tpu.memory_space<vmem>>, %arg10: memref<128x64xf32, #tpu.memory_space<vmem>>, %arg11: memref<10000x64xf32, #tpu.memory_space<vmem_shared>>, %arg12: memref<10000x64xf32, #tpu.memory_space<vmem_shared>>, %arg13: memref<!tpu.dma_semaphore, #tpu.memory_space<semaphore_mem>>, %arg14: memref<!tpu.dma_semaphore, #tpu.memory_space<semaphore_mem>>, %arg15: memref<!tpu.dma_semaphore, #tpu.memory_space<semaphore_mem>>, %arg16: memref<!tpu.dma_semaphore, #tpu.memory_space<semaphore_mem>>, %arg17: memref<!tpu.dma_semaphore, #tpu.memory_space<semaphore_mem>>, %arg18: memref<!tpu.dma_semaphore, #tpu.memory_space<semaphore_mem>>, %arg19: memref<!tpu.dma_semaphore, #tpu.memory_space<semaphore_mem>>, %arg20: memref<!tpu.dma_semaphore, #tpu.memory_space<semaphore_mem>>) attributes {dimension_semantics = [#tpu.dimension_semantics<core_parallel>, #tpu.dimension_semantics<subcore_parallel>], iteration_bounds = array<i64: 2, 16>, scalar_prefetch = 0 : i64, scratch_operands = 16 : i64, tpu.core_type = #tpu.core_type<sc_vector_subcore>, window_params = [{transform_indices = #map}, {transform_indices = #map1}, {transform_indices = #map}]} {
    %mul3A = arith.constant 625 : i32
    %mul3A_0 = arith.muli %arg1, %mul3A : i32
    %mul3A_1 = arith.constant 156 : i32
    %mul3A_2 = arith.muli %mul3A_1, %arg1 : i32
    %min3A = arith.constant 4 : i32
    %min3A_3 = arith.minsi %arg1, %min3A : i32
    %add3A = arith.addi %mul3A_2, %min3A_3 : i32
    %mul3A_4 = arith.constant 64 : i32
    %mul3A_5 = arith.muli %arg0, %mul3A_4 : i32
    "tpu.region"() ({
      %run_scoped3A_145 = tpu.sem_alloc : memref<!tpu.dma_semaphore, #tpu.memory_space<semaphore_mem>>
      %dma_start3A_146 = arith.constant 0 : i32
      %dma_start3A_147 = tpu.memref_slice %arg11[%mul3A_0, %dma_start3A_146] : memref<10000x64xf32, #tpu.memory_space<vmem_shared>> -> memref<625x64xf32, #tpu.memory_space<vmem_shared>>
      %dma_start3A_148 = tpu.memref_slice %arg2[%mul3A_0, %mul3A_5] : memref<10000x128xf32, #tpu.memory_space<hbm>> -> memref<625x64xf32, #tpu.memory_space<hbm>>
      tpu.enqueue_dma source(%dma_start3A_148 : memref<625x64xf32, #tpu.memory_space<hbm>>) target(%dma_start3A_147 : memref<625x64xf32, #tpu.memory_space<vmem_shared>>) target_semaphore(%run_scoped3A_145 : memref<!tpu.dma_semaphore, #tpu.memory_space<semaphore_mem>>)
      %dma_wait3A_149 = arith.constant 0 : i32
      %dma_wait3A_150 = tpu.memref_slice %arg11[%mul3A_0, %dma_wait3A_149] : memref<10000x64xf32, #tpu.memory_space<vmem_shared>> -> memref<625x64xf32, #tpu.memory_space<vmem_shared>>
      %dma_wait3A_151 = tpu.memref_slice %arg2[%mul3A_0, %mul3A_5] : memref<10000x128xf32, #tpu.memory_space<hbm>> -> memref<625x64xf32, #tpu.memory_space<hbm>>
      tpu.wait_dma2 semaphore(%run_scoped3A_145 : memref<!tpu.dma_semaphore, #tpu.memory_space<semaphore_mem>>) src(%dma_wait3A_151 : memref<625x64xf32, #tpu.memory_space<hbm>>) dst(%dma_wait3A_150 : memref<625x64xf32, #tpu.memory_space<vmem_shared>>)
      tpu.yield
    }) : () -> ()
    %broadcast_in_dim3A = arith.constant 0.000000e+00 : f32
    %broadcast_in_dim3A_6 = vector.broadcast %broadcast_in_dim3A : f32 to vector<16xf32>
    %scan3A = arith.constant 0 : i32
    %scan3A_7 = arith.constant 128 : i32
    %scan3A_8 = arith.addi %scan3A, %scan3A_7 : i32
    %scan3A_9 = arith.constant 1 : i32
    scf.for %scan3A_145 = %scan3A to %scan3A_8 step %scan3A_9  : i32 {
      %mul3A_146 = arith.constant 1 : i32
      %mul3A_147 = arith.muli %scan3A_145, %mul3A_146 : i32
      %add3A_148 = arith.constant 0 : i32
      %add3A_149 = arith.addi %add3A_148, %mul3A_147 : i32
      %swap3A = arith.index_cast %add3A_149 : i32 to index
      %swap3A_150 = arith.constant 0 : index
      %swap3A_151 = tpu.vector_load %arg7[%swap3A, %swap3A_150] {strides = array<i32>} : memref<128x64xf32, #tpu.memory_space<vmem>>, vector<1x16xf32>,
      %swap3A_152 = vector.shape_cast %swap3A_151 : vector<1x16xf32> to vector<16xf32>
      %swap3A_153 = vector.shape_cast %broadcast_in_dim3A_6 : vector<16xf32> to vector<1x16xf32>
      tpu.vector_store %arg7[%swap3A, %swap3A_150], %swap3A_153 {strides = array<i32>} : memref<128x64xf32, #tpu.memory_space<vmem>>, vector<1x16xf32>,
      %swap3A_154 = arith.index_cast %add3A_149 : i32 to index
      %swap3A_155 = arith.constant 16 : index
      %swap3A_156 = tpu.vector_load %arg7[%swap3A_154, %swap3A_155] {strides = array<i32>} : memref<128x64xf32, #tpu.memory_space<vmem>>, vector<1x16xf32>,
      %swap3A_157 = vector.shape_cast %swap3A_156 : vector<1x16xf32> to vector<16xf32>
      %swap3A_158 = vector.shape_cast %broadcast_in_dim3A_6 : vector<16xf32> to vector<1x16xf32>
      tpu.vector_store %arg7[%swap3A_154, %swap3A_155], %swap3A_158 {strides = array<i32>} : memref<128x64xf32, #tpu.memory_space<vmem>>, vector<1x16xf32>,
      %swap3A_159 = arith.index_cast %add3A_149 : i32 to index
      %swap3A_160 = arith.constant 32 : index
      %swap3A_161 = tpu.vector_load %arg7[%swap3A_159, %swap3A_160] {strides = array<i32>} : memref<128x64xf32, #tpu.memory_space<vmem>>, vector<1x16xf32>,
      %swap3A_162 = vector.shape_cast %swap3A_161 : vector<1x16xf32> to vector<16xf32>
      %swap3A_163 = vector.shape_cast %broadcast_in_dim3A_6 : vector<16xf32> to vector<1x16xf32>
      tpu.vector_store %arg7[%swap3A_159, %swap3A_160], %swap3A_163 {strides = array<i32>} : memref<128x64xf32, #tpu.memory_space<vmem>>, vector<1x16xf32>,
      %swap3A_164 = arith.index_cast %add3A_149 : i32 to index
      %swap3A_165 = arith.constant 48 : index
      %swap3A_166 = tpu.vector_load %arg7[%swap3A_164, %swap3A_165] {strides = array<i32>} : memref<128x64xf32, #tpu.memory_space<vmem>>, vector<1x16xf32>,
      %swap3A_167 = vector.shape_cast %swap3A_166 : vector<1x16xf32> to vector<16xf32>
      %swap3A_168 = vector.shape_cast %broadcast_in_dim3A_6 : vector<16xf32> to vector<1x16xf32>
      tpu.vector_store %arg7[%swap3A_164, %swap3A_165], %swap3A_168 {strides = array<i32>} : memref<128x64xf32, #tpu.memory_space<vmem>>, vector<1x16xf32>,
    }
    %scan3A_10 = arith.constant 128 : i32
    %mul3A_11 = arith.constant 625 : i32
    %mul3A_12 = arith.muli %arg1, %mul3A_11 : i32
    %add3A_13 = arith.constant 0 : i32
    %add3A_14 = arith.addi %mul3A_12, %add3A_13 : i32
    "tpu.region"() ({
      %run_scoped3A_145 = tpu.sem_alloc : memref<!tpu.dma_semaphore, #tpu.memory_space<semaphore_mem>>
      %dma_start3A_146 = arith.constant 0 : i32
      %dma_start3A_147 = tpu.memref_slice %arg12[%add3A_14, %dma_start3A_146] : memref<10000x64xf32, #tpu.memory_space<vmem_shared>> -> memref<128x64xf32, #tpu.memory_space<vmem_shared>>
      %dma_start3A_148 = arith.constant 0 : i32
      %dma_start3A_149 = tpu.memref_slice %arg12[%add3A_14, %dma_start3A_148] : memref<10000x64xf32, #tpu.memory_space<vmem_shared>> -> memref<128x64xf32, #tpu.memory_space<vmem_shared>>
      tpu.enqueue_dma source(%arg7 : memref<128x64xf32, #tpu.memory_space<vmem>>) target(%dma_start3A_149 : memref<128x64xf32, #tpu.memory_space<vmem_shared>>) target_semaphore(%run_scoped3A_145 : memref<!tpu.dma_semaphore, #tpu.memory_space<semaphore_mem>>)
      %dma_wait3A_150 = arith.constant 0 : i32
      %dma_wait3A_151 = tpu.memref_slice %arg12[%add3A_14, %dma_wait3A_150] : memref<10000x64xf32, #tpu.memory_space<vmem_shared>> -> memref<128x64xf32, #tpu.memory_space<vmem_shared>>
      %dma_wait3A_152 = arith.constant 0 : i32
      %dma_wait3A_153 = tpu.memref_slice %arg12[%add3A_14, %dma_wait3A_152] : memref<10000x64xf32, #tpu.memory_space<vmem_shared>> -> memref<128x64xf32, #tpu.memory_space<vmem_shared>>
      tpu.wait_dma2 semaphore(%run_scoped3A_145 : memref<!tpu.dma_semaphore, #tpu.memory_space<semaphore_mem>>) src(%arg7 : memref<128x64xf32, #tpu.memory_space<vmem>>) dst(%dma_wait3A_153 : memref<128x64xf32, #tpu.memory_space<vmem_shared>>)
      tpu.yield
    }) : () -> ()
    %mul3A_15 = arith.constant 625 : i32
    %mul3A_16 = arith.muli %arg1, %mul3A_15 : i32
    %add3A_17 = arith.constant 128 : i32
    %add3A_18 = arith.addi %mul3A_16, %add3A_17 : i32
    "tpu.region"() ({
      %run_scoped3A_145 = tpu.sem_alloc : memref<!tpu.dma_semaphore, #tpu.memory_space<semaphore_mem>>
      %dma_start3A_146 = arith.constant 0 : i32
      %dma_start3A_147 = tpu.memref_slice %arg12[%add3A_18, %dma_start3A_146] : memref<10000x64xf32, #tpu.memory_space<vmem_shared>> -> memref<128x64xf32, #tpu.memory_space<vmem_shared>>
      %dma_start3A_148 = arith.constant 0 : i32
      %dma_start3A_149 = tpu.memref_slice %arg12[%add3A_18, %dma_start3A_148] : memref<10000x64xf32, #tpu.memory_space<vmem_shared>> -> memref<128x64xf32, #tpu.memory_space<vmem_shared>>
      tpu.enqueue_dma source(%arg7 : memref<128x64xf32, #tpu.memory_space<vmem>>) target(%dma_start3A_149 : memref<128x64xf32, #tpu.memory_space<vmem_shared>>) target_semaphore(%run_scoped3A_145 : memref<!tpu.dma_semaphore, #tpu.memory_space<semaphore_mem>>)
      %dma_wait3A_150 = arith.constant 0 : i32
      %dma_wait3A_151 = tpu.memref_slice %arg12[%add3A_18, %dma_wait3A_150] : memref<10000x64xf32, #tpu.memory_space<vmem_shared>> -> memref<128x64xf32, #tpu.memory_space<vmem_shared>>
      %dma_wait3A_152 = arith.constant 0 : i32
      %dma_wait3A_153 = tpu.memref_slice %arg12[%add3A_18, %dma_wait3A_152] : memref<10000x64xf32, #tpu.memory_space<vmem_shared>> -> memref<128x64xf32, #tpu.memory_space<vmem_shared>>
      tpu.wait_dma2 semaphore(%run_scoped3A_145 : memref<!tpu.dma_semaphore, #tpu.memory_space<semaphore_mem>>) src(%arg7 : memref<128x64xf32, #tpu.memory_space<vmem>>) dst(%dma_wait3A_153 : memref<128x64xf32, #tpu.memory_space<vmem_shared>>)
      tpu.yield
    }) : () -> ()
    %mul3A_19 = arith.constant 625 : i32
    %mul3A_20 = arith.muli %arg1, %mul3A_19 : i32
    %add3A_21 = arith.constant 256 : i32
    %add3A_22 = arith.addi %mul3A_20, %add3A_21 : i32
    "tpu.region"() ({
      %run_scoped3A_145 = tpu.sem_alloc : memref<!tpu.dma_semaphore, #tpu.memory_space<semaphore_mem>>
      %dma_start3A_146 = arith.constant 0 : i32
      %dma_start3A_147 = tpu.memref_slice %arg12[%add3A_22, %dma_start3A_146] : memref<10000x64xf32, #tpu.memory_space<vmem_shared>> -> memref<128x64xf32, #tpu.memory_space<vmem_shared>>
      %dma_start3A_148 = arith.constant 0 : i32
      %dma_start3A_149 = tpu.memref_slice %arg12[%add3A_22, %dma_start3A_148] : memref<10000x64xf32, #tpu.memory_space<vmem_shared>> -> memref<128x64xf32, #tpu.memory_space<vmem_shared>>
      tpu.enqueue_dma source(%arg7 : memref<128x64xf32, #tpu.memory_space<vmem>>) target(%dma_start3A_149 : memref<128x64xf32, #tpu.memory_space<vmem_shared>>) target_semaphore(%run_scoped3A_145 : memref<!tpu.dma_semaphore, #tpu.memory_space<semaphore_mem>>)
      %dma_wait3A_150 = arith.constant 0 : i32
      %dma_wait3A_151 = tpu.memref_slice %arg12[%add3A_22, %dma_wait3A_150] : memref<10000x64xf32, #tpu.memory_space<vmem_shared>> -> memref<128x64xf32, #tpu.memory_space<vmem_shared>>
      %dma_wait3A_152 = arith.constant 0 : i32
      %dma_wait3A_153 = tpu.memref_slice %arg12[%add3A_22, %dma_wait3A_152] : memref<10000x64xf32, #tpu.memory_space<vmem_shared>> -> memref<128x64xf32, #tpu.memory_space<vmem_shared>>
      tpu.wait_dma2 semaphore(%run_scoped3A_145 : memref<!tpu.dma_semaphore, #tpu.memory_space<semaphore_mem>>) src(%arg7 : memref<128x64xf32, #tpu.memory_space<vmem>>) dst(%dma_wait3A_153 : memref<128x64xf32, #tpu.memory_space<vmem_shared>>)
      tpu.yield
    }) : () -> ()
    %mul3A_23 = arith.constant 625 : i32
    %mul3A_24 = arith.muli %arg1, %mul3A_23 : i32
    %add3A_25 = arith.constant 384 : i32
    %add3A_26 = arith.addi %mul3A_24, %add3A_25 : i32
    "tpu.region"() ({
      %run_scoped3A_145 = tpu.sem_alloc : memref<!tpu.dma_semaphore, #tpu.memory_space<semaphore_mem>>
      %dma_start3A_146 = arith.constant 0 : i32
      %dma_start3A_147 = tpu.memref_slice %arg12[%add3A_26, %dma_start3A_146] : memref<10000x64xf32, #tpu.memory_space<vmem_shared>> -> memref<128x64xf32, #tpu.memory_space<vmem_shared>>
      %dma_start3A_148 = arith.constant 0 : i32
      %dma_start3A_149 = tpu.memref_slice %arg12[%add3A_26, %dma_start3A_148] : memref<10000x64xf32, #tpu.memory_space<vmem_shared>> -> memref<128x64xf32, #tpu.memory_space<vmem_shared>>
      tpu.enqueue_dma source(%arg7 : memref<128x64xf32, #tpu.memory_space<vmem>>) target(%dma_start3A_149 : memref<128x64xf32, #tpu.memory_space<vmem_shared>>) target_semaphore(%run_scoped3A_145 : memref<!tpu.dma_semaphore, #tpu.memory_space<semaphore_mem>>)
      %dma_wait3A_150 = arith.constant 0 : i32
      %dma_wait3A_151 = tpu.memref_slice %arg12[%add3A_26, %dma_wait3A_150] : memref<10000x64xf32, #tpu.memory_space<vmem_shared>> -> memref<128x64xf32, #tpu.memory_space<vmem_shared>>
      %dma_wait3A_152 = arith.constant 0 : i32
      %dma_wait3A_153 = tpu.memref_slice %arg12[%add3A_26, %dma_wait3A_152] : memref<10000x64xf32, #tpu.memory_space<vmem_shared>> -> memref<128x64xf32, #tpu.memory_space<vmem_shared>>
      tpu.wait_dma2 semaphore(%run_scoped3A_145 : memref<!tpu.dma_semaphore, #tpu.memory_space<semaphore_mem>>) src(%arg7 : memref<128x64xf32, #tpu.memory_space<vmem>>) dst(%dma_wait3A_153 : memref<128x64xf32, #tpu.memory_space<vmem_shared>>)
      tpu.yield
    }) : () -> ()
    %mul3A_27 = arith.constant 625 : i32
    %mul3A_28 = arith.muli %arg1, %mul3A_27 : i32
    %add3A_29 = arith.constant 625 : i32
    %add3A_30 = arith.addi %mul3A_28, %add3A_29 : i32
    %sub3A = arith.constant 113 : i32
    %sub3A_31 = arith.subi %add3A_30, %sub3A : i32
    "tpu.region"() ({
      %run_scoped3A_145 = tpu.sem_alloc : memref<!tpu.dma_semaphore, #tpu.memory_space<semaphore_mem>>
      %dma_start3A_146 = arith.constant 0 : i32
      %dma_start3A_147 = arith.constant 0 : i32
      %dma_start3A_148 = tpu.memref_slice %arg7[%dma_start3A_146, %dma_start3A_147] : memref<128x64xf32, #tpu.memory_space<vmem>> -> memref<113x64xf32, #tpu.memory_space<vmem>>
      %dma_start3A_149 = arith.constant 0 : i32
      %dma_start3A_150 = tpu.memref_slice %arg12[%sub3A_31, %dma_start3A_149] : memref<10000x64xf32, #tpu.memory_space<vmem_shared>> -> memref<113x64xf32, #tpu.memory_space<vmem_shared>>
      %dma_start3A_151 = arith.constant 0 : i32
      %dma_start3A_152 = tpu.memref_slice %arg12[%sub3A_31, %dma_start3A_151] : memref<10000x64xf32, #tpu.memory_space<vmem_shared>> -> memref<113x64xf32, #tpu.memory_space<vmem_shared>>
      %dma_start3A_153 = arith.constant 0 : i32
      %dma_start3A_154 = arith.constant 0 : i32
      %dma_start3A_155 = tpu.memref_slice %arg7[%dma_start3A_153, %dma_start3A_154] : memref<128x64xf32, #tpu.memory_space<vmem>> -> memref<113x64xf32, #tpu.memory_space<vmem>>
      tpu.enqueue_dma source(%dma_start3A_155 : memref<113x64xf32, #tpu.memory_space<vmem>>) target(%dma_start3A_152 : memref<113x64xf32, #tpu.memory_space<vmem_shared>>) target_semaphore(%run_scoped3A_145 : memref<!tpu.dma_semaphore, #tpu.memory_space<semaphore_mem>>)
      %dma_wait3A_156 = arith.constant 0 : i32
      %dma_wait3A_157 = arith.constant 0 : i32
      %dma_wait3A_158 = tpu.memref_slice %arg7[%dma_wait3A_156, %dma_wait3A_157] : memref<128x64xf32, #tpu.memory_space<vmem>> -> memref<113x64xf32, #tpu.memory_space<vmem>>
      %dma_wait3A_159 = arith.constant 0 : i32
      %dma_wait3A_160 = tpu.memref_slice %arg12[%sub3A_31, %dma_wait3A_159] : memref<10000x64xf32, #tpu.memory_space<vmem_shared>> -> memref<113x64xf32, #tpu.memory_space<vmem_shared>>
      %dma_wait3A_161 = arith.constant 0 : i32
      %dma_wait3A_162 = tpu.memref_slice %arg12[%sub3A_31, %dma_wait3A_161] : memref<10000x64xf32, #tpu.memory_space<vmem_shared>> -> memref<113x64xf32, #tpu.memory_space<vmem_shared>>
      %dma_wait3A_163 = arith.constant 0 : i32
      %dma_wait3A_164 = arith.constant 0 : i32
      %dma_wait3A_165 = tpu.memref_slice %arg7[%dma_wait3A_163, %dma_wait3A_164] : memref<128x64xf32, #tpu.memory_space<vmem>> -> memref<113x64xf32, #tpu.memory_space<vmem>>
      tpu.wait_dma2 semaphore(%run_scoped3A_145 : memref<!tpu.dma_semaphore, #tpu.memory_space<semaphore_mem>>) src(%dma_wait3A_165 : memref<113x64xf32, #tpu.memory_space<vmem>>) dst(%dma_wait3A_162 : memref<113x64xf32, #tpu.memory_space<vmem_shared>>)
      tpu.yield
    }) : () -> ()
    %barrier3A = arith.constant 0 : index
    tpu.barrier barrier_id(%barrier3A)
    %add3A_32 = arith.constant 0 : i32
    %add3A_33 = arith.addi %add3A, %add3A_32 : i32
    %run_scoped3A = arith.constant 0 : i32
    "tpu.region"() ({
      %run_scoped3A_145 = tpu.sem_alloc : memref<!tpu.dma_semaphore, #tpu.memory_space<semaphore_mem>>
      %dma_start3A_146 = arith.constant 0 : i32
      %dma_start3A_147 = arith.constant 0 : i32
      %dma_start3A_148 = tpu.memref_slice %arg5[%dma_start3A_146, %dma_start3A_147] : memref<53x128xi32, #tpu.memory_space<vmem>> -> memref<52x128xi32, #tpu.memory_space<vmem>>
      %dma_start3A_149 = arith.constant 0 : i32
      %dma_start3A_150 = tpu.memref_slice %arg3[%run_scoped3A, %add3A_33, %dma_start3A_149] : memref<2x2500x128xi32, #tpu.memory_space<hbm>> -> memref<1x52x128xi32, #tpu.memory_space<hbm>>
      %dma_start3A_151 = tpu.memref_squeeze %dma_start3A_150 : memref<1x52x128xi32, #tpu.memory_space<hbm>> -> memref<52x128xi32, #tpu.memory_space<hbm>>
      %dma_start3A_152 = arith.constant 0 : i32
      %dma_start3A_153 = arith.constant 0 : i32
      %dma_start3A_154 = tpu.memref_slice %arg5[%dma_start3A_152, %dma_start3A_153] : memref<53x128xi32, #tpu.memory_space<vmem>> -> memref<52x128xi32, #tpu.memory_space<vmem>>
      %dma_start3A_155 = arith.constant 0 : i32
      %dma_start3A_156 = tpu.memref_slice %arg3[%run_scoped3A, %add3A_33, %dma_start3A_155] : memref<2x2500x128xi32, #tpu.memory_space<hbm>> -> memref<1x52x128xi32, #tpu.memory_space<hbm>>
      %dma_start3A_157 = tpu.memref_squeeze %dma_start3A_156 : memref<1x52x128xi32, #tpu.memory_space<hbm>> -> memref<52x128xi32, #tpu.memory_space<hbm>>
      tpu.enqueue_dma source(%dma_start3A_157 : memref<52x128xi32, #tpu.memory_space<hbm>>) target(%dma_start3A_154 : memref<52x128xi32, #tpu.memory_space<vmem>>) target_semaphore(%run_scoped3A_145 : memref<!tpu.dma_semaphore, #tpu.memory_space<semaphore_mem>>)
      %dma_wait3A_158 = arith.constant 0 : i32
      %dma_wait3A_159 = arith.constant 0 : i32
      %dma_wait3A_160 = tpu.memref_slice %arg5[%dma_wait3A_158, %dma_wait3A_159] : memref<53x128xi32, #tpu.memory_space<vmem>> -> memref<52x128xi32, #tpu.memory_space<vmem>>
      %dma_wait3A_161 = arith.constant 0 : i32
      %dma_wait3A_162 = tpu.memref_slice %arg3[%run_scoped3A, %add3A_33, %dma_wait3A_161] : memref<2x2500x128xi32, #tpu.memory_space<hbm>> -> memref<1x52x128xi32, #tpu.memory_space<hbm>>
      %dma_wait3A_163 = tpu.memref_squeeze %dma_wait3A_162 : memref<1x52x128xi32, #tpu.memory_space<hbm>> -> memref<52x128xi32, #tpu.memory_space<hbm>>
      %dma_wait3A_164 = arith.constant 0 : i32
      %dma_wait3A_165 = arith.constant 0 : i32
      %dma_wait3A_166 = tpu.memref_slice %arg5[%dma_wait3A_164, %dma_wait3A_165] : memref<53x128xi32, #tpu.memory_space<vmem>> -> memref<52x128xi32, #tpu.memory_space<vmem>>
      %dma_wait3A_167 = arith.constant 0 : i32
      %dma_wait3A_168 = tpu.memref_slice %arg3[%run_scoped3A, %add3A_33, %dma_wait3A_167] : memref<2x2500x128xi32, #tpu.memory_space<hbm>> -> memref<1x52x128xi32, #tpu.memory_space<hbm>>
      %dma_wait3A_169 = tpu.memref_squeeze %dma_wait3A_168 : memref<1x52x128xi32, #tpu.memory_space<hbm>> -> memref<52x128xi32, #tpu.memory_space<hbm>>
      tpu.wait_dma2 semaphore(%run_scoped3A_145 : memref<!tpu.dma_semaphore, #tpu.memory_space<semaphore_mem>>) src(%dma_wait3A_169 : memref<52x128xi32, #tpu.memory_space<hbm>>) dst(%dma_wait3A_166 : memref<52x128xi32, #tpu.memory_space<vmem>>)
      tpu.yield
    }) : () -> ()
    %run_scoped3A_34 = arith.constant 1 : i32
    "tpu.region"() ({
      %run_scoped3A_145 = tpu.sem_alloc : memref<!tpu.dma_semaphore, #tpu.memory_space<semaphore_mem>>
      %dma_start3A_146 = arith.constant 0 : i32
      %dma_start3A_147 = arith.constant 0 : i32
      %dma_start3A_148 = tpu.memref_slice %arg6[%dma_start3A_146, %dma_start3A_147] : memref<53x128xi32, #tpu.memory_space<vmem>> -> memref<52x128xi32, #tpu.memory_space<vmem>>
      %dma_start3A_149 = arith.constant 0 : i32
      %dma_start3A_150 = tpu.memref_slice %arg3[%run_scoped3A_34, %add3A_33, %dma_start3A_149] : memref<2x2500x128xi32, #tpu.memory_space<hbm>> -> memref<1x52x128xi32, #tpu.memory_space<hbm>>
      %dma_start3A_151 = tpu.memref_squeeze %dma_start3A_150 : memref<1x52x128xi32, #tpu.memory_space<hbm>> -> memref<52x128xi32, #tpu.memory_space<hbm>>
      %dma_start3A_152 = arith.constant 0 : i32
      %dma_start3A_153 = arith.constant 0 : i32
      %dma_start3A_154 = tpu.memref_slice %arg6[%dma_start3A_152, %dma_start3A_153] : memref<53x128xi32, #tpu.memory_space<vmem>> -> memref<52x128xi32, #tpu.memory_space<vmem>>
      %dma_start3A_155 = arith.constant 0 : i32
      %dma_start3A_156 = tpu.memref_slice %arg3[%run_scoped3A_34, %add3A_33, %dma_start3A_155] : memref<2x2500x128xi32, #tpu.memory_space<hbm>> -> memref<1x52x128xi32, #tpu.memory_space<hbm>>
      %dma_start3A_157 = tpu.memref_squeeze %dma_start3A_156 : memref<1x52x128xi32, #tpu.memory_space<hbm>> -> memref<52x128xi32, #tpu.memory_space<hbm>>
      tpu.enqueue_dma source(%dma_start3A_157 : memref<52x128xi32, #tpu.memory_space<hbm>>) target(%dma_start3A_154 : memref<52x128xi32, #tpu.memory_space<vmem>>) target_semaphore(%run_scoped3A_145 : memref<!tpu.dma_semaphore, #tpu.memory_space<semaphore_mem>>)
      %dma_wait3A_158 = arith.constant 0 : i32
      %dma_wait3A_159 = arith.constant 0 : i32
      %dma_wait3A_160 = tpu.memref_slice %arg6[%dma_wait3A_158, %dma_wait3A_159] : memref<53x128xi32, #tpu.memory_space<vmem>> -> memref<52x128xi32, #tpu.memory_space<vmem>>
      %dma_wait3A_161 = arith.constant 0 : i32
      %dma_wait3A_162 = tpu.memref_slice %arg3[%run_scoped3A_34, %add3A_33, %dma_wait3A_161] : memref<2x2500x128xi32, #tpu.memory_space<hbm>> -> memref<1x52x128xi32, #tpu.memory_space<hbm>>
      %dma_wait3A_163 = tpu.memref_squeeze %dma_wait3A_162 : memref<1x52x128xi32, #tpu.memory_space<hbm>> -> memref<52x128xi32, #tpu.memory_space<hbm>>
      %dma_wait3A_164 = arith.constant 0 : i32
      %dma_wait3A_165 = arith.constant 0 : i32
      %dma_wait3A_166 = tpu.memref_slice %arg6[%dma_wait3A_164, %dma_wait3A_165] : memref<53x128xi32, #tpu.memory_space<vmem>> -> memref<52x128xi32, #tpu.memory_space<vmem>>
      %dma_wait3A_167 = arith.constant 0 : i32
      %dma_wait3A_168 = tpu.memref_slice %arg3[%run_scoped3A_34, %add3A_33, %dma_wait3A_167] : memref<2x2500x128xi32, #tpu.memory_space<hbm>> -> memref<1x52x128xi32, #tpu.memory_space<hbm>>
      %dma_wait3A_169 = tpu.memref_squeeze %dma_wait3A_168 : memref<1x52x128xi32, #tpu.memory_space<hbm>> -> memref<52x128xi32, #tpu.memory_space<hbm>>
      tpu.wait_dma2 semaphore(%run_scoped3A_145 : memref<!tpu.dma_semaphore, #tpu.memory_space<semaphore_mem>>) src(%dma_wait3A_169 : memref<52x128xi32, #tpu.memory_space<hbm>>) dst(%dma_wait3A_166 : memref<52x128xi32, #tpu.memory_space<vmem>>)
      tpu.yield
    }) : () -> ()
    %dma_start3A = arith.constant 0 : i32
    %dma_start3A_35 = arith.constant 0 : i32
    %dma_start3A_36 = tpu.memref_slice %arg5[%dma_start3A, %dma_start3A_35] : memref<53x128xi32, #tpu.memory_space<vmem>> -> memref<1x128xi32, #tpu.memory_space<vmem>>
    %dma_start3A_37 = tpu.memref_squeeze %dma_start3A_36 : memref<1x128xi32, #tpu.memory_space<vmem>> -> memref<128xi32, #tpu.memory_space<vmem>>
    %dma_start3A_38 = arith.constant 0 : i32
    %dma_start3A_39 = arith.constant 0 : i32
    %dma_start3A_40 = tpu.memref_slice %arg11[%dma_start3A_38, %dma_start3A_39] : memref<10000x64xf32, #tpu.memory_space<vmem_shared>> -> memref<10000x64xf32, #tpu.memory_space<vmem_shared>>
    tpu.enqueue_indirect_dma source(%dma_start3A_40 : memref<10000x64xf32, #tpu.memory_space<vmem_shared>>) target(%arg7 : memref<128x64xf32, #tpu.memory_space<vmem>>) offsets(%dma_start3A_37 : memref<128xi32, #tpu.memory_space<vmem>>) semaphore(%arg13 : memref<!tpu.dma_semaphore, #tpu.memory_space<semaphore_mem>>)
    %dma_start3A_41 = arith.constant 1 : i32
    %dma_start3A_42 = arith.constant 0 : i32
    %dma_start3A_43 = tpu.memref_slice %arg5[%dma_start3A_41, %dma_start3A_42] : memref<53x128xi32, #tpu.memory_space<vmem>> -> memref<1x128xi32, #tpu.memory_space<vmem>>
    %dma_start3A_44 = tpu.memref_squeeze %dma_start3A_43 : memref<1x128xi32, #tpu.memory_space<vmem>> -> memref<128xi32, #tpu.memory_space<vmem>>
    %dma_start3A_45 = arith.constant 0 : i32
    %dma_start3A_46 = arith.constant 0 : i32
    %dma_start3A_47 = tpu.memref_slice %arg11[%dma_start3A_45, %dma_start3A_46] : memref<10000x64xf32, #tpu.memory_space<vmem_shared>> -> memref<10000x64xf32, #tpu.memory_space<vmem_shared>>
    tpu.enqueue_indirect_dma source(%dma_start3A_47 : memref<10000x64xf32, #tpu.memory_space<vmem_shared>>) target(%arg8 : memref<128x64xf32, #tpu.memory_space<vmem>>) offsets(%dma_start3A_44 : memref<128xi32, #tpu.memory_space<vmem>>) semaphore(%arg14 : memref<!tpu.dma_semaphore, #tpu.memory_space<semaphore_mem>>)
    %scan3A_48 = arith.constant 0 : i32
    %scan3A_49 = arith.constant 13 : i32
    %scan3A_50 = arith.addi %scan3A_48, %scan3A_49 : i32
    %scan3A_51 = arith.constant 1 : i32
    scf.for %scan3A_145 = %scan3A_48 to %scan3A_50 step %scan3A_51  : i32 {
      %mul3A_146 = arith.constant 1 : i32
      %mul3A_147 = arith.muli %scan3A_145, %mul3A_146 : i32
      %add3A_148 = arith.constant 0 : i32
      %add3A_149 = arith.addi %add3A_148, %mul3A_147 : i32
      %mul3A_150 = arith.constant 4 : i32
      %mul3A_151 = arith.muli %mul3A_150, %add3A_149 : i32
      %add3A_152 = arith.constant 0 : i32
      %add3A_153 = arith.addi %mul3A_151, %add3A_152 : i32
      %dma_wait3A_154 = arith.constant 0 : i32
      %dma_wait3A_155 = tpu.memref_slice %arg5[%add3A_153, %dma_wait3A_154] : memref<53x128xi32, #tpu.memory_space<vmem>> -> memref<1x128xi32, #tpu.memory_space<vmem>>
      %dma_wait3A_156 = tpu.memref_squeeze %dma_wait3A_155 : memref<1x128xi32, #tpu.memory_space<vmem>> -> memref<128xi32, #tpu.memory_space<vmem>>
      %dma_wait3A_157 = arith.constant 0 : i32
      %dma_wait3A_158 = arith.constant 0 : i32
      %dma_wait3A_159 = tpu.memref_slice %arg11[%dma_wait3A_157, %dma_wait3A_158] : memref<10000x64xf32, #tpu.memory_space<vmem_shared>> -> memref<10000x64xf32, #tpu.memory_space<vmem_shared>>
      tpu.wait_indirect_dma semaphore(%arg13 : memref<!tpu.dma_semaphore, #tpu.memory_space<semaphore_mem>>) src(%dma_wait3A_159 : memref<10000x64xf32, #tpu.memory_space<vmem_shared>>) dst(%arg7 : memref<128x64xf32, #tpu.memory_space<vmem>>)
      %add3A_160 = arith.constant 0 : i32
      %add3A_161 = arith.addi %mul3A_151, %add3A_160 : i32
      %dma_start3A_162 = arith.constant 0 : i32
      %dma_start3A_163 = tpu.memref_slice %arg6[%add3A_161, %dma_start3A_162] : memref<53x128xi32, #tpu.memory_space<vmem>> -> memref<1x128xi32, #tpu.memory_space<vmem>>
      %dma_start3A_164 = tpu.memref_squeeze %dma_start3A_163 : memref<1x128xi32, #tpu.memory_space<vmem>> -> memref<128xi32, #tpu.memory_space<vmem>>
      %dma_start3A_165 = arith.constant 0 : i32
      %dma_start3A_166 = arith.constant 0 : i32
      %dma_start3A_167 = tpu.memref_slice %arg12[%dma_start3A_165, %dma_start3A_166] : memref<10000x64xf32, #tpu.memory_space<vmem_shared>> -> memref<10000x64xf32, #tpu.memory_space<vmem_shared>>
      tpu.enqueue_indirect_dma source(%arg7 : memref<128x64xf32, #tpu.memory_space<vmem>>) target(%dma_start3A_167 : memref<10000x64xf32, #tpu.memory_space<vmem_shared>>) offsets(%dma_start3A_164 : memref<128xi32, #tpu.memory_space<vmem>>) semaphore(%arg17 : memref<!tpu.dma_semaphore, #tpu.memory_space<semaphore_mem>>) {add = true}
      %gt3A = arith.constant 0 : i32
      %gt3A_168 = arith.cmpi sgt, %add3A_149, %gt3A : i32
      %convert_element_type3A_169 = arith.extui %gt3A_168 : i1 to i32
      %cond3A_170 = arith.constant 0 : i32
      %cond3A_171 = arith.cmpi ne, %convert_element_type3A_169, %cond3A_170 : i32
      scf.if %cond3A_171 {
        %add3A_275 = arith.constant 0 : i32
        %add3A_276 = arith.addi %mul3A_151, %add3A_275 : i32
        %sub3A_277 = arith.constant 2 : i32
        %sub3A_278 = arith.subi %add3A_276, %sub3A_277 : i32
        %dma_wait3A_279 = arith.constant 0 : i32
        %dma_wait3A_280 = tpu.memref_slice %arg6[%sub3A_278, %dma_wait3A_279] : memref<53x128xi32, #tpu.memory_space<vmem>> -> memref<1x128xi32, #tpu.memory_space<vmem>>
        %dma_wait3A_281 = tpu.memref_squeeze %dma_wait3A_280 : memref<1x128xi32, #tpu.memory_space<vmem>> -> memref<128xi32, #tpu.memory_space<vmem>>
        %dma_wait3A_282 = arith.constant 0 : i32
        %dma_wait3A_283 = arith.constant 0 : i32
        %dma_wait3A_284 = tpu.memref_slice %arg12[%dma_wait3A_282, %dma_wait3A_283] : memref<10000x64xf32, #tpu.memory_space<vmem_shared>> -> memref<10000x64xf32, #tpu.memory_space<vmem_shared>>
        tpu.wait_indirect_dma semaphore(%arg19 : memref<!tpu.dma_semaphore, #tpu.memory_space<semaphore_mem>>) src(%arg9 : memref<128x64xf32, #tpu.memory_space<vmem>>) dst(%dma_wait3A_284 : memref<10000x64xf32, #tpu.memory_space<vmem_shared>>)
      } else {
      }
      %add3A_172 = arith.constant 0 : i32
      %add3A_173 = arith.addi %mul3A_151, %add3A_172 : i32
      %add3A_174 = arith.constant 2 : i32
      %add3A_175 = arith.addi %add3A_173, %add3A_174 : i32
      %dma_start3A_176 = arith.constant 0 : i32
      %dma_start3A_177 = tpu.memref_slice %arg5[%add3A_175, %dma_start3A_176] : memref<53x128xi32, #tpu.memory_space<vmem>> -> memref<1x128xi32, #tpu.memory_space<vmem>>
      %dma_start3A_178 = tpu.memref_squeeze %dma_start3A_177 : memref<1x128xi32, #tpu.memory_space<vmem>> -> memref<128xi32, #tpu.memory_space<vmem>>
      %dma_start3A_179 = arith.constant 0 : i32
      %dma_start3A_180 = arith.constant 0 : i32
      %dma_start3A_181 = tpu.memref_slice %arg11[%dma_start3A_179, %dma_start3A_180] : memref<10000x64xf32, #tpu.memory_space<vmem_shared>> -> memref<10000x64xf32, #tpu.memory_space<vmem_shared>>
      tpu.enqueue_indirect_dma source(%dma_start3A_181 : memref<10000x64xf32, #tpu.memory_space<vmem_shared>>) target(%arg9 : memref<128x64xf32, #tpu.memory_space<vmem>>) offsets(%dma_start3A_178 : memref<128xi32, #tpu.memory_space<vmem>>) semaphore(%arg15 : memref<!tpu.dma_semaphore, #tpu.memory_space<semaphore_mem>>)
      %add3A_182 = arith.constant 1 : i32
      %add3A_183 = arith.addi %mul3A_151, %add3A_182 : i32
      %dma_wait3A_184 = arith.constant 0 : i32
      %dma_wait3A_185 = tpu.memref_slice %arg5[%add3A_183, %dma_wait3A_184] : memref<53x128xi32, #tpu.memory_space<vmem>> -> memref<1x128xi32, #tpu.memory_space<vmem>>
      %dma_wait3A_186 = tpu.memref_squeeze %dma_wait3A_185 : memref<1x128xi32, #tpu.memory_space<vmem>> -> memref<128xi32, #tpu.memory_space<vmem>>
      %dma_wait3A_187 = arith.constant 0 : i32
      %dma_wait3A_188 = arith.constant 0 : i32
      %dma_wait3A_189 = tpu.memref_slice %arg11[%dma_wait3A_187, %dma_wait3A_188] : memref<10000x64xf32, #tpu.memory_space<vmem_shared>> -> memref<10000x64xf32, #tpu.memory_space<vmem_shared>>
      tpu.wait_indirect_dma semaphore(%arg14 : memref<!tpu.dma_semaphore, #tpu.memory_space<semaphore_mem>>) src(%dma_wait3A_189 : memref<10000x64xf32, #tpu.memory_space<vmem_shared>>) dst(%arg8 : memref<128x64xf32, #tpu.memory_space<vmem>>)
      %add3A_190 = arith.constant 1 : i32
      %add3A_191 = arith.addi %mul3A_151, %add3A_190 : i32
      %dma_start3A_192 = arith.constant 0 : i32
      %dma_start3A_193 = tpu.memref_slice %arg6[%add3A_191, %dma_start3A_192] : memref<53x128xi32, #tpu.memory_space<vmem>> -> memref<1x128xi32, #tpu.memory_space<vmem>>
      %dma_start3A_194 = tpu.memref_squeeze %dma_start3A_193 : memref<1x128xi32, #tpu.memory_space<vmem>> -> memref<128xi32, #tpu.memory_space<vmem>>
      %dma_start3A_195 = arith.constant 0 : i32
      %dma_start3A_196 = arith.constant 0 : i32
      %dma_start3A_197 = tpu.memref_slice %arg12[%dma_start3A_195, %dma_start3A_196] : memref<10000x64xf32, #tpu.memory_space<vmem_shared>> -> memref<10000x64xf32, #tpu.memory_space<vmem_shared>>
      tpu.enqueue_indirect_dma source(%arg8 : memref<128x64xf32, #tpu.memory_space<vmem>>) target(%dma_start3A_197 : memref<10000x64xf32, #tpu.memory_space<vmem_shared>>) offsets(%dma_start3A_194 : memref<128xi32, #tpu.memory_space<vmem>>) semaphore(%arg18 : memref<!tpu.dma_semaphore, #tpu.memory_space<semaphore_mem>>) {add = true}
      %gt3A_198 = arith.constant 0 : i32
      %gt3A_199 = arith.cmpi sgt, %add3A_149, %gt3A_198 : i32
      %convert_element_type3A_200 = arith.extui %gt3A_199 : i1 to i32
      %cond3A_201 = arith.constant 0 : i32
      %cond3A_202 = arith.cmpi ne, %convert_element_type3A_200, %cond3A_201 : i32
      scf.if %cond3A_202 {
        %add3A_275 = arith.constant 1 : i32
        %add3A_276 = arith.addi %mul3A_151, %add3A_275 : i32
        %sub3A_277 = arith.constant 2 : i32
        %sub3A_278 = arith.subi %add3A_276, %sub3A_277 : i32
        %dma_wait3A_279 = arith.constant 0 : i32
        %dma_wait3A_280 = tpu.memref_slice %arg6[%sub3A_278, %dma_wait3A_279] : memref<53x128xi32, #tpu.memory_space<vmem>> -> memref<1x128xi32, #tpu.memory_space<vmem>>
        %dma_wait3A_281 = tpu.memref_squeeze %dma_wait3A_280 : memref<1x128xi32, #tpu.memory_space<vmem>> -> memref<128xi32, #tpu.memory_space<vmem>>
        %dma_wait3A_282 = arith.constant 0 : i32
        %dma_wait3A_283 = arith.constant 0 : i32
        %dma_wait3A_284 = tpu.memref_slice %arg12[%dma_wait3A_282, %dma_wait3A_283] : memref<10000x64xf32, #tpu.memory_space<vmem_shared>> -> memref<10000x64xf32, #tpu.memory_space<vmem_shared>>
        tpu.wait_indirect_dma semaphore(%arg20 : memref<!tpu.dma_semaphore, #tpu.memory_space<semaphore_mem>>) src(%arg10 : memref<128x64xf32, #tpu.memory_space<vmem>>) dst(%dma_wait3A_284 : memref<10000x64xf32, #tpu.memory_space<vmem_shared>>)
      } else {
      }
      %add3A_203 = arith.constant 1 : i32
      %add3A_204 = arith.addi %mul3A_151, %add3A_203 : i32
      %add3A_205 = arith.constant 2 : i32
      %add3A_206 = arith.addi %add3A_204, %add3A_205 : i32
      %dma_start3A_207 = arith.constant 0 : i32
      %dma_start3A_208 = tpu.memref_slice %arg5[%add3A_206, %dma_start3A_207] : memref<53x128xi32, #tpu.memory_space<vmem>> -> memref<1x128xi32, #tpu.memory_space<vmem>>
      %dma_start3A_209 = tpu.memref_squeeze %dma_start3A_208 : memref<1x128xi32, #tpu.memory_space<vmem>> -> memref<128xi32, #tpu.memory_space<vmem>>
      %dma_start3A_210 = arith.constant 0 : i32
      %dma_start3A_211 = arith.constant 0 : i32
      %dma_start3A_212 = tpu.memref_slice %arg11[%dma_start3A_210, %dma_start3A_211] : memref<10000x64xf32, #tpu.memory_space<vmem_shared>> -> memref<10000x64xf32, #tpu.memory_space<vmem_shared>>
      tpu.enqueue_indirect_dma source(%dma_start3A_212 : memref<10000x64xf32, #tpu.memory_space<vmem_shared>>) target(%arg10 : memref<128x64xf32, #tpu.memory_space<vmem>>) offsets(%dma_start3A_209 : memref<128xi32, #tpu.memory_space<vmem>>) semaphore(%arg16 : memref<!tpu.dma_semaphore, #tpu.memory_space<semaphore_mem>>)
      %add3A_213 = arith.constant 2 : i32
      %add3A_214 = arith.addi %mul3A_151, %add3A_213 : i32
      %dma_wait3A_215 = arith.constant 0 : i32
      %dma_wait3A_216 = tpu.memref_slice %arg5[%add3A_214, %dma_wait3A_215] : memref<53x128xi32, #tpu.memory_space<vmem>> -> memref<1x128xi32, #tpu.memory_space<vmem>>
      %dma_wait3A_217 = tpu.memref_squeeze %dma_wait3A_216 : memref<1x128xi32, #tpu.memory_space<vmem>> -> memref<128xi32, #tpu.memory_space<vmem>>
      %dma_wait3A_218 = arith.constant 0 : i32
      %dma_wait3A_219 = arith.constant 0 : i32
      %dma_wait3A_220 = tpu.memref_slice %arg11[%dma_wait3A_218, %dma_wait3A_219] : memref<10000x64xf32, #tpu.memory_space<vmem_shared>> -> memref<10000x64xf32, #tpu.memory_space<vmem_shared>>
      tpu.wait_indirect_dma semaphore(%arg15 : memref<!tpu.dma_semaphore, #tpu.memory_space<semaphore_mem>>) src(%dma_wait3A_220 : memref<10000x64xf32, #tpu.memory_space<vmem_shared>>) dst(%arg9 : memref<128x64xf32, #tpu.memory_space<vmem>>)
      %add3A_221 = arith.constant 2 : i32
      %add3A_222 = arith.addi %mul3A_151, %add3A_221 : i32
      %dma_start3A_223 = arith.constant 0 : i32
      %dma_start3A_224 = tpu.memref_slice %arg6[%add3A_222, %dma_start3A_223] : memref<53x128xi32, #tpu.memory_space<vmem>> -> memref<1x128xi32, #tpu.memory_space<vmem>>
      %dma_start3A_225 = tpu.memref_squeeze %dma_start3A_224 : memref<1x128xi32, #tpu.memory_space<vmem>> -> memref<128xi32, #tpu.memory_space<vmem>>
      %dma_start3A_226 = arith.constant 0 : i32
      %dma_start3A_227 = arith.constant 0 : i32
      %dma_start3A_228 = tpu.memref_slice %arg12[%dma_start3A_226, %dma_start3A_227] : memref<10000x64xf32, #tpu.memory_space<vmem_shared>> -> memref<10000x64xf32, #tpu.memory_space<vmem_shared>>
      tpu.enqueue_indirect_dma source(%arg9 : memref<128x64xf32, #tpu.memory_space<vmem>>) target(%dma_start3A_228 : memref<10000x64xf32, #tpu.memory_space<vmem_shared>>) offsets(%dma_start3A_225 : memref<128xi32, #tpu.memory_space<vmem>>) semaphore(%arg19 : memref<!tpu.dma_semaphore, #tpu.memory_space<semaphore_mem>>) {add = true}
      %add3A_229 = arith.constant 2 : i32
      %add3A_230 = arith.addi %mul3A_151, %add3A_229 : i32
      %sub3A_231 = arith.constant 2 : i32
      %sub3A_232 = arith.subi %add3A_230, %sub3A_231 : i32
      %dma_wait3A_233 = arith.constant 0 : i32
      %dma_wait3A_234 = tpu.memref_slice %arg6[%sub3A_232, %dma_wait3A_233] : memref<53x128xi32, #tpu.memory_space<vmem>> -> memref<1x128xi32, #tpu.memory_space<vmem>>
      %dma_wait3A_235 = tpu.memref_squeeze %dma_wait3A_234 : memref<1x128xi32, #tpu.memory_space<vmem>> -> memref<128xi32, #tpu.memory_space<vmem>>
      %dma_wait3A_236 = arith.constant 0 : i32
      %dma_wait3A_237 = arith.constant 0 : i32
      %dma_wait3A_238 = tpu.memref_slice %arg12[%dma_wait3A_236, %dma_wait3A_237] : memref<10000x64xf32, #tpu.memory_space<vmem_shared>> -> memref<10000x64xf32, #tpu.memory_space<vmem_shared>>
      tpu.wait_indirect_dma semaphore(%arg17 : memref<!tpu.dma_semaphore, #tpu.memory_space<semaphore_mem>>) src(%arg7 : memref<128x64xf32, #tpu.memory_space<vmem>>) dst(%dma_wait3A_238 : memref<10000x64xf32, #tpu.memory_space<vmem_shared>>)
      %lt3A_239 = arith.constant 12 : i32
      %lt3A_240 = arith.cmpi slt, %add3A_149, %lt3A_239 : i32
      %convert_element_type3A_241 = arith.extui %lt3A_240 : i1 to i32
      %cond3A_242 = arith.constant 0 : i32
      %cond3A_243 = arith.cmpi ne, %convert_element_type3A_241, %cond3A_242 : i32
      scf.if %cond3A_243 {
        %add3A_275 = arith.constant 2 : i32
        %add3A_276 = arith.addi %mul3A_151, %add3A_275 : i32
        %add3A_277 = arith.constant 2 : i32
        %add3A_278 = arith.addi %add3A_276, %add3A_277 : i32
        %dma_start3A_279 = arith.constant 0 : i32
        %dma_start3A_280 = tpu.memref_slice %arg5[%add3A_278, %dma_start3A_279] : memref<53x128xi32, #tpu.memory_space<vmem>> -> memref<1x128xi32, #tpu.memory_space<vmem>>
        %dma_start3A_281 = tpu.memref_squeeze %dma_start3A_280 : memref<1x128xi32, #tpu.memory_space<vmem>> -> memref<128xi32, #tpu.memory_space<vmem>>
        %dma_start3A_282 = arith.constant 0 : i32
        %dma_start3A_283 = arith.constant 0 : i32
        %dma_start3A_284 = tpu.memref_slice %arg11[%dma_start3A_282, %dma_start3A_283] : memref<10000x64xf32, #tpu.memory_space<vmem_shared>> -> memref<10000x64xf32, #tpu.memory_space<vmem_shared>>
        tpu.enqueue_indirect_dma source(%dma_start3A_284 : memref<10000x64xf32, #tpu.memory_space<vmem_shared>>) target(%arg7 : memref<128x64xf32, #tpu.memory_space<vmem>>) offsets(%dma_start3A_281 : memref<128xi32, #tpu.memory_space<vmem>>) semaphore(%arg13 : memref<!tpu.dma_semaphore, #tpu.memory_space<semaphore_mem>>)
      } else {
      }
      %add3A_244 = arith.constant 3 : i32
      %add3A_245 = arith.addi %mul3A_151, %add3A_244 : i32
      %dma_wait3A_246 = arith.constant 0 : i32
      %dma_wait3A_247 = tpu.memref_slice %arg5[%add3A_245, %dma_wait3A_246] : memref<53x128xi32, #tpu.memory_space<vmem>> -> memref<1x128xi32, #tpu.memory_space<vmem>>
      %dma_wait3A_248 = tpu.memref_squeeze %dma_wait3A_247 : memref<1x128xi32, #tpu.memory_space<vmem>> -> memref<128xi32, #tpu.memory_space<vmem>>
      %dma_wait3A_249 = arith.constant 0 : i32
      %dma_wait3A_250 = arith.constant 0 : i32
      %dma_wait3A_251 = tpu.memref_slice %arg11[%dma_wait3A_249, %dma_wait3A_250] : memref<10000x64xf32, #tpu.memory_space<vmem_shared>> -> memref<10000x64xf32, #tpu.memory_space<vmem_shared>>
      tpu.wait_indirect_dma semaphore(%arg16 : memref<!tpu.dma_semaphore, #tpu.memory_space<semaphore_mem>>) src(%dma_wait3A_251 : memref<10000x64xf32, #tpu.memory_space<vmem_shared>>) dst(%arg10 : memref<128x64xf32, #tpu.memory_space<vmem>>)
      %add3A_252 = arith.constant 3 : i32
      %add3A_253 = arith.addi %mul3A_151, %add3A_252 : i32
      %dma_start3A_254 = arith.constant 0 : i32
      %dma_start3A_255 = tpu.memref_slice %arg6[%add3A_253, %dma_start3A_254] : memref<53x128xi32, #tpu.memory_space<vmem>> -> memref<1x128xi32, #tpu.memory_space<vmem>>
      %dma_start3A_256 = tpu.memref_squeeze %dma_start3A_255 : memref<1x128xi32, #tpu.memory_space<vmem>> -> memref<128xi32, #tpu.memory_space<vmem>>
      %dma_start3A_257 = arith.constant 0 : i32
      %dma_start3A_258 = arith.constant 0 : i32
      %dma_start3A_259 = tpu.memref_slice %arg12[%dma_start3A_257, %dma_start3A_258] : memref<10000x64xf32, #tpu.memory_space<vmem_shared>> -> memref<10000x64xf32, #tpu.memory_space<vmem_shared>>
      tpu.enqueue_indirect_dma source(%arg10 : memref<128x64xf32, #tpu.memory_space<vmem>>) target(%dma_start3A_259 : memref<10000x64xf32, #tpu.memory_space<vmem_shared>>) offsets(%dma_start3A_256 : memref<128xi32, #tpu.memory_space<vmem>>) semaphore(%arg20 : memref<!tpu.dma_semaphore, #tpu.memory_space<semaphore_mem>>) {add = true}
      %add3A_260 = arith.constant 3 : i32
      %add3A_261 = arith.addi %mul3A_151, %add3A_260 : i32
      %sub3A_262 = arith.constant 2 : i32
      %sub3A_263 = arith.subi %add3A_261, %sub3A_262 : i32
      %dma_wait3A_264 = arith.constant 0 : i32
      %dma_wait3A_265 = tpu.memref_slice %arg6[%sub3A_263, %dma_wait3A_264] : memref<53x128xi32, #tpu.memory_space<vmem>> -> memref<1x128xi32, #tpu.memory_space<vmem>>
      %dma_wait3A_266 = tpu.memref_squeeze %dma_wait3A_265 : memref<1x128xi32, #tpu.memory_space<vmem>> -> memref<128xi32, #tpu.memory_space<vmem>>
      %dma_wait3A_267 = arith.constant 0 : i32
      %dma_wait3A_268 = arith.constant 0 : i32
      %dma_wait3A_269 = tpu.memref_slice %arg12[%dma_wait3A_267, %dma_wait3A_268] : memref<10000x64xf32, #tpu.memory_space<vmem_shared>> -> memref<10000x64xf32, #tpu.memory_space<vmem_shared>>
      tpu.wait_indirect_dma semaphore(%arg18 : memref<!tpu.dma_semaphore, #tpu.memory_space<semaphore_mem>>) src(%arg8 : memref<128x64xf32, #tpu.memory_space<vmem>>) dst(%dma_wait3A_269 : memref<10000x64xf32, #tpu.memory_space<vmem_shared>>)
      %lt3A_270 = arith.constant 12 : i32
      %lt3A_271 = arith.cmpi slt, %add3A_149, %lt3A_270 : i32
      %convert_element_type3A_272 = arith.extui %lt3A_271 : i1 to i32
      %cond3A_273 = arith.constant 0 : i32
      %cond3A_274 = arith.cmpi ne, %convert_element_type3A_272, %cond3A_273 : i32
      scf.if %cond3A_274 {
        %add3A_275 = arith.constant 3 : i32
        %add3A_276 = arith.addi %mul3A_151, %add3A_275 : i32
        %add3A_277 = arith.constant 2 : i32
        %add3A_278 = arith.addi %add3A_276, %add3A_277 : i32
        %dma_start3A_279 = arith.constant 0 : i32
        %dma_start3A_280 = tpu.memref_slice %arg5[%add3A_278, %dma_start3A_279] : memref<53x128xi32, #tpu.memory_space<vmem>> -> memref<1x128xi32, #tpu.memory_space<vmem>>
        %dma_start3A_281 = tpu.memref_squeeze %dma_start3A_280 : memref<1x128xi32, #tpu.memory_space<vmem>> -> memref<128xi32, #tpu.memory_space<vmem>>
        %dma_start3A_282 = arith.constant 0 : i32
        %dma_start3A_283 = arith.constant 0 : i32
        %dma_start3A_284 = tpu.memref_slice %arg11[%dma_start3A_282, %dma_start3A_283] : memref<10000x64xf32, #tpu.memory_space<vmem_shared>> -> memref<10000x64xf32, #tpu.memory_space<vmem_shared>>
        tpu.enqueue_indirect_dma source(%dma_start3A_284 : memref<10000x64xf32, #tpu.memory_space<vmem_shared>>) target(%arg8 : memref<128x64xf32, #tpu.memory_space<vmem>>) offsets(%dma_start3A_281 : memref<128xi32, #tpu.memory_space<vmem>>) semaphore(%arg14 : memref<!tpu.dma_semaphore, #tpu.memory_space<semaphore_mem>>)
      } else {
      }
    }
    %scan3A_52 = arith.constant 13 : i32
    %dma_wait3A = arith.constant 50 : i32
    %dma_wait3A_53 = arith.constant 0 : i32
    %dma_wait3A_54 = tpu.memref_slice %arg6[%dma_wait3A, %dma_wait3A_53] : memref<53x128xi32, #tpu.memory_space<vmem>> -> memref<1x128xi32, #tpu.memory_space<vmem>>
    %dma_wait3A_55 = tpu.memref_squeeze %dma_wait3A_54 : memref<1x128xi32, #tpu.memory_space<vmem>> -> memref<128xi32, #tpu.memory_space<vmem>>
    %dma_wait3A_56 = arith.constant 0 : i32
    %dma_wait3A_57 = arith.constant 0 : i32
    %dma_wait3A_58 = tpu.memref_slice %arg12[%dma_wait3A_56, %dma_wait3A_57] : memref<10000x64xf32, #tpu.memory_space<vmem_shared>> -> memref<10000x64xf32, #tpu.memory_space<vmem_shared>>
    tpu.wait_indirect_dma semaphore(%arg19 : memref<!tpu.dma_semaphore, #tpu.memory_space<semaphore_mem>>) src(%arg9 : memref<128x64xf32, #tpu.memory_space<vmem>>) dst(%dma_wait3A_58 : memref<10000x64xf32, #tpu.memory_space<vmem_shared>>)
    %dma_wait3A_59 = arith.constant 51 : i32
    %dma_wait3A_60 = arith.constant 0 : i32
    %dma_wait3A_61 = tpu.memref_slice %arg6[%dma_wait3A_59, %dma_wait3A_60] : memref<53x128xi32, #tpu.memory_space<vmem>> -> memref<1x128xi32, #tpu.memory_space<vmem>>
    %dma_wait3A_62 = tpu.memref_squeeze %dma_wait3A_61 : memref<1x128xi32, #tpu.memory_space<vmem>> -> memref<128xi32, #tpu.memory_space<vmem>>
    %dma_wait3A_63 = arith.constant 0 : i32
    %dma_wait3A_64 = arith.constant 0 : i32
    %dma_wait3A_65 = tpu.memref_slice %arg12[%dma_wait3A_63, %dma_wait3A_64] : memref<10000x64xf32, #tpu.memory_space<vmem_shared>> -> memref<10000x64xf32, #tpu.memory_space<vmem_shared>>
    tpu.wait_indirect_dma semaphore(%arg20 : memref<!tpu.dma_semaphore, #tpu.memory_space<semaphore_mem>>) src(%arg10 : memref<128x64xf32, #tpu.memory_space<vmem>>) dst(%dma_wait3A_65 : memref<10000x64xf32, #tpu.memory_space<vmem_shared>>)
    %add3A_66 = arith.constant 52 : i32
    %add3A_67 = arith.addi %add3A, %add3A_66 : i32
    %run_scoped3A_68 = arith.constant 0 : i32
    "tpu.region"() ({
      %run_scoped3A_145 = tpu.sem_alloc : memref<!tpu.dma_semaphore, #tpu.memory_space<semaphore_mem>>
      %dma_start3A_146 = arith.constant 0 : i32
      %dma_start3A_147 = arith.constant 0 : i32
      %dma_start3A_148 = tpu.memref_slice %arg5[%dma_start3A_146, %dma_start3A_147] : memref<53x128xi32, #tpu.memory_space<vmem>> -> memref<52x128xi32, #tpu.memory_space<vmem>>
      %dma_start3A_149 = arith.constant 0 : i32
      %dma_start3A_150 = tpu.memref_slice %arg3[%run_scoped3A_68, %add3A_67, %dma_start3A_149] : memref<2x2500x128xi32, #tpu.memory_space<hbm>> -> memref<1x52x128xi32, #tpu.memory_space<hbm>>
      %dma_start3A_151 = tpu.memref_squeeze %dma_start3A_150 : memref<1x52x128xi32, #tpu.memory_space<hbm>> -> memref<52x128xi32, #tpu.memory_space<hbm>>
      %dma_start3A_152 = arith.constant 0 : i32
      %dma_start3A_153 = arith.constant 0 : i32
      %dma_start3A_154 = tpu.memref_slice %arg5[%dma_start3A_152, %dma_start3A_153] : memref<53x128xi32, #tpu.memory_space<vmem>> -> memref<52x128xi32, #tpu.memory_space<vmem>>
      %dma_start3A_155 = arith.constant 0 : i32
      %dma_start3A_156 = tpu.memref_slice %arg3[%run_scoped3A_68, %add3A_67, %dma_start3A_155] : memref<2x2500x128xi32, #tpu.memory_space<hbm>> -> memref<1x52x128xi32, #tpu.memory_space<hbm>>
      %dma_start3A_157 = tpu.memref_squeeze %dma_start3A_156 : memref<1x52x128xi32, #tpu.memory_space<hbm>> -> memref<52x128xi32, #tpu.memory_space<hbm>>
      tpu.enqueue_dma source(%dma_start3A_157 : memref<52x128xi32, #tpu.memory_space<hbm>>) target(%dma_start3A_154 : memref<52x128xi32, #tpu.memory_space<vmem>>) target_semaphore(%run_scoped3A_145 : memref<!tpu.dma_semaphore, #tpu.memory_space<semaphore_mem>>)
      %dma_wait3A_158 = arith.constant 0 : i32
      %dma_wait3A_159 = arith.constant 0 : i32
      %dma_wait3A_160 = tpu.memref_slice %arg5[%dma_wait3A_158, %dma_wait3A_159] : memref<53x128xi32, #tpu.memory_space<vmem>> -> memref<52x128xi32, #tpu.memory_space<vmem>>
      %dma_wait3A_161 = arith.constant 0 : i32
      %dma_wait3A_162 = tpu.memref_slice %arg3[%run_scoped3A_68, %add3A_67, %dma_wait3A_161] : memref<2x2500x128xi32, #tpu.memory_space<hbm>> -> memref<1x52x128xi32, #tpu.memory_space<hbm>>
      %dma_wait3A_163 = tpu.memref_squeeze %dma_wait3A_162 : memref<1x52x128xi32, #tpu.memory_space<hbm>> -> memref<52x128xi32, #tpu.memory_space<hbm>>
      %dma_wait3A_164 = arith.constant 0 : i32
      %dma_wait3A_165 = arith.constant 0 : i32
      %dma_wait3A_166 = tpu.memref_slice %arg5[%dma_wait3A_164, %dma_wait3A_165] : memref<53x128xi32, #tpu.memory_space<vmem>> -> memref<52x128xi32, #tpu.memory_space<vmem>>
      %dma_wait3A_167 = arith.constant 0 : i32
      %dma_wait3A_168 = tpu.memref_slice %arg3[%run_scoped3A_68, %add3A_67, %dma_wait3A_167] : memref<2x2500x128xi32, #tpu.memory_space<hbm>> -> memref<1x52x128xi32, #tpu.memory_space<hbm>>
      %dma_wait3A_169 = tpu.memref_squeeze %dma_wait3A_168 : memref<1x52x128xi32, #tpu.memory_space<hbm>> -> memref<52x128xi32, #tpu.memory_space<hbm>>
      tpu.wait_dma2 semaphore(%run_scoped3A_145 : memref<!tpu.dma_semaphore, #tpu.memory_space<semaphore_mem>>) src(%dma_wait3A_169 : memref<52x128xi32, #tpu.memory_space<hbm>>) dst(%dma_wait3A_166 : memref<52x128xi32, #tpu.memory_space<vmem>>)
      tpu.yield
    }) : () -> ()
    %run_scoped3A_69 = arith.constant 1 : i32
    "tpu.region"() ({
      %run_scoped3A_145 = tpu.sem_alloc : memref<!tpu.dma_semaphore, #tpu.memory_space<semaphore_mem>>
      %dma_start3A_146 = arith.constant 0 : i32
      %dma_start3A_147 = arith.constant 0 : i32
      %dma_start3A_148 = tpu.memref_slice %arg6[%dma_start3A_146, %dma_start3A_147] : memref<53x128xi32, #tpu.memory_space<vmem>> -> memref<52x128xi32, #tpu.memory_space<vmem>>
      %dma_start3A_149 = arith.constant 0 : i32
      %dma_start3A_150 = tpu.memref_slice %arg3[%run_scoped3A_69, %add3A_67, %dma_start3A_149] : memref<2x2500x128xi32, #tpu.memory_space<hbm>> -> memref<1x52x128xi32, #tpu.memory_space<hbm>>
      %dma_start3A_151 = tpu.memref_squeeze %dma_start3A_150 : memref<1x52x128xi32, #tpu.memory_space<hbm>> -> memref<52x128xi32, #tpu.memory_space<hbm>>
      %dma_start3A_152 = arith.constant 0 : i32
      %dma_start3A_153 = arith.constant 0 : i32
      %dma_start3A_154 = tpu.memref_slice %arg6[%dma_start3A_152, %dma_start3A_153] : memref<53x128xi32, #tpu.memory_space<vmem>> -> memref<52x128xi32, #tpu.memory_space<vmem>>
      %dma_start3A_155 = arith.constant 0 : i32
      %dma_start3A_156 = tpu.memref_slice %arg3[%run_scoped3A_69, %add3A_67, %dma_start3A_155] : memref<2x2500x128xi32, #tpu.memory_space<hbm>> -> memref<1x52x128xi32, #tpu.memory_space<hbm>>
      %dma_start3A_157 = tpu.memref_squeeze %dma_start3A_156 : memref<1x52x128xi32, #tpu.memory_space<hbm>> -> memref<52x128xi32, #tpu.memory_space<hbm>>
      tpu.enqueue_dma source(%dma_start3A_157 : memref<52x128xi32, #tpu.memory_space<hbm>>) target(%dma_start3A_154 : memref<52x128xi32, #tpu.memory_space<vmem>>) target_semaphore(%run_scoped3A_145 : memref<!tpu.dma_semaphore, #tpu.memory_space<semaphore_mem>>)
      %dma_wait3A_158 = arith.constant 0 : i32
      %dma_wait3A_159 = arith.constant 0 : i32
      %dma_wait3A_160 = tpu.memref_slice %arg6[%dma_wait3A_158, %dma_wait3A_159] : memref<53x128xi32, #tpu.memory_space<vmem>> -> memref<52x128xi32, #tpu.memory_space<vmem>>
      %dma_wait3A_161 = arith.constant 0 : i32
      %dma_wait3A_162 = tpu.memref_slice %arg3[%run_scoped3A_69, %add3A_67, %dma_wait3A_161] : memref<2x2500x128xi32, #tpu.memory_space<hbm>> -> memref<1x52x128xi32, #tpu.memory_space<hbm>>
      %dma_wait3A_163 = tpu.memref_squeeze %dma_wait3A_162 : memref<1x52x128xi32, #tpu.memory_space<hbm>> -> memref<52x128xi32, #tpu.memory_space<hbm>>
      %dma_wait3A_164 = arith.constant 0 : i32
      %dma_wait3A_165 = arith.constant 0 : i32
      %dma_wait3A_166 = tpu.memref_slice %arg6[%dma_wait3A_164, %dma_wait3A_165] : memref<53x128xi32, #tpu.memory_space<vmem>> -> memref<52x128xi32, #tpu.memory_space<vmem>>
      %dma_wait3A_167 = arith.constant 0 : i32
      %dma_wait3A_168 = tpu.memref_slice %arg3[%run_scoped3A_69, %add3A_67, %dma_wait3A_167] : memref<2x2500x128xi32, #tpu.memory_space<hbm>> -> memref<1x52x128xi32, #tpu.memory_space<hbm>>
      %dma_wait3A_169 = tpu.memref_squeeze %dma_wait3A_168 : memref<1x52x128xi32, #tpu.memory_space<hbm>> -> memref<52x128xi32, #tpu.memory_space<hbm>>
      tpu.wait_dma2 semaphore(%run_scoped3A_145 : memref<!tpu.dma_semaphore, #tpu.memory_space<semaphore_mem>>) src(%dma_wait3A_169 : memref<52x128xi32, #tpu.memory_space<hbm>>) dst(%dma_wait3A_166 : memref<52x128xi32, #tpu.memory_space<vmem>>)
      tpu.yield
    }) : () -> ()
    %dma_start3A_70 = arith.constant 0 : i32
    %dma_start3A_71 = arith.constant 0 : i32
    %dma_start3A_72 = tpu.memref_slice %arg5[%dma_start3A_70, %dma_start3A_71] : memref<53x128xi32, #tpu.memory_space<vmem>> -> memref<1x128xi32, #tpu.memory_space<vmem>>
    %dma_start3A_73 = tpu.memref_squeeze %dma_start3A_72 : memref<1x128xi32, #tpu.memory_space<vmem>> -> memref<128xi32, #tpu.memory_space<vmem>>
    %dma_start3A_74 = arith.constant 0 : i32
    %dma_start3A_75 = arith.constant 0 : i32
    %dma_start3A_76 = tpu.memref_slice %arg11[%dma_start3A_74, %dma_start3A_75] : memref<10000x64xf32, #tpu.memory_space<vmem_shared>> -> memref<10000x64xf32, #tpu.memory_space<vmem_shared>>
    tpu.enqueue_indirect_dma source(%dma_start3A_76 : memref<10000x64xf32, #tpu.memory_space<vmem_shared>>) target(%arg7 : memref<128x64xf32, #tpu.memory_space<vmem>>) offsets(%dma_start3A_73 : memref<128xi32, #tpu.memory_space<vmem>>) semaphore(%arg13 : memref<!tpu.dma_semaphore, #tpu.memory_space<semaphore_mem>>)
    %dma_start3A_77 = arith.constant 1 : i32
    %dma_start3A_78 = arith.constant 0 : i32
    %dma_start3A_79 = tpu.memref_slice %arg5[%dma_start3A_77, %dma_start3A_78] : memref<53x128xi32, #tpu.memory_space<vmem>> -> memref<1x128xi32, #tpu.memory_space<vmem>>
    %dma_start3A_80 = tpu.memref_squeeze %dma_start3A_79 : memref<1x128xi32, #tpu.memory_space<vmem>> -> memref<128xi32, #tpu.memory_space<vmem>>
    %dma_start3A_81 = arith.constant 0 : i32
    %dma_start3A_82 = arith.constant 0 : i32
    %dma_start3A_83 = tpu.memref_slice %arg11[%dma_start3A_81, %dma_start3A_82] : memref<10000x64xf32, #tpu.memory_space<vmem_shared>> -> memref<10000x64xf32, #tpu.memory_space<vmem_shared>>
    tpu.enqueue_indirect_dma source(%dma_start3A_83 : memref<10000x64xf32, #tpu.memory_space<vmem_shared>>) target(%arg8 : memref<128x64xf32, #tpu.memory_space<vmem>>) offsets(%dma_start3A_80 : memref<128xi32, #tpu.memory_space<vmem>>) semaphore(%arg14 : memref<!tpu.dma_semaphore, #tpu.memory_space<semaphore_mem>>)
    %scan3A_84 = arith.constant 0 : i32
    %scan3A_85 = arith.constant 13 : i32
    %scan3A_86 = arith.addi %scan3A_84, %scan3A_85 : i32
    %scan3A_87 = arith.constant 1 : i32
    scf.for %scan3A_145 = %scan3A_84 to %scan3A_86 step %scan3A_87  : i32 {
      %mul3A_146 = arith.constant 1 : i32
      %mul3A_147 = arith.muli %scan3A_145, %mul3A_146 : i32
      %add3A_148 = arith.constant 0 : i32
      %add3A_149 = arith.addi %add3A_148, %mul3A_147 : i32
      %mul3A_150 = arith.constant 4 : i32
      %mul3A_151 = arith.muli %mul3A_150, %add3A_149 : i32
      %add3A_152 = arith.constant 0 : i32
      %add3A_153 = arith.addi %mul3A_151, %add3A_152 : i32
      %dma_wait3A_154 = arith.constant 0 : i32
      %dma_wait3A_155 = tpu.memref_slice %arg5[%add3A_153, %dma_wait3A_154] : memref<53x128xi32, #tpu.memory_space<vmem>> -> memref<1x128xi32, #tpu.memory_space<vmem>>
      %dma_wait3A_156 = tpu.memref_squeeze %dma_wait3A_155 : memref<1x128xi32, #tpu.memory_space<vmem>> -> memref<128xi32, #tpu.memory_space<vmem>>
      %dma_wait3A_157 = arith.constant 0 : i32
      %dma_wait3A_158 = arith.constant 0 : i32
      %dma_wait3A_159 = tpu.memref_slice %arg11[%dma_wait3A_157, %dma_wait3A_158] : memref<10000x64xf32, #tpu.memory_space<vmem_shared>> -> memref<10000x64xf32, #tpu.memory_space<vmem_shared>>
      tpu.wait_indirect_dma semaphore(%arg13 : memref<!tpu.dma_semaphore, #tpu.memory_space<semaphore_mem>>) src(%dma_wait3A_159 : memref<10000x64xf32, #tpu.memory_space<vmem_shared>>) dst(%arg7 : memref<128x64xf32, #tpu.memory_space<vmem>>)
      %add3A_160 = arith.constant 0 : i32
      %add3A_161 = arith.addi %mul3A_151, %add3A_160 : i32
      %dma_start3A_162 = arith.constant 0 : i32
      %dma_start3A_163 = tpu.memref_slice %arg6[%add3A_161, %dma_start3A_162] : memref<53x128xi32, #tpu.memory_space<vmem>> -> memref<1x128xi32, #tpu.memory_space<vmem>>
      %dma_start3A_164 = tpu.memref_squeeze %dma_start3A_163 : memref<1x128xi32, #tpu.memory_space<vmem>> -> memref<128xi32, #tpu.memory_space<vmem>>
      %dma_start3A_165 = arith.constant 0 : i32
      %dma_start3A_166 = arith.constant 0 : i32
      %dma_start3A_167 = tpu.memref_slice %arg12[%dma_start3A_165, %dma_start3A_166] : memref<10000x64xf32, #tpu.memory_space<vmem_shared>> -> memref<10000x64xf32, #tpu.memory_space<vmem_shared>>
      tpu.enqueue_indirect_dma source(%arg7 : memref<128x64xf32, #tpu.memory_space<vmem>>) target(%dma_start3A_167 : memref<10000x64xf32, #tpu.memory_space<vmem_shared>>) offsets(%dma_start3A_164 : memref<128xi32, #tpu.memory_space<vmem>>) semaphore(%arg17 : memref<!tpu.dma_semaphore, #tpu.memory_space<semaphore_mem>>) {add = true}
      %gt3A = arith.constant 0 : i32
      %gt3A_168 = arith.cmpi sgt, %add3A_149, %gt3A : i32
      %convert_element_type3A_169 = arith.extui %gt3A_168 : i1 to i32
      %cond3A_170 = arith.constant 0 : i32
      %cond3A_171 = arith.cmpi ne, %convert_element_type3A_169, %cond3A_170 : i32
      scf.if %cond3A_171 {
        %add3A_275 = arith.constant 0 : i32
        %add3A_276 = arith.addi %mul3A_151, %add3A_275 : i32
        %sub3A_277 = arith.constant 2 : i32
        %sub3A_278 = arith.subi %add3A_276, %sub3A_277 : i32
        %dma_wait3A_279 = arith.constant 0 : i32
        %dma_wait3A_280 = tpu.memref_slice %arg6[%sub3A_278, %dma_wait3A_279] : memref<53x128xi32, #tpu.memory_space<vmem>> -> memref<1x128xi32, #tpu.memory_space<vmem>>
        %dma_wait3A_281 = tpu.memref_squeeze %dma_wait3A_280 : memref<1x128xi32, #tpu.memory_space<vmem>> -> memref<128xi32, #tpu.memory_space<vmem>>
        %dma_wait3A_282 = arith.constant 0 : i32
        %dma_wait3A_283 = arith.constant 0 : i32
        %dma_wait3A_284 = tpu.memref_slice %arg12[%dma_wait3A_282, %dma_wait3A_283] : memref<10000x64xf32, #tpu.memory_space<vmem_shared>> -> memref<10000x64xf32, #tpu.memory_space<vmem_shared>>
        tpu.wait_indirect_dma semaphore(%arg19 : memref<!tpu.dma_semaphore, #tpu.memory_space<semaphore_mem>>) src(%arg9 : memref<128x64xf32, #tpu.memory_space<vmem>>) dst(%dma_wait3A_284 : memref<10000x64xf32, #tpu.memory_space<vmem_shared>>)
      } else {
      }
      %add3A_172 = arith.constant 0 : i32
      %add3A_173 = arith.addi %mul3A_151, %add3A_172 : i32
      %add3A_174 = arith.constant 2 : i32
      %add3A_175 = arith.addi %add3A_173, %add3A_174 : i32
      %dma_start3A_176 = arith.constant 0 : i32
      %dma_start3A_177 = tpu.memref_slice %arg5[%add3A_175, %dma_start3A_176] : memref<53x128xi32, #tpu.memory_space<vmem>> -> memref<1x128xi32, #tpu.memory_space<vmem>>
      %dma_start3A_178 = tpu.memref_squeeze %dma_start3A_177 : memref<1x128xi32, #tpu.memory_space<vmem>> -> memref<128xi32, #tpu.memory_space<vmem>>
      %dma_start3A_179 = arith.constant 0 : i32
      %dma_start3A_180 = arith.constant 0 : i32
      %dma_start3A_181 = tpu.memref_slice %arg11[%dma_start3A_179, %dma_start3A_180] : memref<10000x64xf32, #tpu.memory_space<vmem_shared>> -> memref<10000x64xf32, #tpu.memory_space<vmem_shared>>
      tpu.enqueue_indirect_dma source(%dma_start3A_181 : memref<10000x64xf32, #tpu.memory_space<vmem_shared>>) target(%arg9 : memref<128x64xf32, #tpu.memory_space<vmem>>) offsets(%dma_start3A_178 : memref<128xi32, #tpu.memory_space<vmem>>) semaphore(%arg15 : memref<!tpu.dma_semaphore, #tpu.memory_space<semaphore_mem>>)
      %add3A_182 = arith.constant 1 : i32
      %add3A_183 = arith.addi %mul3A_151, %add3A_182 : i32
      %dma_wait3A_184 = arith.constant 0 : i32
      %dma_wait3A_185 = tpu.memref_slice %arg5[%add3A_183, %dma_wait3A_184] : memref<53x128xi32, #tpu.memory_space<vmem>> -> memref<1x128xi32, #tpu.memory_space<vmem>>
      %dma_wait3A_186 = tpu.memref_squeeze %dma_wait3A_185 : memref<1x128xi32, #tpu.memory_space<vmem>> -> memref<128xi32, #tpu.memory_space<vmem>>
      %dma_wait3A_187 = arith.constant 0 : i32
      %dma_wait3A_188 = arith.constant 0 : i32
      %dma_wait3A_189 = tpu.memref_slice %arg11[%dma_wait3A_187, %dma_wait3A_188] : memref<10000x64xf32, #tpu.memory_space<vmem_shared>> -> memref<10000x64xf32, #tpu.memory_space<vmem_shared>>
      tpu.wait_indirect_dma semaphore(%arg14 : memref<!tpu.dma_semaphore, #tpu.memory_space<semaphore_mem>>) src(%dma_wait3A_189 : memref<10000x64xf32, #tpu.memory_space<vmem_shared>>) dst(%arg8 : memref<128x64xf32, #tpu.memory_space<vmem>>)
      %add3A_190 = arith.constant 1 : i32
      %add3A_191 = arith.addi %mul3A_151, %add3A_190 : i32
      %dma_start3A_192 = arith.constant 0 : i32
      %dma_start3A_193 = tpu.memref_slice %arg6[%add3A_191, %dma_start3A_192] : memref<53x128xi32, #tpu.memory_space<vmem>> -> memref<1x128xi32, #tpu.memory_space<vmem>>
      %dma_start3A_194 = tpu.memref_squeeze %dma_start3A_193 : memref<1x128xi32, #tpu.memory_space<vmem>> -> memref<128xi32, #tpu.memory_space<vmem>>
      %dma_start3A_195 = arith.constant 0 : i32
      %dma_start3A_196 = arith.constant 0 : i32
      %dma_start3A_197 = tpu.memref_slice %arg12[%dma_start3A_195, %dma_start3A_196] : memref<10000x64xf32, #tpu.memory_space<vmem_shared>> -> memref<10000x64xf32, #tpu.memory_space<vmem_shared>>
      tpu.enqueue_indirect_dma source(%arg8 : memref<128x64xf32, #tpu.memory_space<vmem>>) target(%dma_start3A_197 : memref<10000x64xf32, #tpu.memory_space<vmem_shared>>) offsets(%dma_start3A_194 : memref<128xi32, #tpu.memory_space<vmem>>) semaphore(%arg18 : memref<!tpu.dma_semaphore, #tpu.memory_space<semaphore_mem>>) {add = true}
      %gt3A_198 = arith.constant 0 : i32
      %gt3A_199 = arith.cmpi sgt, %add3A_149, %gt3A_198 : i32
      %convert_element_type3A_200 = arith.extui %gt3A_199 : i1 to i32
      %cond3A_201 = arith.constant 0 : i32
      %cond3A_202 = arith.cmpi ne, %convert_element_type3A_200, %cond3A_201 : i32
      scf.if %cond3A_202 {
        %add3A_275 = arith.constant 1 : i32
        %add3A_276 = arith.addi %mul3A_151, %add3A_275 : i32
        %sub3A_277 = arith.constant 2 : i32
        %sub3A_278 = arith.subi %add3A_276, %sub3A_277 : i32
        %dma_wait3A_279 = arith.constant 0 : i32
        %dma_wait3A_280 = tpu.memref_slice %arg6[%sub3A_278, %dma_wait3A_279] : memref<53x128xi32, #tpu.memory_space<vmem>> -> memref<1x128xi32, #tpu.memory_space<vmem>>
        %dma_wait3A_281 = tpu.memref_squeeze %dma_wait3A_280 : memref<1x128xi32, #tpu.memory_space<vmem>> -> memref<128xi32, #tpu.memory_space<vmem>>
        %dma_wait3A_282 = arith.constant 0 : i32
        %dma_wait3A_283 = arith.constant 0 : i32
        %dma_wait3A_284 = tpu.memref_slice %arg12[%dma_wait3A_282, %dma_wait3A_283] : memref<10000x64xf32, #tpu.memory_space<vmem_shared>> -> memref<10000x64xf32, #tpu.memory_space<vmem_shared>>
        tpu.wait_indirect_dma semaphore(%arg20 : memref<!tpu.dma_semaphore, #tpu.memory_space<semaphore_mem>>) src(%arg10 : memref<128x64xf32, #tpu.memory_space<vmem>>) dst(%dma_wait3A_284 : memref<10000x64xf32, #tpu.memory_space<vmem_shared>>)
      } else {
      }
      %add3A_203 = arith.constant 1 : i32
      %add3A_204 = arith.addi %mul3A_151, %add3A_203 : i32
      %add3A_205 = arith.constant 2 : i32
      %add3A_206 = arith.addi %add3A_204, %add3A_205 : i32
      %dma_start3A_207 = arith.constant 0 : i32
      %dma_start3A_208 = tpu.memref_slice %arg5[%add3A_206, %dma_start3A_207] : memref<53x128xi32, #tpu.memory_space<vmem>> -> memref<1x128xi32, #tpu.memory_space<vmem>>
      %dma_start3A_209 = tpu.memref_squeeze %dma_start3A_208 : memref<1x128xi32, #tpu.memory_space<vmem>> -> memref<128xi32, #tpu.memory_space<vmem>>
      %dma_start3A_210 = arith.constant 0 : i32
      %dma_start3A_211 = arith.constant 0 : i32
      %dma_start3A_212 = tpu.memref_slice %arg11[%dma_start3A_210, %dma_start3A_211] : memref<10000x64xf32, #tpu.memory_space<vmem_shared>> -> memref<10000x64xf32, #tpu.memory_space<vmem_shared>>
      tpu.enqueue_indirect_dma source(%dma_start3A_212 : memref<10000x64xf32, #tpu.memory_space<vmem_shared>>) target(%arg10 : memref<128x64xf32, #tpu.memory_space<vmem>>) offsets(%dma_start3A_209 : memref<128xi32, #tpu.memory_space<vmem>>) semaphore(%arg16 : memref<!tpu.dma_semaphore, #tpu.memory_space<semaphore_mem>>)
      %add3A_213 = arith.constant 2 : i32
      %add3A_214 = arith.addi %mul3A_151, %add3A_213 : i32
      %dma_wait3A_215 = arith.constant 0 : i32
      %dma_wait3A_216 = tpu.memref_slice %arg5[%add3A_214, %dma_wait3A_215] : memref<53x128xi32, #tpu.memory_space<vmem>> -> memref<1x128xi32, #tpu.memory_space<vmem>>
      %dma_wait3A_217 = tpu.memref_squeeze %dma_wait3A_216 : memref<1x128xi32, #tpu.memory_space<vmem>> -> memref<128xi32, #tpu.memory_space<vmem>>
      %dma_wait3A_218 = arith.constant 0 : i32
      %dma_wait3A_219 = arith.constant 0 : i32
      %dma_wait3A_220 = tpu.memref_slice %arg11[%dma_wait3A_218, %dma_wait3A_219] : memref<10000x64xf32, #tpu.memory_space<vmem_shared>> -> memref<10000x64xf32, #tpu.memory_space<vmem_shared>>
      tpu.wait_indirect_dma semaphore(%arg15 : memref<!tpu.dma_semaphore, #tpu.memory_space<semaphore_mem>>) src(%dma_wait3A_220 : memref<10000x64xf32, #tpu.memory_space<vmem_shared>>) dst(%arg9 : memref<128x64xf32, #tpu.memory_space<vmem>>)
      %add3A_221 = arith.constant 2 : i32
      %add3A_222 = arith.addi %mul3A_151, %add3A_221 : i32
      %dma_start3A_223 = arith.constant 0 : i32
      %dma_start3A_224 = tpu.memref_slice %arg6[%add3A_222, %dma_start3A_223] : memref<53x128xi32, #tpu.memory_space<vmem>> -> memref<1x128xi32, #tpu.memory_space<vmem>>
      %dma_start3A_225 = tpu.memref_squeeze %dma_start3A_224 : memref<1x128xi32, #tpu.memory_space<vmem>> -> memref<128xi32, #tpu.memory_space<vmem>>
      %dma_start3A_226 = arith.constant 0 : i32
      %dma_start3A_227 = arith.constant 0 : i32
      %dma_start3A_228 = tpu.memref_slice %arg12[%dma_start3A_226, %dma_start3A_227] : memref<10000x64xf32, #tpu.memory_space<vmem_shared>> -> memref<10000x64xf32, #tpu.memory_space<vmem_shared>>
      tpu.enqueue_indirect_dma source(%arg9 : memref<128x64xf32, #tpu.memory_space<vmem>>) target(%dma_start3A_228 : memref<10000x64xf32, #tpu.memory_space<vmem_shared>>) offsets(%dma_start3A_225 : memref<128xi32, #tpu.memory_space<vmem>>) semaphore(%arg19 : memref<!tpu.dma_semaphore, #tpu.memory_space<semaphore_mem>>) {add = true}
      %add3A_229 = arith.constant 2 : i32
      %add3A_230 = arith.addi %mul3A_151, %add3A_229 : i32
      %sub3A_231 = arith.constant 2 : i32
      %sub3A_232 = arith.subi %add3A_230, %sub3A_231 : i32
      %dma_wait3A_233 = arith.constant 0 : i32
      %dma_wait3A_234 = tpu.memref_slice %arg6[%sub3A_232, %dma_wait3A_233] : memref<53x128xi32, #tpu.memory_space<vmem>> -> memref<1x128xi32, #tpu.memory_space<vmem>>
      %dma_wait3A_235 = tpu.memref_squeeze %dma_wait3A_234 : memref<1x128xi32, #tpu.memory_space<vmem>> -> memref<128xi32, #tpu.memory_space<vmem>>
      %dma_wait3A_236 = arith.constant 0 : i32
      %dma_wait3A_237 = arith.constant 0 : i32
      %dma_wait3A_238 = tpu.memref_slice %arg12[%dma_wait3A_236, %dma_wait3A_237] : memref<10000x64xf32, #tpu.memory_space<vmem_shared>> -> memref<10000x64xf32, #tpu.memory_space<vmem_shared>>
      tpu.wait_indirect_dma semaphore(%arg17 : memref<!tpu.dma_semaphore, #tpu.memory_space<semaphore_mem>>) src(%arg7 : memref<128x64xf32, #tpu.memory_space<vmem>>) dst(%dma_wait3A_238 : memref<10000x64xf32, #tpu.memory_space<vmem_shared>>)
      %lt3A_239 = arith.constant 12 : i32
      %lt3A_240 = arith.cmpi slt, %add3A_149, %lt3A_239 : i32
      %convert_element_type3A_241 = arith.extui %lt3A_240 : i1 to i32
      %cond3A_242 = arith.constant 0 : i32
      %cond3A_243 = arith.cmpi ne, %convert_element_type3A_241, %cond3A_242 : i32
      scf.if %cond3A_243 {
        %add3A_275 = arith.constant 2 : i32
        %add3A_276 = arith.addi %mul3A_151, %add3A_275 : i32
        %add3A_277 = arith.constant 2 : i32
        %add3A_278 = arith.addi %add3A_276, %add3A_277 : i32
        %dma_start3A_279 = arith.constant 0 : i32
        %dma_start3A_280 = tpu.memref_slice %arg5[%add3A_278, %dma_start3A_279] : memref<53x128xi32, #tpu.memory_space<vmem>> -> memref<1x128xi32, #tpu.memory_space<vmem>>
        %dma_start3A_281 = tpu.memref_squeeze %dma_start3A_280 : memref<1x128xi32, #tpu.memory_space<vmem>> -> memref<128xi32, #tpu.memory_space<vmem>>
        %dma_start3A_282 = arith.constant 0 : i32
        %dma_start3A_283 = arith.constant 0 : i32
        %dma_start3A_284 = tpu.memref_slice %arg11[%dma_start3A_282, %dma_start3A_283] : memref<10000x64xf32, #tpu.memory_space<vmem_shared>> -> memref<10000x64xf32, #tpu.memory_space<vmem_shared>>
        tpu.enqueue_indirect_dma source(%dma_start3A_284 : memref<10000x64xf32, #tpu.memory_space<vmem_shared>>) target(%arg7 : memref<128x64xf32, #tpu.memory_space<vmem>>) offsets(%dma_start3A_281 : memref<128xi32, #tpu.memory_space<vmem>>) semaphore(%arg13 : memref<!tpu.dma_semaphore, #tpu.memory_space<semaphore_mem>>)
      } else {
      }
      %add3A_244 = arith.constant 3 : i32
      %add3A_245 = arith.addi %mul3A_151, %add3A_244 : i32
      %dma_wait3A_246 = arith.constant 0 : i32
      %dma_wait3A_247 = tpu.memref_slice %arg5[%add3A_245, %dma_wait3A_246] : memref<53x128xi32, #tpu.memory_space<vmem>> -> memref<1x128xi32, #tpu.memory_space<vmem>>
      %dma_wait3A_248 = tpu.memref_squeeze %dma_wait3A_247 : memref<1x128xi32, #tpu.memory_space<vmem>> -> memref<128xi32, #tpu.memory_space<vmem>>
      %dma_wait3A_249 = arith.constant 0 : i32
      %dma_wait3A_250 = arith.constant 0 : i32
      %dma_wait3A_251 = tpu.memref_slice %arg11[%dma_wait3A_249, %dma_wait3A_250] : memref<10000x64xf32, #tpu.memory_space<vmem_shared>> -> memref<10000x64xf32, #tpu.memory_space<vmem_shared>>
      tpu.wait_indirect_dma semaphore(%arg16 : memref<!tpu.dma_semaphore, #tpu.memory_space<semaphore_mem>>) src(%dma_wait3A_251 : memref<10000x64xf32, #tpu.memory_space<vmem_shared>>) dst(%arg10 : memref<128x64xf32, #tpu.memory_space<vmem>>)
      %add3A_252 = arith.constant 3 : i32
      %add3A_253 = arith.addi %mul3A_151, %add3A_252 : i32
      %dma_start3A_254 = arith.constant 0 : i32
      %dma_start3A_255 = tpu.memref_slice %arg6[%add3A_253, %dma_start3A_254] : memref<53x128xi32, #tpu.memory_space<vmem>> -> memref<1x128xi32, #tpu.memory_space<vmem>>
      %dma_start3A_256 = tpu.memref_squeeze %dma_start3A_255 : memref<1x128xi32, #tpu.memory_space<vmem>> -> memref<128xi32, #tpu.memory_space<vmem>>
      %dma_start3A_257 = arith.constant 0 : i32
      %dma_start3A_258 = arith.constant 0 : i32
      %dma_start3A_259 = tpu.memref_slice %arg12[%dma_start3A_257, %dma_start3A_258] : memref<10000x64xf32, #tpu.memory_space<vmem_shared>> -> memref<10000x64xf32, #tpu.memory_space<vmem_shared>>
      tpu.enqueue_indirect_dma source(%arg10 : memref<128x64xf32, #tpu.memory_space<vmem>>) target(%dma_start3A_259 : memref<10000x64xf32, #tpu.memory_space<vmem_shared>>) offsets(%dma_start3A_256 : memref<128xi32, #tpu.memory_space<vmem>>) semaphore(%arg20 : memref<!tpu.dma_semaphore, #tpu.memory_space<semaphore_mem>>) {add = true}
      %add3A_260 = arith.constant 3 : i32
      %add3A_261 = arith.addi %mul3A_151, %add3A_260 : i32
      %sub3A_262 = arith.constant 2 : i32
      %sub3A_263 = arith.subi %add3A_261, %sub3A_262 : i32
      %dma_wait3A_264 = arith.constant 0 : i32
      %dma_wait3A_265 = tpu.memref_slice %arg6[%sub3A_263, %dma_wait3A_264] : memref<53x128xi32, #tpu.memory_space<vmem>> -> memref<1x128xi32, #tpu.memory_space<vmem>>
      %dma_wait3A_266 = tpu.memref_squeeze %dma_wait3A_265 : memref<1x128xi32, #tpu.memory_space<vmem>> -> memref<128xi32, #tpu.memory_space<vmem>>
      %dma_wait3A_267 = arith.constant 0 : i32
      %dma_wait3A_268 = arith.constant 0 : i32
      %dma_wait3A_269 = tpu.memref_slice %arg12[%dma_wait3A_267, %dma_wait3A_268] : memref<10000x64xf32, #tpu.memory_space<vmem_shared>> -> memref<10000x64xf32, #tpu.memory_space<vmem_shared>>
      tpu.wait_indirect_dma semaphore(%arg18 : memref<!tpu.dma_semaphore, #tpu.memory_space<semaphore_mem>>) src(%arg8 : memref<128x64xf32, #tpu.memory_space<vmem>>) dst(%dma_wait3A_269 : memref<10000x64xf32, #tpu.memory_space<vmem_shared>>)
      %lt3A_270 = arith.constant 12 : i32
      %lt3A_271 = arith.cmpi slt, %add3A_149, %lt3A_270 : i32
      %convert_element_type3A_272 = arith.extui %lt3A_271 : i1 to i32
      %cond3A_273 = arith.constant 0 : i32
      %cond3A_274 = arith.cmpi ne, %convert_element_type3A_272, %cond3A_273 : i32
      scf.if %cond3A_274 {
        %add3A_275 = arith.constant 3 : i32
        %add3A_276 = arith.addi %mul3A_151, %add3A_275 : i32
        %add3A_277 = arith.constant 2 : i32
        %add3A_278 = arith.addi %add3A_276, %add3A_277 : i32
        %dma_start3A_279 = arith.constant 0 : i32
        %dma_start3A_280 = tpu.memref_slice %arg5[%add3A_278, %dma_start3A_279] : memref<53x128xi32, #tpu.memory_space<vmem>> -> memref<1x128xi32, #tpu.memory_space<vmem>>
        %dma_start3A_281 = tpu.memref_squeeze %dma_start3A_280 : memref<1x128xi32, #tpu.memory_space<vmem>> -> memref<128xi32, #tpu.memory_space<vmem>>
        %dma_start3A_282 = arith.constant 0 : i32
        %dma_start3A_283 = arith.constant 0 : i32
        %dma_start3A_284 = tpu.memref_slice %arg11[%dma_start3A_282, %dma_start3A_283] : memref<10000x64xf32, #tpu.memory_space<vmem_shared>> -> memref<10000x64xf32, #tpu.memory_space<vmem_shared>>
        tpu.enqueue_indirect_dma source(%dma_start3A_284 : memref<10000x64xf32, #tpu.memory_space<vmem_shared>>) target(%arg8 : memref<128x64xf32, #tpu.memory_space<vmem>>) offsets(%dma_start3A_281 : memref<128xi32, #tpu.memory_space<vmem>>) semaphore(%arg14 : memref<!tpu.dma_semaphore, #tpu.memory_space<semaphore_mem>>)
      } else {
      }
    }
    %scan3A_88 = arith.constant 13 : i32
    %dma_wait3A_89 = arith.constant 50 : i32
    %dma_wait3A_90 = arith.constant 0 : i32
    %dma_wait3A_91 = tpu.memref_slice %arg6[%dma_wait3A_89, %dma_wait3A_90] : memref<53x128xi32, #tpu.memory_space<vmem>> -> memref<1x128xi32, #tpu.memory_space<vmem>>
    %dma_wait3A_92 = tpu.memref_squeeze %dma_wait3A_91 : memref<1x128xi32, #tpu.memory_space<vmem>> -> memref<128xi32, #tpu.memory_space<vmem>>
    %dma_wait3A_93 = arith.constant 0 : i32
    %dma_wait3A_94 = arith.constant 0 : i32
    %dma_wait3A_95 = tpu.memref_slice %arg12[%dma_wait3A_93, %dma_wait3A_94] : memref<10000x64xf32, #tpu.memory_space<vmem_shared>> -> memref<10000x64xf32, #tpu.memory_space<vmem_shared>>
    tpu.wait_indirect_dma semaphore(%arg19 : memref<!tpu.dma_semaphore, #tpu.memory_space<semaphore_mem>>) src(%arg9 : memref<128x64xf32, #tpu.memory_space<vmem>>) dst(%dma_wait3A_95 : memref<10000x64xf32, #tpu.memory_space<vmem_shared>>)
    %dma_wait3A_96 = arith.constant 51 : i32
    %dma_wait3A_97 = arith.constant 0 : i32
    %dma_wait3A_98 = tpu.memref_slice %arg6[%dma_wait3A_96, %dma_wait3A_97] : memref<53x128xi32, #tpu.memory_space<vmem>> -> memref<1x128xi32, #tpu.memory_space<vmem>>
    %dma_wait3A_99 = tpu.memref_squeeze %dma_wait3A_98 : memref<1x128xi32, #tpu.memory_space<vmem>> -> memref<128xi32, #tpu.memory_space<vmem>>
    %dma_wait3A_100 = arith.constant 0 : i32
    %dma_wait3A_101 = arith.constant 0 : i32
    %dma_wait3A_102 = tpu.memref_slice %arg12[%dma_wait3A_100, %dma_wait3A_101] : memref<10000x64xf32, #tpu.memory_space<vmem_shared>> -> memref<10000x64xf32, #tpu.memory_space<vmem_shared>>
    tpu.wait_indirect_dma semaphore(%arg20 : memref<!tpu.dma_semaphore, #tpu.memory_space<semaphore_mem>>) src(%arg10 : memref<128x64xf32, #tpu.memory_space<vmem>>) dst(%dma_wait3A_102 : memref<10000x64xf32, #tpu.memory_space<vmem_shared>>)
    %add3A_103 = arith.constant 104 : i32
    %add3A_104 = arith.addi %add3A, %add3A_103 : i32
    %run_scoped3A_105 = arith.constant 0 : i32
    "tpu.region"() ({
      %run_scoped3A_145 = tpu.sem_alloc : memref<!tpu.dma_semaphore, #tpu.memory_space<semaphore_mem>>
      %dma_start3A_146 = arith.constant 0 : i32
      %dma_start3A_147 = arith.constant 0 : i32
      %dma_start3A_148 = tpu.memref_slice %arg5[%dma_start3A_146, %dma_start3A_147] : memref<53x128xi32, #tpu.memory_space<vmem>> -> memref<52x128xi32, #tpu.memory_space<vmem>>
      %dma_start3A_149 = arith.constant 0 : i32
      %dma_start3A_150 = tpu.memref_slice %arg3[%run_scoped3A_105, %add3A_104, %dma_start3A_149] : memref<2x2500x128xi32, #tpu.memory_space<hbm>> -> memref<1x52x128xi32, #tpu.memory_space<hbm>>
      %dma_start3A_151 = tpu.memref_squeeze %dma_start3A_150 : memref<1x52x128xi32, #tpu.memory_space<hbm>> -> memref<52x128xi32, #tpu.memory_space<hbm>>
      %dma_start3A_152 = arith.constant 0 : i32
      %dma_start3A_153 = arith.constant 0 : i32
      %dma_start3A_154 = tpu.memref_slice %arg5[%dma_start3A_152, %dma_start3A_153] : memref<53x128xi32, #tpu.memory_space<vmem>> -> memref<52x128xi32, #tpu.memory_space<vmem>>
      %dma_start3A_155 = arith.constant 0 : i32
      %dma_start3A_156 = tpu.memref_slice %arg3[%run_scoped3A_105, %add3A_104, %dma_start3A_155] : memref<2x2500x128xi32, #tpu.memory_space<hbm>> -> memref<1x52x128xi32, #tpu.memory_space<hbm>>
      %dma_start3A_157 = tpu.memref_squeeze %dma_start3A_156 : memref<1x52x128xi32, #tpu.memory_space<hbm>> -> memref<52x128xi32, #tpu.memory_space<hbm>>
      tpu.enqueue_dma source(%dma_start3A_157 : memref<52x128xi32, #tpu.memory_space<hbm>>) target(%dma_start3A_154 : memref<52x128xi32, #tpu.memory_space<vmem>>) target_semaphore(%run_scoped3A_145 : memref<!tpu.dma_semaphore, #tpu.memory_space<semaphore_mem>>)
      %dma_wait3A_158 = arith.constant 0 : i32
      %dma_wait3A_159 = arith.constant 0 : i32
      %dma_wait3A_160 = tpu.memref_slice %arg5[%dma_wait3A_158, %dma_wait3A_159] : memref<53x128xi32, #tpu.memory_space<vmem>> -> memref<52x128xi32, #tpu.memory_space<vmem>>
      %dma_wait3A_161 = arith.constant 0 : i32
      %dma_wait3A_162 = tpu.memref_slice %arg3[%run_scoped3A_105, %add3A_104, %dma_wait3A_161] : memref<2x2500x128xi32, #tpu.memory_space<hbm>> -> memref<1x52x128xi32, #tpu.memory_space<hbm>>
      %dma_wait3A_163 = tpu.memref_squeeze %dma_wait3A_162 : memref<1x52x128xi32, #tpu.memory_space<hbm>> -> memref<52x128xi32, #tpu.memory_space<hbm>>
      %dma_wait3A_164 = arith.constant 0 : i32
      %dma_wait3A_165 = arith.constant 0 : i32
      %dma_wait3A_166 = tpu.memref_slice %arg5[%dma_wait3A_164, %dma_wait3A_165] : memref<53x128xi32, #tpu.memory_space<vmem>> -> memref<52x128xi32, #tpu.memory_space<vmem>>
      %dma_wait3A_167 = arith.constant 0 : i32
      %dma_wait3A_168 = tpu.memref_slice %arg3[%run_scoped3A_105, %add3A_104, %dma_wait3A_167] : memref<2x2500x128xi32, #tpu.memory_space<hbm>> -> memref<1x52x128xi32, #tpu.memory_space<hbm>>
      %dma_wait3A_169 = tpu.memref_squeeze %dma_wait3A_168 : memref<1x52x128xi32, #tpu.memory_space<hbm>> -> memref<52x128xi32, #tpu.memory_space<hbm>>
      tpu.wait_dma2 semaphore(%run_scoped3A_145 : memref<!tpu.dma_semaphore, #tpu.memory_space<semaphore_mem>>) src(%dma_wait3A_169 : memref<52x128xi32, #tpu.memory_space<hbm>>) dst(%dma_wait3A_166 : memref<52x128xi32, #tpu.memory_space<vmem>>)
      tpu.yield
    }) : () -> ()
    %run_scoped3A_106 = arith.constant 1 : i32
    "tpu.region"() ({
      %run_scoped3A_145 = tpu.sem_alloc : memref<!tpu.dma_semaphore, #tpu.memory_space<semaphore_mem>>
      %dma_start3A_146 = arith.constant 0 : i32
      %dma_start3A_147 = arith.constant 0 : i32
      %dma_start3A_148 = tpu.memref_slice %arg6[%dma_start3A_146, %dma_start3A_147] : memref<53x128xi32, #tpu.memory_space<vmem>> -> memref<52x128xi32, #tpu.memory_space<vmem>>
      %dma_start3A_149 = arith.constant 0 : i32
      %dma_start3A_150 = tpu.memref_slice %arg3[%run_scoped3A_106, %add3A_104, %dma_start3A_149] : memref<2x2500x128xi32, #tpu.memory_space<hbm>> -> memref<1x52x128xi32, #tpu.memory_space<hbm>>
      %dma_start3A_151 = tpu.memref_squeeze %dma_start3A_150 : memref<1x52x128xi32, #tpu.memory_space<hbm>> -> memref<52x128xi32, #tpu.memory_space<hbm>>
      %dma_start3A_152 = arith.constant 0 : i32
      %dma_start3A_153 = arith.constant 0 : i32
      %dma_start3A_154 = tpu.memref_slice %arg6[%dma_start3A_152, %dma_start3A_153] : memref<53x128xi32, #tpu.memory_space<vmem>> -> memref<52x128xi32, #tpu.memory_space<vmem>>
      %dma_start3A_155 = arith.constant 0 : i32
      %dma_start3A_156 = tpu.memref_slice %arg3[%run_scoped3A_106, %add3A_104, %dma_start3A_155] : memref<2x2500x128xi32, #tpu.memory_space<hbm>> -> memref<1x52x128xi32, #tpu.memory_space<hbm>>
      %dma_start3A_157 = tpu.memref_squeeze %dma_start3A_156 : memref<1x52x128xi32, #tpu.memory_space<hbm>> -> memref<52x128xi32, #tpu.memory_space<hbm>>
      tpu.enqueue_dma source(%dma_start3A_157 : memref<52x128xi32, #tpu.memory_space<hbm>>) target(%dma_start3A_154 : memref<52x128xi32, #tpu.memory_space<vmem>>) target_semaphore(%run_scoped3A_145 : memref<!tpu.dma_semaphore, #tpu.memory_space<semaphore_mem>>)
      %dma_wait3A_158 = arith.constant 0 : i32
      %dma_wait3A_159 = arith.constant 0 : i32
      %dma_wait3A_160 = tpu.memref_slice %arg6[%dma_wait3A_158, %dma_wait3A_159] : memref<53x128xi32, #tpu.memory_space<vmem>> -> memref<52x128xi32, #tpu.memory_space<vmem>>
      %dma_wait3A_161 = arith.constant 0 : i32
      %dma_wait3A_162 = tpu.memref_slice %arg3[%run_scoped3A_106, %add3A_104, %dma_wait3A_161] : memref<2x2500x128xi32, #tpu.memory_space<hbm>> -> memref<1x52x128xi32, #tpu.memory_space<hbm>>
      %dma_wait3A_163 = tpu.memref_squeeze %dma_wait3A_162 : memref<1x52x128xi32, #tpu.memory_space<hbm>> -> memref<52x128xi32, #tpu.memory_space<hbm>>
      %dma_wait3A_164 = arith.constant 0 : i32
      %dma_wait3A_165 = arith.constant 0 : i32
      %dma_wait3A_166 = tpu.memref_slice %arg6[%dma_wait3A_164, %dma_wait3A_165] : memref<53x128xi32, #tpu.memory_space<vmem>> -> memref<52x128xi32, #tpu.memory_space<vmem>>
      %dma_wait3A_167 = arith.constant 0 : i32
      %dma_wait3A_168 = tpu.memref_slice %arg3[%run_scoped3A_106, %add3A_104, %dma_wait3A_167] : memref<2x2500x128xi32, #tpu.memory_space<hbm>> -> memref<1x52x128xi32, #tpu.memory_space<hbm>>
      %dma_wait3A_169 = tpu.memref_squeeze %dma_wait3A_168 : memref<1x52x128xi32, #tpu.memory_space<hbm>> -> memref<52x128xi32, #tpu.memory_space<hbm>>
      tpu.wait_dma2 semaphore(%run_scoped3A_145 : memref<!tpu.dma_semaphore, #tpu.memory_space<semaphore_mem>>) src(%dma_wait3A_169 : memref<52x128xi32, #tpu.memory_space<hbm>>) dst(%dma_wait3A_166 : memref<52x128xi32, #tpu.memory_space<vmem>>)
      tpu.yield
    }) : () -> ()
    %dma_start3A_107 = arith.constant 0 : i32
    %dma_start3A_108 = arith.constant 0 : i32
    %dma_start3A_109 = tpu.memref_slice %arg5[%dma_start3A_107, %dma_start3A_108] : memref<53x128xi32, #tpu.memory_space<vmem>> -> memref<1x128xi32, #tpu.memory_space<vmem>>
    %dma_start3A_110 = tpu.memref_squeeze %dma_start3A_109 : memref<1x128xi32, #tpu.memory_space<vmem>> -> memref<128xi32, #tpu.memory_space<vmem>>
    %dma_start3A_111 = arith.constant 0 : i32
    %dma_start3A_112 = arith.constant 0 : i32
    %dma_start3A_113 = tpu.memref_slice %arg11[%dma_start3A_111, %dma_start3A_112] : memref<10000x64xf32, #tpu.memory_space<vmem_shared>> -> memref<10000x64xf32, #tpu.memory_space<vmem_shared>>
    tpu.enqueue_indirect_dma source(%dma_start3A_113 : memref<10000x64xf32, #tpu.memory_space<vmem_shared>>) target(%arg7 : memref<128x64xf32, #tpu.memory_space<vmem>>) offsets(%dma_start3A_110 : memref<128xi32, #tpu.memory_space<vmem>>) semaphore(%arg13 : memref<!tpu.dma_semaphore, #tpu.memory_space<semaphore_mem>>)
    %dma_start3A_114 = arith.constant 1 : i32
    %dma_start3A_115 = arith.constant 0 : i32
    %dma_start3A_116 = tpu.memref_slice %arg5[%dma_start3A_114, %dma_start3A_115] : memref<53x128xi32, #tpu.memory_space<vmem>> -> memref<1x128xi32, #tpu.memory_space<vmem>>
    %dma_start3A_117 = tpu.memref_squeeze %dma_start3A_116 : memref<1x128xi32, #tpu.memory_space<vmem>> -> memref<128xi32, #tpu.memory_space<vmem>>
    %dma_start3A_118 = arith.constant 0 : i32
    %dma_start3A_119 = arith.constant 0 : i32
    %dma_start3A_120 = tpu.memref_slice %arg11[%dma_start3A_118, %dma_start3A_119] : memref<10000x64xf32, #tpu.memory_space<vmem_shared>> -> memref<10000x64xf32, #tpu.memory_space<vmem_shared>>
    tpu.enqueue_indirect_dma source(%dma_start3A_120 : memref<10000x64xf32, #tpu.memory_space<vmem_shared>>) target(%arg8 : memref<128x64xf32, #tpu.memory_space<vmem>>) offsets(%dma_start3A_117 : memref<128xi32, #tpu.memory_space<vmem>>) semaphore(%arg14 : memref<!tpu.dma_semaphore, #tpu.memory_space<semaphore_mem>>)
    %scan3A_121 = arith.constant 0 : i32
    %scan3A_122 = arith.constant 13 : i32
    %scan3A_123 = arith.addi %scan3A_121, %scan3A_122 : i32
    %scan3A_124 = arith.constant 1 : i32
    scf.for %scan3A_145 = %scan3A_121 to %scan3A_123 step %scan3A_124  : i32 {
      %mul3A_146 = arith.constant 1 : i32
      %mul3A_147 = arith.muli %scan3A_145, %mul3A_146 : i32
      %add3A_148 = arith.constant 0 : i32
      %add3A_149 = arith.addi %add3A_148, %mul3A_147 : i32
      %mul3A_150 = arith.constant 4 : i32
      %mul3A_151 = arith.muli %mul3A_150, %add3A_149 : i32
      %add3A_152 = arith.constant 0 : i32
      %add3A_153 = arith.addi %mul3A_151, %add3A_152 : i32
      %dma_wait3A_154 = arith.constant 0 : i32
      %dma_wait3A_155 = tpu.memref_slice %arg5[%add3A_153, %dma_wait3A_154] : memref<53x128xi32, #tpu.memory_space<vmem>> -> memref<1x128xi32, #tpu.memory_space<vmem>>
      %dma_wait3A_156 = tpu.memref_squeeze %dma_wait3A_155 : memref<1x128xi32, #tpu.memory_space<vmem>> -> memref<128xi32, #tpu.memory_space<vmem>>
      %dma_wait3A_157 = arith.constant 0 : i32
      %dma_wait3A_158 = arith.constant 0 : i32
      %dma_wait3A_159 = tpu.memref_slice %arg11[%dma_wait3A_157, %dma_wait3A_158] : memref<10000x64xf32, #tpu.memory_space<vmem_shared>> -> memref<10000x64xf32, #tpu.memory_space<vmem_shared>>
      tpu.wait_indirect_dma semaphore(%arg13 : memref<!tpu.dma_semaphore, #tpu.memory_space<semaphore_mem>>) src(%dma_wait3A_159 : memref<10000x64xf32, #tpu.memory_space<vmem_shared>>) dst(%arg7 : memref<128x64xf32, #tpu.memory_space<vmem>>)
      %add3A_160 = arith.constant 0 : i32
      %add3A_161 = arith.addi %mul3A_151, %add3A_160 : i32
      %dma_start3A_162 = arith.constant 0 : i32
      %dma_start3A_163 = tpu.memref_slice %arg6[%add3A_161, %dma_start3A_162] : memref<53x128xi32, #tpu.memory_space<vmem>> -> memref<1x128xi32, #tpu.memory_space<vmem>>
      %dma_start3A_164 = tpu.memref_squeeze %dma_start3A_163 : memref<1x128xi32, #tpu.memory_space<vmem>> -> memref<128xi32, #tpu.memory_space<vmem>>
      %dma_start3A_165 = arith.constant 0 : i32
      %dma_start3A_166 = arith.constant 0 : i32
      %dma_start3A_167 = tpu.memref_slice %arg12[%dma_start3A_165, %dma_start3A_166] : memref<10000x64xf32, #tpu.memory_space<vmem_shared>> -> memref<10000x64xf32, #tpu.memory_space<vmem_shared>>
      tpu.enqueue_indirect_dma source(%arg7 : memref<128x64xf32, #tpu.memory_space<vmem>>) target(%dma_start3A_167 : memref<10000x64xf32, #tpu.memory_space<vmem_shared>>) offsets(%dma_start3A_164 : memref<128xi32, #tpu.memory_space<vmem>>) semaphore(%arg17 : memref<!tpu.dma_semaphore, #tpu.memory_space<semaphore_mem>>) {add = true}
      %gt3A = arith.constant 0 : i32
      %gt3A_168 = arith.cmpi sgt, %add3A_149, %gt3A : i32
      %convert_element_type3A_169 = arith.extui %gt3A_168 : i1 to i32
      %cond3A_170 = arith.constant 0 : i32
      %cond3A_171 = arith.cmpi ne, %convert_element_type3A_169, %cond3A_170 : i32
      scf.if %cond3A_171 {
        %add3A_275 = arith.constant 0 : i32
        %add3A_276 = arith.addi %mul3A_151, %add3A_275 : i32
        %sub3A_277 = arith.constant 2 : i32
        %sub3A_278 = arith.subi %add3A_276, %sub3A_277 : i32
        %dma_wait3A_279 = arith.constant 0 : i32
        %dma_wait3A_280 = tpu.memref_slice %arg6[%sub3A_278, %dma_wait3A_279] : memref<53x128xi32, #tpu.memory_space<vmem>> -> memref<1x128xi32, #tpu.memory_space<vmem>>
        %dma_wait3A_281 = tpu.memref_squeeze %dma_wait3A_280 : memref<1x128xi32, #tpu.memory_space<vmem>> -> memref<128xi32, #tpu.memory_space<vmem>>
        %dma_wait3A_282 = arith.constant 0 : i32
        %dma_wait3A_283 = arith.constant 0 : i32
        %dma_wait3A_284 = tpu.memref_slice %arg12[%dma_wait3A_282, %dma_wait3A_283] : memref<10000x64xf32, #tpu.memory_space<vmem_shared>> -> memref<10000x64xf32, #tpu.memory_space<vmem_shared>>
        tpu.wait_indirect_dma semaphore(%arg19 : memref<!tpu.dma_semaphore, #tpu.memory_space<semaphore_mem>>) src(%arg9 : memref<128x64xf32, #tpu.memory_space<vmem>>) dst(%dma_wait3A_284 : memref<10000x64xf32, #tpu.memory_space<vmem_shared>>)
      } else {
      }
      %add3A_172 = arith.constant 0 : i32
      %add3A_173 = arith.addi %mul3A_151, %add3A_172 : i32
      %add3A_174 = arith.constant 2 : i32
      %add3A_175 = arith.addi %add3A_173, %add3A_174 : i32
      %dma_start3A_176 = arith.constant 0 : i32
      %dma_start3A_177 = tpu.memref_slice %arg5[%add3A_175, %dma_start3A_176] : memref<53x128xi32, #tpu.memory_space<vmem>> -> memref<1x128xi32, #tpu.memory_space<vmem>>
      %dma_start3A_178 = tpu.memref_squeeze %dma_start3A_177 : memref<1x128xi32, #tpu.memory_space<vmem>> -> memref<128xi32, #tpu.memory_space<vmem>>
      %dma_start3A_179 = arith.constant 0 : i32
      %dma_start3A_180 = arith.constant 0 : i32
      %dma_start3A_181 = tpu.memref_slice %arg11[%dma_start3A_179, %dma_start3A_180] : memref<10000x64xf32, #tpu.memory_space<vmem_shared>> -> memref<10000x64xf32, #tpu.memory_space<vmem_shared>>
      tpu.enqueue_indirect_dma source(%dma_start3A_181 : memref<10000x64xf32, #tpu.memory_space<vmem_shared>>) target(%arg9 : memref<128x64xf32, #tpu.memory_space<vmem>>) offsets(%dma_start3A_178 : memref<128xi32, #tpu.memory_space<vmem>>) semaphore(%arg15 : memref<!tpu.dma_semaphore, #tpu.memory_space<semaphore_mem>>)
      %add3A_182 = arith.constant 1 : i32
      %add3A_183 = arith.addi %mul3A_151, %add3A_182 : i32
      %dma_wait3A_184 = arith.constant 0 : i32
      %dma_wait3A_185 = tpu.memref_slice %arg5[%add3A_183, %dma_wait3A_184] : memref<53x128xi32, #tpu.memory_space<vmem>> -> memref<1x128xi32, #tpu.memory_space<vmem>>
      %dma_wait3A_186 = tpu.memref_squeeze %dma_wait3A_185 : memref<1x128xi32, #tpu.memory_space<vmem>> -> memref<128xi32, #tpu.memory_space<vmem>>
      %dma_wait3A_187 = arith.constant 0 : i32
      %dma_wait3A_188 = arith.constant 0 : i32
      %dma_wait3A_189 = tpu.memref_slice %arg11[%dma_wait3A_187, %dma_wait3A_188] : memref<10000x64xf32, #tpu.memory_space<vmem_shared>> -> memref<10000x64xf32, #tpu.memory_space<vmem_shared>>
      tpu.wait_indirect_dma semaphore(%arg14 : memref<!tpu.dma_semaphore, #tpu.memory_space<semaphore_mem>>) src(%dma_wait3A_189 : memref<10000x64xf32, #tpu.memory_space<vmem_shared>>) dst(%arg8 : memref<128x64xf32, #tpu.memory_space<vmem>>)
      %add3A_190 = arith.constant 1 : i32
      %add3A_191 = arith.addi %mul3A_151, %add3A_190 : i32
      %dma_start3A_192 = arith.constant 0 : i32
      %dma_start3A_193 = tpu.memref_slice %arg6[%add3A_191, %dma_start3A_192] : memref<53x128xi32, #tpu.memory_space<vmem>> -> memref<1x128xi32, #tpu.memory_space<vmem>>
      %dma_start3A_194 = tpu.memref_squeeze %dma_start3A_193 : memref<1x128xi32, #tpu.memory_space<vmem>> -> memref<128xi32, #tpu.memory_space<vmem>>
      %dma_start3A_195 = arith.constant 0 : i32
      %dma_start3A_196 = arith.constant 0 : i32
      %dma_start3A_197 = tpu.memref_slice %arg12[%dma_start3A_195, %dma_start3A_196] : memref<10000x64xf32, #tpu.memory_space<vmem_shared>> -> memref<10000x64xf32, #tpu.memory_space<vmem_shared>>
      tpu.enqueue_indirect_dma source(%arg8 : memref<128x64xf32, #tpu.memory_space<vmem>>) target(%dma_start3A_197 : memref<10000x64xf32, #tpu.memory_space<vmem_shared>>) offsets(%dma_start3A_194 : memref<128xi32, #tpu.memory_space<vmem>>) semaphore(%arg18 : memref<!tpu.dma_semaphore, #tpu.memory_space<semaphore_mem>>) {add = true}
      %gt3A_198 = arith.constant 0 : i32
      %gt3A_199 = arith.cmpi sgt, %add3A_149, %gt3A_198 : i32
      %convert_element_type3A_200 = arith.extui %gt3A_199 : i1 to i32
      %cond3A_201 = arith.constant 0 : i32
      %cond3A_202 = arith.cmpi ne, %convert_element_type3A_200, %cond3A_201 : i32
      scf.if %cond3A_202 {
        %add3A_275 = arith.constant 1 : i32
        %add3A_276 = arith.addi %mul3A_151, %add3A_275 : i32
        %sub3A_277 = arith.constant 2 : i32
        %sub3A_278 = arith.subi %add3A_276, %sub3A_277 : i32
        %dma_wait3A_279 = arith.constant 0 : i32
        %dma_wait3A_280 = tpu.memref_slice %arg6[%sub3A_278, %dma_wait3A_279] : memref<53x128xi32, #tpu.memory_space<vmem>> -> memref<1x128xi32, #tpu.memory_space<vmem>>
        %dma_wait3A_281 = tpu.memref_squeeze %dma_wait3A_280 : memref<1x128xi32, #tpu.memory_space<vmem>> -> memref<128xi32, #tpu.memory_space<vmem>>
        %dma_wait3A_282 = arith.constant 0 : i32
        %dma_wait3A_283 = arith.constant 0 : i32
        %dma_wait3A_284 = tpu.memref_slice %arg12[%dma_wait3A_282, %dma_wait3A_283] : memref<10000x64xf32, #tpu.memory_space<vmem_shared>> -> memref<10000x64xf32, #tpu.memory_space<vmem_shared>>
        tpu.wait_indirect_dma semaphore(%arg20 : memref<!tpu.dma_semaphore, #tpu.memory_space<semaphore_mem>>) src(%arg10 : memref<128x64xf32, #tpu.memory_space<vmem>>) dst(%dma_wait3A_284 : memref<10000x64xf32, #tpu.memory_space<vmem_shared>>)
      } else {
      }
      %add3A_203 = arith.constant 1 : i32
      %add3A_204 = arith.addi %mul3A_151, %add3A_203 : i32
      %add3A_205 = arith.constant 2 : i32
      %add3A_206 = arith.addi %add3A_204, %add3A_205 : i32
      %dma_start3A_207 = arith.constant 0 : i32
      %dma_start3A_208 = tpu.memref_slice %arg5[%add3A_206, %dma_start3A_207] : memref<53x128xi32, #tpu.memory_space<vmem>> -> memref<1x128xi32, #tpu.memory_space<vmem>>
      %dma_start3A_209 = tpu.memref_squeeze %dma_start3A_208 : memref<1x128xi32, #tpu.memory_space<vmem>> -> memref<128xi32, #tpu.memory_space<vmem>>
      %dma_start3A_210 = arith.constant 0 : i32
      %dma_start3A_211 = arith.constant 0 : i32
      %dma_start3A_212 = tpu.memref_slice %arg11[%dma_start3A_210, %dma_start3A_211] : memref<10000x64xf32, #tpu.memory_space<vmem_shared>> -> memref<10000x64xf32, #tpu.memory_space<vmem_shared>>
      tpu.enqueue_indirect_dma source(%dma_start3A_212 : memref<10000x64xf32, #tpu.memory_space<vmem_shared>>) target(%arg10 : memref<128x64xf32, #tpu.memory_space<vmem>>) offsets(%dma_start3A_209 : memref<128xi32, #tpu.memory_space<vmem>>) semaphore(%arg16 : memref<!tpu.dma_semaphore, #tpu.memory_space<semaphore_mem>>)
      %add3A_213 = arith.constant 2 : i32
      %add3A_214 = arith.addi %mul3A_151, %add3A_213 : i32
      %dma_wait3A_215 = arith.constant 0 : i32
      %dma_wait3A_216 = tpu.memref_slice %arg5[%add3A_214, %dma_wait3A_215] : memref<53x128xi32, #tpu.memory_space<vmem>> -> memref<1x128xi32, #tpu.memory_space<vmem>>
      %dma_wait3A_217 = tpu.memref_squeeze %dma_wait3A_216 : memref<1x128xi32, #tpu.memory_space<vmem>> -> memref<128xi32, #tpu.memory_space<vmem>>
      %dma_wait3A_218 = arith.constant 0 : i32
      %dma_wait3A_219 = arith.constant 0 : i32
      %dma_wait3A_220 = tpu.memref_slice %arg11[%dma_wait3A_218, %dma_wait3A_219] : memref<10000x64xf32, #tpu.memory_space<vmem_shared>> -> memref<10000x64xf32, #tpu.memory_space<vmem_shared>>
      tpu.wait_indirect_dma semaphore(%arg15 : memref<!tpu.dma_semaphore, #tpu.memory_space<semaphore_mem>>) src(%dma_wait3A_220 : memref<10000x64xf32, #tpu.memory_space<vmem_shared>>) dst(%arg9 : memref<128x64xf32, #tpu.memory_space<vmem>>)
      %add3A_221 = arith.constant 2 : i32
      %add3A_222 = arith.addi %mul3A_151, %add3A_221 : i32
      %dma_start3A_223 = arith.constant 0 : i32
      %dma_start3A_224 = tpu.memref_slice %arg6[%add3A_222, %dma_start3A_223] : memref<53x128xi32, #tpu.memory_space<vmem>> -> memref<1x128xi32, #tpu.memory_space<vmem>>
      %dma_start3A_225 = tpu.memref_squeeze %dma_start3A_224 : memref<1x128xi32, #tpu.memory_space<vmem>> -> memref<128xi32, #tpu.memory_space<vmem>>
      %dma_start3A_226 = arith.constant 0 : i32
      %dma_start3A_227 = arith.constant 0 : i32
      %dma_start3A_228 = tpu.memref_slice %arg12[%dma_start3A_226, %dma_start3A_227] : memref<10000x64xf32, #tpu.memory_space<vmem_shared>> -> memref<10000x64xf32, #tpu.memory_space<vmem_shared>>
      tpu.enqueue_indirect_dma source(%arg9 : memref<128x64xf32, #tpu.memory_space<vmem>>) target(%dma_start3A_228 : memref<10000x64xf32, #tpu.memory_space<vmem_shared>>) offsets(%dma_start3A_225 : memref<128xi32, #tpu.memory_space<vmem>>) semaphore(%arg19 : memref<!tpu.dma_semaphore, #tpu.memory_space<semaphore_mem>>) {add = true}
      %add3A_229 = arith.constant 2 : i32
      %add3A_230 = arith.addi %mul3A_151, %add3A_229 : i32
      %sub3A_231 = arith.constant 2 : i32
      %sub3A_232 = arith.subi %add3A_230, %sub3A_231 : i32
      %dma_wait3A_233 = arith.constant 0 : i32
      %dma_wait3A_234 = tpu.memref_slice %arg6[%sub3A_232, %dma_wait3A_233] : memref<53x128xi32, #tpu.memory_space<vmem>> -> memref<1x128xi32, #tpu.memory_space<vmem>>
      %dma_wait3A_235 = tpu.memref_squeeze %dma_wait3A_234 : memref<1x128xi32, #tpu.memory_space<vmem>> -> memref<128xi32, #tpu.memory_space<vmem>>
      %dma_wait3A_236 = arith.constant 0 : i32
      %dma_wait3A_237 = arith.constant 0 : i32
      %dma_wait3A_238 = tpu.memref_slice %arg12[%dma_wait3A_236, %dma_wait3A_237] : memref<10000x64xf32, #tpu.memory_space<vmem_shared>> -> memref<10000x64xf32, #tpu.memory_space<vmem_shared>>
      tpu.wait_indirect_dma semaphore(%arg17 : memref<!tpu.dma_semaphore, #tpu.memory_space<semaphore_mem>>) src(%arg7 : memref<128x64xf32, #tpu.memory_space<vmem>>) dst(%dma_wait3A_238 : memref<10000x64xf32, #tpu.memory_space<vmem_shared>>)
      %lt3A_239 = arith.constant 12 : i32
      %lt3A_240 = arith.cmpi slt, %add3A_149, %lt3A_239 : i32
      %convert_element_type3A_241 = arith.extui %lt3A_240 : i1 to i32
      %cond3A_242 = arith.constant 0 : i32
      %cond3A_243 = arith.cmpi ne, %convert_element_type3A_241, %cond3A_242 : i32
      scf.if %cond3A_243 {
        %add3A_275 = arith.constant 2 : i32
        %add3A_276 = arith.addi %mul3A_151, %add3A_275 : i32
        %add3A_277 = arith.constant 2 : i32
        %add3A_278 = arith.addi %add3A_276, %add3A_277 : i32
        %dma_start3A_279 = arith.constant 0 : i32
        %dma_start3A_280 = tpu.memref_slice %arg5[%add3A_278, %dma_start3A_279] : memref<53x128xi32, #tpu.memory_space<vmem>> -> memref<1x128xi32, #tpu.memory_space<vmem>>
        %dma_start3A_281 = tpu.memref_squeeze %dma_start3A_280 : memref<1x128xi32, #tpu.memory_space<vmem>> -> memref<128xi32, #tpu.memory_space<vmem>>
        %dma_start3A_282 = arith.constant 0 : i32
        %dma_start3A_283 = arith.constant 0 : i32
        %dma_start3A_284 = tpu.memref_slice %arg11[%dma_start3A_282, %dma_start3A_283] : memref<10000x64xf32, #tpu.memory_space<vmem_shared>> -> memref<10000x64xf32, #tpu.memory_space<vmem_shared>>
        tpu.enqueue_indirect_dma source(%dma_start3A_284 : memref<10000x64xf32, #tpu.memory_space<vmem_shared>>) target(%arg7 : memref<128x64xf32, #tpu.memory_space<vmem>>) offsets(%dma_start3A_281 : memref<128xi32, #tpu.memory_space<vmem>>) semaphore(%arg13 : memref<!tpu.dma_semaphore, #tpu.memory_space<semaphore_mem>>)
      } else {
      }
      %add3A_244 = arith.constant 3 : i32
      %add3A_245 = arith.addi %mul3A_151, %add3A_244 : i32
      %dma_wait3A_246 = arith.constant 0 : i32
      %dma_wait3A_247 = tpu.memref_slice %arg5[%add3A_245, %dma_wait3A_246] : memref<53x128xi32, #tpu.memory_space<vmem>> -> memref<1x128xi32, #tpu.memory_space<vmem>>
      %dma_wait3A_248 = tpu.memref_squeeze %dma_wait3A_247 : memref<1x128xi32, #tpu.memory_space<vmem>> -> memref<128xi32, #tpu.memory_space<vmem>>
      %dma_wait3A_249 = arith.constant 0 : i32
      %dma_wait3A_250 = arith.constant 0 : i32
      %dma_wait3A_251 = tpu.memref_slice %arg11[%dma_wait3A_249, %dma_wait3A_250] : memref<10000x64xf32, #tpu.memory_space<vmem_shared>> -> memref<10000x64xf32, #tpu.memory_space<vmem_shared>>
      tpu.wait_indirect_dma semaphore(%arg16 : memref<!tpu.dma_semaphore, #tpu.memory_space<semaphore_mem>>) src(%dma_wait3A_251 : memref<10000x64xf32, #tpu.memory_space<vmem_shared>>) dst(%arg10 : memref<128x64xf32, #tpu.memory_space<vmem>>)
      %add3A_252 = arith.constant 3 : i32
      %add3A_253 = arith.addi %mul3A_151, %add3A_252 : i32
      %dma_start3A_254 = arith.constant 0 : i32
      %dma_start3A_255 = tpu.memref_slice %arg6[%add3A_253, %dma_start3A_254] : memref<53x128xi32, #tpu.memory_space<vmem>> -> memref<1x128xi32, #tpu.memory_space<vmem>>
      %dma_start3A_256 = tpu.memref_squeeze %dma_start3A_255 : memref<1x128xi32, #tpu.memory_space<vmem>> -> memref<128xi32, #tpu.memory_space<vmem>>
      %dma_start3A_257 = arith.constant 0 : i32
      %dma_start3A_258 = arith.constant 0 : i32
      %dma_start3A_259 = tpu.memref_slice %arg12[%dma_start3A_257, %dma_start3A_258] : memref<10000x64xf32, #tpu.memory_space<vmem_shared>> -> memref<10000x64xf32, #tpu.memory_space<vmem_shared>>
      tpu.enqueue_indirect_dma source(%arg10 : memref<128x64xf32, #tpu.memory_space<vmem>>) target(%dma_start3A_259 : memref<10000x64xf32, #tpu.memory_space<vmem_shared>>) offsets(%dma_start3A_256 : memref<128xi32, #tpu.memory_space<vmem>>) semaphore(%arg20 : memref<!tpu.dma_semaphore, #tpu.memory_space<semaphore_mem>>) {add = true}
      %add3A_260 = arith.constant 3 : i32
      %add3A_261 = arith.addi %mul3A_151, %add3A_260 : i32
      %sub3A_262 = arith.constant 2 : i32
      %sub3A_263 = arith.subi %add3A_261, %sub3A_262 : i32
      %dma_wait3A_264 = arith.constant 0 : i32
      %dma_wait3A_265 = tpu.memref_slice %arg6[%sub3A_263, %dma_wait3A_264] : memref<53x128xi32, #tpu.memory_space<vmem>> -> memref<1x128xi32, #tpu.memory_space<vmem>>
      %dma_wait3A_266 = tpu.memref_squeeze %dma_wait3A_265 : memref<1x128xi32, #tpu.memory_space<vmem>> -> memref<128xi32, #tpu.memory_space<vmem>>
      %dma_wait3A_267 = arith.constant 0 : i32
      %dma_wait3A_268 = arith.constant 0 : i32
      %dma_wait3A_269 = tpu.memref_slice %arg12[%dma_wait3A_267, %dma_wait3A_268] : memref<10000x64xf32, #tpu.memory_space<vmem_shared>> -> memref<10000x64xf32, #tpu.memory_space<vmem_shared>>
      tpu.wait_indirect_dma semaphore(%arg18 : memref<!tpu.dma_semaphore, #tpu.memory_space<semaphore_mem>>) src(%arg8 : memref<128x64xf32, #tpu.memory_space<vmem>>) dst(%dma_wait3A_269 : memref<10000x64xf32, #tpu.memory_space<vmem_shared>>)
      %lt3A_270 = arith.constant 12 : i32
      %lt3A_271 = arith.cmpi slt, %add3A_149, %lt3A_270 : i32
      %convert_element_type3A_272 = arith.extui %lt3A_271 : i1 to i32
      %cond3A_273 = arith.constant 0 : i32
      %cond3A_274 = arith.cmpi ne, %convert_element_type3A_272, %cond3A_273 : i32
      scf.if %cond3A_274 {
        %add3A_275 = arith.constant 3 : i32
        %add3A_276 = arith.addi %mul3A_151, %add3A_275 : i32
        %add3A_277 = arith.constant 2 : i32
        %add3A_278 = arith.addi %add3A_276, %add3A_277 : i32
        %dma_start3A_279 = arith.constant 0 : i32
        %dma_start3A_280 = tpu.memref_slice %arg5[%add3A_278, %dma_start3A_279] : memref<53x128xi32, #tpu.memory_space<vmem>> -> memref<1x128xi32, #tpu.memory_space<vmem>>
        %dma_start3A_281 = tpu.memref_squeeze %dma_start3A_280 : memref<1x128xi32, #tpu.memory_space<vmem>> -> memref<128xi32, #tpu.memory_space<vmem>>
        %dma_start3A_282 = arith.constant 0 : i32
        %dma_start3A_283 = arith.constant 0 : i32
        %dma_start3A_284 = tpu.memref_slice %arg11[%dma_start3A_282, %dma_start3A_283] : memref<10000x64xf32, #tpu.memory_space<vmem_shared>> -> memref<10000x64xf32, #tpu.memory_space<vmem_shared>>
        tpu.enqueue_indirect_dma source(%dma_start3A_284 : memref<10000x64xf32, #tpu.memory_space<vmem_shared>>) target(%arg8 : memref<128x64xf32, #tpu.memory_space<vmem>>) offsets(%dma_start3A_281 : memref<128xi32, #tpu.memory_space<vmem>>) semaphore(%arg14 : memref<!tpu.dma_semaphore, #tpu.memory_space<semaphore_mem>>)
      } else {
      }
    }
    %scan3A_125 = arith.constant 13 : i32
    %dma_wait3A_126 = arith.constant 50 : i32
    %dma_wait3A_127 = arith.constant 0 : i32
    %dma_wait3A_128 = tpu.memref_slice %arg6[%dma_wait3A_126, %dma_wait3A_127] : memref<53x128xi32, #tpu.memory_space<vmem>> -> memref<1x128xi32, #tpu.memory_space<vmem>>
    %dma_wait3A_129 = tpu.memref_squeeze %dma_wait3A_128 : memref<1x128xi32, #tpu.memory_space<vmem>> -> memref<128xi32, #tpu.memory_space<vmem>>
    %dma_wait3A_130 = arith.constant 0 : i32
    %dma_wait3A_131 = arith.constant 0 : i32
    %dma_wait3A_132 = tpu.memref_slice %arg12[%dma_wait3A_130, %dma_wait3A_131] : memref<10000x64xf32, #tpu.memory_space<vmem_shared>> -> memref<10000x64xf32, #tpu.memory_space<vmem_shared>>
    tpu.wait_indirect_dma semaphore(%arg19 : memref<!tpu.dma_semaphore, #tpu.memory_space<semaphore_mem>>) src(%arg9 : memref<128x64xf32, #tpu.memory_space<vmem>>) dst(%dma_wait3A_132 : memref<10000x64xf32, #tpu.memory_space<vmem_shared>>)
    %dma_wait3A_133 = arith.constant 51 : i32
    %dma_wait3A_134 = arith.constant 0 : i32
    %dma_wait3A_135 = tpu.memref_slice %arg6[%dma_wait3A_133, %dma_wait3A_134] : memref<53x128xi32, #tpu.memory_space<vmem>> -> memref<1x128xi32, #tpu.memory_space<vmem>>
    %dma_wait3A_136 = tpu.memref_squeeze %dma_wait3A_135 : memref<1x128xi32, #tpu.memory_space<vmem>> -> memref<128xi32, #tpu.memory_space<vmem>>
    %dma_wait3A_137 = arith.constant 0 : i32
    %dma_wait3A_138 = arith.constant 0 : i32
    %dma_wait3A_139 = tpu.memref_slice %arg12[%dma_wait3A_137, %dma_wait3A_138] : memref<10000x64xf32, #tpu.memory_space<vmem_shared>> -> memref<10000x64xf32, #tpu.memory_space<vmem_shared>>
    tpu.wait_indirect_dma semaphore(%arg20 : memref<!tpu.dma_semaphore, #tpu.memory_space<semaphore_mem>>) src(%arg10 : memref<128x64xf32, #tpu.memory_space<vmem>>) dst(%dma_wait3A_139 : memref<10000x64xf32, #tpu.memory_space<vmem_shared>>)
    %lt3A = arith.constant 4 : i32
    %lt3A_140 = arith.cmpi slt, %arg1, %lt3A : i32
    %convert_element_type3A = arith.extui %lt3A_140 : i1 to i32
    %cond3A = arith.constant 0 : i32
    %cond3A_141 = arith.cmpi ne, %convert_element_type3A, %cond3A : i32
    scf.if %cond3A_141 {
      %add3A_145 = arith.constant 52 : i32
      %add3A_146 = arith.addi %add3A_104, %add3A_145 : i32
      %run_scoped3A_147 = arith.constant 0 : i32
      "tpu.region"() ({
        %run_scoped3A_166 = tpu.sem_alloc : memref<!tpu.dma_semaphore, #tpu.memory_space<semaphore_mem>>
        %dma_start3A_167 = arith.constant 52 : i32
        %dma_start3A_168 = arith.constant 0 : i32
        %dma_start3A_169 = tpu.memref_slice %arg5[%dma_start3A_167, %dma_start3A_168] : memref<53x128xi32, #tpu.memory_space<vmem>> -> memref<1x128xi32, #tpu.memory_space<vmem>>
        %dma_start3A_170 = arith.constant 0 : i32
        %dma_start3A_171 = tpu.memref_slice %arg3[%run_scoped3A_147, %add3A_146, %dma_start3A_170] : memref<2x2500x128xi32, #tpu.memory_space<hbm>> -> memref<1x1x128xi32, #tpu.memory_space<hbm>>
        %dma_start3A_172 = tpu.memref_squeeze %dma_start3A_171 : memref<1x1x128xi32, #tpu.memory_space<hbm>> -> memref<1x128xi32, #tpu.memory_space<hbm>>
        %dma_start3A_173 = arith.constant 52 : i32
        %dma_start3A_174 = arith.constant 0 : i32
        %dma_start3A_175 = tpu.memref_slice %arg5[%dma_start3A_173, %dma_start3A_174] : memref<53x128xi32, #tpu.memory_space<vmem>> -> memref<1x128xi32, #tpu.memory_space<vmem>>
        %dma_start3A_176 = arith.constant 0 : i32
        %dma_start3A_177 = tpu.memref_slice %arg3[%run_scoped3A_147, %add3A_146, %dma_start3A_176] : memref<2x2500x128xi32, #tpu.memory_space<hbm>> -> memref<1x1x128xi32, #tpu.memory_space<hbm>>
        %dma_start3A_178 = tpu.memref_squeeze %dma_start3A_177 : memref<1x1x128xi32, #tpu.memory_space<hbm>> -> memref<1x128xi32, #tpu.memory_space<hbm>>
        tpu.enqueue_dma source(%dma_start3A_178 : memref<1x128xi32, #tpu.memory_space<hbm>>) target(%dma_start3A_175 : memref<1x128xi32, #tpu.memory_space<vmem>>) target_semaphore(%run_scoped3A_166 : memref<!tpu.dma_semaphore, #tpu.memory_space<semaphore_mem>>)
        %dma_wait3A_179 = arith.constant 52 : i32
        %dma_wait3A_180 = arith.constant 0 : i32
        %dma_wait3A_181 = tpu.memref_slice %arg5[%dma_wait3A_179, %dma_wait3A_180] : memref<53x128xi32, #tpu.memory_space<vmem>> -> memref<1x128xi32, #tpu.memory_space<vmem>>
        %dma_wait3A_182 = arith.constant 0 : i32
        %dma_wait3A_183 = tpu.memref_slice %arg3[%run_scoped3A_147, %add3A_146, %dma_wait3A_182] : memref<2x2500x128xi32, #tpu.memory_space<hbm>> -> memref<1x1x128xi32, #tpu.memory_space<hbm>>
        %dma_wait3A_184 = tpu.memref_squeeze %dma_wait3A_183 : memref<1x1x128xi32, #tpu.memory_space<hbm>> -> memref<1x128xi32, #tpu.memory_space<hbm>>
        %dma_wait3A_185 = arith.constant 52 : i32
        %dma_wait3A_186 = arith.constant 0 : i32
        %dma_wait3A_187 = tpu.memref_slice %arg5[%dma_wait3A_185, %dma_wait3A_186] : memref<53x128xi32, #tpu.memory_space<vmem>> -> memref<1x128xi32, #tpu.memory_space<vmem>>
        %dma_wait3A_188 = arith.constant 0 : i32
        %dma_wait3A_189 = tpu.memref_slice %arg3[%run_scoped3A_147, %add3A_146, %dma_wait3A_188] : memref<2x2500x128xi32, #tpu.memory_space<hbm>> -> memref<1x1x128xi32, #tpu.memory_space<hbm>>
        %dma_wait3A_190 = tpu.memref_squeeze %dma_wait3A_189 : memref<1x1x128xi32, #tpu.memory_space<hbm>> -> memref<1x128xi32, #tpu.memory_space<hbm>>
        tpu.wait_dma2 semaphore(%run_scoped3A_166 : memref<!tpu.dma_semaphore, #tpu.memory_space<semaphore_mem>>) src(%dma_wait3A_190 : memref<1x128xi32, #tpu.memory_space<hbm>>) dst(%dma_wait3A_187 : memref<1x128xi32, #tpu.memory_space<vmem>>)
        tpu.yield
      }) : () -> ()
      %add3A_148 = arith.constant 52 : i32
      %add3A_149 = arith.addi %add3A_104, %add3A_148 : i32
      %run_scoped3A_150 = arith.constant 1 : i32
      "tpu.region"() ({
        %run_scoped3A_166 = tpu.sem_alloc : memref<!tpu.dma_semaphore, #tpu.memory_space<semaphore_mem>>
        %dma_start3A_167 = arith.constant 52 : i32
        %dma_start3A_168 = arith.constant 0 : i32
        %dma_start3A_169 = tpu.memref_slice %arg6[%dma_start3A_167, %dma_start3A_168] : memref<53x128xi32, #tpu.memory_space<vmem>> -> memref<1x128xi32, #tpu.memory_space<vmem>>
        %dma_start3A_170 = arith.constant 0 : i32
        %dma_start3A_171 = tpu.memref_slice %arg3[%run_scoped3A_150, %add3A_149, %dma_start3A_170] : memref<2x2500x128xi32, #tpu.memory_space<hbm>> -> memref<1x1x128xi32, #tpu.memory_space<hbm>>
        %dma_start3A_172 = tpu.memref_squeeze %dma_start3A_171 : memref<1x1x128xi32, #tpu.memory_space<hbm>> -> memref<1x128xi32, #tpu.memory_space<hbm>>
        %dma_start3A_173 = arith.constant 52 : i32
        %dma_start3A_174 = arith.constant 0 : i32
        %dma_start3A_175 = tpu.memref_slice %arg6[%dma_start3A_173, %dma_start3A_174] : memref<53x128xi32, #tpu.memory_space<vmem>> -> memref<1x128xi32, #tpu.memory_space<vmem>>
        %dma_start3A_176 = arith.constant 0 : i32
        %dma_start3A_177 = tpu.memref_slice %arg3[%run_scoped3A_150, %add3A_149, %dma_start3A_176] : memref<2x2500x128xi32, #tpu.memory_space<hbm>> -> memref<1x1x128xi32, #tpu.memory_space<hbm>>
        %dma_start3A_178 = tpu.memref_squeeze %dma_start3A_177 : memref<1x1x128xi32, #tpu.memory_space<hbm>> -> memref<1x128xi32, #tpu.memory_space<hbm>>
        tpu.enqueue_dma source(%dma_start3A_178 : memref<1x128xi32, #tpu.memory_space<hbm>>) target(%dma_start3A_175 : memref<1x128xi32, #tpu.memory_space<vmem>>) target_semaphore(%run_scoped3A_166 : memref<!tpu.dma_semaphore, #tpu.memory_space<semaphore_mem>>)
        %dma_wait3A_179 = arith.constant 52 : i32
        %dma_wait3A_180 = arith.constant 0 : i32
        %dma_wait3A_181 = tpu.memref_slice %arg6[%dma_wait3A_179, %dma_wait3A_180] : memref<53x128xi32, #tpu.memory_space<vmem>> -> memref<1x128xi32, #tpu.memory_space<vmem>>
        %dma_wait3A_182 = arith.constant 0 : i32
        %dma_wait3A_183 = tpu.memref_slice %arg3[%run_scoped3A_150, %add3A_149, %dma_wait3A_182] : memref<2x2500x128xi32, #tpu.memory_space<hbm>> -> memref<1x1x128xi32, #tpu.memory_space<hbm>>
        %dma_wait3A_184 = tpu.memref_squeeze %dma_wait3A_183 : memref<1x1x128xi32, #tpu.memory_space<hbm>> -> memref<1x128xi32, #tpu.memory_space<hbm>>
        %dma_wait3A_185 = arith.constant 52 : i32
        %dma_wait3A_186 = arith.constant 0 : i32
        %dma_wait3A_187 = tpu.memref_slice %arg6[%dma_wait3A_185, %dma_wait3A_186] : memref<53x128xi32, #tpu.memory_space<vmem>> -> memref<1x128xi32, #tpu.memory_space<vmem>>
        %dma_wait3A_188 = arith.constant 0 : i32
        %dma_wait3A_189 = tpu.memref_slice %arg3[%run_scoped3A_150, %add3A_149, %dma_wait3A_188] : memref<2x2500x128xi32, #tpu.memory_space<hbm>> -> memref<1x1x128xi32, #tpu.memory_space<hbm>>
        %dma_wait3A_190 = tpu.memref_squeeze %dma_wait3A_189 : memref<1x1x128xi32, #tpu.memory_space<hbm>> -> memref<1x128xi32, #tpu.memory_space<hbm>>
        tpu.wait_dma2 semaphore(%run_scoped3A_166 : memref<!tpu.dma_semaphore, #tpu.memory_space<semaphore_mem>>) src(%dma_wait3A_190 : memref<1x128xi32, #tpu.memory_space<hbm>>) dst(%dma_wait3A_187 : memref<1x128xi32, #tpu.memory_space<vmem>>)
        tpu.yield
      }) : () -> ()
      %dma_start3A_151 = arith.constant 52 : i32
      %dma_start3A_152 = arith.constant 0 : i32
      %dma_start3A_153 = tpu.memref_slice %arg5[%dma_start3A_151, %dma_start3A_152] : memref<53x128xi32, #tpu.memory_space<vmem>> -> memref<1x128xi32, #tpu.memory_space<vmem>>
      %dma_start3A_154 = tpu.memref_squeeze %dma_start3A_153 : memref<1x128xi32, #tpu.memory_space<vmem>> -> memref<128xi32, #tpu.memory_space<vmem>>
      %dma_start3A_155 = arith.constant 0 : i32
      %dma_start3A_156 = arith.constant 0 : i32
      %dma_start3A_157 = tpu.memref_slice %arg11[%dma_start3A_155, %dma_start3A_156] : memref<10000x64xf32, #tpu.memory_space<vmem_shared>> -> memref<10000x64xf32, #tpu.memory_space<vmem_shared>>
      tpu.enqueue_indirect_dma source(%dma_start3A_157 : memref<10000x64xf32, #tpu.memory_space<vmem_shared>>) target(%arg7 : memref<128x64xf32, #tpu.memory_space<vmem>>) offsets(%dma_start3A_154 : memref<128xi32, #tpu.memory_space<vmem>>) semaphore(%arg13 : memref<!tpu.dma_semaphore, #tpu.memory_space<semaphore_mem>>)
      %dma_wait3A_158 = arith.constant 52 : i32
      %dma_wait3A_159 = arith.constant 0 : i32
      %dma_wait3A_160 = tpu.memref_slice %arg5[%dma_wait3A_158, %dma_wait3A_159] : memref<53x128xi32, #tpu.memory_space<vmem>> -> memref<1x128xi32, #tpu.memory_space<vmem>>
      %dma_wait3A_161 = tpu.memref_squeeze %dma_wait3A_160 : memref<1x128xi32, #tpu.memory_space<vmem>> -> memref<128xi32, #tpu.memory_space<vmem>>
      %dma_wait3A_162 = arith.constant 0 : i32
      %dma_wait3A_163 = arith.constant 0 : i32
      %dma_wait3A_164 = tpu.memref_slice %arg11[%dma_wait3A_162, %dma_wait3A_163] : memref<10000x64xf32, #tpu.memory_space<vmem_shared>> -> memref<10000x64xf32, #tpu.memory_space<vmem_shared>>
      tpu.wait_indirect_dma semaphore(%arg13 : memref<!tpu.dma_semaphore, #tpu.memory_space<semaphore_mem>>) src(%dma_wait3A_164 : memref<10000x64xf32, #tpu.memory_space<vmem_shared>>) dst(%arg7 : memref<128x64xf32, #tpu.memory_space<vmem>>)
      %run_scoped3A_165 = arith.constant 52 : i32
      "tpu.region"() ({
        %run_scoped3A_166 = tpu.sem_alloc : memref<!tpu.dma_semaphore, #tpu.memory_space<semaphore_mem>>
        %dma_start3A_167 = arith.constant 0 : i32
        %dma_start3A_168 = tpu.memref_slice %arg6[%run_scoped3A_165, %dma_start3A_167] : memref<53x128xi32, #tpu.memory_space<vmem>> -> memref<1x128xi32, #tpu.memory_space<vmem>>
        %dma_start3A_169 = tpu.memref_squeeze %dma_start3A_168 : memref<1x128xi32, #tpu.memory_space<vmem>> -> memref<128xi32, #tpu.memory_space<vmem>>
        %dma_start3A_170 = arith.constant 0 : i32
        %dma_start3A_171 = arith.constant 0 : i32
        %dma_start3A_172 = tpu.memref_slice %arg12[%dma_start3A_170, %dma_start3A_171] : memref<10000x64xf32, #tpu.memory_space<vmem_shared>> -> memref<10000x64xf32, #tpu.memory_space<vmem_shared>>
        tpu.enqueue_indirect_dma source(%arg7 : memref<128x64xf32, #tpu.memory_space<vmem>>) target(%dma_start3A_172 : memref<10000x64xf32, #tpu.memory_space<vmem_shared>>) offsets(%dma_start3A_169 : memref<128xi32, #tpu.memory_space<vmem>>) semaphore(%run_scoped3A_166 : memref<!tpu.dma_semaphore, #tpu.memory_space<semaphore_mem>>) {add = true}
        %dma_wait3A_173 = arith.constant 0 : i32
        %dma_wait3A_174 = tpu.memref_slice %arg6[%run_scoped3A_165, %dma_wait3A_173] : memref<53x128xi32, #tpu.memory_space<vmem>> -> memref<1x128xi32, #tpu.memory_space<vmem>>
        %dma_wait3A_175 = tpu.memref_squeeze %dma_wait3A_174 : memref<1x128xi32, #tpu.memory_space<vmem>> -> memref<128xi32, #tpu.memory_space<vmem>>
        %dma_wait3A_176 = arith.constant 0 : i32
        %dma_wait3A_177 = arith.constant 0 : i32
        %dma_wait3A_178 = tpu.memref_slice %arg12[%dma_wait3A_176, %dma_wait3A_177] : memref<10000x64xf32, #tpu.memory_space<vmem_shared>> -> memref<10000x64xf32, #tpu.memory_space<vmem_shared>>
        tpu.wait_indirect_dma semaphore(%run_scoped3A_166 : memref<!tpu.dma_semaphore, #tpu.memory_space<semaphore_mem>>) src(%arg7 : memref<128x64xf32, #tpu.memory_space<vmem>>) dst(%dma_wait3A_178 : memref<10000x64xf32, #tpu.memory_space<vmem_shared>>)
        tpu.yield
      }) : () -> ()
    } else {
    }
    %barrier3A_142 = arith.constant 0 : index
    tpu.barrier barrier_id(%barrier3A_142)
    %mul3A_143 = arith.constant 64 : i32
    %mul3A_144 = arith.muli %arg0, %mul3A_143 : i32
    "tpu.region"() ({
      %run_scoped3A_145 = tpu.sem_alloc : memref<!tpu.dma_semaphore, #tpu.memory_space<semaphore_mem>>
      %dma_start3A_146 = tpu.memref_slice %arg4[%mul3A_0, %mul3A_144] : memref<10000x128xf32, #tpu.memory_space<hbm>> -> memref<625x64xf32, #tpu.memory_space<hbm>>
      %dma_start3A_147 = arith.constant 0 : i32
      %dma_start3A_148 = tpu.memref_slice %arg12[%mul3A_0, %dma_start3A_147] : memref<10000x64xf32, #tpu.memory_space<vmem_shared>> -> memref<625x64xf32, #tpu.memory_space<vmem_shared>>
      tpu.enqueue_dma source(%dma_start3A_148 : memref<625x64xf32, #tpu.memory_space<vmem_shared>>) target(%dma_start3A_146 : memref<625x64xf32, #tpu.memory_space<hbm>>) target_semaphore(%run_scoped3A_145 : memref<!tpu.dma_semaphore, #tpu.memory_space<semaphore_mem>>)
      %dma_wait3A_149 = tpu.memref_slice %arg4[%mul3A_0, %mul3A_144] : memref<10000x128xf32, #tpu.memory_space<hbm>> -> memref<625x64xf32, #tpu.memory_space<hbm>>
      %dma_wait3A_150 = arith.constant 0 : i32
      %dma_wait3A_151 = tpu.memref_slice %arg12[%mul3A_0, %dma_wait3A_150] : memref<10000x64xf32, #tpu.memory_space<vmem_shared>> -> memref<625x64xf32, #tpu.memory_space<vmem_shared>>
      tpu.wait_dma2 semaphore(%run_scoped3A_145 : memref<!tpu.dma_semaphore, #tpu.memory_space<semaphore_mem>>) src(%dma_wait3A_151 : memref<625x64xf32, #tpu.memory_space<vmem_shared>>) dst(%dma_wait3A_149 : memref<625x64xf32, #tpu.memory_space<hbm>>)
      tpu.yield
    }) : () -> ()
    return
  }
}

module attributes {stable_mosaic.version = 14 : i64} {
  func.func @_tc1_body(%arg0: memref<10000x128xf32, #tpu.memory_space<vmem>>, %arg1: memref<128x128xf32, #tpu.memory_space<vmem>>, %arg2: memref<2x10240xf32, #tpu.memory_space<vmem>>, %arg3: memref<10000x128xf32, #tpu.memory_space<vmem>>, %arg4: memref<10000xf32, #tpu.memory_space<vmem>>) attributes {dimension_semantics = [], scalar_prefetch = 0 : i64, scratch_operands = 0 : i64, tpu.core_type = #tpu.core_type<tc>} {
    %get3A = arith.constant 0 : index
    %get3A_0 = arith.constant 0 : index
    %get3A_1 = vector.load %arg2[%get3A, %get3A_0] : memref<2x10240xf32, #tpu.memory_space<vmem>>, vector<1x10000xf32>
    %get3A_2 = vector.shape_cast %get3A_1 : vector<1x10000xf32> to vector<10000xf32>
    %get3A_3 = arith.constant 1 : index
    %get3A_4 = arith.constant 0 : index
    %get3A_5 = vector.load %arg2[%get3A_3, %get3A_4] : memref<2x10240xf32, #tpu.memory_space<vmem>>, vector<1x10000xf32>
    %get3A_6 = vector.shape_cast %get3A_5 : vector<1x10000xf32> to vector<10000xf32>
    %add3A = arith.addf %get3A_2, %get3A_6 : vector<10000xf32>
    %add3A_7 = arith.constant 1.000000e+00 : f32
    %add3A_8 = vector.broadcast %add3A_7 : f32 to vector<10000xf32>
    %add3A_9 = arith.addf %add3A, %add3A_8 : vector<10000xf32>
    %max3A = arith.constant 1.000000e+00 : f32
    %max3A_10 = vector.broadcast %max3A : f32 to vector<10000xf32>
    %max3A_11 = arith.maximumf %add3A_9, %max3A_10 : vector<10000xf32>
    %rsqrt3A = math.rsqrt %max3A_11 : vector<10000xf32>
    %get3A_12 = arith.constant 0 : index
    %get3A_13 = arith.constant 0 : index
    %get3A_14 = vector.load %arg0[%get3A_12, %get3A_13] : memref<10000x128xf32, #tpu.memory_space<vmem>>, vector<10000x128xf32>
    %get3A_15 = arith.constant 0 : index
    %get3A_16 = arith.constant 0 : index
    %get3A_17 = vector.load %arg1[%get3A_15, %get3A_16] : memref<128x128xf32, #tpu.memory_space<vmem>>, vector<128x128xf32>
    %dot_general3A = arith.constant dense<0.000000e+00> : vector<10000x128xf32>
    %dot_general3A_18 = tpu.matmul %get3A_14, %get3A_17, %dot_general3A {dimension_numbers = #tpu.dot_dimension_numbers<[1], [0], [0], [1], [0, 0, 1, 1], [], []>, transpose_lhs_hint = false} : vector<10000x128xf32>, vector<128x128xf32>, vector<10000x128xf32> -> vector<10000x128xf32>
    %broadcast_in_dim3A = vector.shape_cast %rsqrt3A : vector<10000xf32> to vector<10000x1xf32>
    %mul3A = vector.broadcast %broadcast_in_dim3A : vector<10000x1xf32> to vector<10000x128xf32>
    %mul3A_19 = arith.mulf %dot_general3A_18, %mul3A : vector<10000x128xf32>
    %swap3A = arith.constant 0 : index
    %swap3A_20 = arith.constant 0 : index
    %swap3A_21 = vector.load %arg3[%swap3A, %swap3A_20] : memref<10000x128xf32, #tpu.memory_space<vmem>>, vector<10000x128xf32>
    tpu.vector_store %arg3[%swap3A, %swap3A_20], %mul3A_19 {strides = array<i32>} : memref<10000x128xf32, #tpu.memory_space<vmem>>, vector<10000x128xf32>,
    %swap3A_22 = arith.constant 0 : index
    %swap3A_23 = vector.load %arg4[%swap3A_22] : memref<10000xf32, #tpu.memory_space<vmem>>, vector<10000xf32>
    tpu.vector_store %arg4[%swap3A_22], %rsqrt3A {strides = array<i32>} : memref<10000xf32, #tpu.memory_space<vmem>>, vector<10000xf32>,
    return
  }
}

module attributes {stable_mosaic.version = 14 : i64} {
  func.func @_tc2_body(%arg0: memref<10000x128xf32, #tpu.memory_space<vmem>>, %arg1: memref<10000x128xf32, #tpu.memory_space<vmem>>, %arg2: memref<10000xf32, #tpu.memory_space<vmem>>, %arg3: memref<1x128xf32, #tpu.memory_space<vmem>>, %arg4: memref<128x64xf32, #tpu.memory_space<vmem>>, %arg5: memref<10000x128xf32, #tpu.memory_space<vmem>>) attributes {dimension_semantics = [], scalar_prefetch = 0 : i64, scratch_operands = 0 : i64, tpu.core_type = #tpu.core_type<tc>} {
    %get3A = arith.constant 0 : index
    %get3A_0 = vector.load %arg2[%get3A] : memref<10000xf32, #tpu.memory_space<vmem>>, vector<10000xf32>
    %broadcast_in_dim3A = vector.shape_cast %get3A_0 : vector<10000xf32> to vector<10000x1xf32>
    %get3A_1 = arith.constant 0 : index
    %get3A_2 = arith.constant 0 : index
    %get3A_3 = vector.load %arg0[%get3A_1, %get3A_2] : memref<10000x128xf32, #tpu.memory_space<vmem>>, vector<10000x128xf32>
    %get3A_4 = arith.constant 0 : index
    %get3A_5 = arith.constant 0 : index
    %get3A_6 = vector.load %arg1[%get3A_4, %get3A_5] : memref<10000x128xf32, #tpu.memory_space<vmem>>, vector<10000x128xf32>
    %add3A = arith.addf %get3A_3, %get3A_6 : vector<10000x128xf32>
    %mul3A = vector.broadcast %broadcast_in_dim3A : vector<10000x1xf32> to vector<10000x128xf32>
    %mul3A_7 = arith.mulf %add3A, %mul3A : vector<10000x128xf32>
    %get3A_8 = arith.constant 0 : index
    %get3A_9 = arith.constant 0 : index
    %get3A_10 = vector.load %arg3[%get3A_8, %get3A_9] : memref<1x128xf32, #tpu.memory_space<vmem>>, vector<1x128xf32>
    %add3A_11 = vector.broadcast %get3A_10 : vector<1x128xf32> to vector<10000x128xf32>
    %add3A_12 = arith.addf %mul3A_7, %add3A_11 : vector<10000x128xf32>
    %max3A = arith.constant 0.000000e+00 : f32
    %max3A_13 = vector.broadcast %max3A : f32 to vector<10000x128xf32>
    %max3A_14 = arith.maximumf %add3A_12, %max3A_13 : vector<10000x128xf32>
    %get3A_15 = arith.constant 0 : index
    %get3A_16 = arith.constant 0 : index
    %get3A_17 = vector.load %arg4[%get3A_15, %get3A_16] : memref<128x64xf32, #tpu.memory_space<vmem>>, vector<128x64xf32>
    %dot_general3A = arith.constant dense<0.000000e+00> : vector<10000x64xf32>
    %dot_general3A_18 = tpu.matmul %max3A_14, %get3A_17, %dot_general3A {dimension_numbers = #tpu.dot_dimension_numbers<[1], [0], [0], [1], [0, 0, 1, 1], [], []>, transpose_lhs_hint = false} : vector<10000x128xf32>, vector<128x64xf32>, vector<10000x64xf32> -> vector<10000x64xf32>
    %mul3A_19 = vector.broadcast %broadcast_in_dim3A : vector<10000x1xf32> to vector<10000x64xf32>
    %mul3A_20 = arith.mulf %dot_general3A_18, %mul3A_19 : vector<10000x64xf32>
    %broadcast_in_dim3A_21 = arith.constant 0.000000e+00 : f32
    %broadcast_in_dim3A_22 = vector.broadcast %broadcast_in_dim3A_21 : f32 to vector<10000x64xf32>
    %concatenate3A = tpu.concatenate %mul3A_20, %broadcast_in_dim3A_22 in 1 : vector<10000x64xf32>, vector<10000x64xf32> -> vector<10000x128xf32>
    %swap3A = arith.constant 0 : index
    %swap3A_23 = arith.constant 0 : index
    %swap3A_24 = vector.load %arg5[%swap3A, %swap3A_23] : memref<10000x128xf32, #tpu.memory_space<vmem>>, vector<10000x128xf32>
    tpu.vector_store %arg5[%swap3A, %swap3A_23], %concatenate3A {strides = array<i32>} : memref<10000x128xf32, #tpu.memory_space<vmem>>, vector<10000x128xf32>,
    return
  }
}

module attributes {stable_mosaic.version = 14 : i64} {
  func.func @_tc3_body(%arg0: memref<10000x128xf32, #tpu.memory_space<vmem>>, %arg1: memref<10000x128xf32, #tpu.memory_space<vmem>>, %arg2: memref<10000xf32, #tpu.memory_space<vmem>>, %arg3: memref<1x64xf32, #tpu.memory_space<vmem>>, %arg4: memref<10000x64xf32, #tpu.memory_space<vmem>>) attributes {dimension_semantics = [], scalar_prefetch = 0 : i64, scratch_operands = 0 : i64, tpu.core_type = #tpu.core_type<tc>} {
    %get3A = arith.constant 0 : index
    %get3A_0 = arith.constant 0 : index
    %get3A_1 = vector.load %arg0[%get3A, %get3A_0] : memref<10000x128xf32, #tpu.memory_space<vmem>>, vector<10000x64xf32>
    %get3A_2 = arith.constant 0 : index
    %get3A_3 = arith.constant 0 : index
    %get3A_4 = vector.load %arg1[%get3A_2, %get3A_3] : memref<10000x128xf32, #tpu.memory_space<vmem>>, vector<10000x64xf32>
    %add3A = arith.addf %get3A_1, %get3A_4 : vector<10000x64xf32>
    %get3A_5 = arith.constant 0 : index
    %get3A_6 = vector.load %arg2[%get3A_5] : memref<10000xf32, #tpu.memory_space<vmem>>, vector<10000xf32>
    %broadcast_in_dim3A = vector.shape_cast %get3A_6 : vector<10000xf32> to vector<10000x1xf32>
    %mul3A = vector.broadcast %broadcast_in_dim3A : vector<10000x1xf32> to vector<10000x64xf32>
    %mul3A_7 = arith.mulf %add3A, %mul3A : vector<10000x64xf32>
    %get3A_8 = arith.constant 0 : index
    %get3A_9 = arith.constant 0 : index
    %get3A_10 = vector.load %arg3[%get3A_8, %get3A_9] : memref<1x64xf32, #tpu.memory_space<vmem>>, vector<1x64xf32>
    %add3A_11 = vector.broadcast %get3A_10 : vector<1x64xf32> to vector<10000x64xf32>
    %add3A_12 = arith.addf %mul3A_7, %add3A_11 : vector<10000x64xf32>
    %max3A = arith.constant 0.000000e+00 : f32
    %max3A_13 = vector.broadcast %max3A : f32 to vector<10000x64xf32>
    %max3A_14 = arith.maximumf %add3A_12, %max3A_13 : vector<10000x64xf32>
    %swap3A = arith.constant 0 : index
    %swap3A_15 = arith.constant 0 : index
    %swap3A_16 = vector.load %arg4[%swap3A, %swap3A_15] : memref<10000x64xf32, #tpu.memory_space<vmem>>, vector<10000x64xf32>
    tpu.vector_store %arg4[%swap3A, %swap3A_15], %max3A_14 {strides = array<i32>} : memref<10000x64xf32, #tpu.memory_space<vmem>>, vector<10000x64xf32>,
    return
  }
}

</mosaic_0001>

<sc_bundles>
// kernel: kernel.11.cloned.1.call-start
scs
__scs_entry_jumppad:
0x0: {  	(pc) =	sbr.rel $0x88, $3  }
0x1: {  	(tag) =	ssettag $0x0;
	lr =	simm.s32 $0x1  }
0x2: {  	[smem:$0x3F9B] =	sst lr;
	_ =	strace $0xD0000000  }
0x3: {  	_ = 	snop  }
0x4: {  	_ = 	snop  }
0x5: {  	_ = 	snop  }
0x6: {  	_ = 	snop  }
0x7: {  	_ = 	snop  }
__scs_overlays_trampoline_lowered:
0x8: {  	[smem:$0x3FAA] =	sst s0  }
0x9: {  	[smem:$0x3FAB] =	sst s1  }
0xa: {  	[smem:$0x3FAC] =	sst s2  }
0xb: {  	[smem:$0x3FAD] =	sst s3  }
0xc: {  	[smem:$0x3FAE] =	sst s4  }
0xd: {  	[smem:$0x3FAF] =	sst s5  }
0xe: {  	[smem:$0x3FB0] =	sst s6  }
0xf: {  	[smem:$0x3FB1] =	sst s7  }
0x10: {  	[smem:$0x3FB2] =	sst s8  }
0x11: {  	[smem:$0x3FB3] =	sst s9;
	s0 =	simm.s32 @!p0 $0x0  }
0x12: {  	s1 =	sld [smem:$0x3F99];
	s0 =	simm.s32 @p0 $0x1  }
0x13: {  	[smem:$0x3FB4] =	sst s0;
	s0 =	simm.s32 @!p1 $0x0  }
0x14: {  	s2 =	sld [smem:$0x3F98];
	s0 =	simm.s32 @p1 $0x1  }
0x15: {  	[smem:$0x3FB5] =	sst s0;
	s0 =	simm.s32 @!p2 $0x0  }
0x16: {  	s3 =	sld [smem:$0x3FDB];
	s0 =	simm.s32 @p2 $0x1  }
0x17: {  	s4 =	simm.s32 $0x1BF5;
	[smem:$0x3FB7] =	sst s0  }
0x18: {  	s0 =	sld [smem:$0x3F9A];
	_ =	swait.ge [sflag:s4], $0x0  }
0x19: {  	s7 =	sld [smem:$0x3F9B]  }
0x1a: {  	s8 =	sadd.s32 $0xFFFFE003, lr  }
0x1b: {  	s9 =	sadd.s32 $0xFFFFFEF7, lr;
	s5 =	simm.s32 $0xFFFFFFFF;
	p2 =	slt.u32 s8, $0xFFFFF086  }
0x1c: {  	p1 =	slt.u32 s9, $0xF7A;
	s5 =	simm.s32 @!p2 $0x0  }
0x1d: {  	s5 =	simm.s32 @p1 $0x1;
	p0 =	seq.s32 s7, s2  }
0x1e: {  	s7 =	smul.u32 @!p0 $0xF7A, s2;
	p2 =	seq.s32 @!p0 s5, $0x0  }
0x1f: {  	s9 =	smul.u32 $0xF7A, s1;
	s8 =	simm.s32 @!p0 $0x1BF5;
	p2 =	por !p2, p0  }
0x20: {  	[sflag:s8] =	ssyncset.s32 @!p0 $0xFFFFF086;
	s6 =	sadd.s32 @!p0 s3, s7;
	s7 =	simm.s32 @!p0 $0x108  }
0x21: {  	s3 =	sadd.s32 s3, s9;
	s6 =	sadd.s32 @!p0 $0x88, s6;
	s7 =	simm.s32 @p2 $0x1082  }
0x22: {  	[simem:s7], [sflag:s8] =	dma.local @!p0 [hbm:s6], $0xF7A  }
0x23: {  	s9 =	sor.u32 $0xD0000000, s2;
	s6 =	simm.s32 $0x108;
	_ =	swait.ge @!p0 [sflag:s8], $0x0  }
0x24: {  	s3 =	sadd.s32 $0x88, s3;
	s6 =	simm.s32 @!p1 $0x1082;
	[sflag:s4] =	ssyncset.s32 $0xFFFFF086  }
0x25: {  	[simem:s6], [sflag:s4] =	dma.local [hbm:s3], $0xF7A  }
0x26: {  	[smem:$0x3F9B] =	sst s1;
	(tag) =	ssettag s2;
	_ =	strace s9  }
0x27: {  	s1 =	sld [smem:$0x3FAB]  }
0x28: {  	s2 =	sld [smem:$0x3FAC]  }
0x29: {  	s4 =	sld [smem:$0x3FAE]  }
0x2a: {  	p0 =	seq.s32 s5, $0x0;
	s5 =	sld [smem:$0x3FAF]  }
0x2b: {  	s6 =	sld [smem:$0x3FB0]  }
0x2c: {  	s7 =	sld [smem:$0x3FB1]  }
0x2d: {  	s3 =	simm.s32 $0x108;
	s8 =	sld [smem:$0x3FB2]  }
0x2e: {  	s3 =	simm.s32 @!p0 $0x1082;
	s9 =	sld [smem:$0x3FB3]  }
0x2f: {  	lr =	sadd.s32 s0, s3;
	s0 =	sld [smem:$0x3FAA]  }
0x30: {  	s3 =	sld [smem:$0x3FAD]  }
0x31: {  	[smem:$0x3FB6] =	sst s10  }
0x32: {  	s10 =	sld [smem:$0x3FB4];
	_ =	sdelay $0x3  }
0x33: {  	p0 =	seq.s32 s10, $0x1;
	s10 =	sld [smem:$0x3FB6];
	_ =	sdelay $0x3  }
0x34: {  	[smem:$0x3FB6] =	sst s10  }
0x35: {  	s10 =	sld [smem:$0x3FB5];
	_ =	sdelay $0x3  }
0x36: {  	p1 =	seq.s32 s10, $0x1;
	s10 =	sld [smem:$0x3FB6];
	_ =	sdelay $0x3  }
0x37: {  	[smem:$0x3FB6] =	sst s10  }
0x38: {  	s10 =	sld [smem:$0x3FB7]  }
0x39: {  	_ = 	snop;
	(pc) =	sbr.ind lr, $3  }
0x3a: {  	_ = 	snop  }
0x3b: {  	_ = 	snop  }
0x3c: {  	p2 =	seq.s32 s10, $0x1;
	s10 =	sld [smem:$0x3FB6]  }
0x3d: {  	_ =	shalt  }
0x3e: {  	_ =	shalt  }
0x3f: {  	_ =	shalt  }
0x40: {  	_ =	shalt  }
0x41: {  	_ =	shalt  }
0x42: {  	_ =	shalt  }
0x43: {  	_ =	shalt  }
0x44: {  	_ =	shalt  }
0x45: {  	_ =	shalt  }
0x46: {  	_ =	shalt  }
0x47: {  	_ =	shalt  }
0x48: {  	_ =	shalt  }
0x49: {  	_ =	shalt  }
0x4a: {  	_ =	shalt  }
0x4b: {  	_ =	shalt  }
0x4c: {  	_ =	shalt  }
0x4d: {  	_ =	shalt  }
0x4e: {  	_ =	shalt  }
0x4f: {  	_ =	shalt  }
0x50: {  	_ =	shalt  }
0x51: {  	_ =	shalt  }
0x52: {  	_ =	shalt  }
0x53: {  	_ =	shalt  }
0x54: {  	_ =	shalt  }
0x55: {  	_ =	shalt  }
0x56: {  	_ =	shalt  }
0x57: {  	_ =	shalt  }
0x58: {  	_ =	shalt  }
0x59: {  	_ =	shalt  }
0x5a: {  	_ =	shalt  }
0x5b: {  	_ =	shalt  }
0x5c: {  	_ =	shalt  }
0x5d: {  	_ =	shalt  }
0x5e: {  	_ =	shalt  }
0x5f: {  	_ =	shalt  }
0x60: {  	_ =	shalt  }
0x61: {  	_ =	shalt  }
0x62: {  	_ =	shalt  }
0x63: {  	_ =	shalt  }
0x64: {  	_ =	shalt  }
0x65: {  	_ =	shalt  }
0x66: {  	_ =	shalt  }
0x67: {  	_ =	shalt  }
0x68: {  	_ =	shalt  }
0x69: {  	_ =	shalt  }
0x6a: {  	_ =	shalt  }
0x6b: {  	_ =	shalt  }
0x6c: {  	_ =	shalt  }
0x6d: {  	_ =	shalt  }
0x6e: {  	_ =	shalt  }
0x6f: {  	_ =	shalt  }
0x70: {  	_ =	shalt  }
0x71: {  	_ =	shalt  }
0x72: {  	_ =	shalt  }
0x73: {  	_ =	shalt  }
0x74: {  	_ =	shalt  }
0x75: {  	_ =	shalt  }
0x76: {  	_ =	shalt  }
0x77: {  	_ =	shalt  }
0x78: {  	_ =	shalt  }
0x79: {  	_ =	shalt  }
0x7a: {  	_ =	shalt  }
0x7b: {  	_ =	shalt  }
0x7c: {  	_ =	shalt  }
0x7d: {  	_ =	shalt  }
0x7e: {  	_ =	shalt  }
0x7f: {  	_ =	shalt  }
0x80: {  	_ =	shalt  }
0x81: {  	_ =	shalt  }
0x82: {  	_ =	shalt  }
0x83: {  	_ =	shalt  }
0x84: {  	_ =	shalt  }
0x85: {  	_ =	shalt  }
0x86: {  	_ =	shalt  }
0x87: {  	_ =	shalt  }
.Lfunc_end0:
.L_simem_size_0:
called_computation.1_lowered:
.L_overlay_start_0:
0x88: {  	s2 =	sld [smem:$0x3FD9]  }
0x89: {  	s3 =	sld [smem:$0x3FFE];
	_ =	sdelay $0x1  }
0x8a: {  	s1 =	srdreg.scid  }
0x8b: {  	s0 =	sand.u32 $0x1, s1  }
0x8c: {  	s17 =	sshll.u32 s0, $0xA;
	s2 =	sadd.s32 s3, s2  }
0x8d: {  	s2 =	sadd.s32 s2, s17  }
0x8e: {  	[smem:$0x3FC2] =	sst s2  }
0x8f: {  	_ = 	snop  }
0x90: {  	s2 =	sld [smem:$0x3FD0];
	(tm) =	ssettm $0x1  }
0x91: {  	s18 =	sld [smem:$0x3FFB];
	_ =	sdelay $0x3  }
0x92: {  	_ =	strace s18  }
0x93: {  	s3 =	sld [smem:$0x3FFC];
	_ =	sdelay $0x3  }
0x94: {  	_ =	strace s3  }
0x95: {  	s3 =	sld [smem:$0x3FFD];
	_ =	sdelay $0x3  }
0x96: {  	_ =	strace s3  }
0x97: {  	_ =	strace $0x8FFFFFFF  }
0x98: {  	s19 =	sld [smem:$0x3FDB];
	_ =	sdelay $0x1  }
0x99: {  	s4 =	simm.s32 $_scs_section_size  }
0x9a: {  	s5 =	simm.s32 $_size__tile_overlayer_lowered;
	s6 =	simm.s32 $_tile_overlayer_lowered  }
0x9b: {  	s22 =	simm.s32 $0x1BFF;
	s21 =	sshll.u32 s6, $0x1;
	s3 =	sadd.s32 s4, s19  }
0x9c: {  	s7 =	simm.s32 $0x0;
	s20 =	sshll.u32 s5, $0x1;
	s5 =	sadd.s32 s21, s3  }
0x9d: {  	[timem:s7], [sflag:s22] =	dma.local [hbm:s5], s20  }
0x9e: {  	_ =	swait.ge [sflag:s22], s20  }
0x9f: {  	s4 =	ssub.s32 $0x0, s20;
	[sflag:s22] =	ssyncset.done $0x0  }
0xa0: {  	[sflag:s22] =	ssyncadd.s32 s4;
	_ =	sdelay $0x1  }
0xa1: {  	s23 =	simm.s32 $0x1B8B  }
0xa2: {  	_ =	swait.ge [sflag:s23], $0x1  }
0xa3: {  	[sflag:s23] =	ssyncset.done $0x0  }
0xa4: {  	s25 =	simm.s32 $0x1B8E;
	s24 =	sld [smem:$0x3FFE];
	[sflag:s23] =	ssyncadd.s32 $0xFFFFFFFF  }
0xa5: {  	s26 =	simm.s32 $execute0_lowered;
	[smem:$0x3FD2] =	sst s25  }
0xa6: {  	s5 =	sshll.u32 s26, $0x1;
	_ =	strace $0x80000049;
	[dreg:$0x1] =	wrdreg $0xFFFFFFFF  }
0xa7: {  	s28 =	simm.s32 $_size_execute0_lowered;
	s3 =	sadd.s32 s3, s5;
	[dreg:$0x0] =	wrdreg $0x0  }
0xa8: {  	s5 =	sshll.u32 s28, $0x1;
	[dreg:$0x2] =	wrdreg s3  }
0xa9: {  	[dreg:$0x3] =	wrdreg s5  }
0xaa: {  	[dreg:$0x4] =	wrdreg $0xC0  }
0xab: {  	_ =	task [dreg:s7], $0x5FFFF  }
0xac: {  	[dreg:$0x1] =	wrdreg $0xFFFFFFFF  }
0xad: {  	[dreg:$0x0] =	wrdreg $0x60  }
0xae: {  	[dreg:$0x2] =	wrdreg s24  }
0xaf: {  	[dreg:$0x3] =	wrdreg s2  }
0xb0: {  	[dreg:$0x4] =	wrdreg $0xB5000  }
0xb1: {  	[dreg:$0x5] =	wrdreg $0x151400  }
0xb2: {  	[dreg:$0x6] =	wrdreg $0x9  }
0xb3: {  	_ =	task.clear_ibuf [dreg:s7], $0x7FFFF;
	_ =	strace $0x90000049  }
0xb4: {  	s29 =	simm.s32 $0x9;
	_ =	strace $0x8000004B  }
0xb5: {  	_ =	swait.ge [sflag:s29], $0x1  }
0xb6: {  	[sflag:s29] =	ssyncadd.s32 $0xFFFFFFFF  }
0xb7: {  	_ =	strace $0x9000004B  }
0xb8: {  	_ =	sfence  }
0xb9: {  	s30 =	sld [smem:$0x0];
	_ =	sdelay $0x2  }
0xba: {  	s31 =	sshll.u32 s1, $0xD;
	s1 =	sshrl.u32 s1, $0x2  }
0xbb: {  	s3 =	sand.u32 $0x4000, s31;
	s1 =	sadd.s32 s1, s30  }
0xbc: {  	s0 =	sor.u32 s3, s0;
	s1 =	sshll.u32 s1, $0x11  }
0xbd: {  	s0 =	sor.u32 s1, s0  }
0xbe: {  	s0 =	sadd.s32 $0x8F2B, s0  }
0xbf: {  	[sflag:s0] =	ssyncadd.remote.s32 $0x1  }
0xc0: {  	_ =	sfence.sel $0xFFFF  }
0xc1: {  	[dreg:$0x0] =	wrdreg $0xFFFFFFFF;
	(pc) =	sbr.abs _section_cstart, $3  }
0xc2: {  	[dreg:$0x1] =	wrdreg $0xFFFFFFFF  }
0xc3: {  	_ =	task.clear_ibuf [dreg:s7], $0x2FFFF;
	_ =	strace $0x9FFFFFFF  }
0xc4: {  	(tm) =	ssettm $0x7FFFFFFF  }
0xc5: {  	_ =	shalt  }
tec
execute0_lowered:
.L_overlay_start_1:
0x0: {  	(tag) =	ssettag $0x1  }
0x1: {  	s0 =	rddreg [dreg:$0x0]  }
0x2: {  	s1 =	rddreg [dreg:$0x1]  }
0x3: {  	s2 =	rddreg [dreg:$0x2]  }
0x4: {  	s3 =	rddreg [dreg:$0x3];
	s5 =	srdreg.scid  }
0x5: {  	s12 =	stileid.u32;
	s4 =	simm.s32 $0x0;
	s28 =	simm.s32 $0x3500  }
0x6: {  	s29 =	simm.s32 $0x1A80;
	s30 =	simm.s32 $0x80;
	s6 =	smul.u32 $0x13880, s12  }
0x7: {  	s31 =	simm.s32 $0x5500;
	s5 =	sand.u32 $0x1, s5;
	s23 =	smul.u32 $0x9C, s12  }
0x8: {  	[smem:$0x7FF] =	sst s4;
	s8 =	smul.u32 $0x9C40, s12;
	s25 =	smin.u32 s12, $0x4  }
0x9: {  	s9 =	smul.u32 $0x27100, s12;
	s26 =	sshll.u32 s12, $0x6;
	p0 =	sgt.u32 s12, $0x3  }
0xa: {  	s12 =	simm.s32 $0x3;
	s7 =	sshll.u32 s5, $0x6;
	_ =	strace $0x8000004A  }
0xb: {  	s5 =	ssub.s32 $0x2, s5;
	s6 =	sor.u32 s7, s6;
	s9 =	sshrl.u32 s9, $0x2  }
0xc: {  	s24 =	sshrl.u32 s5, $0x1;
	s10 =	sadd.s32 s25, s23;
	s14 =	sadd.s32 s9, s3  }
0xd: {  	s11 =	sadd.s32 s8, s2;
	s7 =	sadd.s32 s8, s3;
	s16 =	sadd.s32 $0x2000, s14  }
0xe: {  	s6 =	sshrl.u32 s6, $0x3;
	s17 =	sadd.s32 $0x4000, s14;
	[dreg:$0x6] =	wrdreg s16  }
0xf: {  	s5 =	ssub.s32 s5, s24;
	s18 =	sadd.s32 $0x6000, s14;
	[dreg:$0x7] =	wrdreg s17  }
0x10: {  	s15 =	sshll.u32 s10, $0x4;
	s8 =	sadd.s32 $0x8000, s14;
	[dreg:$0x9] =	wrdreg s18  }
0x11: {  	s9 =	simm.s32 $0x180;
	s1 =	sadd.s32 s1, s15;
	[dreg:$0xa] =	wrdreg s8  }
0x12: {  	s0 =	sadd.s32 s6, s0;
	s25 =	smax.u32 s5, $0x1;
	[dreg:$0x8] =	wrdreg s1  }
0x13: {  	s6 =	sor.u32 $0x1C09, s26;
	s26 =	sshrl.u32 s11, $0x3;
	[dreg:$0x13] =	wrdreg s25  }
0x14: {  	s5 =	simm.s32 $0x2;
	s13 =	sadd.s32 $0x2A00, s0;
	[dreg:$0x14] =	wrdreg s26  }
0x15: {  	s11 =	simm.s32 $0x9500;
	s19 =	sadd.s32 $0x9C40, s1;
	[dreg:$0x5] =	wrdreg s13  }
0x16: {  	s14 =	simm.s32 $0x5;
	s20 =	sadd.s32 $0x340, s1;
	[dreg:$0xb] =	wrdreg s19  }
0x17: {  	s15 =	simm.s32 $0x200;
	s21 =	sadd.s32 $0x9F80, s1;
	[dreg:$0xc] =	wrdreg s20  }
0x18: {  	s22 =	sadd.s32 $0x680, s1;
	s23 =	sadd.s32 $0xA2C0, s1;
	[dreg:$0xd] =	wrdreg s21  }
0x19: {  	s24 =	sadd.s32 $0x9C0, s1;
	s1 =	sadd.s32 $0xA600, s1;
	[dreg:$0xe] =	wrdreg s22  }
0x1a: {  	s0 =	sadd.s32 $0x29C00, s0;
	s26 =	simm.s32 $0x9;
	[dreg:$0xf] =	wrdreg s23  }
.Ltmp0:
0x1b: {  	s8 =	simm.s32 $0x1B00;
	[dreg:$0x10] =	wrdreg s24;
	(pc) =	sbr.rel .LBB2_1-.Ltmp0, $4  }
0x1c: {  	s16 =	simm.s32 $0x4;
	s17 =	simm.s32 $0x1C00;
	[dreg:$0x11] =	wrdreg s1  }
0x1d: {  	s18 =	simm.s32 $0x6;
	s25 =	simm.s32 $0x280;
	[dreg:$0x12] =	wrdreg s0  }
0x1e: {  	s23 =	simm.s32 $0x1;
	s24 =	simm.s32 $0x8;
	s20 =	simm.s32 $0x10  }
0x1f: {  	v0 =	vimm.f32 $0.0e+00;
	s1 =	simm.s32 $0x7500;
	s13 =	simm.s32 $0x1B80;
	s19 =	simm.s32 $0x7  }
.LBB2_12:
0x20: {  	_ =	swait.ge [sflag:s16], $0x2000  }
0x21: {  	[sflag:s16] =	ssyncset.done $0x0  }
0x22: {  	[sflag:s16] =	ssyncadd.s32 $0xFFFFE000  }
0x23: {  	[spmem:s3] =	stream.indirect.scatter.add.f32 [tilespmem:s11], [sflag:$0x8], $0x40, s22, s30, $0xb8;
	[tilespmem:$0x1ED80] =	vst v63  }
0x24: {  	_ =	swait.ge [sflag:s18], $0x2000  }
0x25: {  	[sflag:s18] =	ssyncset.done $0x0  }
0x26: {  	[sflag:s18] =	ssyncadd.s32 $0xFFFFE000  }
0x27: {  	_ =	swait.ge [sflag:s19], $0x2000  }
0x28: {  	[sflag:s19] =	ssyncset.done $0x0  }
0x29: {  	[sflag:s19] =	ssyncadd.s32 $0xFFFFE000  }
0x2a: {  	_ =	swait.ge [sflag:s24], $0x2000  }
0x2b: {  	s10 =	simm.s32 @!p0 $0x0;
	s20 =	simm.s32 @!p0 $0x1A00;
	[sflag:s24] =	ssyncset.done $0x0  }
0x2c: {  	s21 =	simm.s32 @!p0 $0x9;
	s0 =	rddreg [dreg:$0x10];
	[sflag:s24] =	ssyncadd.s32 $0xFFFFE000  }
0x2d: {  	[tilespmem:s20], [sflag:$0x9] =	stream.linear.gather @!p0 [hbm4b:s0+s10], $0x80, $0x38;
	[tilespmem:$0x1ED80] =	vst v63  }
0x2e: {  	_ =	swait.ge @!p0 [sflag:s21], $0x80  }
0x2f: {  	[sflag:s21] =	ssyncset.done @!p0 $0x0  }
0x30: {  	s22 =	simm.s32 @!p0 $0x3480;
	s0 =	rddreg [dreg:$0x11];
	[sflag:s21] =	ssyncadd.s32 @!p0 $0xFFFFFF80  }
0x31: {  	[tilespmem:s22], [sflag:$0x9] =	stream.linear.gather @!p0 [hbm4b:s0+s10], $0x80, $0x38;
	[tilespmem:$0x1ED80] =	vst v63  }
0x32: {  	_ =	swait.ge @!p0 [sflag:s21], $0x80  }
0x33: {  	[sflag:s21] =	ssyncset.done @!p0 $0x0  }
0x34: {  	s10 =	simm.s32 @!p0 $0x80;
	s0 =	simm.s32 @!p0 $0x3500;
	[sflag:s21] =	ssyncadd.s32 @!p0 $0xFFFFFF80  }
0x35: {  	[tilespmem:s0], [sflag:$0x1] =	stream.indirect.gather @!p0 [spmem:s2], $0x40, s20, s10, $0xb8;
	[tilespmem:$0x1ED80] =	vst v63  }
0x36: {  	s20 =	simm.s32 @!p0 $0x1  }
0x37: {  	_ =	swait.ge @!p0 [sflag:s20], $0x2000  }
0x38: {  	[sflag:s20] =	ssyncset.done @!p0 $0x0  }
0x39: {  	[sflag:s20] =	ssyncadd.s32 @!p0 $0xFFFFE000  }
0x3a: {  	[spmem:s3] =	stream.indirect.scatter.add.f32 @!p0 [tilespmem:s0], [sflag:$0x9], $0x40, s22, s10, $0xb8;
	[tilespmem:$0x1ED80] =	vst v63  }
0x3b: {  	_ =	swait.ge @!p0 [sflag:s21], $0x2000  }
0x3c: {  	[sflag:s21] =	ssyncset.done @!p0 $0x0  }
0x3d: {  	[sflag:s21] =	ssyncadd.s32 @!p0 $0xFFFFE000  }
0x3e: {  	[bflag:$0x0] =	sbarrier.arrive $0xFFFF  }
0x3f: {  	s20 =	simm.s32 $0x10;
	s10 =	sshrl.u32 s7, $0x3;
	s21 =	rddreg [dreg:$0x12]  }
0x40: {  	[hbm:s21@s20], [sflag:s6] =	dma.strided [spmem:s10@s24], $0x1388, s23, $0x8   }
0x41: {  	_ =	swait.ge [sflag:s26], $0x1388  }
0x42: {  	s4 =	sadd.s32 $0x1, s4;
	s22 =	rddreg [dreg:$0x13]  }
0x43: {  	p1 =	sne.s32 s4, s22  }
.Ltmp1:
0x44: {  	_ = 	snop;
	(pc) =	sbr.rel @!p1 .LBB2_13-.Ltmp1, $3  }
0x45: {  	_ =	sdelay $0x1  }
0x46: {  	[sflag:s26] =	ssyncset.done $0x0  }
0x47: {  	[sflag:s26] =	ssyncadd.s32 $0xFFFFEC78  }
.LBB2_1:
0x48: {  	s0 =	rddreg [dreg:$0x5]  }
0x49: {  	s10 =	rddreg [dreg:$0x14]  }
0x4a: {  	[spmem:s10@s24], [sflag:s6] =	dma.strided [hbm:s0@s20], $0x1388, s23, $0x8   }
0x4b: {  	_ =	swait.ge [sflag:s26], $0x1388  }
0x4c: {  	[sflag:s26] =	ssyncset.done $0x0  }
0x4d: {  	s21 =	simm.s32 $0x100;
	s20 =	simm.s32 $0x0;
	[sflag:s26] =	ssyncadd.s32 $0xFFFFEC78  }
.LBB2_2:
0x4e: {  	p1 =	sne.s32 s21, $0x7F00;
	[tilespmem:s20+$0x3530] =	vst v0;
	s22 =	smov.u32 s21;
	s21 =	sadd.s32 $0x100, s21  }
.Ltmp2:
0x4f: {  	[tilespmem:s20+$0x3520] =	vst v0;
	(pc) =	sbr.rel @p1 .LBB2_2-.Ltmp2, $3  }
0x50: {  	[tilespmem:s20+$0x3500] =	vst v0  }
0x51: {  	[tilespmem:s20+$0x3510] =	vst v0;
	_ =	sdelay $0x1  }
0x52: {  	s20 =	sshra.s32 s22, $0x2  }
0x53: {  	[tilespmem:s20+$0x3530] =	vst v0  }
0x54: {  	[tilespmem:s20+$0x3520] =	vst v0  }
0x55: {  	[tilespmem:s20+$0x3500] =	vst v0  }
0x56: {  	[tilespmem:s20+$0x3510] =	vst v0  }
0x57: {  	[spmem:s7] =	stream.linear.scatter [tilespmem:s28], [sflag:$0x9], $0x2000, $0x38;
	[tilespmem:$0x1ED80] =	vst v63  }
0x58: {  	_ =	swait.ge [sflag:s26], $0x2000  }
0x59: {  	[sflag:s26] =	ssyncset.done $0x0  }
0x5a: {  	s0 =	rddreg [dreg:$0x6];
	[sflag:s26] =	ssyncadd.s32 $0xFFFFE000  }
0x5b: {  	[spmem:s0] =	stream.linear.scatter [tilespmem:s28], [sflag:$0x9], $0x2000, $0x38;
	[tilespmem:$0x1ED80] =	vst v63  }
0x5c: {  	_ =	swait.ge [sflag:s26], $0x2000  }
0x5d: {  	[sflag:s26] =	ssyncset.done $0x0  }
0x5e: {  	s20 =	rddreg [dreg:$0x7];
	[sflag:s26] =	ssyncadd.s32 $0xFFFFE000  }
0x5f: {  	[spmem:s20] =	stream.linear.scatter [tilespmem:s28], [sflag:$0x9], $0x2000, $0x38;
	[tilespmem:$0x1ED80] =	vst v63  }
0x60: {  	_ =	swait.ge [sflag:s26], $0x2000  }
0x61: {  	[sflag:s26] =	ssyncset.done $0x0  }
0x62: {  	s21 =	rddreg [dreg:$0x9];
	[sflag:s26] =	ssyncadd.s32 $0xFFFFE000  }
0x63: {  	[spmem:s21] =	stream.linear.scatter [tilespmem:s28], [sflag:$0x9], $0x2000, $0x38;
	[tilespmem:$0x1ED80] =	vst v63  }
0x64: {  	_ =	swait.ge [sflag:s26], $0x2000  }
0x65: {  	[sflag:s26] =	ssyncset.done $0x0  }
0x66: {  	s22 =	rddreg [dreg:$0xa];
	[sflag:s26] =	ssyncadd.s32 $0xFFFFE000  }
0x67: {  	[spmem:s22] =	stream.linear.scatter [tilespmem:s28], [sflag:$0x9], $0x1C40, $0x38;
	[tilespmem:$0x1ED80] =	vst v63  }
0x68: {  	_ =	swait.ge [sflag:s26], $0x1C40  }
0x69: {  	[sflag:s26] =	ssyncset.done $0x0  }
0x6a: {  	[sflag:s26] =	ssyncadd.s32 $0xFFFFE3C0  }
0x6b: {  	[bflag:$0x0] =	sbarrier.arrive $0xFFFF  }
0x6c: {  	s20 =	simm.s32 $0x0;
	s10 =	rddreg [dreg:$0x8]  }
0x6d: {  	[tilespmem:s20], [sflag:$0x9] =	stream.linear.gather [hbm4b:s10+s20], $0x1A00, $0x38;
	[tilespmem:$0x1ED80] =	vst v63  }
0x6e: {  	_ =	swait.ge [sflag:s26], $0x1A00  }
0x6f: {  	[sflag:s26] =	ssyncset.done $0x0  }
0x70: {  	s21 =	rddreg [dreg:$0xb];
	[sflag:s26] =	ssyncadd.s32 $0xFFFFE600  }
0x71: {  	[tilespmem:s29], [sflag:$0x9] =	stream.linear.gather [hbm4b:s21+s20], $0x1A00, $0x38;
	[tilespmem:$0x1ED80] =	vst v63  }
0x72: {  	_ =	swait.ge [sflag:s26], $0x1A00  }
0x73: {  	[sflag:s26] =	ssyncset.done $0x0  }
0x74: {  	[sflag:s26] =	ssyncadd.s32 $0xFFFFE600  }
0x75: {  	[tilespmem:s28], [sflag:$0x1] =	stream.indirect.gather [spmem:s2], $0x40, s20, s30, $0xb8;
	[tilespmem:$0x1ED80] =	vst v63  }
0x76: {  	_ = 	snop  }
0x77: {  	[tilespmem:s31], [sflag:$0x2] =	stream.indirect.gather [spmem:s2], $0x40, s30, s30, $0xb8;
	[tilespmem:$0x1ED80] =	vst v63  }
0x78: {  	_ =	swait.ge [sflag:s23], $0x2000  }
0x79: {  	[sflag:s23] =	ssyncset.done $0x0  }
0x7a: {  	[sflag:s23] =	ssyncadd.s32 $0xFFFFE000  }
0x7b: {  	[spmem:s3] =	stream.indirect.scatter.add.f32 [tilespmem:s28], [sflag:$0x5], $0x40, s29, s30, $0xb8;
	[tilespmem:$0x1ED80] =	vst v63  }
0x7c: {  	s22 =	simm.s32 $0x100  }
0x7d: {  	[tilespmem:s1], [sflag:$0x3] =	stream.indirect.gather [spmem:s2], $0x40, s22, s30, $0xb8;
	[tilespmem:$0x1ED80] =	vst v63  }
0x7e: {  	_ =	swait.ge [sflag:s5], $0x2000  }
0x7f: {  	[sflag:s5] =	ssyncset.done $0x0  }
0x80: {  	[sflag:s5] =	ssyncadd.s32 $0xFFFFE000  }
0x81: {  	[spmem:s3] =	stream.indirect.scatter.add.f32 [tilespmem:s31], [sflag:$0x6], $0x40, s8, s30, $0xb8;
	[tilespmem:$0x1ED80] =	vst v63  }
0x82: {  	_ = 	snop  }
0x83: {  	[tilespmem:s11], [sflag:$0x4] =	stream.indirect.gather [spmem:s2], $0x40, s9, s30, $0xb8;
	[tilespmem:$0x1ED80] =	vst v63  }
0x84: {  	_ =	swait.ge [sflag:s12], $0x2000  }
0x85: {  	[sflag:s12] =	ssyncset.done $0x0  }
0x86: {  	[sflag:s12] =	ssyncadd.s32 $0xFFFFE000  }
0x87: {  	[spmem:s3] =	stream.indirect.scatter.add.f32 [tilespmem:s1], [sflag:$0x7], $0x40, s13, s30, $0xb8;
	[tilespmem:$0x1ED80] =	vst v63  }
0x88: {  	_ =	swait.ge [sflag:s14], $0x2000  }
0x89: {  	[sflag:s14] =	ssyncset.done $0x0  }
0x8a: {  	[sflag:s14] =	ssyncadd.s32 $0xFFFFE000  }
0x8b: {  	[tilespmem:s28], [sflag:$0x1] =	stream.indirect.gather [spmem:s2], $0x40, s15, s30, $0xb8;
	[tilespmem:$0x1ED80] =	vst v63  }
0x8c: {  	_ =	swait.ge [sflag:s16], $0x2000  }
0x8d: {  	[sflag:s16] =	ssyncset.done $0x0  }
0x8e: {  	[sflag:s16] =	ssyncadd.s32 $0xFFFFE000  }
0x8f: {  	[spmem:s3] =	stream.indirect.scatter.add.f32 [tilespmem:s11], [sflag:$0x8], $0x40, s17, s30, $0xb8;
	[tilespmem:$0x1ED80] =	vst v63  }
0x90: {  	_ =	swait.ge [sflag:s18], $0x2000  }
0x91: {  	[sflag:s18] =	ssyncset.done $0x0  }
0x92: {  	[sflag:s18] =	ssyncadd.s32 $0xFFFFE000  }
0x93: {  	[tilespmem:s31], [sflag:$0x2] =	stream.indirect.gather [spmem:s2], $0x40, s25, s30, $0xb8;
	[tilespmem:$0x1ED80] =	vst v63  }
.LBB2_4:
0x94: {  	_ =	swait.ge [sflag:s23], $0x2000  }
0x95: {  	s21 =	sshra.s32 s20, $0x2;
	[sflag:s23] =	ssyncset.done $0x0  }
0x96: {  	s22 =	sadd.s32 $0x1C80, s21;
	[sflag:s23] =	ssyncadd.s32 $0xFFFFE000  }
0x97: {  	[spmem:s3] =	stream.indirect.scatter.add.f32 [tilespmem:s28], [sflag:$0x5], $0x40, s22, s30, $0xb8;
	[tilespmem:$0x1ED80] =	vst v63  }
0x98: {  	_ =	swait.ge [sflag:s19], $0x2000  }
0x99: {  	[sflag:s19] =	ssyncset.done $0x0  }
0x9a: {  	s0 =	sadd.s32 $0x300, s21;
	[sflag:s19] =	ssyncadd.s32 $0xFFFFE000  }
0x9b: {  	[tilespmem:s1], [sflag:$0x3] =	stream.indirect.gather [spmem:s2], $0x40, s0, s30, $0xb8;
	[tilespmem:$0x1ED80] =	vst v63  }
0x9c: {  	_ =	swait.ge [sflag:s5], $0x2000  }
0x9d: {  	[sflag:s5] =	ssyncset.done $0x0  }
0x9e: {  	s10 =	sadd.s32 $0x1D00, s21;
	[sflag:s5] =	ssyncadd.s32 $0xFFFFE000  }
0x9f: {  	[spmem:s3] =	stream.indirect.scatter.add.f32 [tilespmem:s31], [sflag:$0x6], $0x40, s10, s30, $0xb8;
	[tilespmem:$0x1ED80] =	vst v63  }
0xa0: {  	_ =	swait.ge [sflag:s24], $0x2000  }
0xa1: {  	[sflag:s24] =	ssyncset.done $0x0  }
0xa2: {  	s0 =	sadd.s32 $0x380, s21;
	[sflag:s24] =	ssyncadd.s32 $0xFFFFE000  }
0xa3: {  	[tilespmem:s11], [sflag:$0x4] =	stream.indirect.gather [spmem:s2], $0x40, s0, s30, $0xb8;
	[tilespmem:$0x1ED80] =	vst v63  }
0xa4: {  	_ =	swait.ge [sflag:s12], $0x2000  }
0xa5: {  	p1 =	seq.s32 s20, $0x5800;
	[sflag:s12] =	ssyncset.done $0x0  }
.Ltmp3:
0xa6: {  	s10 =	sadd.s32 $0x1D80, s21;
	[sflag:s12] =	ssyncadd.s32 $0xFFFFE000;
	(pc) =	sbr.rel @p1 .LBB2_6-.Ltmp3, $4  }
0xa7: {  	[spmem:s3] =	stream.indirect.scatter.add.f32 [tilespmem:s1], [sflag:$0x7], $0x40, s10, s30, $0xb8;
	[tilespmem:$0x1ED80] =	vst v63  }
0xa8: {  	_ =	swait.ge [sflag:s14], $0x2000  }
0xa9: {  	[sflag:s14] =	ssyncset.done $0x0  }
0xaa: {  	s22 =	sadd.s32 $0x1E00, s21;
	[sflag:s14] =	ssyncadd.s32 $0xFFFFE000  }
0xab: {  	s10 =	sadd.s32 $0x400, s21  }
0xac: {  	[tilespmem:s28], [sflag:$0x1] =	stream.indirect.gather [spmem:s2], $0x40, s10, s30, $0xb8;
	[tilespmem:$0x1ED80] =	vst v63  }
0xad: {  	_ =	swait.ge [sflag:s16], $0x2000  }
0xae: {  	[sflag:s16] =	ssyncset.done $0x0  }
0xaf: {  	[sflag:s16] =	ssyncadd.s32 $0xFFFFE000  }
0xb0: {  	[spmem:s3] =	stream.indirect.scatter.add.f32 [tilespmem:s11], [sflag:$0x8], $0x40, s22, s30, $0xb8;
	[tilespmem:$0x1ED80] =	vst v63  }
.Ltmp4:
0xb1: {  	_ = 	snop;
	(pc) =	sbr.rel .LBB2_4-.Ltmp4, $4  }
0xb2: {  	_ =	swait.ge [sflag:s18], $0x2000  }
0xb3: {  	[sflag:s18] =	ssyncset.done $0x0  }
0xb4: {  	s20 =	sadd.s32 $0x800, s20;
	s22 =	sadd.s32 $0x480, s21;
	[sflag:s18] =	ssyncadd.s32 $0xFFFFE000  }
0xb5: {  	[tilespmem:s31], [sflag:$0x2] =	stream.indirect.gather [spmem:s2], $0x40, s22, s30, $0xb8;
	[tilespmem:$0x1ED80] =	vst v63  }
.LBB2_6:
0xb6: {  	_ =	swait.ge [sflag:s16], $0x2000  }
0xb7: {  	[sflag:s16] =	ssyncset.done $0x0  }
0xb8: {  	[sflag:s16] =	ssyncadd.s32 $0xFFFFE000  }
0xb9: {  	[spmem:s3] =	stream.indirect.scatter.add.f32 [tilespmem:s11], [sflag:$0x8], $0x40, s22, s30, $0xb8;
	[tilespmem:$0x1ED80] =	vst v63  }
0xba: {  	_ =	swait.ge [sflag:s18], $0x2000  }
0xbb: {  	[sflag:s18] =	ssyncset.done $0x0  }
0xbc: {  	[sflag:s18] =	ssyncadd.s32 $0xFFFFE000  }
0xbd: {  	_ =	swait.ge [sflag:s19], $0x2000  }
0xbe: {  	[sflag:s19] =	ssyncset.done $0x0  }
0xbf: {  	[sflag:s19] =	ssyncadd.s32 $0xFFFFE000  }
0xc0: {  	_ =	swait.ge [sflag:s24], $0x2000  }
0xc1: {  	[sflag:s24] =	ssyncset.done $0x0  }
0xc2: {  	s20 =	simm.s32 $0x0;
	s0 =	rddreg [dreg:$0xc];
	[sflag:s24] =	ssyncadd.s32 $0xFFFFE000  }
0xc3: {  	[tilespmem:s20], [sflag:$0x9] =	stream.linear.gather [hbm4b:s0+s20], $0x1A00, $0x38;
	[tilespmem:$0x1ED80] =	vst v63  }
0xc4: {  	_ =	swait.ge [sflag:s26], $0x1A00  }
0xc5: {  	[sflag:s26] =	ssyncset.done $0x0  }
0xc6: {  	s21 =	rddreg [dreg:$0xd];
	[sflag:s26] =	ssyncadd.s32 $0xFFFFE600  }
0xc7: {  	[tilespmem:s29], [sflag:$0x9] =	stream.linear.gather [hbm4b:s21+s20], $0x1A00, $0x38;
	[tilespmem:$0x1ED80] =	vst v63  }
0xc8: {  	_ =	swait.ge [sflag:s26], $0x1A00  }
0xc9: {  	[sflag:s26] =	ssyncset.done $0x0  }
0xca: {  	[sflag:s26] =	ssyncadd.s32 $0xFFFFE600  }
0xcb: {  	[tilespmem:s28], [sflag:$0x1] =	stream.indirect.gather [spmem:s2], $0x40, s20, s30, $0xb8;
	[tilespmem:$0x1ED80] =	vst v63  }
0xcc: {  	_ = 	snop  }
0xcd: {  	[tilespmem:s31], [sflag:$0x2] =	stream.indirect.gather [spmem:s2], $0x40, s30, s30, $0xb8;
	[tilespmem:$0x1ED80] =	vst v63  }
0xce: {  	_ =	swait.ge [sflag:s23], $0x2000  }
0xcf: {  	[sflag:s23] =	ssyncset.done $0x0  }
0xd0: {  	[sflag:s23] =	ssyncadd.s32 $0xFFFFE000  }
0xd1: {  	[spmem:s3] =	stream.indirect.scatter.add.f32 [tilespmem:s28], [sflag:$0x5], $0x40, s29, s30, $0xb8;
	[tilespmem:$0x1ED80] =	vst v63  }
0xd2: {  	s22 =	simm.s32 $0x100  }
0xd3: {  	[tilespmem:s1], [sflag:$0x3] =	stream.indirect.gather [spmem:s2], $0x40, s22, s30, $0xb8;
	[tilespmem:$0x1ED80] =	vst v63  }
0xd4: {  	_ =	swait.ge [sflag:s5], $0x2000  }
0xd5: {  	[sflag:s5] =	ssyncset.done $0x0  }
0xd6: {  	[sflag:s5] =	ssyncadd.s32 $0xFFFFE000  }
0xd7: {  	[spmem:s3] =	stream.indirect.scatter.add.f32 [tilespmem:s31], [sflag:$0x6], $0x40, s8, s30, $0xb8;
	[tilespmem:$0x1ED80] =	vst v63  }
0xd8: {  	_ = 	snop  }
0xd9: {  	[tilespmem:s11], [sflag:$0x4] =	stream.indirect.gather [spmem:s2], $0x40, s9, s30, $0xb8;
	[tilespmem:$0x1ED80] =	vst v63  }
0xda: {  	_ =	swait.ge [sflag:s12], $0x2000  }
0xdb: {  	[sflag:s12] =	ssyncset.done $0x0  }
0xdc: {  	[sflag:s12] =	ssyncadd.s32 $0xFFFFE000  }
0xdd: {  	[spmem:s3] =	stream.indirect.scatter.add.f32 [tilespmem:s1], [sflag:$0x7], $0x40, s13, s30, $0xb8;
	[tilespmem:$0x1ED80] =	vst v63  }
0xde: {  	_ =	swait.ge [sflag:s14], $0x2000  }
0xdf: {  	[sflag:s14] =	ssyncset.done $0x0  }
0xe0: {  	[sflag:s14] =	ssyncadd.s32 $0xFFFFE000  }
0xe1: {  	[tilespmem:s28], [sflag:$0x1] =	stream.indirect.gather [spmem:s2], $0x40, s15, s30, $0xb8;
	[tilespmem:$0x1ED80] =	vst v63  }
0xe2: {  	_ =	swait.ge [sflag:s16], $0x2000  }
0xe3: {  	[sflag:s16] =	ssyncset.done $0x0  }
0xe4: {  	[sflag:s16] =	ssyncadd.s32 $0xFFFFE000  }
0xe5: {  	[spmem:s3] =	stream.indirect.scatter.add.f32 [tilespmem:s11], [sflag:$0x8], $0x40, s17, s30, $0xb8;
	[tilespmem:$0x1ED80] =	vst v63  }
0xe6: {  	_ =	swait.ge [sflag:s18], $0x2000  }
0xe7: {  	[sflag:s18] =	ssyncset.done $0x0  }
0xe8: {  	[sflag:s18] =	ssyncadd.s32 $0xFFFFE000  }
0xe9: {  	[tilespmem:s31], [sflag:$0x2] =	stream.indirect.gather [spmem:s2], $0x40, s25, s30, $0xb8;
	[tilespmem:$0x1ED80] =	vst v63  }
.LBB2_7:
0xea: {  	_ =	swait.ge [sflag:s23], $0x2000  }
0xeb: {  	s21 =	sshra.s32 s20, $0x2;
	[sflag:s23] =	ssyncset.done $0x0  }
0xec: {  	s10 =	sadd.s32 $0x1C80, s21;
	[sflag:s23] =	ssyncadd.s32 $0xFFFFE000  }
0xed: {  	[spmem:s3] =	stream.indirect.scatter.add.f32 [tilespmem:s28], [sflag:$0x5], $0x40, s10, s30, $0xb8;
	[tilespmem:$0x1ED80] =	vst v63  }
0xee: {  	_ =	swait.ge [sflag:s19], $0x2000  }
0xef: {  	[sflag:s19] =	ssyncset.done $0x0  }
0xf0: {  	s0 =	sadd.s32 $0x300, s21;
	[sflag:s19] =	ssyncadd.s32 $0xFFFFE000  }
0xf1: {  	[tilespmem:s1], [sflag:$0x3] =	stream.indirect.gather [spmem:s2], $0x40, s0, s30, $0xb8;
	[tilespmem:$0x1ED80] =	vst v63  }
0xf2: {  	_ =	swait.ge [sflag:s5], $0x2000  }
0xf3: {  	[sflag:s5] =	ssyncset.done $0x0  }
0xf4: {  	s22 =	sadd.s32 $0x1D00, s21;
	[sflag:s5] =	ssyncadd.s32 $0xFFFFE000  }
0xf5: {  	[spmem:s3] =	stream.indirect.scatter.add.f32 [tilespmem:s31], [sflag:$0x6], $0x40, s22, s30, $0xb8;
	[tilespmem:$0x1ED80] =	vst v63  }
0xf6: {  	_ =	swait.ge [sflag:s24], $0x2000  }
0xf7: {  	[sflag:s24] =	ssyncset.done $0x0  }
0xf8: {  	s0 =	sadd.s32 $0x380, s21;
	[sflag:s24] =	ssyncadd.s32 $0xFFFFE000  }
0xf9: {  	[tilespmem:s11], [sflag:$0x4] =	stream.indirect.gather [spmem:s2], $0x40, s0, s30, $0xb8;
	[tilespmem:$0x1ED80] =	vst v63  }
0xfa: {  	_ =	swait.ge [sflag:s12], $0x2000  }
0xfb: {  	p1 =	seq.s32 s20, $0x5800;
	[sflag:s12] =	ssyncset.done $0x0  }
.Ltmp5:
0xfc: {  	s22 =	sadd.s32 $0x1D80, s21;
	[sflag:s12] =	ssyncadd.s32 $0xFFFFE000;
	(pc) =	sbr.rel @p1 .LBB2_9-.Ltmp5, $4  }
0xfd: {  	[spmem:s3] =	stream.indirect.scatter.add.f32 [tilespmem:s1], [sflag:$0x7], $0x40, s22, s30, $0xb8;
	[tilespmem:$0x1ED80] =	vst v63  }
0xfe: {  	_ =	swait.ge [sflag:s14], $0x2000  }
0xff: {  	[sflag:s14] =	ssyncset.done $0x0  }
0x100: {  	s22 =	sadd.s32 $0x1E00, s21;
	[sflag:s14] =	ssyncadd.s32 $0xFFFFE000  }
0x101: {  	s10 =	sadd.s32 $0x400, s21  }
0x102: {  	[tilespmem:s28], [sflag:$0x1] =	stream.indirect.gather [spmem:s2], $0x40, s10, s30, $0xb8;
	[tilespmem:$0x1ED80] =	vst v63  }
0x103: {  	_ =	swait.ge [sflag:s16], $0x2000  }
0x104: {  	[sflag:s16] =	ssyncset.done $0x0  }
0x105: {  	[sflag:s16] =	ssyncadd.s32 $0xFFFFE000  }
0x106: {  	[spmem:s3] =	stream.indirect.scatter.add.f32 [tilespmem:s11], [sflag:$0x8], $0x40, s22, s30, $0xb8;
	[tilespmem:$0x1ED80] =	vst v63  }
.Ltmp6:
0x107: {  	_ = 	snop;
	(pc) =	sbr.rel .LBB2_7-.Ltmp6, $4  }
0x108: {  	_ =	swait.ge [sflag:s18], $0x2000  }
0x109: {  	[sflag:s18] =	ssyncset.done $0x0  }
0x10a: {  	s20 =	sadd.s32 $0x800, s20;
	s22 =	sadd.s32 $0x480, s21;
	[sflag:s18] =	ssyncadd.s32 $0xFFFFE000  }
0x10b: {  	[tilespmem:s31], [sflag:$0x2] =	stream.indirect.gather [spmem:s2], $0x40, s22, s30, $0xb8;
	[tilespmem:$0x1ED80] =	vst v63  }
.LBB2_9:
0x10c: {  	_ =	swait.ge [sflag:s16], $0x2000  }
0x10d: {  	[sflag:s16] =	ssyncset.done $0x0  }
0x10e: {  	[sflag:s16] =	ssyncadd.s32 $0xFFFFE000  }
0x10f: {  	[spmem:s3] =	stream.indirect.scatter.add.f32 [tilespmem:s11], [sflag:$0x8], $0x40, s22, s30, $0xb8;
	[tilespmem:$0x1ED80] =	vst v63  }
0x110: {  	_ =	swait.ge [sflag:s18], $0x2000  }
0x111: {  	[sflag:s18] =	ssyncset.done $0x0  }
0x112: {  	[sflag:s18] =	ssyncadd.s32 $0xFFFFE000  }
0x113: {  	_ =	swait.ge [sflag:s19], $0x2000  }
0x114: {  	[sflag:s19] =	ssyncset.done $0x0  }
0x115: {  	[sflag:s19] =	ssyncadd.s32 $0xFFFFE000  }
0x116: {  	_ =	swait.ge [sflag:s24], $0x2000  }
0x117: {  	[sflag:s24] =	ssyncset.done $0x0  }
0x118: {  	s20 =	simm.s32 $0x0;
	s0 =	rddreg [dreg:$0xe];
	[sflag:s24] =	ssyncadd.s32 $0xFFFFE000  }
0x119: {  	[tilespmem:s20], [sflag:$0x9] =	stream.linear.gather [hbm4b:s0+s20], $0x1A00, $0x38;
	[tilespmem:$0x1ED80] =	vst v63  }
0x11a: {  	_ =	swait.ge [sflag:s26], $0x1A00  }
0x11b: {  	[sflag:s26] =	ssyncset.done $0x0  }
0x11c: {  	s21 =	rddreg [dreg:$0xf];
	[sflag:s26] =	ssyncadd.s32 $0xFFFFE600  }
0x11d: {  	[tilespmem:s29], [sflag:$0x9] =	stream.linear.gather [hbm4b:s21+s20], $0x1A00, $0x38;
	[tilespmem:$0x1ED80] =	vst v63  }
0x11e: {  	_ =	swait.ge [sflag:s26], $0x1A00  }
0x11f: {  	[sflag:s26] =	ssyncset.done $0x0  }
0x120: {  	[sflag:s26] =	ssyncadd.s32 $0xFFFFE600  }
0x121: {  	[tilespmem:s28], [sflag:$0x1] =	stream.indirect.gather [spmem:s2], $0x40, s20, s30, $0xb8;
	[tilespmem:$0x1ED80] =	vst v63  }
0x122: {  	_ = 	snop  }
0x123: {  	[tilespmem:s31], [sflag:$0x2] =	stream.indirect.gather [spmem:s2], $0x40, s30, s30, $0xb8;
	[tilespmem:$0x1ED80] =	vst v63  }
0x124: {  	_ =	swait.ge [sflag:s23], $0x2000  }
0x125: {  	[sflag:s23] =	ssyncset.done $0x0  }
0x126: {  	[sflag:s23] =	ssyncadd.s32 $0xFFFFE000  }
0x127: {  	[spmem:s3] =	stream.indirect.scatter.add.f32 [tilespmem:s28], [sflag:$0x5], $0x40, s29, s30, $0xb8;
	[tilespmem:$0x1ED80] =	vst v63  }
0x128: {  	s22 =	simm.s32 $0x100  }
0x129: {  	[tilespmem:s1], [sflag:$0x3] =	stream.indirect.gather [spmem:s2], $0x40, s22, s30, $0xb8;
	[tilespmem:$0x1ED80] =	vst v63  }
0x12a: {  	_ =	swait.ge [sflag:s5], $0x2000  }
0x12b: {  	[sflag:s5] =	ssyncset.done $0x0  }
0x12c: {  	[sflag:s5] =	ssyncadd.s32 $0xFFFFE000  }
0x12d: {  	[spmem:s3] =	stream.indirect.scatter.add.f32 [tilespmem:s31], [sflag:$0x6], $0x40, s8, s30, $0xb8;
	[tilespmem:$0x1ED80] =	vst v63  }
0x12e: {  	_ = 	snop  }
0x12f: {  	[tilespmem:s11], [sflag:$0x4] =	stream.indirect.gather [spmem:s2], $0x40, s9, s30, $0xb8;
	[tilespmem:$0x1ED80] =	vst v63  }
0x130: {  	_ =	swait.ge [sflag:s12], $0x2000  }
0x131: {  	[sflag:s12] =	ssyncset.done $0x0  }
0x132: {  	[sflag:s12] =	ssyncadd.s32 $0xFFFFE000  }
0x133: {  	[spmem:s3] =	stream.indirect.scatter.add.f32 [tilespmem:s1], [sflag:$0x7], $0x40, s13, s30, $0xb8;
	[tilespmem:$0x1ED80] =	vst v63  }
0x134: {  	_ =	swait.ge [sflag:s14], $0x2000  }
0x135: {  	[sflag:s14] =	ssyncset.done $0x0  }
0x136: {  	[sflag:s14] =	ssyncadd.s32 $0xFFFFE000  }
0x137: {  	[tilespmem:s28], [sflag:$0x1] =	stream.indirect.gather [spmem:s2], $0x40, s15, s30, $0xb8;
	[tilespmem:$0x1ED80] =	vst v63  }
0x138: {  	_ =	swait.ge [sflag:s16], $0x2000  }
0x139: {  	[sflag:s16] =	ssyncset.done $0x0  }
0x13a: {  	[sflag:s16] =	ssyncadd.s32 $0xFFFFE000  }
0x13b: {  	[spmem:s3] =	stream.indirect.scatter.add.f32 [tilespmem:s11], [sflag:$0x8], $0x40, s17, s30, $0xb8;
	[tilespmem:$0x1ED80] =	vst v63  }
0x13c: {  	_ =	swait.ge [sflag:s18], $0x2000  }
0x13d: {  	[sflag:s18] =	ssyncset.done $0x0  }
0x13e: {  	[sflag:s18] =	ssyncadd.s32 $0xFFFFE000  }
0x13f: {  	[tilespmem:s31], [sflag:$0x2] =	stream.indirect.gather [spmem:s2], $0x40, s25, s30, $0xb8;
	[tilespmem:$0x1ED80] =	vst v63  }
.LBB2_10:
0x140: {  	_ =	swait.ge [sflag:s23], $0x2000  }
0x141: {  	s21 =	sshra.s32 s20, $0x2;
	[sflag:s23] =	ssyncset.done $0x0  }
0x142: {  	s10 =	sadd.s32 $0x1C80, s21;
	[sflag:s23] =	ssyncadd.s32 $0xFFFFE000  }
0x143: {  	[spmem:s3] =	stream.indirect.scatter.add.f32 [tilespmem:s28], [sflag:$0x5], $0x40, s10, s30, $0xb8;
	[tilespmem:$0x1ED80] =	vst v63  }
0x144: {  	_ =	swait.ge [sflag:s19], $0x2000  }
0x145: {  	[sflag:s19] =	ssyncset.done $0x0  }
0x146: {  	s0 =	sadd.s32 $0x300, s21;
	[sflag:s19] =	ssyncadd.s32 $0xFFFFE000  }
0x147: {  	[tilespmem:s1], [sflag:$0x3] =	stream.indirect.gather [spmem:s2], $0x40, s0, s30, $0xb8;
	[tilespmem:$0x1ED80] =	vst v63  }
0x148: {  	_ =	swait.ge [sflag:s5], $0x2000  }
0x149: {  	[sflag:s5] =	ssyncset.done $0x0  }
0x14a: {  	s22 =	sadd.s32 $0x1D00, s21;
	[sflag:s5] =	ssyncadd.s32 $0xFFFFE000  }
0x14b: {  	[spmem:s3] =	stream.indirect.scatter.add.f32 [tilespmem:s31], [sflag:$0x6], $0x40, s22, s30, $0xb8;
	[tilespmem:$0x1ED80] =	vst v63  }
0x14c: {  	_ =	swait.ge [sflag:s24], $0x2000  }
0x14d: {  	[sflag:s24] =	ssyncset.done $0x0  }
0x14e: {  	s0 =	sadd.s32 $0x380, s21;
	[sflag:s24] =	ssyncadd.s32 $0xFFFFE000  }
0x14f: {  	[tilespmem:s11], [sflag:$0x4] =	stream.indirect.gather [spmem:s2], $0x40, s0, s30, $0xb8;
	[tilespmem:$0x1ED80] =	vst v63  }
0x150: {  	_ =	swait.ge [sflag:s12], $0x2000  }
0x151: {  	p1 =	seq.s32 s20, $0x5800;
	[sflag:s12] =	ssyncset.done $0x0  }
.Ltmp7:
0x152: {  	s22 =	sadd.s32 $0x1D80, s21;
	[sflag:s12] =	ssyncadd.s32 $0xFFFFE000;
	(pc) =	sbr.rel @p1 .LBB2_12-.Ltmp7, $4  }
0x153: {  	[spmem:s3] =	stream.indirect.scatter.add.f32 [tilespmem:s1], [sflag:$0x7], $0x40, s22, s30, $0xb8;
	[tilespmem:$0x1ED80] =	vst v63  }
0x154: {  	_ =	swait.ge [sflag:s14], $0x2000  }
0x155: {  	[sflag:s14] =	ssyncset.done $0x0  }
0x156: {  	s22 =	sadd.s32 $0x1E00, s21;
	[sflag:s14] =	ssyncadd.s32 $0xFFFFE000  }
0x157: {  	s10 =	sadd.s32 $0x400, s21  }
0x158: {  	[tilespmem:s28], [sflag:$0x1] =	stream.indirect.gather [spmem:s2], $0x40, s10, s30, $0xb8;
	[tilespmem:$0x1ED80] =	vst v63  }
0x159: {  	_ =	swait.ge [sflag:s16], $0x2000  }
0x15a: {  	[sflag:s16] =	ssyncset.done $0x0  }
0x15b: {  	[sflag:s16] =	ssyncadd.s32 $0xFFFFE000  }
0x15c: {  	[spmem:s3] =	stream.indirect.scatter.add.f32 [tilespmem:s11], [sflag:$0x8], $0x40, s22, s30, $0xb8;
	[tilespmem:$0x1ED80] =	vst v63  }
.Ltmp8:
0x15d: {  	_ = 	snop;
	(pc) =	sbr.rel .LBB2_10-.Ltmp8, $4  }
0x15e: {  	_ =	swait.ge [sflag:s18], $0x2000  }
0x15f: {  	[sflag:s18] =	ssyncset.done $0x0  }
0x160: {  	s20 =	sadd.s32 $0x800, s20;
	s22 =	sadd.s32 $0x480, s21;
	[sflag:s18] =	ssyncadd.s32 $0xFFFFE000  }
0x161: {  	[tilespmem:s31], [sflag:$0x2] =	stream.indirect.gather [spmem:s2], $0x40, s22, s30, $0xb8;
	[tilespmem:$0x1ED80] =	vst v63  }
.LBB2_13:
0x162: {  	_ =	sfence.sel $0x180000  }
0x163: {  	[bflag:$0x0] =	sbarrier.arrive $0xFFFF  }
0x164: {  	_ =	strace $0x9000004A  }
0x165: {  	s0 =	stileid.u32;
	[bflag:$0x2] =	sbarrier.arrive $0xFFFF  }
0x166: {  	p0 =	sne.s32 s0, $0x0;
	s0 =	rddreg [dreg:$0x4]  }
0x167: {  	s0 =	sadd.s32 @!p0 $0x100000, s0  }
0x168: {  	[sflag:s0] =	ssyncadd.tile.s32 @!p0 $0x1;
	_ =	shalt  }
.Lfunc_end2:
_tile_overlayer_lowered:
.L_overlay_start_2:
0x169: {  	(tag) =	ssettag $0x2  }
0x16a: {  	s0 =	rddreg [dreg:$0x0];
	s2 =	stileid.u32  }
0x16b: {  	s1 =	rddreg [dreg:$0x1];
	p0 =	sne.s32 s2, $0x0  }
0x16c: {  	s3 =	rddreg [dreg:$0x2];
	[bflag:$0x3] =	sbarrier.arrive $0xFFFF;
	s2 =	simm.s32 @!p0 $0x1C09  }
0x16d: {  	[timem:s3], [sflag:s2] =	dma.local @!p0 [hbm:s0], s1  }
0x16e: {  	s0 =	simm.s32 @!p0 $0x9  }
0x16f: {  	_ =	swait.ge @!p0 [sflag:s0], s1  }
0x170: {  	s1 =	ssub.s32 @!p0 $0x0, s1;
	[sflag:s0] =	ssyncset.done @!p0 $0x0  }
0x171: {  	[sflag:s0] =	ssyncadd.s32 @!p0 s1  }
0x172: {  	[bflag:$0x3] =	sbarrier.arrive $0xFFFF  }
0x173: {  	_ =	shalt  }

// kernel: kernel.14.cloned.1.call-start
scs
__scs_entry_jumppad:
0x0: {  	(pc) =	sbr.rel $0x88, $3  }
0x1: {  	(tag) =	ssettag $0x0;
	lr =	simm.s32 $0x1  }
0x2: {  	[smem:$0x3F9B] =	sst lr;
	_ =	strace $0xD0000000  }
0x3: {  	_ = 	snop  }
0x4: {  	_ = 	snop  }
0x5: {  	_ = 	snop  }
0x6: {  	_ = 	snop  }
0x7: {  	_ = 	snop  }
__scs_overlays_trampoline_lowered:
0x8: {  	[smem:$0x3FAA] =	sst s0  }
0x9: {  	[smem:$0x3FAB] =	sst s1  }
0xa: {  	[smem:$0x3FAC] =	sst s2  }
0xb: {  	[smem:$0x3FAD] =	sst s3  }
0xc: {  	[smem:$0x3FAE] =	sst s4  }
0xd: {  	[smem:$0x3FAF] =	sst s5  }
0xe: {  	[smem:$0x3FB0] =	sst s6  }
0xf: {  	[smem:$0x3FB1] =	sst s7  }
0x10: {  	[smem:$0x3FB2] =	sst s8  }
0x11: {  	[smem:$0x3FB3] =	sst s9;
	s0 =	simm.s32 @!p0 $0x0  }
0x12: {  	s1 =	sld [smem:$0x3F99];
	s0 =	simm.s32 @p0 $0x1  }
0x13: {  	[smem:$0x3FB4] =	sst s0;
	s0 =	simm.s32 @!p1 $0x0  }
0x14: {  	s2 =	sld [smem:$0x3F98];
	s0 =	simm.s32 @p1 $0x1  }
0x15: {  	[smem:$0x3FB5] =	sst s0;
	s0 =	simm.s32 @!p2 $0x0  }
0x16: {  	s3 =	sld [smem:$0x3FDB];
	s0 =	simm.s32 @p2 $0x1  }
0x17: {  	s4 =	simm.s32 $0x1BF5;
	[smem:$0x3FB7] =	sst s0  }
0x18: {  	s0 =	sld [smem:$0x3F9A];
	_ =	swait.ge [sflag:s4], $0x0  }
0x19: {  	s7 =	sld [smem:$0x3F9B]  }
0x1a: {  	s8 =	sadd.s32 $0xFFFFE003, lr  }
0x1b: {  	s9 =	sadd.s32 $0xFFFFFEF7, lr;
	s5 =	simm.s32 $0xFFFFFFFF;
	p2 =	slt.u32 s8, $0xFFFFF086  }
0x1c: {  	p1 =	slt.u32 s9, $0xF7A;
	s5 =	simm.s32 @!p2 $0x0  }
0x1d: {  	s5 =	simm.s32 @p1 $0x1;
	p0 =	seq.s32 s7, s2  }
0x1e: {  	s7 =	smul.u32 @!p0 $0xF7A, s2;
	p2 =	seq.s32 @!p0 s5, $0x0  }
0x1f: {  	s9 =	smul.u32 $0xF7A, s1;
	s8 =	simm.s32 @!p0 $0x1BF5;
	p2 =	por !p2, p0  }
0x20: {  	[sflag:s8] =	ssyncset.s32 @!p0 $0xFFFFF086;
	s6 =	sadd.s32 @!p0 s3, s7;
	s7 =	simm.s32 @!p0 $0x108  }
0x21: {  	s3 =	sadd.s32 s3, s9;
	s6 =	sadd.s32 @!p0 $0x88, s6;
	s7 =	simm.s32 @p2 $0x1082  }
0x22: {  	[simem:s7], [sflag:s8] =	dma.local @!p0 [hbm:s6], $0xF7A  }
0x23: {  	s9 =	sor.u32 $0xD0000000, s2;
	s6 =	simm.s32 $0x108;
	_ =	swait.ge @!p0 [sflag:s8], $0x0  }
0x24: {  	s3 =	sadd.s32 $0x88, s3;
	s6 =	simm.s32 @!p1 $0x1082;
	[sflag:s4] =	ssyncset.s32 $0xFFFFF086  }
0x25: {  	[simem:s6], [sflag:s4] =	dma.local [hbm:s3], $0xF7A  }
0x26: {  	[smem:$0x3F9B] =	sst s1;
	(tag) =	ssettag s2;
	_ =	strace s9  }
0x27: {  	s1 =	sld [smem:$0x3FAB]  }
0x28: {  	s2 =	sld [smem:$0x3FAC]  }
0x29: {  	s4 =	sld [smem:$0x3FAE]  }
0x2a: {  	p0 =	seq.s32 s5, $0x0;
	s5 =	sld [smem:$0x3FAF]  }
0x2b: {  	s6 =	sld [smem:$0x3FB0]  }
0x2c: {  	s7 =	sld [smem:$0x3FB1]  }
0x2d: {  	s3 =	simm.s32 $0x108;
	s8 =	sld [smem:$0x3FB2]  }
0x2e: {  	s3 =	simm.s32 @!p0 $0x1082;
	s9 =	sld [smem:$0x3FB3]  }
0x2f: {  	lr =	sadd.s32 s0, s3;
	s0 =	sld [smem:$0x3FAA]  }
0x30: {  	s3 =	sld [smem:$0x3FAD]  }
0x31: {  	[smem:$0x3FB6] =	sst s10  }
0x32: {  	s10 =	sld [smem:$0x3FB4];
	_ =	sdelay $0x3  }
0x33: {  	p0 =	seq.s32 s10, $0x1;
	s10 =	sld [smem:$0x3FB6];
	_ =	sdelay $0x3  }
0x34: {  	[smem:$0x3FB6] =	sst s10  }
0x35: {  	s10 =	sld [smem:$0x3FB5];
	_ =	sdelay $0x3  }
0x36: {  	p1 =	seq.s32 s10, $0x1;
	s10 =	sld [smem:$0x3FB6];
	_ =	sdelay $0x3  }
0x37: {  	[smem:$0x3FB6] =	sst s10  }
0x38: {  	s10 =	sld [smem:$0x3FB7]  }
0x39: {  	_ = 	snop;
	(pc) =	sbr.ind lr, $3  }
0x3a: {  	_ = 	snop  }
0x3b: {  	_ = 	snop  }
0x3c: {  	p2 =	seq.s32 s10, $0x1;
	s10 =	sld [smem:$0x3FB6]  }
0x3d: {  	_ =	shalt  }
0x3e: {  	_ =	shalt  }
0x3f: {  	_ =	shalt  }
0x40: {  	_ =	shalt  }
0x41: {  	_ =	shalt  }
0x42: {  	_ =	shalt  }
0x43: {  	_ =	shalt  }
0x44: {  	_ =	shalt  }
0x45: {  	_ =	shalt  }
0x46: {  	_ =	shalt  }
0x47: {  	_ =	shalt  }
0x48: {  	_ =	shalt  }
0x49: {  	_ =	shalt  }
0x4a: {  	_ =	shalt  }
0x4b: {  	_ =	shalt  }
0x4c: {  	_ =	shalt  }
0x4d: {  	_ =	shalt  }
0x4e: {  	_ =	shalt  }
0x4f: {  	_ =	shalt  }
0x50: {  	_ =	shalt  }
0x51: {  	_ =	shalt  }
0x52: {  	_ =	shalt  }
0x53: {  	_ =	shalt  }
0x54: {  	_ =	shalt  }
0x55: {  	_ =	shalt  }
0x56: {  	_ =	shalt  }
0x57: {  	_ =	shalt  }
0x58: {  	_ =	shalt  }
0x59: {  	_ =	shalt  }
0x5a: {  	_ =	shalt  }
0x5b: {  	_ =	shalt  }
0x5c: {  	_ =	shalt  }
0x5d: {  	_ =	shalt  }
0x5e: {  	_ =	shalt  }
0x5f: {  	_ =	shalt  }
0x60: {  	_ =	shalt  }
0x61: {  	_ =	shalt  }
0x62: {  	_ =	shalt  }
0x63: {  	_ =	shalt  }
0x64: {  	_ =	shalt  }
0x65: {  	_ =	shalt  }
0x66: {  	_ =	shalt  }
0x67: {  	_ =	shalt  }
0x68: {  	_ =	shalt  }
0x69: {  	_ =	shalt  }
0x6a: {  	_ =	shalt  }
0x6b: {  	_ =	shalt  }
0x6c: {  	_ =	shalt  }
0x6d: {  	_ =	shalt  }
0x6e: {  	_ =	shalt  }
0x6f: {  	_ =	shalt  }
0x70: {  	_ =	shalt  }
0x71: {  	_ =	shalt  }
0x72: {  	_ =	shalt  }
0x73: {  	_ =	shalt  }
0x74: {  	_ =	shalt  }
0x75: {  	_ =	shalt  }
0x76: {  	_ =	shalt  }
0x77: {  	_ =	shalt  }
0x78: {  	_ =	shalt  }
0x79: {  	_ =	shalt  }
0x7a: {  	_ =	shalt  }
0x7b: {  	_ =	shalt  }
0x7c: {  	_ =	shalt  }
0x7d: {  	_ =	shalt  }
0x7e: {  	_ =	shalt  }
0x7f: {  	_ =	shalt  }
0x80: {  	_ =	shalt  }
0x81: {  	_ =	shalt  }
0x82: {  	_ =	shalt  }
0x83: {  	_ =	shalt  }
0x84: {  	_ =	shalt  }
0x85: {  	_ =	shalt  }
0x86: {  	_ =	shalt  }
0x87: {  	_ =	shalt  }
.Lfunc_end0:
.L_simem_size_0:
called_computation.2_lowered:
.L_overlay_start_0:
0x88: {  	s2 =	sld [smem:$0x3FD9]  }
0x89: {  	s3 =	sld [smem:$0x3FFE];
	_ =	sdelay $0x1  }
0x8a: {  	s1 =	srdreg.scid  }
0x8b: {  	s0 =	sand.u32 $0x1, s1  }
0x8c: {  	s17 =	sshll.u32 s0, $0xA;
	s2 =	sadd.s32 s3, s2  }
0x8d: {  	s2 =	sadd.s32 s2, s17  }
0x8e: {  	[smem:$0x3FC2] =	sst s2  }
0x8f: {  	_ = 	snop  }
0x90: {  	s2 =	sld [smem:$0x3FD0];
	(tm) =	ssettm $0x1  }
0x91: {  	s18 =	sld [smem:$0x3FFB];
	_ =	sdelay $0x3  }
0x92: {  	_ =	strace s18  }
0x93: {  	s3 =	sld [smem:$0x3FFC];
	_ =	sdelay $0x3  }
0x94: {  	_ =	strace s3  }
0x95: {  	s3 =	sld [smem:$0x3FFD];
	_ =	sdelay $0x3  }
0x96: {  	_ =	strace s3  }
0x97: {  	_ =	strace $0x8FFFFFFF  }
0x98: {  	s19 =	sld [smem:$0x3FDB];
	_ =	sdelay $0x1  }
0x99: {  	s4 =	simm.s32 $_scs_section_size  }
0x9a: {  	s5 =	simm.s32 $_size__tile_overlayer_lowered;
	s6 =	simm.s32 $_tile_overlayer_lowered  }
0x9b: {  	s22 =	simm.s32 $0x1BFF;
	s21 =	sshll.u32 s6, $0x1;
	s3 =	sadd.s32 s4, s19  }
0x9c: {  	s7 =	simm.s32 $0x0;
	s20 =	sshll.u32 s5, $0x1;
	s5 =	sadd.s32 s21, s3  }
0x9d: {  	[timem:s7], [sflag:s22] =	dma.local [hbm:s5], s20  }
0x9e: {  	_ =	swait.ge [sflag:s22], s20  }
0x9f: {  	s4 =	ssub.s32 $0x0, s20;
	[sflag:s22] =	ssyncset.done $0x0  }
0xa0: {  	[sflag:s22] =	ssyncadd.s32 s4;
	_ =	sdelay $0x1  }
0xa1: {  	s23 =	simm.s32 $0x1B8B  }
0xa2: {  	_ =	swait.ge [sflag:s23], $0x1  }
0xa3: {  	[sflag:s23] =	ssyncset.done $0x0  }
0xa4: {  	s25 =	simm.s32 $0x1B8E;
	s24 =	sld [smem:$0x3FFE];
	[sflag:s23] =	ssyncadd.s32 $0xFFFFFFFF  }
0xa5: {  	s26 =	simm.s32 $execute0_lowered;
	[smem:$0x3FD2] =	sst s25  }
0xa6: {  	s5 =	sshll.u32 s26, $0x1;
	_ =	strace $0x8000004C;
	[dreg:$0x1] =	wrdreg $0xFFFFFFFF  }
0xa7: {  	s28 =	simm.s32 $_size_execute0_lowered;
	s3 =	sadd.s32 s3, s5;
	[dreg:$0x0] =	wrdreg $0x0  }
0xa8: {  	s5 =	sshll.u32 s28, $0x1;
	[dreg:$0x2] =	wrdreg s3  }
0xa9: {  	[dreg:$0x3] =	wrdreg s5  }
0xaa: {  	[dreg:$0x4] =	wrdreg $0xC0  }
0xab: {  	_ =	task [dreg:s7], $0x5FFFF  }
0xac: {  	[dreg:$0x1] =	wrdreg $0xFFFFFFFF  }
0xad: {  	[dreg:$0x0] =	wrdreg $0x60  }
0xae: {  	[dreg:$0x2] =	wrdreg s24  }
0xaf: {  	[dreg:$0x3] =	wrdreg s2  }
0xb0: {  	[dreg:$0x4] =	wrdreg $0x75000  }
0xb1: {  	[dreg:$0x5] =	wrdreg $0xC3200  }
0xb2: {  	[dreg:$0x6] =	wrdreg $0x9  }
0xb3: {  	_ =	task.clear_ibuf [dreg:s7], $0x7FFFF;
	_ =	strace $0x9000004C  }
0xb4: {  	s29 =	simm.s32 $0x9;
	_ =	strace $0x8000004E  }
0xb5: {  	_ =	swait.ge [sflag:s29], $0x1  }
0xb6: {  	[sflag:s29] =	ssyncadd.s32 $0xFFFFFFFF  }
0xb7: {  	_ =	strace $0x9000004E  }
0xb8: {  	_ =	sfence  }
0xb9: {  	s30 =	sld [smem:$0x0];
	_ =	sdelay $0x2  }
0xba: {  	s31 =	sshll.u32 s1, $0xD;
	s1 =	sshrl.u32 s1, $0x2  }
0xbb: {  	s3 =	sand.u32 $0x4000, s31;
	s1 =	sadd.s32 s1, s30  }
0xbc: {  	s0 =	sor.u32 s3, s0;
	s1 =	sshll.u32 s1, $0x11  }
0xbd: {  	s0 =	sor.u32 s1, s0  }
0xbe: {  	s0 =	sadd.s32 $0x8F2B, s0  }
0xbf: {  	[sflag:s0] =	ssyncadd.remote.s32 $0x1  }
0xc0: {  	_ =	sfence.sel $0xFFFF  }
0xc1: {  	[dreg:$0x0] =	wrdreg $0xFFFFFFFF;
	(pc) =	sbr.abs _section_cstart, $3  }
0xc2: {  	[dreg:$0x1] =	wrdreg $0xFFFFFFFF  }
0xc3: {  	_ =	task.clear_ibuf [dreg:s7], $0x2FFFF;
	_ =	strace $0x9FFFFFFF  }
0xc4: {  	(tm) =	ssettm $0x7FFFFFFF  }
0xc5: {  	_ =	shalt  }
tec
execute0_lowered:
.L_overlay_start_1:
0x0: {  	(tag) =	ssettag $0x1  }
0x1: {  	s0 =	rddreg [dreg:$0x0]  }
0x2: {  	s2 =	rddreg [dreg:$0x1]  }
0x3: {  	s1 =	rddreg [dreg:$0x2]  }
0x4: {  	s3 =	rddreg [dreg:$0x3]  }
0x5: {  	s4 =	simm.s32 $0x0;
	s5 =	srdreg.scid;
	s12 =	stileid.u32  }
0x6: {  	s28 =	simm.s32 $0x3500;
	s29 =	simm.s32 $0x1A80;
	s7 =	smul.u32 $0x13880, s12  }
0x7: {  	s30 =	simm.s32 $0x80;
	s31 =	simm.s32 $0x4500;
	s8 =	smul.u32 $0x9C, s12  }
0x8: {  	[smem:$0x7FF] =	sst s4;
	s5 =	sand.u32 $0x1, s5;
	s10 =	smul.u32 $0x4E20, s12  }
0x9: {  	s25 =	smin.u32 s12, $0x4;
	s13 =	sshll.u32 s12, $0x6;
	p0 =	sgt.u32 s12, $0x3  }
0xa: {  	s12 =	simm.s32 $0x3;
	s6 =	sshll.u32 s5, $0x5;
	s5 =	ssub.s32 $0x2, s5  }
0xb: {  	_ =	strace $0x8000004D;
	s6 =	sor.u32 s6, s7;
	s9 =	sshrl.u32 s5, $0x1  }
0xc: {  	s8 =	sadd.s32 s25, s8;
	s26 =	sadd.s32 s10, s1;
	s14 =	sshrl.u32 s7, $0x2  }
0xd: {  	s6 =	sshrl.u32 s6, $0x3;
	s8 =	sshll.u32 s8, $0x4;
	s26 =	sshrl.u32 s26, $0x3  }
0xe: {  	s5 =	ssub.s32 s5, s9;
	s2 =	sadd.s32 s2, s8;
	[dreg:$0x14] =	wrdreg s26  }
0xf: {  	s0 =	sadd.s32 s6, s0;
	s25 =	smax.u32 s5, $0x1;
	[dreg:$0x8] =	wrdreg s2  }
0x10: {  	s7 =	sadd.s32 s10, s3;
	s11 =	sadd.s32 $0x2A00, s0;
	[dreg:$0x13] =	wrdreg s25  }
0x11: {  	s9 =	simm.s32 $0x180;
	s19 =	sadd.s32 $0x9C40, s2;
	[dreg:$0x5] =	wrdreg s11  }
0x12: {  	s6 =	sor.u32 $0x1C09, s13;
	s20 =	sadd.s32 $0x340, s2;
	[dreg:$0xb] =	wrdreg s19  }
0x13: {  	s26 =	simm.s32 $0x9;
	s21 =	sadd.s32 $0x9F80, s2;
	[dreg:$0xc] =	wrdreg s20  }
0x14: {  	s5 =	simm.s32 $0x2;
	s22 =	sadd.s32 $0x680, s2;
	[dreg:$0xd] =	wrdreg s21  }
0x15: {  	s8 =	simm.s32 $0x1B00;
	s23 =	sadd.s32 $0xA2C0, s2;
	[dreg:$0xe] =	wrdreg s22  }
0x16: {  	s13 =	simm.s32 $0x1B80;
	s24 =	sadd.s32 $0x9C0, s2;
	[dreg:$0xf] =	wrdreg s23  }
0x17: {  	s2 =	sadd.s32 $0xA600, s2;
	s0 =	sadd.s32 $0x29C00, s0;
	[dreg:$0x10] =	wrdreg s24  }
0x18: {  	s25 =	simm.s32 $0x7;
	s11 =	sadd.s32 s14, s3;
	[dreg:$0x11] =	wrdreg s2  }
0x19: {  	[dreg:$0x12] =	wrdreg s0;
	s23 =	simm.s32 $0x1;
	s24 =	simm.s32 $0x4  }
0x1a: {  	s20 =	simm.s32 $0x10;
	s2 =	simm.s32 $0x5500;
	s15 =	sadd.s32 $0x1000, s11  }
.Ltmp0:
0x1b: {  	s16 =	sadd.s32 $0x2000, s11;
	[dreg:$0x6] =	wrdreg s15;
	(pc) =	sbr.rel .LBB2_1-.Ltmp0, $4  }
0x1c: {  	s14 =	simm.s32 $0x5;
	s17 =	sadd.s32 $0x3000, s11;
	[dreg:$0x7] =	wrdreg s16  }
0x1d: {  	s19 =	simm.s32 $0x8;
	s18 =	sadd.s32 $0x4000, s11;
	[dreg:$0x9] =	wrdreg s17  }
0x1e: {  	s11 =	simm.s32 $0x6500;
	[dreg:$0xa] =	wrdreg s18;
	s15 =	simm.s32 $0x200  }
0x1f: {  	v0 =	vimm.f32 $0.0e+00;
	s16 =	simm.s32 $0x1C00;
	s17 =	simm.s32 $0x6;
	s18 =	simm.s32 $0x280  }
.LBB2_12:
0x20: {  	_ =	swait.ge [sflag:s24], $0x1000  }
0x21: {  	[sflag:s24] =	ssyncset.done $0x0  }
0x22: {  	[sflag:s24] =	ssyncadd.s32 $0xFFFFF000  }
0x23: {  	[spmem:s3] =	stream.indirect.scatter.add.f32 [tilespmem:s11], [sflag:$0x8], $0x20, s22, s30, $0xb8;
	[tilespmem:$0x11140] =	vst v63  }
0x24: {  	_ =	swait.ge [sflag:s17], $0x1000  }
0x25: {  	[sflag:s17] =	ssyncset.done $0x0  }
0x26: {  	[sflag:s17] =	ssyncadd.s32 $0xFFFFF000  }
0x27: {  	_ =	swait.ge [sflag:s25], $0x1000  }
0x28: {  	[sflag:s25] =	ssyncset.done $0x0  }
0x29: {  	[sflag:s25] =	ssyncadd.s32 $0xFFFFF000  }
0x2a: {  	_ =	swait.ge [sflag:s19], $0x1000  }
0x2b: {  	s10 =	simm.s32 @!p0 $0x0;
	s20 =	simm.s32 @!p0 $0x1A00;
	[sflag:s19] =	ssyncset.done $0x0  }
0x2c: {  	s21 =	simm.s32 @!p0 $0x9;
	s0 =	rddreg [dreg:$0x10];
	[sflag:s19] =	ssyncadd.s32 $0xFFFFF000  }
0x2d: {  	[tilespmem:s20], [sflag:$0x9] =	stream.linear.gather @!p0 [hbm4b:s0+s10], $0x80, $0x38;
	[tilespmem:$0x11140] =	vst v63  }
0x2e: {  	_ =	swait.ge @!p0 [sflag:s21], $0x80  }
0x2f: {  	[sflag:s21] =	ssyncset.done @!p0 $0x0  }
0x30: {  	s22 =	simm.s32 @!p0 $0x3480;
	s0 =	rddreg [dreg:$0x11];
	[sflag:s21] =	ssyncadd.s32 @!p0 $0xFFFFFF80  }
0x31: {  	[tilespmem:s22], [sflag:$0x9] =	stream.linear.gather @!p0 [hbm4b:s0+s10], $0x80, $0x38;
	[tilespmem:$0x11140] =	vst v63  }
0x32: {  	_ =	swait.ge @!p0 [sflag:s21], $0x80  }
0x33: {  	[sflag:s21] =	ssyncset.done @!p0 $0x0  }
0x34: {  	s10 =	simm.s32 @!p0 $0x80;
	s0 =	simm.s32 @!p0 $0x3500;
	[sflag:s21] =	ssyncadd.s32 @!p0 $0xFFFFFF80  }
0x35: {  	[tilespmem:s0], [sflag:$0x1] =	stream.indirect.gather @!p0 [spmem:s1], $0x20, s20, s10, $0xb8;
	[tilespmem:$0x11140] =	vst v63  }
0x36: {  	s20 =	simm.s32 @!p0 $0x1  }
0x37: {  	_ =	swait.ge @!p0 [sflag:s20], $0x1000  }
0x38: {  	[sflag:s20] =	ssyncset.done @!p0 $0x0  }
0x39: {  	[sflag:s20] =	ssyncadd.s32 @!p0 $0xFFFFF000  }
0x3a: {  	[spmem:s3] =	stream.indirect.scatter.add.f32 @!p0 [tilespmem:s0], [sflag:$0x9], $0x20, s22, s10, $0xb8;
	[tilespmem:$0x11140] =	vst v63  }
0x3b: {  	_ =	swait.ge @!p0 [sflag:s21], $0x1000  }
0x3c: {  	[sflag:s21] =	ssyncset.done @!p0 $0x0  }
0x3d: {  	[sflag:s21] =	ssyncadd.s32 @!p0 $0xFFFFF000  }
0x3e: {  	[bflag:$0x0] =	sbarrier.arrive $0xFFFF  }
0x3f: {  	s20 =	simm.s32 $0x10;
	s10 =	sshrl.u32 s7, $0x3;
	s21 =	rddreg [dreg:$0x12]  }
0x40: {  	[hbm:s21@s20], [sflag:s6] =	dma.strided [spmem:s10@s24], $0x9C4, s23, $0x4   }
0x41: {  	_ =	swait.ge [sflag:s26], $0x9C4  }
0x42: {  	s4 =	sadd.s32 $0x1, s4;
	s22 =	rddreg [dreg:$0x13]  }
0x43: {  	p1 =	sne.s32 s4, s22  }
.Ltmp1:
0x44: {  	_ = 	snop;
	(pc) =	sbr.rel @!p1 .LBB2_13-.Ltmp1, $3  }
0x45: {  	_ =	sdelay $0x1  }
0x46: {  	[sflag:s26] =	ssyncset.done $0x0  }
0x47: {  	[sflag:s26] =	ssyncadd.s32 $0xFFFFF63C  }
.LBB2_1:
0x48: {  	s0 =	rddreg [dreg:$0x5]  }
0x49: {  	s10 =	rddreg [dreg:$0x14]  }
0x4a: {  	[spmem:s10@s24], [sflag:s6] =	dma.strided [hbm:s0@s20], $0x9C4, s23, $0x4   }
0x4b: {  	_ =	swait.ge [sflag:s26], $0x9C4  }
0x4c: {  	[sflag:s26] =	ssyncset.done $0x0  }
0x4d: {  	s21 =	simm.s32 $0x0;
	s20 =	simm.s32 $0x80;
	[sflag:s26] =	ssyncadd.s32 $0xFFFFF63C  }
.LBB2_2:
0x4e: {  	p1 =	sne.s32 s20, $0x3F80;
	[tilespmem:s21+$0x3500] =	vst v0;
	s22 =	smov.u32 s20;
	s20 =	sadd.s32 $0x80, s20  }
.Ltmp2:
0x4f: {  	[tilespmem:s21+$0x3510] =	vst v0;
	(pc) =	sbr.rel @p1 .LBB2_2-.Ltmp2, $2  }
0x50: {  	_ =	sdelay $0x2  }
0x51: {  	s21 =	sshra.s32 s22, $0x2  }
0x52: {  	[tilespmem:s21+$0x3500] =	vst v0  }
0x53: {  	[tilespmem:s21+$0x3510] =	vst v0  }
0x54: {  	[spmem:s7] =	stream.linear.scatter [tilespmem:s28], [sflag:$0x9], $0x1000, $0x38;
	[tilespmem:$0x11140] =	vst v63  }
0x55: {  	_ =	swait.ge [sflag:s26], $0x1000  }
0x56: {  	[sflag:s26] =	ssyncset.done $0x0  }
0x57: {  	s0 =	rddreg [dreg:$0x6];
	[sflag:s26] =	ssyncadd.s32 $0xFFFFF000  }
0x58: {  	[spmem:s0] =	stream.linear.scatter [tilespmem:s28], [sflag:$0x9], $0x1000, $0x38;
	[tilespmem:$0x11140] =	vst v63  }
0x59: {  	_ =	swait.ge [sflag:s26], $0x1000  }
0x5a: {  	[sflag:s26] =	ssyncset.done $0x0  }
0x5b: {  	s20 =	rddreg [dreg:$0x7];
	[sflag:s26] =	ssyncadd.s32 $0xFFFFF000  }
0x5c: {  	[spmem:s20] =	stream.linear.scatter [tilespmem:s28], [sflag:$0x9], $0x1000, $0x38;
	[tilespmem:$0x11140] =	vst v63  }
0x5d: {  	_ =	swait.ge [sflag:s26], $0x1000  }
0x5e: {  	[sflag:s26] =	ssyncset.done $0x0  }
0x5f: {  	s21 =	rddreg [dreg:$0x9];
	[sflag:s26] =	ssyncadd.s32 $0xFFFFF000  }
0x60: {  	[spmem:s21] =	stream.linear.scatter [tilespmem:s28], [sflag:$0x9], $0x1000, $0x38;
	[tilespmem:$0x11140] =	vst v63  }
0x61: {  	_ =	swait.ge [sflag:s26], $0x1000  }
0x62: {  	[sflag:s26] =	ssyncset.done $0x0  }
0x63: {  	s22 =	rddreg [dreg:$0xa];
	[sflag:s26] =	ssyncadd.s32 $0xFFFFF000  }
0x64: {  	[spmem:s22] =	stream.linear.scatter [tilespmem:s28], [sflag:$0x9], $0xE20, $0x38;
	[tilespmem:$0x11140] =	vst v63  }
0x65: {  	_ =	swait.ge [sflag:s26], $0xE20  }
0x66: {  	[sflag:s26] =	ssyncset.done $0x0  }
0x67: {  	[sflag:s26] =	ssyncadd.s32 $0xFFFFF1E0  }
0x68: {  	[bflag:$0x0] =	sbarrier.arrive $0xFFFF  }
0x69: {  	s20 =	simm.s32 $0x0;
	s10 =	rddreg [dreg:$0x8]  }
0x6a: {  	[tilespmem:s20], [sflag:$0x9] =	stream.linear.gather [hbm4b:s10+s20], $0x1A00, $0x38;
	[tilespmem:$0x11140] =	vst v63  }
0x6b: {  	_ =	swait.ge [sflag:s26], $0x1A00  }
0x6c: {  	[sflag:s26] =	ssyncset.done $0x0  }
0x6d: {  	s21 =	rddreg [dreg:$0xb];
	[sflag:s26] =	ssyncadd.s32 $0xFFFFE600  }
0x6e: {  	[tilespmem:s29], [sflag:$0x9] =	stream.linear.gather [hbm4b:s21+s20], $0x1A00, $0x38;
	[tilespmem:$0x11140] =	vst v63  }
0x6f: {  	_ =	swait.ge [sflag:s26], $0x1A00  }
0x70: {  	[sflag:s26] =	ssyncset.done $0x0  }
0x71: {  	[sflag:s26] =	ssyncadd.s32 $0xFFFFE600  }
0x72: {  	[tilespmem:s28], [sflag:$0x1] =	stream.indirect.gather [spmem:s1], $0x20, s20, s30, $0xb8;
	[tilespmem:$0x11140] =	vst v63  }
0x73: {  	_ = 	snop  }
0x74: {  	[tilespmem:s31], [sflag:$0x2] =	stream.indirect.gather [spmem:s1], $0x20, s30, s30, $0xb8;
	[tilespmem:$0x11140] =	vst v63  }
0x75: {  	_ =	swait.ge [sflag:s23], $0x1000  }
0x76: {  	[sflag:s23] =	ssyncset.done $0x0  }
0x77: {  	[sflag:s23] =	ssyncadd.s32 $0xFFFFF000  }
0x78: {  	[spmem:s3] =	stream.indirect.scatter.add.f32 [tilespmem:s28], [sflag:$0x5], $0x20, s29, s30, $0xb8;
	[tilespmem:$0x11140] =	vst v63  }
0x79: {  	s22 =	simm.s32 $0x100  }
0x7a: {  	[tilespmem:s2], [sflag:$0x3] =	stream.indirect.gather [spmem:s1], $0x20, s22, s30, $0xb8;
	[tilespmem:$0x11140] =	vst v63  }
0x7b: {  	_ =	swait.ge [sflag:s5], $0x1000  }
0x7c: {  	[sflag:s5] =	ssyncset.done $0x0  }
0x7d: {  	[sflag:s5] =	ssyncadd.s32 $0xFFFFF000  }
0x7e: {  	[spmem:s3] =	stream.indirect.scatter.add.f32 [tilespmem:s31], [sflag:$0x6], $0x20, s8, s30, $0xb8;
	[tilespmem:$0x11140] =	vst v63  }
0x7f: {  	_ = 	snop  }
0x80: {  	[tilespmem:s11], [sflag:$0x4] =	stream.indirect.gather [spmem:s1], $0x20, s9, s30, $0xb8;
	[tilespmem:$0x11140] =	vst v63  }
0x81: {  	_ =	swait.ge [sflag:s12], $0x1000  }
0x82: {  	[sflag:s12] =	ssyncset.done $0x0  }
0x83: {  	[sflag:s12] =	ssyncadd.s32 $0xFFFFF000  }
0x84: {  	[spmem:s3] =	stream.indirect.scatter.add.f32 [tilespmem:s2], [sflag:$0x7], $0x20, s13, s30, $0xb8;
	[tilespmem:$0x11140] =	vst v63  }
0x85: {  	_ =	swait.ge [sflag:s14], $0x1000  }
0x86: {  	[sflag:s14] =	ssyncset.done $0x0  }
0x87: {  	[sflag:s14] =	ssyncadd.s32 $0xFFFFF000  }
0x88: {  	[tilespmem:s28], [sflag:$0x1] =	stream.indirect.gather [spmem:s1], $0x20, s15, s30, $0xb8;
	[tilespmem:$0x11140] =	vst v63  }
0x89: {  	_ =	swait.ge [sflag:s24], $0x1000  }
0x8a: {  	[sflag:s24] =	ssyncset.done $0x0  }
0x8b: {  	[sflag:s24] =	ssyncadd.s32 $0xFFFFF000  }
0x8c: {  	[spmem:s3] =	stream.indirect.scatter.add.f32 [tilespmem:s11], [sflag:$0x8], $0x20, s16, s30, $0xb8;
	[tilespmem:$0x11140] =	vst v63  }
0x8d: {  	_ =	swait.ge [sflag:s17], $0x1000  }
0x8e: {  	[sflag:s17] =	ssyncset.done $0x0  }
0x8f: {  	[sflag:s17] =	ssyncadd.s32 $0xFFFFF000  }
0x90: {  	[tilespmem:s31], [sflag:$0x2] =	stream.indirect.gather [spmem:s1], $0x20, s18, s30, $0xb8;
	[tilespmem:$0x11140] =	vst v63  }
.LBB2_4:
0x91: {  	_ =	swait.ge [sflag:s23], $0x1000  }
0x92: {  	s21 =	sshra.s32 s20, $0x2;
	[sflag:s23] =	ssyncset.done $0x0  }
0x93: {  	s22 =	sadd.s32 $0x1C80, s21;
	[sflag:s23] =	ssyncadd.s32 $0xFFFFF000  }
0x94: {  	[spmem:s3] =	stream.indirect.scatter.add.f32 [tilespmem:s28], [sflag:$0x5], $0x20, s22, s30, $0xb8;
	[tilespmem:$0x11140] =	vst v63  }
0x95: {  	_ =	swait.ge [sflag:s25], $0x1000  }
0x96: {  	[sflag:s25] =	ssyncset.done $0x0  }
0x97: {  	s0 =	sadd.s32 $0x300, s21;
	[sflag:s25] =	ssyncadd.s32 $0xFFFFF000  }
0x98: {  	[tilespmem:s2], [sflag:$0x3] =	stream.indirect.gather [spmem:s1], $0x20, s0, s30, $0xb8;
	[tilespmem:$0x11140] =	vst v63  }
0x99: {  	_ =	swait.ge [sflag:s5], $0x1000  }
0x9a: {  	[sflag:s5] =	ssyncset.done $0x0  }
0x9b: {  	s10 =	sadd.s32 $0x1D00, s21;
	[sflag:s5] =	ssyncadd.s32 $0xFFFFF000  }
0x9c: {  	[spmem:s3] =	stream.indirect.scatter.add.f32 [tilespmem:s31], [sflag:$0x6], $0x20, s10, s30, $0xb8;
	[tilespmem:$0x11140] =	vst v63  }
0x9d: {  	_ =	swait.ge [sflag:s19], $0x1000  }
0x9e: {  	[sflag:s19] =	ssyncset.done $0x0  }
0x9f: {  	s0 =	sadd.s32 $0x380, s21;
	[sflag:s19] =	ssyncadd.s32 $0xFFFFF000  }
0xa0: {  	[tilespmem:s11], [sflag:$0x4] =	stream.indirect.gather [spmem:s1], $0x20, s0, s30, $0xb8;
	[tilespmem:$0x11140] =	vst v63  }
0xa1: {  	_ =	swait.ge [sflag:s12], $0x1000  }
0xa2: {  	p1 =	seq.s32 s20, $0x5800;
	[sflag:s12] =	ssyncset.done $0x0  }
.Ltmp3:
0xa3: {  	s10 =	sadd.s32 $0x1D80, s21;
	[sflag:s12] =	ssyncadd.s32 $0xFFFFF000;
	(pc) =	sbr.rel @p1 .LBB2_6-.Ltmp3, $4  }
0xa4: {  	[spmem:s3] =	stream.indirect.scatter.add.f32 [tilespmem:s2], [sflag:$0x7], $0x20, s10, s30, $0xb8;
	[tilespmem:$0x11140] =	vst v63  }
0xa5: {  	_ =	swait.ge [sflag:s14], $0x1000  }
0xa6: {  	[sflag:s14] =	ssyncset.done $0x0  }
0xa7: {  	s22 =	sadd.s32 $0x1E00, s21;
	[sflag:s14] =	ssyncadd.s32 $0xFFFFF000  }
0xa8: {  	s10 =	sadd.s32 $0x400, s21  }
0xa9: {  	[tilespmem:s28], [sflag:$0x1] =	stream.indirect.gather [spmem:s1], $0x20, s10, s30, $0xb8;
	[tilespmem:$0x11140] =	vst v63  }
0xaa: {  	_ =	swait.ge [sflag:s24], $0x1000  }
0xab: {  	[sflag:s24] =	ssyncset.done $0x0  }
0xac: {  	[sflag:s24] =	ssyncadd.s32 $0xFFFFF000  }
0xad: {  	[spmem:s3] =	stream.indirect.scatter.add.f32 [tilespmem:s11], [sflag:$0x8], $0x20, s22, s30, $0xb8;
	[tilespmem:$0x11140] =	vst v63  }
.Ltmp4:
0xae: {  	_ = 	snop;
	(pc) =	sbr.rel .LBB2_4-.Ltmp4, $4  }
0xaf: {  	_ =	swait.ge [sflag:s17], $0x1000  }
0xb0: {  	[sflag:s17] =	ssyncset.done $0x0  }
0xb1: {  	s20 =	sadd.s32 $0x800, s20;
	s22 =	sadd.s32 $0x480, s21;
	[sflag:s17] =	ssyncadd.s32 $0xFFFFF000  }
0xb2: {  	[tilespmem:s31], [sflag:$0x2] =	stream.indirect.gather [spmem:s1], $0x20, s22, s30, $0xb8;
	[tilespmem:$0x11140] =	vst v63  }
.LBB2_6:
0xb3: {  	_ =	swait.ge [sflag:s24], $0x1000  }
0xb4: {  	[sflag:s24] =	ssyncset.done $0x0  }
0xb5: {  	[sflag:s24] =	ssyncadd.s32 $0xFFFFF000  }
0xb6: {  	[spmem:s3] =	stream.indirect.scatter.add.f32 [tilespmem:s11], [sflag:$0x8], $0x20, s22, s30, $0xb8;
	[tilespmem:$0x11140] =	vst v63  }
0xb7: {  	_ =	swait.ge [sflag:s17], $0x1000  }
0xb8: {  	[sflag:s17] =	ssyncset.done $0x0  }
0xb9: {  	[sflag:s17] =	ssyncadd.s32 $0xFFFFF000  }
0xba: {  	_ =	swait.ge [sflag:s25], $0x1000  }
0xbb: {  	[sflag:s25] =	ssyncset.done $0x0  }
0xbc: {  	[sflag:s25] =	ssyncadd.s32 $0xFFFFF000  }
0xbd: {  	_ =	swait.ge [sflag:s19], $0x1000  }
0xbe: {  	[sflag:s19] =	ssyncset.done $0x0  }
0xbf: {  	s20 =	simm.s32 $0x0;
	s0 =	rddreg [dreg:$0xc];
	[sflag:s19] =	ssyncadd.s32 $0xFFFFF000  }
0xc0: {  	[tilespmem:s20], [sflag:$0x9] =	stream.linear.gather [hbm4b:s0+s20], $0x1A00, $0x38;
	[tilespmem:$0x11140] =	vst v63  }
0xc1: {  	_ =	swait.ge [sflag:s26], $0x1A00  }
0xc2: {  	[sflag:s26] =	ssyncset.done $0x0  }
0xc3: {  	s21 =	rddreg [dreg:$0xd];
	[sflag:s26] =	ssyncadd.s32 $0xFFFFE600  }
0xc4: {  	[tilespmem:s29], [sflag:$0x9] =	stream.linear.gather [hbm4b:s21+s20], $0x1A00, $0x38;
	[tilespmem:$0x11140] =	vst v63  }
0xc5: {  	_ =	swait.ge [sflag:s26], $0x1A00  }
0xc6: {  	[sflag:s26] =	ssyncset.done $0x0  }
0xc7: {  	[sflag:s26] =	ssyncadd.s32 $0xFFFFE600  }
0xc8: {  	[tilespmem:s28], [sflag:$0x1] =	stream.indirect.gather [spmem:s1], $0x20, s20, s30, $0xb8;
	[tilespmem:$0x11140] =	vst v63  }
0xc9: {  	_ = 	snop  }
0xca: {  	[tilespmem:s31], [sflag:$0x2] =	stream.indirect.gather [spmem:s1], $0x20, s30, s30, $0xb8;
	[tilespmem:$0x11140] =	vst v63  }
0xcb: {  	_ =	swait.ge [sflag:s23], $0x1000  }
0xcc: {  	[sflag:s23] =	ssyncset.done $0x0  }
0xcd: {  	[sflag:s23] =	ssyncadd.s32 $0xFFFFF000  }
0xce: {  	[spmem:s3] =	stream.indirect.scatter.add.f32 [tilespmem:s28], [sflag:$0x5], $0x20, s29, s30, $0xb8;
	[tilespmem:$0x11140] =	vst v63  }
0xcf: {  	s22 =	simm.s32 $0x100  }
0xd0: {  	[tilespmem:s2], [sflag:$0x3] =	stream.indirect.gather [spmem:s1], $0x20, s22, s30, $0xb8;
	[tilespmem:$0x11140] =	vst v63  }
0xd1: {  	_ =	swait.ge [sflag:s5], $0x1000  }
0xd2: {  	[sflag:s5] =	ssyncset.done $0x0  }
0xd3: {  	[sflag:s5] =	ssyncadd.s32 $0xFFFFF000  }
0xd4: {  	[spmem:s3] =	stream.indirect.scatter.add.f32 [tilespmem:s31], [sflag:$0x6], $0x20, s8, s30, $0xb8;
	[tilespmem:$0x11140] =	vst v63  }
0xd5: {  	_ = 	snop  }
0xd6: {  	[tilespmem:s11], [sflag:$0x4] =	stream.indirect.gather [spmem:s1], $0x20, s9, s30, $0xb8;
	[tilespmem:$0x11140] =	vst v63  }
0xd7: {  	_ =	swait.ge [sflag:s12], $0x1000  }
0xd8: {  	[sflag:s12] =	ssyncset.done $0x0  }
0xd9: {  	[sflag:s12] =	ssyncadd.s32 $0xFFFFF000  }
0xda: {  	[spmem:s3] =	stream.indirect.scatter.add.f32 [tilespmem:s2], [sflag:$0x7], $0x20, s13, s30, $0xb8;
	[tilespmem:$0x11140] =	vst v63  }
0xdb: {  	_ =	swait.ge [sflag:s14], $0x1000  }
0xdc: {  	[sflag:s14] =	ssyncset.done $0x0  }
0xdd: {  	[sflag:s14] =	ssyncadd.s32 $0xFFFFF000  }
0xde: {  	[tilespmem:s28], [sflag:$0x1] =	stream.indirect.gather [spmem:s1], $0x20, s15, s30, $0xb8;
	[tilespmem:$0x11140] =	vst v63  }
0xdf: {  	_ =	swait.ge [sflag:s24], $0x1000  }
0xe0: {  	[sflag:s24] =	ssyncset.done $0x0  }
0xe1: {  	[sflag:s24] =	ssyncadd.s32 $0xFFFFF000  }
0xe2: {  	[spmem:s3] =	stream.indirect.scatter.add.f32 [tilespmem:s11], [sflag:$0x8], $0x20, s16, s30, $0xb8;
	[tilespmem:$0x11140] =	vst v63  }
0xe3: {  	_ =	swait.ge [sflag:s17], $0x1000  }
0xe4: {  	[sflag:s17] =	ssyncset.done $0x0  }
0xe5: {  	[sflag:s17] =	ssyncadd.s32 $0xFFFFF000  }
0xe6: {  	[tilespmem:s31], [sflag:$0x2] =	stream.indirect.gather [spmem:s1], $0x20, s18, s30, $0xb8;
	[tilespmem:$0x11140] =	vst v63  }
.LBB2_7:
0xe7: {  	_ =	swait.ge [sflag:s23], $0x1000  }
0xe8: {  	s21 =	sshra.s32 s20, $0x2;
	[sflag:s23] =	ssyncset.done $0x0  }
0xe9: {  	s10 =	sadd.s32 $0x1C80, s21;
	[sflag:s23] =	ssyncadd.s32 $0xFFFFF000  }
0xea: {  	[spmem:s3] =	stream.indirect.scatter.add.f32 [tilespmem:s28], [sflag:$0x5], $0x20, s10, s30, $0xb8;
	[tilespmem:$0x11140] =	vst v63  }
0xeb: {  	_ =	swait.ge [sflag:s25], $0x1000  }
0xec: {  	[sflag:s25] =	ssyncset.done $0x0  }
0xed: {  	s0 =	sadd.s32 $0x300, s21;
	[sflag:s25] =	ssyncadd.s32 $0xFFFFF000  }
0xee: {  	[tilespmem:s2], [sflag:$0x3] =	stream.indirect.gather [spmem:s1], $0x20, s0, s30, $0xb8;
	[tilespmem:$0x11140] =	vst v63  }
0xef: {  	_ =	swait.ge [sflag:s5], $0x1000  }
0xf0: {  	[sflag:s5] =	ssyncset.done $0x0  }
0xf1: {  	s22 =	sadd.s32 $0x1D00, s21;
	[sflag:s5] =	ssyncadd.s32 $0xFFFFF000  }
0xf2: {  	[spmem:s3] =	stream.indirect.scatter.add.f32 [tilespmem:s31], [sflag:$0x6], $0x20, s22, s30, $0xb8;
	[tilespmem:$0x11140] =	vst v63  }
0xf3: {  	_ =	swait.ge [sflag:s19], $0x1000  }
0xf4: {  	[sflag:s19] =	ssyncset.done $0x0  }
0xf5: {  	s0 =	sadd.s32 $0x380, s21;
	[sflag:s19] =	ssyncadd.s32 $0xFFFFF000  }
0xf6: {  	[tilespmem:s11], [sflag:$0x4] =	stream.indirect.gather [spmem:s1], $0x20, s0, s30, $0xb8;
	[tilespmem:$0x11140] =	vst v63  }
0xf7: {  	_ =	swait.ge [sflag:s12], $0x1000  }
0xf8: {  	p1 =	seq.s32 s20, $0x5800;
	[sflag:s12] =	ssyncset.done $0x0  }
.Ltmp5:
0xf9: {  	s22 =	sadd.s32 $0x1D80, s21;
	[sflag:s12] =	ssyncadd.s32 $0xFFFFF000;
	(pc) =	sbr.rel @p1 .LBB2_9-.Ltmp5, $4  }
0xfa: {  	[spmem:s3] =	stream.indirect.scatter.add.f32 [tilespmem:s2], [sflag:$0x7], $0x20, s22, s30, $0xb8;
	[tilespmem:$0x11140] =	vst v63  }
0xfb: {  	_ =	swait.ge [sflag:s14], $0x1000  }
0xfc: {  	[sflag:s14] =	ssyncset.done $0x0  }
0xfd: {  	s22 =	sadd.s32 $0x1E00, s21;
	[sflag:s14] =	ssyncadd.s32 $0xFFFFF000  }
0xfe: {  	s10 =	sadd.s32 $0x400, s21  }
0xff: {  	[tilespmem:s28], [sflag:$0x1] =	stream.indirect.gather [spmem:s1], $0x20, s10, s30, $0xb8;
	[tilespmem:$0x11140] =	vst v63  }
0x100: {  	_ =	swait.ge [sflag:s24], $0x1000  }
0x101: {  	[sflag:s24] =	ssyncset.done $0x0  }
0x102: {  	[sflag:s24] =	ssyncadd.s32 $0xFFFFF000  }
0x103: {  	[spmem:s3] =	stream.indirect.scatter.add.f32 [tilespmem:s11], [sflag:$0x8], $0x20, s22, s30, $0xb8;
	[tilespmem:$0x11140] =	vst v63  }
.Ltmp6:
0x104: {  	_ = 	snop;
	(pc) =	sbr.rel .LBB2_7-.Ltmp6, $4  }
0x105: {  	_ =	swait.ge [sflag:s17], $0x1000  }
0x106: {  	[sflag:s17] =	ssyncset.done $0x0  }
0x107: {  	s20 =	sadd.s32 $0x800, s20;
	s22 =	sadd.s32 $0x480, s21;
	[sflag:s17] =	ssyncadd.s32 $0xFFFFF000  }
0x108: {  	[tilespmem:s31], [sflag:$0x2] =	stream.indirect.gather [spmem:s1], $0x20, s22, s30, $0xb8;
	[tilespmem:$0x11140] =	vst v63  }
.LBB2_9:
0x109: {  	_ =	swait.ge [sflag:s24], $0x1000  }
0x10a: {  	[sflag:s24] =	ssyncset.done $0x0  }
0x10b: {  	[sflag:s24] =	ssyncadd.s32 $0xFFFFF000  }
0x10c: {  	[spmem:s3] =	stream.indirect.scatter.add.f32 [tilespmem:s11], [sflag:$0x8], $0x20, s22, s30, $0xb8;
	[tilespmem:$0x11140] =	vst v63  }
0x10d: {  	_ =	swait.ge [sflag:s17], $0x1000  }
0x10e: {  	[sflag:s17] =	ssyncset.done $0x0  }
0x10f: {  	[sflag:s17] =	ssyncadd.s32 $0xFFFFF000  }
0x110: {  	_ =	swait.ge [sflag:s25], $0x1000  }
0x111: {  	[sflag:s25] =	ssyncset.done $0x0  }
0x112: {  	[sflag:s25] =	ssyncadd.s32 $0xFFFFF000  }
0x113: {  	_ =	swait.ge [sflag:s19], $0x1000  }
0x114: {  	[sflag:s19] =	ssyncset.done $0x0  }
0x115: {  	s20 =	simm.s32 $0x0;
	s0 =	rddreg [dreg:$0xe];
	[sflag:s19] =	ssyncadd.s32 $0xFFFFF000  }
0x116: {  	[tilespmem:s20], [sflag:$0x9] =	stream.linear.gather [hbm4b:s0+s20], $0x1A00, $0x38;
	[tilespmem:$0x11140] =	vst v63  }
0x117: {  	_ =	swait.ge [sflag:s26], $0x1A00  }
0x118: {  	[sflag:s26] =	ssyncset.done $0x0  }
0x119: {  	s21 =	rddreg [dreg:$0xf];
	[sflag:s26] =	ssyncadd.s32 $0xFFFFE600  }
0x11a: {  	[tilespmem:s29], [sflag:$0x9] =	stream.linear.gather [hbm4b:s21+s20], $0x1A00, $0x38;
	[tilespmem:$0x11140] =	vst v63  }
0x11b: {  	_ =	swait.ge [sflag:s26], $0x1A00  }
0x11c: {  	[sflag:s26] =	ssyncset.done $0x0  }
0x11d: {  	[sflag:s26] =	ssyncadd.s32 $0xFFFFE600  }
0x11e: {  	[tilespmem:s28], [sflag:$0x1] =	stream.indirect.gather [spmem:s1], $0x20, s20, s30, $0xb8;
	[tilespmem:$0x11140] =	vst v63  }
0x11f: {  	_ = 	snop  }
0x120: {  	[tilespmem:s31], [sflag:$0x2] =	stream.indirect.gather [spmem:s1], $0x20, s30, s30, $0xb8;
	[tilespmem:$0x11140] =	vst v63  }
0x121: {  	_ =	swait.ge [sflag:s23], $0x1000  }
0x122: {  	[sflag:s23] =	ssyncset.done $0x0  }
0x123: {  	[sflag:s23] =	ssyncadd.s32 $0xFFFFF000  }
0x124: {  	[spmem:s3] =	stream.indirect.scatter.add.f32 [tilespmem:s28], [sflag:$0x5], $0x20, s29, s30, $0xb8;
	[tilespmem:$0x11140] =	vst v63  }
0x125: {  	s22 =	simm.s32 $0x100  }
0x126: {  	[tilespmem:s2], [sflag:$0x3] =	stream.indirect.gather [spmem:s1], $0x20, s22, s30, $0xb8;
	[tilespmem:$0x11140] =	vst v63  }
0x127: {  	_ =	swait.ge [sflag:s5], $0x1000  }
0x128: {  	[sflag:s5] =	ssyncset.done $0x0  }
0x129: {  	[sflag:s5] =	ssyncadd.s32 $0xFFFFF000  }
0x12a: {  	[spmem:s3] =	stream.indirect.scatter.add.f32 [tilespmem:s31], [sflag:$0x6], $0x20, s8, s30, $0xb8;
	[tilespmem:$0x11140] =	vst v63  }
0x12b: {  	_ = 	snop  }
0x12c: {  	[tilespmem:s11], [sflag:$0x4] =	stream.indirect.gather [spmem:s1], $0x20, s9, s30, $0xb8;
	[tilespmem:$0x11140] =	vst v63  }
0x12d: {  	_ =	swait.ge [sflag:s12], $0x1000  }
0x12e: {  	[sflag:s12] =	ssyncset.done $0x0  }
0x12f: {  	[sflag:s12] =	ssyncadd.s32 $0xFFFFF000  }
0x130: {  	[spmem:s3] =	stream.indirect.scatter.add.f32 [tilespmem:s2], [sflag:$0x7], $0x20, s13, s30, $0xb8;
	[tilespmem:$0x11140] =	vst v63  }
0x131: {  	_ =	swait.ge [sflag:s14], $0x1000  }
0x132: {  	[sflag:s14] =	ssyncset.done $0x0  }
0x133: {  	[sflag:s14] =	ssyncadd.s32 $0xFFFFF000  }
0x134: {  	[tilespmem:s28], [sflag:$0x1] =	stream.indirect.gather [spmem:s1], $0x20, s15, s30, $0xb8;
	[tilespmem:$0x11140] =	vst v63  }
0x135: {  	_ =	swait.ge [sflag:s24], $0x1000  }
0x136: {  	[sflag:s24] =	ssyncset.done $0x0  }
0x137: {  	[sflag:s24] =	ssyncadd.s32 $0xFFFFF000  }
0x138: {  	[spmem:s3] =	stream.indirect.scatter.add.f32 [tilespmem:s11], [sflag:$0x8], $0x20, s16, s30, $0xb8;
	[tilespmem:$0x11140] =	vst v63  }
0x139: {  	_ =	swait.ge [sflag:s17], $0x1000  }
0x13a: {  	[sflag:s17] =	ssyncset.done $0x0  }
0x13b: {  	[sflag:s17] =	ssyncadd.s32 $0xFFFFF000  }
0x13c: {  	[tilespmem:s31], [sflag:$0x2] =	stream.indirect.gather [spmem:s1], $0x20, s18, s30, $0xb8;
	[tilespmem:$0x11140] =	vst v63  }
.LBB2_10:
0x13d: {  	_ =	swait.ge [sflag:s23], $0x1000  }
0x13e: {  	s21 =	sshra.s32 s20, $0x2;
	[sflag:s23] =	ssyncset.done $0x0  }
0x13f: {  	s10 =	sadd.s32 $0x1C80, s21;
	[sflag:s23] =	ssyncadd.s32 $0xFFFFF000  }
0x140: {  	[spmem:s3] =	stream.indirect.scatter.add.f32 [tilespmem:s28], [sflag:$0x5], $0x20, s10, s30, $0xb8;
	[tilespmem:$0x11140] =	vst v63  }
0x141: {  	_ =	swait.ge [sflag:s25], $0x1000  }
0x142: {  	[sflag:s25] =	ssyncset.done $0x0  }
0x143: {  	s0 =	sadd.s32 $0x300, s21;
	[sflag:s25] =	ssyncadd.s32 $0xFFFFF000  }
0x144: {  	[tilespmem:s2], [sflag:$0x3] =	stream.indirect.gather [spmem:s1], $0x20, s0, s30, $0xb8;
	[tilespmem:$0x11140] =	vst v63  }
0x145: {  	_ =	swait.ge [sflag:s5], $0x1000  }
0x146: {  	[sflag:s5] =	ssyncset.done $0x0  }
0x147: {  	s22 =	sadd.s32 $0x1D00, s21;
	[sflag:s5] =	ssyncadd.s32 $0xFFFFF000  }
0x148: {  	[spmem:s3] =	stream.indirect.scatter.add.f32 [tilespmem:s31], [sflag:$0x6], $0x20, s22, s30, $0xb8;
	[tilespmem:$0x11140] =	vst v63  }
0x149: {  	_ =	swait.ge [sflag:s19], $0x1000  }
0x14a: {  	[sflag:s19] =	ssyncset.done $0x0  }
0x14b: {  	s0 =	sadd.s32 $0x380, s21;
	[sflag:s19] =	ssyncadd.s32 $0xFFFFF000  }
0x14c: {  	[tilespmem:s11], [sflag:$0x4] =	stream.indirect.gather [spmem:s1], $0x20, s0, s30, $0xb8;
	[tilespmem:$0x11140] =	vst v63  }
0x14d: {  	_ =	swait.ge [sflag:s12], $0x1000  }
0x14e: {  	p1 =	seq.s32 s20, $0x5800;
	[sflag:s12] =	ssyncset.done $0x0  }
.Ltmp7:
0x14f: {  	s22 =	sadd.s32 $0x1D80, s21;
	[sflag:s12] =	ssyncadd.s32 $0xFFFFF000;
	(pc) =	sbr.rel @p1 .LBB2_12-.Ltmp7, $4  }
0x150: {  	[spmem:s3] =	stream.indirect.scatter.add.f32 [tilespmem:s2], [sflag:$0x7], $0x20, s22, s30, $0xb8;
	[tilespmem:$0x11140] =	vst v63  }
0x151: {  	_ =	swait.ge [sflag:s14], $0x1000  }
0x152: {  	[sflag:s14] =	ssyncset.done $0x0  }
0x153: {  	s22 =	sadd.s32 $0x1E00, s21;
	[sflag:s14] =	ssyncadd.s32 $0xFFFFF000  }
0x154: {  	s10 =	sadd.s32 $0x400, s21  }
0x155: {  	[tilespmem:s28], [sflag:$0x1] =	stream.indirect.gather [spmem:s1], $0x20, s10, s30, $0xb8;
	[tilespmem:$0x11140] =	vst v63  }
0x156: {  	_ =	swait.ge [sflag:s24], $0x1000  }
0x157: {  	[sflag:s24] =	ssyncset.done $0x0  }
0x158: {  	[sflag:s24] =	ssyncadd.s32 $0xFFFFF000  }
0x159: {  	[spmem:s3] =	stream.indirect.scatter.add.f32 [tilespmem:s11], [sflag:$0x8], $0x20, s22, s30, $0xb8;
	[tilespmem:$0x11140] =	vst v63  }
.Ltmp8:
0x15a: {  	_ = 	snop;
	(pc) =	sbr.rel .LBB2_10-.Ltmp8, $4  }
0x15b: {  	_ =	swait.ge [sflag:s17], $0x1000  }
0x15c: {  	[sflag:s17] =	ssyncset.done $0x0  }
0x15d: {  	s20 =	sadd.s32 $0x800, s20;
	s22 =	sadd.s32 $0x480, s21;
	[sflag:s17] =	ssyncadd.s32 $0xFFFFF000  }
0x15e: {  	[tilespmem:s31], [sflag:$0x2] =	stream.indirect.gather [spmem:s1], $0x20, s22, s30, $0xb8;
	[tilespmem:$0x11140] =	vst v63  }
.LBB2_13:
0x15f: {  	_ =	sfence.sel $0x180000  }
0x160: {  	[bflag:$0x0] =	sbarrier.arrive $0xFFFF  }
0x161: {  	_ =	strace $0x9000004D  }
0x162: {  	s0 =	stileid.u32;
	[bflag:$0x2] =	sbarrier.arrive $0xFFFF  }
0x163: {  	p0 =	sne.s32 s0, $0x0;
	s0 =	rddreg [dreg:$0x4]  }
0x164: {  	s0 =	sadd.s32 @!p0 $0x100000, s0  }
0x165: {  	[sflag:s0] =	ssyncadd.tile.s32 @!p0 $0x1;
	_ =	shalt  }
.Lfunc_end2:
_tile_overlayer_lowered:
.L_overlay_start_2:
0x166: {  	(tag) =	ssettag $0x2  }
0x167: {  	s0 =	rddreg [dreg:$0x0];
	s2 =	stileid.u32  }
0x168: {  	s1 =	rddreg [dreg:$0x1];
	p0 =	sne.s32 s2, $0x0  }
0x169: {  	s3 =	rddreg [dreg:$0x2];
	[bflag:$0x3] =	sbarrier.arrive $0xFFFF;
	s2 =	simm.s32 @!p0 $0x1C09  }
0x16a: {  	[timem:s3], [sflag:s2] =	dma.local @!p0 [hbm:s0], s1  }
0x16b: {  	s0 =	simm.s32 @!p0 $0x9  }
0x16c: {  	_ =	swait.ge @!p0 [sflag:s0], s1  }
0x16d: {  	s1 =	ssub.s32 @!p0 $0x0, s1;
	[sflag:s0] =	ssyncset.done @!p0 $0x0  }
0x16e: {  	[sflag:s0] =	ssyncadd.s32 @!p0 s1  }
0x16f: {  	[bflag:$0x3] =	sbarrier.arrive $0xFFFF  }
0x170: {  	_ =	shalt  }

// kernel: kernel.8.cloned.1.call-start
scs
__scs_entry_jumppad:
0x0: {  	(pc) =	sbr.rel $0x88, $3  }
0x1: {  	(tag) =	ssettag $0x0;
	lr =	simm.s32 $0x1  }
0x2: {  	[smem:$0x3F9B] =	sst lr;
	_ =	strace $0xD0000000  }
0x3: {  	_ = 	snop  }
0x4: {  	_ = 	snop  }
0x5: {  	_ = 	snop  }
0x6: {  	_ = 	snop  }
0x7: {  	_ = 	snop  }
__scs_overlays_trampoline_lowered:
0x8: {  	[smem:$0x3FAA] =	sst s0  }
0x9: {  	[smem:$0x3FAB] =	sst s1  }
0xa: {  	[smem:$0x3FAC] =	sst s2  }
0xb: {  	[smem:$0x3FAD] =	sst s3  }
0xc: {  	[smem:$0x3FAE] =	sst s4  }
0xd: {  	[smem:$0x3FAF] =	sst s5  }
0xe: {  	[smem:$0x3FB0] =	sst s6  }
0xf: {  	[smem:$0x3FB1] =	sst s7  }
0x10: {  	[smem:$0x3FB2] =	sst s8  }
0x11: {  	[smem:$0x3FB3] =	sst s9;
	s0 =	simm.s32 @!p0 $0x0  }
0x12: {  	s1 =	sld [smem:$0x3F99];
	s0 =	simm.s32 @p0 $0x1  }
0x13: {  	[smem:$0x3FB4] =	sst s0;
	s0 =	simm.s32 @!p1 $0x0  }
0x14: {  	s2 =	sld [smem:$0x3F98];
	s0 =	simm.s32 @p1 $0x1  }
0x15: {  	[smem:$0x3FB5] =	sst s0;
	s0 =	simm.s32 @!p2 $0x0  }
0x16: {  	s3 =	sld [smem:$0x3FDB];
	s0 =	simm.s32 @p2 $0x1  }
0x17: {  	s4 =	simm.s32 $0x1BF5;
	[smem:$0x3FB7] =	sst s0  }
0x18: {  	s0 =	sld [smem:$0x3F9A];
	_ =	swait.ge [sflag:s4], $0x0  }
0x19: {  	s7 =	sld [smem:$0x3F9B]  }
0x1a: {  	s8 =	sadd.s32 $0xFFFFE003, lr  }
0x1b: {  	s9 =	sadd.s32 $0xFFFFFEF7, lr;
	s5 =	simm.s32 $0xFFFFFFFF;
	p2 =	slt.u32 s8, $0xFFFFF086  }
0x1c: {  	p1 =	slt.u32 s9, $0xF7A;
	s5 =	simm.s32 @!p2 $0x0  }
0x1d: {  	s5 =	simm.s32 @p1 $0x1;
	p0 =	seq.s32 s7, s2  }
0x1e: {  	s7 =	smul.u32 @!p0 $0xF7A, s2;
	p2 =	seq.s32 @!p0 s5, $0x0  }
0x1f: {  	s9 =	smul.u32 $0xF7A, s1;
	s8 =	simm.s32 @!p0 $0x1BF5;
	p2 =	por !p2, p0  }
0x20: {  	[sflag:s8] =	ssyncset.s32 @!p0 $0xFFFFF086;
	s6 =	sadd.s32 @!p0 s3, s7;
	s7 =	simm.s32 @!p0 $0x108  }
0x21: {  	s3 =	sadd.s32 s3, s9;
	s6 =	sadd.s32 @!p0 $0x88, s6;
	s7 =	simm.s32 @p2 $0x1082  }
0x22: {  	[simem:s7], [sflag:s8] =	dma.local @!p0 [hbm:s6], $0xF7A  }
0x23: {  	s9 =	sor.u32 $0xD0000000, s2;
	s6 =	simm.s32 $0x108;
	_ =	swait.ge @!p0 [sflag:s8], $0x0  }
0x24: {  	s3 =	sadd.s32 $0x88, s3;
	s6 =	simm.s32 @!p1 $0x1082;
	[sflag:s4] =	ssyncset.s32 $0xFFFFF086  }
0x25: {  	[simem:s6], [sflag:s4] =	dma.local [hbm:s3], $0xF7A  }
0x26: {  	[smem:$0x3F9B] =	sst s1;
	(tag) =	ssettag s2;
	_ =	strace s9  }
0x27: {  	s1 =	sld [smem:$0x3FAB]  }
0x28: {  	s2 =	sld [smem:$0x3FAC]  }
0x29: {  	s4 =	sld [smem:$0x3FAE]  }
0x2a: {  	p0 =	seq.s32 s5, $0x0;
	s5 =	sld [smem:$0x3FAF]  }
0x2b: {  	s6 =	sld [smem:$0x3FB0]  }
0x2c: {  	s7 =	sld [smem:$0x3FB1]  }
0x2d: {  	s3 =	simm.s32 $0x108;
	s8 =	sld [smem:$0x3FB2]  }
0x2e: {  	s3 =	simm.s32 @!p0 $0x1082;
	s9 =	sld [smem:$0x3FB3]  }
0x2f: {  	lr =	sadd.s32 s0, s3;
	s0 =	sld [smem:$0x3FAA]  }
0x30: {  	s3 =	sld [smem:$0x3FAD]  }
0x31: {  	[smem:$0x3FB6] =	sst s10  }
0x32: {  	s10 =	sld [smem:$0x3FB4];
	_ =	sdelay $0x3  }
0x33: {  	p0 =	seq.s32 s10, $0x1;
	s10 =	sld [smem:$0x3FB6];
	_ =	sdelay $0x3  }
0x34: {  	[smem:$0x3FB6] =	sst s10  }
0x35: {  	s10 =	sld [smem:$0x3FB5];
	_ =	sdelay $0x3  }
0x36: {  	p1 =	seq.s32 s10, $0x1;
	s10 =	sld [smem:$0x3FB6];
	_ =	sdelay $0x3  }
0x37: {  	[smem:$0x3FB6] =	sst s10  }
0x38: {  	s10 =	sld [smem:$0x3FB7]  }
0x39: {  	_ = 	snop;
	(pc) =	sbr.ind lr, $3  }
0x3a: {  	_ = 	snop  }
0x3b: {  	_ = 	snop  }
0x3c: {  	p2 =	seq.s32 s10, $0x1;
	s10 =	sld [smem:$0x3FB6]  }
0x3d: {  	_ =	shalt  }
0x3e: {  	_ =	shalt  }
0x3f: {  	_ =	shalt  }
0x40: {  	_ =	shalt  }
0x41: {  	_ =	shalt  }
0x42: {  	_ =	shalt  }
0x43: {  	_ =	shalt  }
0x44: {  	_ =	shalt  }
0x45: {  	_ =	shalt  }
0x46: {  	_ =	shalt  }
0x47: {  	_ =	shalt  }
0x48: {  	_ =	shalt  }
0x49: {  	_ =	shalt  }
0x4a: {  	_ =	shalt  }
0x4b: {  	_ =	shalt  }
0x4c: {  	_ =	shalt  }
0x4d: {  	_ =	shalt  }
0x4e: {  	_ =	shalt  }
0x4f: {  	_ =	shalt  }
0x50: {  	_ =	shalt  }
0x51: {  	_ =	shalt  }
0x52: {  	_ =	shalt  }
0x53: {  	_ =	shalt  }
0x54: {  	_ =	shalt  }
0x55: {  	_ =	shalt  }
0x56: {  	_ =	shalt  }
0x57: {  	_ =	shalt  }
0x58: {  	_ =	shalt  }
0x59: {  	_ =	shalt  }
0x5a: {  	_ =	shalt  }
0x5b: {  	_ =	shalt  }
0x5c: {  	_ =	shalt  }
0x5d: {  	_ =	shalt  }
0x5e: {  	_ =	shalt  }
0x5f: {  	_ =	shalt  }
0x60: {  	_ =	shalt  }
0x61: {  	_ =	shalt  }
0x62: {  	_ =	shalt  }
0x63: {  	_ =	shalt  }
0x64: {  	_ =	shalt  }
0x65: {  	_ =	shalt  }
0x66: {  	_ =	shalt  }
0x67: {  	_ =	shalt  }
0x68: {  	_ =	shalt  }
0x69: {  	_ =	shalt  }
0x6a: {  	_ =	shalt  }
0x6b: {  	_ =	shalt  }
0x6c: {  	_ =	shalt  }
0x6d: {  	_ =	shalt  }
0x6e: {  	_ =	shalt  }
0x6f: {  	_ =	shalt  }
0x70: {  	_ =	shalt  }
0x71: {  	_ =	shalt  }
0x72: {  	_ =	shalt  }
0x73: {  	_ =	shalt  }
0x74: {  	_ =	shalt  }
0x75: {  	_ =	shalt  }
0x76: {  	_ =	shalt  }
0x77: {  	_ =	shalt  }
0x78: {  	_ =	shalt  }
0x79: {  	_ =	shalt  }
0x7a: {  	_ =	shalt  }
0x7b: {  	_ =	shalt  }
0x7c: {  	_ =	shalt  }
0x7d: {  	_ =	shalt  }
0x7e: {  	_ =	shalt  }
0x7f: {  	_ =	shalt  }
0x80: {  	_ =	shalt  }
0x81: {  	_ =	shalt  }
0x82: {  	_ =	shalt  }
0x83: {  	_ =	shalt  }
0x84: {  	_ =	shalt  }
0x85: {  	_ =	shalt  }
0x86: {  	_ =	shalt  }
0x87: {  	_ =	shalt  }
.Lfunc_end0:
.L_simem_size_0:
called_computation_lowered:
.L_overlay_start_0:
0x88: {  	s2 =	sld [smem:$0x3FD9]  }
0x89: {  	s3 =	sld [smem:$0x3FFE];
	_ =	sdelay $0x1  }
0x8a: {  	s1 =	srdreg.scid  }
0x8b: {  	s0 =	sand.u32 $0x1, s1  }
0x8c: {  	s17 =	sshll.u32 s0, $0xA;
	s2 =	sadd.s32 s3, s2  }
0x8d: {  	s2 =	sadd.s32 s2, s17  }
0x8e: {  	[smem:$0x3FC2] =	sst s2  }
0x8f: {  	_ = 	snop  }
0x90: {  	s2 =	sld [smem:$0x3FD0];
	(tm) =	ssettm $0x1  }
0x91: {  	s18 =	sld [smem:$0x3FFB];
	_ =	sdelay $0x3  }
0x92: {  	_ =	strace s18  }
0x93: {  	s3 =	sld [smem:$0x3FFC];
	_ =	sdelay $0x3  }
0x94: {  	_ =	strace s3  }
0x95: {  	s3 =	sld [smem:$0x3FFD];
	_ =	sdelay $0x3  }
0x96: {  	_ =	strace s3  }
0x97: {  	_ =	strace $0x8FFFFFFF  }
0x98: {  	s19 =	sld [smem:$0x3FDB];
	_ =	sdelay $0x1  }
0x99: {  	s4 =	simm.s32 $_scs_section_size  }
0x9a: {  	s5 =	simm.s32 $_size__tile_overlayer_lowered;
	s6 =	simm.s32 $_tile_overlayer_lowered  }
0x9b: {  	s22 =	simm.s32 $0x1BFF;
	s21 =	sshll.u32 s6, $0x1;
	s3 =	sadd.s32 s4, s19  }
0x9c: {  	s7 =	simm.s32 $0x0;
	s20 =	sshll.u32 s5, $0x1;
	s5 =	sadd.s32 s21, s3  }
0x9d: {  	[timem:s7], [sflag:s22] =	dma.local [hbm:s5], s20  }
0x9e: {  	_ =	swait.ge [sflag:s22], s20  }
0x9f: {  	s4 =	ssub.s32 $0x0, s20;
	[sflag:s22] =	ssyncset.done $0x0  }
0xa0: {  	[sflag:s22] =	ssyncadd.s32 s4;
	_ =	sdelay $0x1  }
0xa1: {  	s23 =	simm.s32 $0x1B8B  }
0xa2: {  	_ =	swait.ge [sflag:s23], $0x1  }
0xa3: {  	[sflag:s23] =	ssyncset.done $0x0  }
0xa4: {  	s25 =	simm.s32 $0x1B8E;
	s24 =	sld [smem:$0x3FFE];
	[sflag:s23] =	ssyncadd.s32 $0xFFFFFFFF  }
0xa5: {  	s26 =	simm.s32 $execute0_lowered;
	[smem:$0x3FD2] =	sst s25  }
0xa6: {  	s5 =	sshll.u32 s26, $0x1;
	_ =	strace $0x80000046;
	[dreg:$0x1] =	wrdreg $0xFFFFFFFF  }
0xa7: {  	s28 =	simm.s32 $_size_execute0_lowered;
	s3 =	sadd.s32 s3, s5;
	[dreg:$0x0] =	wrdreg $0x0  }
0xa8: {  	s5 =	sshll.u32 s28, $0x1;
	[dreg:$0x2] =	wrdreg s3  }
0xa9: {  	[dreg:$0x3] =	wrdreg s5  }
0xaa: {  	[dreg:$0x4] =	wrdreg $0xC0  }
0xab: {  	_ =	task [dreg:s7], $0x5FFFF  }
0xac: {  	[dreg:$0x1] =	wrdreg $0xFFFFFFFF  }
0xad: {  	[dreg:$0x0] =	wrdreg $0x60  }
0xae: {  	[dreg:$0x2] =	wrdreg s2  }
0xaf: {  	[dreg:$0x3] =	wrdreg s24  }
0xb0: {  	[dreg:$0x4] =	wrdreg $0x2A800  }
0xb1: {  	[dreg:$0x5] =	wrdreg $0x9  }
0xb2: {  	_ =	task.clear_ibuf [dreg:s7], $0x6FFFF;
	_ =	strace $0x90000046  }
0xb3: {  	s29 =	simm.s32 $0x9;
	_ =	strace $0x80000048  }
0xb4: {  	_ =	swait.ge [sflag:s29], $0x1  }
0xb5: {  	[sflag:s29] =	ssyncadd.s32 $0xFFFFFFFF  }
0xb6: {  	_ =	strace $0x90000048  }
0xb7: {  	_ =	sfence  }
0xb8: {  	s30 =	sld [smem:$0x0];
	_ =	sdelay $0x2  }
0xb9: {  	s31 =	sshll.u32 s1, $0xD;
	s1 =	sshrl.u32 s1, $0x2  }
0xba: {  	s3 =	sand.u32 $0x4000, s31;
	s1 =	sadd.s32 s1, s30  }
0xbb: {  	s0 =	sor.u32 s3, s0;
	s1 =	sshll.u32 s1, $0x11  }
0xbc: {  	s0 =	sor.u32 s1, s0  }
0xbd: {  	s0 =	sadd.s32 $0x8F2B, s0  }
0xbe: {  	[sflag:s0] =	ssyncadd.remote.s32 $0x1  }
0xbf: {  	_ =	sfence.sel $0xFFFF  }
0xc0: {  	[dreg:$0x0] =	wrdreg $0xFFFFFFFF;
	(pc) =	sbr.abs _section_cstart, $3  }
0xc1: {  	[dreg:$0x1] =	wrdreg $0xFFFFFFFF  }
0xc2: {  	_ =	task.clear_ibuf [dreg:s7], $0x2FFFF;
	_ =	strace $0x9FFFFFFF  }
0xc3: {  	(tm) =	ssettm $0x7FFFFFFF  }
tec
execute0_lowered:
.L_overlay_start_1:
0x0: {  	(tag) =	ssettag $0x1  }
0x1: {  	s4 =	rddreg [dreg:$0x0]  }
0x2: {  	s1 =	srdreg.scid;
	s6 =	rddreg [dreg:$0x1]  }
0x3: {  	s0 =	stileid.u32;
	s2 =	rddreg [dreg:$0x2];
	s3 =	simm.s32 $0x0  }
0x4: {  	s12 =	simm.s32 $0x2780;
	s15 =	simm.s32 $0x0;
	s5 =	sand.u32 $0x1, s1  }
0x5: {  	s7 =	smul.u32 $0x280, s0;
	[smem:$0x7FF] =	sst s3;
	s13 =	sshll.u32 s0, $0x6  }
0x6: {  	s1 =	sshll.u32 s5, $0x4;
	s8 =	smul.u32 $0x2800, s5;
	s5 =	ssub.s32 $0x2, s5  }
0x7: {  	s13 =	sor.u32 $0x1C01, s13;
	s9 =	sor.u32 s0, s1;
	s1 =	rddreg [dreg:$0x3]  }
0x8: {  	_ =	strace $0x80000047;
	s30 =	sshrl.u32 s5, $0x1;
	s10 =	smul.u32 $0x4E, s9  }
0x9: {  	s11 =	smin.u32 s9, $0x4;
	s8 =	sadd.s32 s7, s8;
	s31 =	ssub.s32 s5, s30  }
0xa: {  	p0 =	sgt.u32 s9, $0x3;
	s8 =	sshrl.u32 s8, $0x3;
	s10 =	sadd.s32 s11, s10  }
0xb: {  	s9 =	simm.s32 $0x2800;
	s8 =	sadd.s32 s8, s6;
	s10 =	sshll.u32 s10, $0x4  }
0xc: {  	s11 =	simm.s32 $0x80;
	s10 =	sadd.s32 s4, s10;
	s4 =	sadd.s32 s7, s2  }
0xd: {  	s7 =	sadd.s32 $0x2A00, s8;
	s8 =	smax.u32 s31, $0x1;
	s5 =	sadd.s32 $0x9C40, s10  }
0xe: {  	v0 =	vimm.f32 $1.000000000e+00;
	v1 =	vimm.f32 $0.0e+00;
	s6 =	sadd.s32 $0xA120, s10;
	s10 =	simm.s32 $0x1;
	s14 =	sshrl.u32 s4, $0x3  }
.LBB2_1:
0xf: {  	[tilespmem:$0x2780] =	vst v0  }
0x10: {  	[tilespmem:$0x2790] =	vst v0  }
0x11: {  	[tilespmem:$0x27A0] =	vst v0  }
0x12: {  	[tilespmem:$0x27B0] =	vst v0  }
0x13: {  	[tilespmem:$0x27C0] =	vst v0  }
0x14: {  	[tilespmem:$0x27D0] =	vst v0  }
0x15: {  	[tilespmem:$0x27E0] =	vst v0  }
0x16: {  	[tilespmem:$0x27F0] =	vst v0  }
0x17: {  	[tilespmem:$0x2800] =	vst v1  }
0x18: {  	[tilespmem:$0x2810] =	vst v1  }
0x19: {  	[tilespmem:$0x2820] =	vst v1  }
0x1a: {  	[tilespmem:$0x2830] =	vst v1  }
0x1b: {  	[tilespmem:$0x2840] =	vst v1  }
0x1c: {  	[tilespmem:$0x2850] =	vst v1  }
0x1d: {  	[tilespmem:$0x2860] =	vst v1  }
0x1e: {  	[tilespmem:$0x2870] =	vst v1  }
0x1f: {  	[tilespmem:$0x2880] =	vst v1  }
0x20: {  	[tilespmem:$0x2890] =	vst v1  }
0x21: {  	[tilespmem:$0x28A0] =	vst v1  }
0x22: {  	[tilespmem:$0x28B0] =	vst v1  }
0x23: {  	[tilespmem:$0x28C0] =	vst v1  }
0x24: {  	[tilespmem:$0x28D0] =	vst v1  }
0x25: {  	[tilespmem:$0x28E0] =	vst v1  }
0x26: {  	[tilespmem:$0x28F0] =	vst v1  }
0x27: {  	[tilespmem:$0x2900] =	vst v1  }
0x28: {  	[tilespmem:$0x2910] =	vst v1  }
0x29: {  	[tilespmem:$0x2920] =	vst v1  }
0x2a: {  	[tilespmem:$0x2930] =	vst v1  }
0x2b: {  	[tilespmem:$0x2940] =	vst v1  }
0x2c: {  	[tilespmem:$0x2950] =	vst v1  }
0x2d: {  	[tilespmem:$0x2960] =	vst v1  }
0x2e: {  	[tilespmem:$0x2970] =	vst v1  }
0x2f: {  	[tilespmem:$0x2980] =	vst v1  }
0x30: {  	[tilespmem:$0x2990] =	vst v1  }
0x31: {  	[tilespmem:$0x29A0] =	vst v1  }
0x32: {  	[tilespmem:$0x29B0] =	vst v1  }
0x33: {  	[tilespmem:$0x29C0] =	vst v1  }
0x34: {  	[tilespmem:$0x29D0] =	vst v1  }
0x35: {  	[tilespmem:$0x29E0] =	vst v1  }
0x36: {  	[tilespmem:$0x29F0] =	vst v1  }
0x37: {  	[tilespmem:$0x2A00] =	vst v1  }
0x38: {  	[tilespmem:$0x2A10] =	vst v1  }
0x39: {  	[tilespmem:$0x2A20] =	vst v1  }
0x3a: {  	[tilespmem:$0x2A30] =	vst v1  }
0x3b: {  	[tilespmem:$0x2A40] =	vst v1  }
0x3c: {  	[tilespmem:$0x2A50] =	vst v1  }
0x3d: {  	[tilespmem:$0x2A60] =	vst v1  }
0x3e: {  	[tilespmem:$0x2A70] =	vst v1  }
0x3f: {  	[spmem:s4] =	stream.linear.scatter [tilespmem:s9], [sflag:$0x1], $0x280, $0x38;
	[tilespmem:$0x2D00] =	vst v63  }
0x40: {  	_ =	swait.ge [sflag:s10], $0x280  }
0x41: {  	[sflag:s10] =	ssyncset.done $0x0  }
0x42: {  	[sflag:s10] =	ssyncadd.s32 $0xFFFFFD80  }
0x43: {  	[tilespmem:s3], [sflag:$0x1] =	stream.linear.gather [hbm4b:s5+s3], $0x2700, $0x38;
	[tilespmem:$0x2D00] =	vst v63  }
0x44: {  	_ =	swait.ge [sflag:s10], $0x2700  }
0x45: {  	[sflag:s10] =	ssyncset.done $0x0  }
0x46: {  	s16 =	simm.s32 @!p0 $0x0;
	s17 =	simm.s32 @!p0 $0x2700;
	[sflag:s10] =	ssyncadd.s32 $0xFFFFD900  }
0x47: {  	[tilespmem:s17], [sflag:$0x1] =	stream.linear.gather @!p0 [hbm4b:s6+s16], $0x80, $0x38;
	[tilespmem:$0x2D00] =	vst v63  }
0x48: {  	s16 =	simm.s32 @!p0 $0x1  }
0x49: {  	_ =	swait.ge @!p0 [sflag:s16], $0x80  }
0x4a: {  	[sflag:s16] =	ssyncset.done @!p0 $0x0  }
0x4b: {  	[sflag:s16] =	ssyncadd.s32 @!p0 $0xFFFFFF80  }
0x4c: {  	s31 =	simm.s32 $0x0;
	[bflag:$0x0] =	sbarrier.arrive $0xFFFF  }
0x4d: {  	[spmem:s2] =	stream.indirect.scatter.add.f32 [tilespmem:s12], [sflag:$0x1], $0x1, s31, s11, $0xb8;
	[tilespmem:$0x2D00] =	vst v63  }
0x4e: {  	_ =	swait.ge [sflag:s10], $0x80  }
0x4f: {  	s16 =	simm.s32 $0x200;
	[sflag:s10] =	ssyncset.done $0x0  }
.LBB2_2:
0x50: {  	s17 =	sshra.s32 s16, $0x2;
	[sflag:s10] =	ssyncadd.s32 $0xFFFFFF80;
	p1 =	sne.s32 s16, $0x9A00  }
0x51: {  	[spmem:s2] =	stream.indirect.scatter.add.f32 [tilespmem:s12], [sflag:$0x1], $0x1, s17, s11, $0xb8;
	[tilespmem:$0x2D00] =	vst v63  }
.Ltmp0:
0x52: {  	_ = 	snop;
	(pc) =	sbr.rel @p1 .LBB2_2-.Ltmp0, $4  }
0x53: {  	_ = 	snop  }
0x54: {  	s16 =	sadd.s32 $0x200, s16  }
0x55: {  	_ =	swait.ge [sflag:s10], $0x80  }
0x56: {  	[sflag:s10] =	ssyncset.done $0x0  }
0x57: {  	[sflag:s10] =	ssyncadd.s32 $0xFFFFFF80  }
0x58: {  	s16 =	simm.s32 @!p0 $0x80;
	s17 =	simm.s32 @!p0 $0x2700;
	s18 =	simm.s32 @!p0 $0x2780  }
0x59: {  	[spmem:s2] =	stream.indirect.scatter.add.f32 @!p0 [tilespmem:s18], [sflag:$0x1], $0x1, s17, s16, $0xb8;
	[tilespmem:$0x2D00] =	vst v63  }
0x5a: {  	s16 =	simm.s32 @!p0 $0x1  }
0x5b: {  	_ =	swait.ge @!p0 [sflag:s16], $0x80  }
0x5c: {  	s15 =	sadd.s32 $0x1, s15;
	[sflag:s16] =	ssyncset.done @!p0 $0x0  }
0x5d: {  	p1 =	sne.s32 s15, s8;
	[sflag:s16] =	ssyncadd.s32 @!p0 $0xFFFFFF80  }
.Ltmp1:
0x5e: {  	[bflag:$0x0] =	sbarrier.arrive $0xFFFF;
	(pc) =	sbr.rel @p1 .LBB2_1-.Ltmp1, $4  }
0x5f: {  	[hbm:s7], [sflag:s13] =	dma.local [spmem:s14], $0x50  }
0x60: {  	_ =	swait.ge [sflag:s10], $0x50  }
0x61: {  	[sflag:s10] =	ssyncset.done $0x0  }
0x62: {  	[sflag:s10] =	ssyncadd.s32 $0xFFFFFFB0  }
0x63: {  	_ =	sfence.sel $0x180000  }
0x64: {  	[bflag:$0x0] =	sbarrier.arrive $0xFFFF  }
0x65: {  	p0 =	sne.s32 s0, $0x0;
	_ =	strace $0x90000047  }
0x66: {  	s0 =	sadd.s32 @!p0 $0x100000, s1;
	[bflag:$0x2] =	sbarrier.arrive $0xFFFF  }
0x67: {  	[sflag:s0] =	ssyncadd.tile.s32 @!p0 $0x1;
	_ =	shalt  }
.Lfunc_end2:
_tile_overlayer_lowered:
.L_overlay_start_2:
0x68: {  	(tag) =	ssettag $0x2  }
0x69: {  	s0 =	rddreg [dreg:$0x0];
	s2 =	stileid.u32  }
0x6a: {  	s1 =	rddreg [dreg:$0x1];
	p0 =	sne.s32 s2, $0x0  }
0x6b: {  	s3 =	rddreg [dreg:$0x2];
	[bflag:$0x3] =	sbarrier.arrive $0xFFFF;
	s2 =	simm.s32 @!p0 $0x1C01  }
0x6c: {  	[timem:s3], [sflag:s2] =	dma.local @!p0 [hbm:s0], s1  }
0x6d: {  	s0 =	simm.s32 @!p0 $0x1  }
0x6e: {  	_ =	swait.ge @!p0 [sflag:s0], s1  }
0x6f: {  	s1 =	ssub.s32 @!p0 $0x0, s1;
	[sflag:s0] =	ssyncset.done @!p0 $0x0  }
0x70: {  	[sflag:s0] =	ssyncadd.s32 @!p0 s1  }
0x71: {  	[bflag:$0x3] =	sbarrier.arrive $0xFFFF  }
0x72: {  	_ =	shalt  }

</sc_bundles>
